<compile_context>
chip_gen: v7x
topology: tpu7x:2x2x1
jax: 0.10.2.dev20260603
libtpu: 0.0.44.dev20260713+nightly
codegen_flags: <defaults>
</compile_context>

<pallas_src>
import functools

import jax
import jax.numpy as jnp
from jax import lax
from jax.experimental import pallas as pl
from jax.experimental.pallas import tpu as pltpu
from jax.experimental.pallas import tpu_sc as plsc

N = 10000
E = 160000
D = 256
K = 3
NC = 2
NS = 16
L = 16
DQ = 64
FV = DQ // L
EPT = E // NS
C = 125
NCH = EPT // C
NB = 4
RPT = N // NS
NRC = 125
NQ = RPT // NRC


def _deg_inv_sqrt(d):
    dm = jnp.maximum(d, 1.0)
    s = dm
    for _ in range(16):
        s = 0.5 * (s + dm / s)
    return jnp.where(d > 0.0, 1.0 / s, 0.0)


def _lightgcn_body(x_hbm, row_hbm, col_hbm, out_hbm, hs_hbm, osum_hbm,
                   acc, degw,
                   gbuf, rowb, colb, sw, zbuf, zdeg, onesb,
                   sem_g, sem_s):
    nbuf = gbuf.at[1]
    osbuf = gbuf.at[2]
    c = lax.axis_index("c")
    s = lax.axis_index("s")
    r0t = s * RPT
    ech0 = s * NCH

    zero16 = jnp.zeros((L,), jnp.float32)
    one16 = jnp.ones((L,), jnp.float32)

    @pl.loop(0, NRC)
    def _(r):
        for f in range(FV):
            zbuf[r, pl.ds(f * L, L)] = zero16

    @pl.loop(0, NRC)
    def _(r):
        zdeg[r] = zero16

    @pl.loop(0, C)
    def _(r):
        onesb[r] = one16

    pltpu.sync_copy(row_hbm.at[pl.ds(ech0, NCH)], rowb)
    pltpu.sync_copy(col_hbm.at[pl.ds(ech0, NCH)], colb)

    @pl.loop(0, NQ)
    def _(q):
        pltpu.sync_copy(zbuf, acc.at[pl.ds(r0t + q * NRC, NRC)])
        pltpu.sync_copy(zdeg, degw.at[pl.ds(r0t + q * NRC, NRC)])

    plsc.subcore_barrier()

    @pl.loop(0, NCH)
    def _(j):
        pltpu.async_copy(onesb, degw.at[rowb.at[j]], sem_s, add=True)

        @pl.when(j >= 3)
        def _():
            pltpu.make_async_copy(
                onesb, degw.at[rowb.at[j - 3]], sem_s).wait()

    for t in range(NCH - 3, NCH):
        pltpu.make_async_copy(onesb, degw.at[rowb.at[t]], sem_s).wait()

    plsc.subcore_barrier()

    pltpu.sync_copy(degw.at[pl.ds(r0t, RPT)], sw)

    @pl.loop(0, RPT)
    def _(r):
        sw[r] = _deg_inv_sqrt(sw[r])

    for half in range(2):
        qidx = c * 2 + half

        @pl.loop(0, NQ)
        def _(q):
            r0g = r0t + q * NRC
            r0l = q * NRC
            pltpu.sync_copy(
                x_hbm.at[pl.ds(r0g, NRC), pl.ds(qidx * DQ, DQ)], nbuf)
            pltpu.sync_copy(nbuf, osum_hbm.at[qidx].at[pl.ds(r0g, NRC)])

            @pl.loop(0, NRC)
            def _(r):
                sv = sw[r0l + r]
                for f in range(FV):
                    df = pl.ds(f * L, L)
                    gbuf[1, r, df] = gbuf[1, r, df] * sv

            pltpu.sync_copy(nbuf, hs_hbm.at[qidx].at[pl.ds(r0g, NRC)])

    plsc.subcore_barrier()

    for k in range(1, K + 1):
        for half in range(2):
            qidx = c * 2 + half
            last_pass = (k == K) and (half == 1)

            for t in range(3):
                pltpu.async_copy(hs_hbm.at[qidx].at[colb.at[t]],
                                 gbuf.at[t], sem_g)

            @pl.loop(0, NCH)
            def _(j):
                b = lax.rem(j, NB)
                pb = lax.rem(j + NB - 1, NB)

                pltpu.make_async_copy(
                    hs_hbm.at[qidx].at[colb.at[j]], gbuf.at[b], sem_g).wait()
                pltpu.async_copy(gbuf.at[b], acc.at[rowb.at[j]], sem_s,
                                 add=True)

                @pl.when(j >= 1)
                def _():
                    pltpu.make_async_copy(
                        gbuf.at[pb], acc.at[rowb.at[j - 1]], sem_s).wait()

                @pl.when(j < NCH - 3)
                def _():
                    pltpu.async_copy(hs_hbm.at[qidx].at[colb.at[j + 3]],
                                     gbuf.at[pb], sem_g)

            lastb = (NCH - 1) % NB
            pltpu.make_async_copy(
                gbuf.at[lastb], acc.at[rowb.at[NCH - 1]], sem_s).wait()

            plsc.subcore_barrier()

            @pl.loop(0, NQ)
            def _(q):
                r0g = r0t + q * NRC
                r0l = q * NRC
                pltpu.sync_copy(acc.at[pl.ds(r0g, NRC)], nbuf)
                if not last_pass:
                    pltpu.sync_copy(zbuf, acc.at[pl.ds(r0g, NRC)])
                pltpu.sync_copy(osum_hbm.at[qidx].at[pl.ds(r0g, NRC)], osbuf)

                @pl.loop(0, NRC)
                def _(r):
                    sv = sw[r0l + r]
                    s2v = sv * sv
                    for f in range(FV):
                        df = pl.ds(f * L, L)
                        a = gbuf[1, r, df]
                        h = a * sv
                        if k < K:
                            gbuf[2, r, df] = gbuf[2, r, df] + h
                            gbuf[1, r, df] = a * s2v
                        else:
                            gbuf[1, r, df] = (gbuf[2, r, df] + h) * 0.25

                if k < K:
                    pltpu.sync_copy(osbuf,
                                    osum_hbm.at[qidx].at[pl.ds(r0g, NRC)])
                    pltpu.sync_copy(nbuf, hs_hbm.at[qidx].at[pl.ds(r0g, NRC)])
                else:
                    pltpu.sync_copy(
                        nbuf,
                        out_hbm.at[pl.ds(r0g, NRC), pl.ds(qidx * DQ, DQ)])

            if not last_pass:
                plsc.subcore_barrier()


@functools.partial(
    pl.kernel,
    out_type=(
        jax.ShapeDtypeStruct((N, D), jnp.float32),
        jax.ShapeDtypeStruct((4, N, DQ), jnp.float32),
        jax.ShapeDtypeStruct((4, N, DQ), jnp.float32),
    ),
    mesh=plsc.VectorSubcoreMesh(core_axis_name="c", subcore_axis_name="s"),
    compiler_params=pltpu.CompilerParams(use_tc_tiling_on_sc=False),
    scratch_types=[
        pltpu.VMEM_SHARED((N, DQ), jnp.float32),
        pltpu.VMEM_SHARED((N, L), jnp.float32),
        pltpu.VMEM((NB, C, DQ), jnp.float32),
        pltpu.VMEM((NCH, C), jnp.int32),
        pltpu.VMEM((NCH, C), jnp.int32),
        pltpu.VMEM((RPT, L), jnp.float32),
        pltpu.VMEM((NRC, DQ), jnp.float32),
        pltpu.VMEM((NRC, L), jnp.float32),
        pltpu.VMEM((C, L), jnp.float32),
        pltpu.SemaphoreType.DMA,
        pltpu.SemaphoreType.DMA,
    ],
)
def _lightgcn_sc(*refs):
    _lightgcn_body(*refs)


def kernel(x, edge_index):
    row2 = edge_index[0].reshape(E // C, C)
    col2 = edge_index[1].reshape(E // C, C)
    out, _, _ = _lightgcn_sc(x, row2, col2)
    return out

# --- scband reference (transcript-rebuilt; emitter-appended) ---
"""Pipeline reference for scband-light-gcn-30631706755551 (READ-ONLY COPY).

The authoritative reference and input builder live on the scoring server;
editing this copy changes nothing except your own understanding.
"""

import jax, jax.numpy as jnp
import numpy as np

NUM_NODES = 10000
NUM_EDGES = 160000
D_FEAT = 256
K_LAYERS = 3


def setup_inputs(seed: int = 0) -> dict:
    key = jax.random.key(seed)
    k1, k2 = jax.random.split(key)
    x = jax.random.normal(k1, (NUM_NODES, D_FEAT), dtype=jnp.float32)
    edge_index = jax.random.randint(k2, (2, NUM_EDGES), 0, NUM_NODES, dtype=jnp.int32)
    return {"x": x, "edge_index": edge_index}


def reference(x, edge_index):
    num_nodes = x.shape[0]
    row = edge_index[0]
    col = edge_index[1]
    # symmetric normalization: D^{-1/2} A D^{-1/2}
    ones = jnp.ones((row.shape[0],), dtype=x.dtype)
    deg = jax.ops.segment_sum(ones, row, num_segments=num_nodes)
    deg_inv_sqrt = jnp.power(deg, -0.5)
    deg_inv_sqrt = jnp.where(
        jnp.isinf(deg_inv_sqrt) | jnp.isnan(deg_inv_sqrt),
        jnp.zeros_like(deg_inv_sqrt),
        deg_inv_sqrt,
    )
    edge_weight = deg_inv_sqrt[row] * deg_inv_sqrt[col]
    # edge_drop_rate = 0.0 / inference: no dropout
    h = x
    h_list = [h]
    for _ in range(K_LAYERS):
        h = jax.ops.segment_sum(edge_weight[:, None] * h[col], row, num_segments=num_nodes)
        h_list.append(h)
    h_matrix = jnp.stack(h_list, axis=0)
    return jnp.mean(h_matrix, axis=0)

if __name__ == "__main__":
    import jax
    _d = setup_inputs()
    print(jax.jit(kernel)(*tuple(_d.values())))

</pallas_src>

<mosaic_0001>
#map = affine_map<(d0, d1) -> (0, 0)>
#map1 = affine_map<(d0, d1) -> (0, 0, 0)>
module attributes {stable_mosaic.version = 14 : i64} {
  func.func @_lightgcn_sc(%arg0: i32, %arg1: i32, %arg2: memref<10000x256xf32, #tpu.memory_space<hbm>>, %arg3: memref<1280x125xi32, #tpu.memory_space<hbm>>, %arg4: memref<1280x125xi32, #tpu.memory_space<hbm>>, %arg5: memref<10000x256xf32, #tpu.memory_space<hbm>>, %arg6: memref<4x10000x64xf32, #tpu.memory_space<hbm>>, %arg7: memref<4x10000x64xf32, #tpu.memory_space<hbm>>, %arg8: memref<10000x64xf32, #tpu.memory_space<vmem_shared>>, %arg9: memref<10000x16xf32, #tpu.memory_space<vmem_shared>>, %arg10: memref<4x125x64xf32, #tpu.memory_space<vmem>>, %arg11: memref<80x125xi32, #tpu.memory_space<vmem>>, %arg12: memref<80x125xi32, #tpu.memory_space<vmem>>, %arg13: memref<625x16xf32, #tpu.memory_space<vmem>>, %arg14: memref<125x64xf32, #tpu.memory_space<vmem>>, %arg15: memref<125x16xf32, #tpu.memory_space<vmem>>, %arg16: memref<125x16xf32, #tpu.memory_space<vmem>>, %arg17: memref<!tpu.dma_semaphore, #tpu.memory_space<semaphore_mem>>, %arg18: memref<!tpu.dma_semaphore, #tpu.memory_space<semaphore_mem>>) attributes {dimension_semantics = [#tpu.dimension_semantics<core_parallel>, #tpu.dimension_semantics<subcore_parallel>], iteration_bounds = array<i64: 2, 16>, scalar_prefetch = 0 : i64, scratch_operands = 11 : i64, tpu.core_type = #tpu.core_type<sc_vector_subcore>, window_params = [{transform_indices = #map}, {transform_indices = #map}, {transform_indices = #map}, {transform_indices = #map}, {transform_indices = #map1}, {transform_indices = #map1}]} {
    %mul3A = arith.constant 625 : i32
    %mul3A_0 = arith.muli %arg1, %mul3A : i32
    %mul3A_1 = arith.constant 80 : i32
    %mul3A_2 = arith.muli %arg1, %mul3A_1 : i32
    %broadcast_in_dim3A = arith.constant 0.000000e+00 : f32
    %broadcast_in_dim3A_3 = vector.broadcast %broadcast_in_dim3A : f32 to vector<16xf32>
    %broadcast_in_dim3A_4 = arith.constant 1.000000e+00 : f32
    %broadcast_in_dim3A_5 = vector.broadcast %broadcast_in_dim3A_4 : f32 to vector<16xf32>
    %scan3A = arith.constant 0 : i32
    %scan3A_6 = arith.constant 125 : i32
    %scan3A_7 = arith.addi %scan3A, %scan3A_6 : i32
    %scan3A_8 = arith.constant 1 : i32
    scf.for %scan3A_542 = %scan3A to %scan3A_7 step %scan3A_8  : i32 {
      %mul3A_543 = arith.constant 1 : i32
      %mul3A_544 = arith.muli %scan3A_542, %mul3A_543 : i32
      %add3A_545 = arith.constant 0 : i32
      %add3A_546 = arith.addi %add3A_545, %mul3A_544 : i32
      %swap3A = arith.index_cast %add3A_546 : i32 to index
      %swap3A_547 = arith.constant 0 : index
      %swap3A_548 = tpu.vector_load %arg14[%swap3A, %swap3A_547] {strides = array<i32>} : memref<125x64xf32, #tpu.memory_space<vmem>>, vector<1x16xf32>,
      %swap3A_549 = vector.shape_cast %swap3A_548 : vector<1x16xf32> to vector<16xf32>
      %swap3A_550 = vector.shape_cast %broadcast_in_dim3A_3 : vector<16xf32> to vector<1x16xf32>
      tpu.vector_store %arg14[%swap3A, %swap3A_547], %swap3A_550 {strides = array<i32>} : memref<125x64xf32, #tpu.memory_space<vmem>>, vector<1x16xf32>,
      %swap3A_551 = arith.index_cast %add3A_546 : i32 to index
      %swap3A_552 = arith.constant 16 : index
      %swap3A_553 = tpu.vector_load %arg14[%swap3A_551, %swap3A_552] {strides = array<i32>} : memref<125x64xf32, #tpu.memory_space<vmem>>, vector<1x16xf32>,
      %swap3A_554 = vector.shape_cast %swap3A_553 : vector<1x16xf32> to vector<16xf32>
      %swap3A_555 = vector.shape_cast %broadcast_in_dim3A_3 : vector<16xf32> to vector<1x16xf32>
      tpu.vector_store %arg14[%swap3A_551, %swap3A_552], %swap3A_555 {strides = array<i32>} : memref<125x64xf32, #tpu.memory_space<vmem>>, vector<1x16xf32>,
      %swap3A_556 = arith.index_cast %add3A_546 : i32 to index
      %swap3A_557 = arith.constant 32 : index
      %swap3A_558 = tpu.vector_load %arg14[%swap3A_556, %swap3A_557] {strides = array<i32>} : memref<125x64xf32, #tpu.memory_space<vmem>>, vector<1x16xf32>,
      %swap3A_559 = vector.shape_cast %swap3A_558 : vector<1x16xf32> to vector<16xf32>
      %swap3A_560 = vector.shape_cast %broadcast_in_dim3A_3 : vector<16xf32> to vector<1x16xf32>
      tpu.vector_store %arg14[%swap3A_556, %swap3A_557], %swap3A_560 {strides = array<i32>} : memref<125x64xf32, #tpu.memory_space<vmem>>, vector<1x16xf32>,
      %swap3A_561 = arith.index_cast %add3A_546 : i32 to index
      %swap3A_562 = arith.constant 48 : index
      %swap3A_563 = tpu.vector_load %arg14[%swap3A_561, %swap3A_562] {strides = array<i32>} : memref<125x64xf32, #tpu.memory_space<vmem>>, vector<1x16xf32>,
      %swap3A_564 = vector.shape_cast %swap3A_563 : vector<1x16xf32> to vector<16xf32>
      %swap3A_565 = vector.shape_cast %broadcast_in_dim3A_3 : vector<16xf32> to vector<1x16xf32>
      tpu.vector_store %arg14[%swap3A_561, %swap3A_562], %swap3A_565 {strides = array<i32>} : memref<125x64xf32, #tpu.memory_space<vmem>>, vector<1x16xf32>,
    }
    %scan3A_9 = arith.constant 125 : i32
    %scan3A_10 = arith.constant 0 : i32
    %scan3A_11 = arith.constant 125 : i32
    %scan3A_12 = arith.addi %scan3A_10, %scan3A_11 : i32
    %scan3A_13 = arith.constant 1 : i32
    scf.for %scan3A_542 = %scan3A_10 to %scan3A_12 step %scan3A_13  : i32 {
      %mul3A_543 = arith.constant 1 : i32
      %mul3A_544 = arith.muli %scan3A_542, %mul3A_543 : i32
      %add3A_545 = arith.constant 0 : i32
      %add3A_546 = arith.addi %add3A_545, %mul3A_544 : i32
      %swap3A = arith.index_cast %add3A_546 : i32 to index
      %swap3A_547 = arith.constant 0 : index
      %swap3A_548 = tpu.vector_load %arg15[%swap3A, %swap3A_547] {strides = array<i32>} : memref<125x16xf32, #tpu.memory_space<vmem>>, vector<1x16xf32>,
      %swap3A_549 = vector.shape_cast %swap3A_548 : vector<1x16xf32> to vector<16xf32>
      %swap3A_550 = vector.shape_cast %broadcast_in_dim3A_3 : vector<16xf32> to vector<1x16xf32>
      tpu.vector_store %arg15[%swap3A, %swap3A_547], %swap3A_550 {strides = array<i32>} : memref<125x16xf32, #tpu.memory_space<vmem>>, vector<1x16xf32>,
    }
    %scan3A_14 = arith.constant 125 : i32
    %scan3A_15 = arith.constant 0 : i32
    %scan3A_16 = arith.constant 125 : i32
    %scan3A_17 = arith.addi %scan3A_15, %scan3A_16 : i32
    %scan3A_18 = arith.constant 1 : i32
    scf.for %scan3A_542 = %scan3A_15 to %scan3A_17 step %scan3A_18  : i32 {
      %mul3A_543 = arith.constant 1 : i32
      %mul3A_544 = arith.muli %scan3A_542, %mul3A_543 : i32
      %add3A_545 = arith.constant 0 : i32
      %add3A_546 = arith.addi %add3A_545, %mul3A_544 : i32
      %swap3A = arith.index_cast %add3A_546 : i32 to index
      %swap3A_547 = arith.constant 0 : index
      %swap3A_548 = tpu.vector_load %arg16[%swap3A, %swap3A_547] {strides = array<i32>} : memref<125x16xf32, #tpu.memory_space<vmem>>, vector<1x16xf32>,
      %swap3A_549 = vector.shape_cast %swap3A_548 : vector<1x16xf32> to vector<16xf32>
      %swap3A_550 = vector.shape_cast %broadcast_in_dim3A_5 : vector<16xf32> to vector<1x16xf32>
      tpu.vector_store %arg16[%swap3A, %swap3A_547], %swap3A_550 {strides = array<i32>} : memref<125x16xf32, #tpu.memory_space<vmem>>, vector<1x16xf32>,
    }
    %scan3A_19 = arith.constant 125 : i32
    "tpu.region"() ({
      %run_scoped3A = tpu.sem_alloc : memref<!tpu.dma_semaphore, #tpu.memory_space<semaphore_mem>>
      %dma_start3A_542 = arith.constant 0 : i32
      %dma_start3A_543 = tpu.memref_slice %arg3[%mul3A_2, %dma_start3A_542] : memref<1280x125xi32, #tpu.memory_space<hbm>> -> memref<80x125xi32, #tpu.memory_space<hbm>>
      %dma_start3A_544 = arith.constant 0 : i32
      %dma_start3A_545 = tpu.memref_slice %arg3[%mul3A_2, %dma_start3A_544] : memref<1280x125xi32, #tpu.memory_space<hbm>> -> memref<80x125xi32, #tpu.memory_space<hbm>>
      tpu.enqueue_dma source(%dma_start3A_545 : memref<80x125xi32, #tpu.memory_space<hbm>>) target(%arg11 : memref<80x125xi32, #tpu.memory_space<vmem>>) target_semaphore(%run_scoped3A : memref<!tpu.dma_semaphore, #tpu.memory_space<semaphore_mem>>)
      %dma_wait3A_546 = arith.constant 0 : i32
      %dma_wait3A_547 = tpu.memref_slice %arg3[%mul3A_2, %dma_wait3A_546] : memref<1280x125xi32, #tpu.memory_space<hbm>> -> memref<80x125xi32, #tpu.memory_space<hbm>>
      %dma_wait3A_548 = arith.constant 0 : i32
      %dma_wait3A_549 = tpu.memref_slice %arg3[%mul3A_2, %dma_wait3A_548] : memref<1280x125xi32, #tpu.memory_space<hbm>> -> memref<80x125xi32, #tpu.memory_space<hbm>>
      tpu.wait_dma2 semaphore(%run_scoped3A : memref<!tpu.dma_semaphore, #tpu.memory_space<semaphore_mem>>) src(%dma_wait3A_549 : memref<80x125xi32, #tpu.memory_space<hbm>>) dst(%arg11 : memref<80x125xi32, #tpu.memory_space<vmem>>)
      tpu.yield
    }) : () -> ()
    "tpu.region"() ({
      %run_scoped3A = tpu.sem_alloc : memref<!tpu.dma_semaphore, #tpu.memory_space<semaphore_mem>>
      %dma_start3A_542 = arith.constant 0 : i32
      %dma_start3A_543 = tpu.memref_slice %arg4[%mul3A_2, %dma_start3A_542] : memref<1280x125xi32, #tpu.memory_space<hbm>> -> memref<80x125xi32, #tpu.memory_space<hbm>>
      %dma_start3A_544 = arith.constant 0 : i32
      %dma_start3A_545 = tpu.memref_slice %arg4[%mul3A_2, %dma_start3A_544] : memref<1280x125xi32, #tpu.memory_space<hbm>> -> memref<80x125xi32, #tpu.memory_space<hbm>>
      tpu.enqueue_dma source(%dma_start3A_545 : memref<80x125xi32, #tpu.memory_space<hbm>>) target(%arg12 : memref<80x125xi32, #tpu.memory_space<vmem>>) target_semaphore(%run_scoped3A : memref<!tpu.dma_semaphore, #tpu.memory_space<semaphore_mem>>)
      %dma_wait3A_546 = arith.constant 0 : i32
      %dma_wait3A_547 = tpu.memref_slice %arg4[%mul3A_2, %dma_wait3A_546] : memref<1280x125xi32, #tpu.memory_space<hbm>> -> memref<80x125xi32, #tpu.memory_space<hbm>>
      %dma_wait3A_548 = arith.constant 0 : i32
      %dma_wait3A_549 = tpu.memref_slice %arg4[%mul3A_2, %dma_wait3A_548] : memref<1280x125xi32, #tpu.memory_space<hbm>> -> memref<80x125xi32, #tpu.memory_space<hbm>>
      tpu.wait_dma2 semaphore(%run_scoped3A : memref<!tpu.dma_semaphore, #tpu.memory_space<semaphore_mem>>) src(%dma_wait3A_549 : memref<80x125xi32, #tpu.memory_space<hbm>>) dst(%arg12 : memref<80x125xi32, #tpu.memory_space<vmem>>)
      tpu.yield
    }) : () -> ()
    %scan3A_20 = arith.constant 0 : i32
    %scan3A_21 = arith.constant 5 : i32
    %scan3A_22 = arith.addi %scan3A_20, %scan3A_21 : i32
    %scan3A_23 = arith.constant 1 : i32
    scf.for %scan3A_542 = %scan3A_20 to %scan3A_22 step %scan3A_23  : i32 {
      %mul3A_543 = arith.constant 1 : i32
      %mul3A_544 = arith.muli %scan3A_542, %mul3A_543 : i32
      %add3A_545 = arith.constant 0 : i32
      %add3A_546 = arith.addi %add3A_545, %mul3A_544 : i32
      %mul3A_547 = arith.constant 125 : i32
      %mul3A_548 = arith.muli %add3A_546, %mul3A_547 : i32
      %add3A_549 = arith.addi %mul3A_0, %mul3A_548 : i32
      "tpu.region"() ({
        %run_scoped3A = tpu.sem_alloc : memref<!tpu.dma_semaphore, #tpu.memory_space<semaphore_mem>>
        %dma_start3A_553 = arith.constant 0 : i32
        %dma_start3A_554 = tpu.memref_slice %arg8[%add3A_549, %dma_start3A_553] : memref<10000x64xf32, #tpu.memory_space<vmem_shared>> -> memref<125x64xf32, #tpu.memory_space<vmem_shared>>
        %dma_start3A_555 = arith.constant 0 : i32
        %dma_start3A_556 = tpu.memref_slice %arg8[%add3A_549, %dma_start3A_555] : memref<10000x64xf32, #tpu.memory_space<vmem_shared>> -> memref<125x64xf32, #tpu.memory_space<vmem_shared>>
        tpu.enqueue_dma source(%arg14 : memref<125x64xf32, #tpu.memory_space<vmem>>) target(%dma_start3A_556 : memref<125x64xf32, #tpu.memory_space<vmem_shared>>) target_semaphore(%run_scoped3A : memref<!tpu.dma_semaphore, #tpu.memory_space<semaphore_mem>>)
        %dma_wait3A_557 = arith.constant 0 : i32
        %dma_wait3A_558 = tpu.memref_slice %arg8[%add3A_549, %dma_wait3A_557] : memref<10000x64xf32, #tpu.memory_space<vmem_shared>> -> memref<125x64xf32, #tpu.memory_space<vmem_shared>>
        %dma_wait3A_559 = arith.constant 0 : i32
        %dma_wait3A_560 = tpu.memref_slice %arg8[%add3A_549, %dma_wait3A_559] : memref<10000x64xf32, #tpu.memory_space<vmem_shared>> -> memref<125x64xf32, #tpu.memory_space<vmem_shared>>
        tpu.wait_dma2 semaphore(%run_scoped3A : memref<!tpu.dma_semaphore, #tpu.memory_space<semaphore_mem>>) src(%arg14 : memref<125x64xf32, #tpu.memory_space<vmem>>) dst(%dma_wait3A_560 : memref<125x64xf32, #tpu.memory_space<vmem_shared>>)
        tpu.yield
      }) : () -> ()
      %mul3A_550 = arith.constant 125 : i32
      %mul3A_551 = arith.muli %add3A_546, %mul3A_550 : i32
      %add3A_552 = arith.addi %mul3A_0, %mul3A_551 : i32
      "tpu.region"() ({
        %run_scoped3A = tpu.sem_alloc : memref<!tpu.dma_semaphore, #tpu.memory_space<semaphore_mem>>
        %dma_start3A_553 = arith.constant 0 : i32
        %dma_start3A_554 = tpu.memref_slice %arg9[%add3A_552, %dma_start3A_553] : memref<10000x16xf32, #tpu.memory_space<vmem_shared>> -> memref<125x16xf32, #tpu.memory_space<vmem_shared>>
        %dma_start3A_555 = arith.constant 0 : i32
        %dma_start3A_556 = tpu.memref_slice %arg9[%add3A_552, %dma_start3A_555] : memref<10000x16xf32, #tpu.memory_space<vmem_shared>> -> memref<125x16xf32, #tpu.memory_space<vmem_shared>>
        tpu.enqueue_dma source(%arg15 : memref<125x16xf32, #tpu.memory_space<vmem>>) target(%dma_start3A_556 : memref<125x16xf32, #tpu.memory_space<vmem_shared>>) target_semaphore(%run_scoped3A : memref<!tpu.dma_semaphore, #tpu.memory_space<semaphore_mem>>)
        %dma_wait3A_557 = arith.constant 0 : i32
        %dma_wait3A_558 = tpu.memref_slice %arg9[%add3A_552, %dma_wait3A_557] : memref<10000x16xf32, #tpu.memory_space<vmem_shared>> -> memref<125x16xf32, #tpu.memory_space<vmem_shared>>
        %dma_wait3A_559 = arith.constant 0 : i32
        %dma_wait3A_560 = tpu.memref_slice %arg9[%add3A_552, %dma_wait3A_559] : memref<10000x16xf32, #tpu.memory_space<vmem_shared>> -> memref<125x16xf32, #tpu.memory_space<vmem_shared>>
        tpu.wait_dma2 semaphore(%run_scoped3A : memref<!tpu.dma_semaphore, #tpu.memory_space<semaphore_mem>>) src(%arg15 : memref<125x16xf32, #tpu.memory_space<vmem>>) dst(%dma_wait3A_560 : memref<125x16xf32, #tpu.memory_space<vmem_shared>>)
        tpu.yield
      }) : () -> ()
    }
    %scan3A_24 = arith.constant 5 : i32
    %barrier3A = arith.constant 0 : index
    tpu.barrier barrier_id(%barrier3A)
    %scan3A_25 = arith.constant 0 : i32
    %scan3A_26 = arith.constant 80 : i32
    %scan3A_27 = arith.addi %scan3A_25, %scan3A_26 : i32
    %scan3A_28 = arith.constant 1 : i32
    scf.for %scan3A_542 = %scan3A_25 to %scan3A_27 step %scan3A_28  : i32 {
      %mul3A_543 = arith.constant 1 : i32
      %mul3A_544 = arith.muli %scan3A_542, %mul3A_543 : i32
      %add3A_545 = arith.constant 0 : i32
      %add3A_546 = arith.addi %add3A_545, %mul3A_544 : i32
      %dma_start3A_547 = arith.constant 0 : i32
      %dma_start3A_548 = tpu.memref_slice %arg11[%add3A_546, %dma_start3A_547] : memref<80x125xi32, #tpu.memory_space<vmem>> -> memref<1x125xi32, #tpu.memory_space<vmem>>
      %dma_start3A_549 = tpu.memref_squeeze %dma_start3A_548 : memref<1x125xi32, #tpu.memory_space<vmem>> -> memref<125xi32, #tpu.memory_space<vmem>>
      %dma_start3A_550 = arith.constant 0 : i32
      %dma_start3A_551 = arith.constant 0 : i32
      %dma_start3A_552 = tpu.memref_slice %arg9[%dma_start3A_550, %dma_start3A_551] : memref<10000x16xf32, #tpu.memory_space<vmem_shared>> -> memref<10000x16xf32, #tpu.memory_space<vmem_shared>>
      tpu.enqueue_indirect_dma source(%arg16 : memref<125x16xf32, #tpu.memory_space<vmem>>) target(%dma_start3A_552 : memref<10000x16xf32, #tpu.memory_space<vmem_shared>>) offsets(%dma_start3A_549 : memref<125xi32, #tpu.memory_space<vmem>>) semaphore(%arg18 : memref<!tpu.dma_semaphore, #tpu.memory_space<semaphore_mem>>) {add = true}
      %ge3A = arith.constant 3 : i32
      %ge3A_553 = arith.cmpi sge, %add3A_546, %ge3A : i32
      %convert_element_type3A = arith.extui %ge3A_553 : i1 to i32
      %cond3A = arith.constant 0 : i32
      %cond3A_554 = arith.cmpi ne, %convert_element_type3A, %cond3A : i32
      scf.if %cond3A_554 {
        %sub3A = arith.constant 3 : i32
        %sub3A_555 = arith.subi %add3A_546, %sub3A : i32
        %dma_wait3A_556 = arith.constant 0 : i32
        %dma_wait3A_557 = tpu.memref_slice %arg11[%sub3A_555, %dma_wait3A_556] : memref<80x125xi32, #tpu.memory_space<vmem>> -> memref<1x125xi32, #tpu.memory_space<vmem>>
        %dma_wait3A_558 = tpu.memref_squeeze %dma_wait3A_557 : memref<1x125xi32, #tpu.memory_space<vmem>> -> memref<125xi32, #tpu.memory_space<vmem>>
        %dma_wait3A_559 = arith.constant 0 : i32
        %dma_wait3A_560 = arith.constant 0 : i32
        %dma_wait3A_561 = tpu.memref_slice %arg9[%dma_wait3A_559, %dma_wait3A_560] : memref<10000x16xf32, #tpu.memory_space<vmem_shared>> -> memref<10000x16xf32, #tpu.memory_space<vmem_shared>>
        tpu.wait_indirect_dma semaphore(%arg18 : memref<!tpu.dma_semaphore, #tpu.memory_space<semaphore_mem>>) src(%arg16 : memref<125x16xf32, #tpu.memory_space<vmem>>) dst(%dma_wait3A_561 : memref<10000x16xf32, #tpu.memory_space<vmem_shared>>)
      } else {
      }
    }
    %scan3A_29 = arith.constant 80 : i32
    %dma_wait3A = arith.constant 77 : i32
    %dma_wait3A_30 = arith.constant 0 : i32
    %dma_wait3A_31 = tpu.memref_slice %arg11[%dma_wait3A, %dma_wait3A_30] : memref<80x125xi32, #tpu.memory_space<vmem>> -> memref<1x125xi32, #tpu.memory_space<vmem>>
    %dma_wait3A_32 = tpu.memref_squeeze %dma_wait3A_31 : memref<1x125xi32, #tpu.memory_space<vmem>> -> memref<125xi32, #tpu.memory_space<vmem>>
    %dma_wait3A_33 = arith.constant 0 : i32
    %dma_wait3A_34 = arith.constant 0 : i32
    %dma_wait3A_35 = tpu.memref_slice %arg9[%dma_wait3A_33, %dma_wait3A_34] : memref<10000x16xf32, #tpu.memory_space<vmem_shared>> -> memref<10000x16xf32, #tpu.memory_space<vmem_shared>>
    tpu.wait_indirect_dma semaphore(%arg18 : memref<!tpu.dma_semaphore, #tpu.memory_space<semaphore_mem>>) src(%arg16 : memref<125x16xf32, #tpu.memory_space<vmem>>) dst(%dma_wait3A_35 : memref<10000x16xf32, #tpu.memory_space<vmem_shared>>)
    %dma_wait3A_36 = arith.constant 78 : i32
    %dma_wait3A_37 = arith.constant 0 : i32
    %dma_wait3A_38 = tpu.memref_slice %arg11[%dma_wait3A_36, %dma_wait3A_37] : memref<80x125xi32, #tpu.memory_space<vmem>> -> memref<1x125xi32, #tpu.memory_space<vmem>>
    %dma_wait3A_39 = tpu.memref_squeeze %dma_wait3A_38 : memref<1x125xi32, #tpu.memory_space<vmem>> -> memref<125xi32, #tpu.memory_space<vmem>>
    %dma_wait3A_40 = arith.constant 0 : i32
    %dma_wait3A_41 = arith.constant 0 : i32
    %dma_wait3A_42 = tpu.memref_slice %arg9[%dma_wait3A_40, %dma_wait3A_41] : memref<10000x16xf32, #tpu.memory_space<vmem_shared>> -> memref<10000x16xf32, #tpu.memory_space<vmem_shared>>
    tpu.wait_indirect_dma semaphore(%arg18 : memref<!tpu.dma_semaphore, #tpu.memory_space<semaphore_mem>>) src(%arg16 : memref<125x16xf32, #tpu.memory_space<vmem>>) dst(%dma_wait3A_42 : memref<10000x16xf32, #tpu.memory_space<vmem_shared>>)
    %dma_wait3A_43 = arith.constant 79 : i32
    %dma_wait3A_44 = arith.constant 0 : i32
    %dma_wait3A_45 = tpu.memref_slice %arg11[%dma_wait3A_43, %dma_wait3A_44] : memref<80x125xi32, #tpu.memory_space<vmem>> -> memref<1x125xi32, #tpu.memory_space<vmem>>
    %dma_wait3A_46 = tpu.memref_squeeze %dma_wait3A_45 : memref<1x125xi32, #tpu.memory_space<vmem>> -> memref<125xi32, #tpu.memory_space<vmem>>
    %dma_wait3A_47 = arith.constant 0 : i32
    %dma_wait3A_48 = arith.constant 0 : i32
    %dma_wait3A_49 = tpu.memref_slice %arg9[%dma_wait3A_47, %dma_wait3A_48] : memref<10000x16xf32, #tpu.memory_space<vmem_shared>> -> memref<10000x16xf32, #tpu.memory_space<vmem_shared>>
    tpu.wait_indirect_dma semaphore(%arg18 : memref<!tpu.dma_semaphore, #tpu.memory_space<semaphore_mem>>) src(%arg16 : memref<125x16xf32, #tpu.memory_space<vmem>>) dst(%dma_wait3A_49 : memref<10000x16xf32, #tpu.memory_space<vmem_shared>>)
    %barrier3A_50 = arith.constant 0 : index
    tpu.barrier barrier_id(%barrier3A_50)
    "tpu.region"() ({
      %run_scoped3A = tpu.sem_alloc : memref<!tpu.dma_semaphore, #tpu.memory_space<semaphore_mem>>
      %dma_start3A_542 = arith.constant 0 : i32
      %dma_start3A_543 = tpu.memref_slice %arg9[%mul3A_0, %dma_start3A_542] : memref<10000x16xf32, #tpu.memory_space<vmem_shared>> -> memref<625x16xf32, #tpu.memory_space<vmem_shared>>
      %dma_start3A_544 = arith.constant 0 : i32
      %dma_start3A_545 = tpu.memref_slice %arg9[%mul3A_0, %dma_start3A_544] : memref<10000x16xf32, #tpu.memory_space<vmem_shared>> -> memref<625x16xf32, #tpu.memory_space<vmem_shared>>
      tpu.enqueue_dma source(%dma_start3A_545 : memref<625x16xf32, #tpu.memory_space<vmem_shared>>) target(%arg13 : memref<625x16xf32, #tpu.memory_space<vmem>>) target_semaphore(%run_scoped3A : memref<!tpu.dma_semaphore, #tpu.memory_space<semaphore_mem>>)
      %dma_wait3A_546 = arith.constant 0 : i32
      %dma_wait3A_547 = tpu.memref_slice %arg9[%mul3A_0, %dma_wait3A_546] : memref<10000x16xf32, #tpu.memory_space<vmem_shared>> -> memref<625x16xf32, #tpu.memory_space<vmem_shared>>
      %dma_wait3A_548 = arith.constant 0 : i32
      %dma_wait3A_549 = tpu.memref_slice %arg9[%mul3A_0, %dma_wait3A_548] : memref<10000x16xf32, #tpu.memory_space<vmem_shared>> -> memref<625x16xf32, #tpu.memory_space<vmem_shared>>
      tpu.wait_dma2 semaphore(%run_scoped3A : memref<!tpu.dma_semaphore, #tpu.memory_space<semaphore_mem>>) src(%dma_wait3A_549 : memref<625x16xf32, #tpu.memory_space<vmem_shared>>) dst(%arg13 : memref<625x16xf32, #tpu.memory_space<vmem>>)
      tpu.yield
    }) : () -> ()
    %scan3A_51 = arith.constant 0 : i32
    %scan3A_52 = arith.constant 625 : i32
    %scan3A_53 = arith.addi %scan3A_51, %scan3A_52 : i32
    %scan3A_54 = arith.constant 1 : i32
    scf.for %scan3A_542 = %scan3A_51 to %scan3A_53 step %scan3A_54  : i32 {
      %mul3A_543 = arith.constant 1 : i32
      %mul3A_544 = arith.muli %scan3A_542, %mul3A_543 : i32
      %add3A_545 = arith.constant 0 : i32
      %add3A_546 = arith.addi %add3A_545, %mul3A_544 : i32
      %get3A = arith.index_cast %add3A_546 : i32 to index
      %get3A_547 = arith.constant 0 : index
      %get3A_548 = tpu.vector_load %arg13[%get3A, %get3A_547] {strides = array<i32>} : memref<625x16xf32, #tpu.memory_space<vmem>>, vector<1x16xf32>,
      %get3A_549 = vector.shape_cast %get3A_548 : vector<1x16xf32> to vector<16xf32>
      %max3A = arith.constant 1.000000e+00 : f32
      %max3A_550 = vector.broadcast %max3A : f32 to vector<16xf32>
      %max3A_551 = arith.maximumf %get3A_549, %max3A_550 : vector<16xf32>
      %div3A = arith.divf %max3A_551, %max3A_551 : vector<16xf32>
      %add3A_552 = arith.addf %max3A_551, %div3A : vector<16xf32>
      %mul3A_553 = arith.constant 5.000000e-01 : f32
      %mul3A_554 = vector.broadcast %mul3A_553 : f32 to vector<16xf32>
      %mul3A_555 = arith.mulf %mul3A_554, %add3A_552 : vector<16xf32>
      %div3A_556 = arith.divf %max3A_551, %mul3A_555 : vector<16xf32>
      %add3A_557 = arith.addf %mul3A_555, %div3A_556 : vector<16xf32>
      %mul3A_558 = arith.constant 5.000000e-01 : f32
      %mul3A_559 = vector.broadcast %mul3A_558 : f32 to vector<16xf32>
      %mul3A_560 = arith.mulf %mul3A_559, %add3A_557 : vector<16xf32>
      %div3A_561 = arith.divf %max3A_551, %mul3A_560 : vector<16xf32>
      %add3A_562 = arith.addf %mul3A_560, %div3A_561 : vector<16xf32>
      %mul3A_563 = arith.constant 5.000000e-01 : f32
      %mul3A_564 = vector.broadcast %mul3A_563 : f32 to vector<16xf32>
      %mul3A_565 = arith.mulf %mul3A_564, %add3A_562 : vector<16xf32>
      %div3A_566 = arith.divf %max3A_551, %mul3A_565 : vector<16xf32>
      %add3A_567 = arith.addf %mul3A_565, %div3A_566 : vector<16xf32>
      %mul3A_568 = arith.constant 5.000000e-01 : f32
      %mul3A_569 = vector.broadcast %mul3A_568 : f32 to vector<16xf32>
      %mul3A_570 = arith.mulf %mul3A_569, %add3A_567 : vector<16xf32>
      %div3A_571 = arith.divf %max3A_551, %mul3A_570 : vector<16xf32>
      %add3A_572 = arith.addf %mul3A_570, %div3A_571 : vector<16xf32>
      %mul3A_573 = arith.constant 5.000000e-01 : f32
      %mul3A_574 = vector.broadcast %mul3A_573 : f32 to vector<16xf32>
      %mul3A_575 = arith.mulf %mul3A_574, %add3A_572 : vector<16xf32>
      %div3A_576 = arith.divf %max3A_551, %mul3A_575 : vector<16xf32>
      %add3A_577 = arith.addf %mul3A_575, %div3A_576 : vector<16xf32>
      %mul3A_578 = arith.constant 5.000000e-01 : f32
      %mul3A_579 = vector.broadcast %mul3A_578 : f32 to vector<16xf32>
      %mul3A_580 = arith.mulf %mul3A_579, %add3A_577 : vector<16xf32>
      %div3A_581 = arith.divf %max3A_551, %mul3A_580 : vector<16xf32>
      %add3A_582 = arith.addf %mul3A_580, %div3A_581 : vector<16xf32>
      %mul3A_583 = arith.constant 5.000000e-01 : f32
      %mul3A_584 = vector.broadcast %mul3A_583 : f32 to vector<16xf32>
      %mul3A_585 = arith.mulf %mul3A_584, %add3A_582 : vector<16xf32>
      %div3A_586 = arith.divf %max3A_551, %mul3A_585 : vector<16xf32>
      %add3A_587 = arith.addf %mul3A_585, %div3A_586 : vector<16xf32>
      %mul3A_588 = arith.constant 5.000000e-01 : f32
      %mul3A_589 = vector.broadcast %mul3A_588 : f32 to vector<16xf32>
      %mul3A_590 = arith.mulf %mul3A_589, %add3A_587 : vector<16xf32>
      %div3A_591 = arith.divf %max3A_551, %mul3A_590 : vector<16xf32>
      %add3A_592 = arith.addf %mul3A_590, %div3A_591 : vector<16xf32>
      %mul3A_593 = arith.constant 5.000000e-01 : f32
      %mul3A_594 = vector.broadcast %mul3A_593 : f32 to vector<16xf32>
      %mul3A_595 = arith.mulf %mul3A_594, %add3A_592 : vector<16xf32>
      %div3A_596 = arith.divf %max3A_551, %mul3A_595 : vector<16xf32>
      %add3A_597 = arith.addf %mul3A_595, %div3A_596 : vector<16xf32>
      %mul3A_598 = arith.constant 5.000000e-01 : f32
      %mul3A_599 = vector.broadcast %mul3A_598 : f32 to vector<16xf32>
      %mul3A_600 = arith.mulf %mul3A_599, %add3A_597 : vector<16xf32>
      %div3A_601 = arith.divf %max3A_551, %mul3A_600 : vector<16xf32>
      %add3A_602 = arith.addf %mul3A_600, %div3A_601 : vector<16xf32>
      %mul3A_603 = arith.constant 5.000000e-01 : f32
      %mul3A_604 = vector.broadcast %mul3A_603 : f32 to vector<16xf32>
      %mul3A_605 = arith.mulf %mul3A_604, %add3A_602 : vector<16xf32>
      %div3A_606 = arith.divf %max3A_551, %mul3A_605 : vector<16xf32>
      %add3A_607 = arith.addf %mul3A_605, %div3A_606 : vector<16xf32>
      %mul3A_608 = arith.constant 5.000000e-01 : f32
      %mul3A_609 = vector.broadcast %mul3A_608 : f32 to vector<16xf32>
      %mul3A_610 = arith.mulf %mul3A_609, %add3A_607 : vector<16xf32>
      %div3A_611 = arith.divf %max3A_551, %mul3A_610 : vector<16xf32>
      %add3A_612 = arith.addf %mul3A_610, %div3A_611 : vector<16xf32>
      %mul3A_613 = arith.constant 5.000000e-01 : f32
      %mul3A_614 = vector.broadcast %mul3A_613 : f32 to vector<16xf32>
      %mul3A_615 = arith.mulf %mul3A_614, %add3A_612 : vector<16xf32>
      %div3A_616 = arith.divf %max3A_551, %mul3A_615 : vector<16xf32>
      %add3A_617 = arith.addf %mul3A_615, %div3A_616 : vector<16xf32>
      %mul3A_618 = arith.constant 5.000000e-01 : f32
      %mul3A_619 = vector.broadcast %mul3A_618 : f32 to vector<16xf32>
      %mul3A_620 = arith.mulf %mul3A_619, %add3A_617 : vector<16xf32>
      %div3A_621 = arith.divf %max3A_551, %mul3A_620 : vector<16xf32>
      %add3A_622 = arith.addf %mul3A_620, %div3A_621 : vector<16xf32>
      %mul3A_623 = arith.constant 5.000000e-01 : f32
      %mul3A_624 = vector.broadcast %mul3A_623 : f32 to vector<16xf32>
      %mul3A_625 = arith.mulf %mul3A_624, %add3A_622 : vector<16xf32>
      %div3A_626 = arith.divf %max3A_551, %mul3A_625 : vector<16xf32>
      %add3A_627 = arith.addf %mul3A_625, %div3A_626 : vector<16xf32>
      %mul3A_628 = arith.constant 5.000000e-01 : f32
      %mul3A_629 = vector.broadcast %mul3A_628 : f32 to vector<16xf32>
      %mul3A_630 = arith.mulf %mul3A_629, %add3A_627 : vector<16xf32>
      %gt3A = arith.constant 0.000000e+00 : f32
      %gt3A_631 = vector.broadcast %gt3A : f32 to vector<16xf32>
      %gt3A_632 = arith.cmpf ogt, %get3A_549, %gt3A_631 : vector<16xf32>
      %div3A_633 = arith.constant 1.000000e+00 : f32
      %div3A_634 = vector.broadcast %div3A_633 : f32 to vector<16xf32>
      %div3A_635 = arith.divf %div3A_634, %mul3A_630 : vector<16xf32>
      %jit3A = arith.constant 0.000000e+00 : f32
      %broadcast_in_dim3A_636 = vector.broadcast %jit3A : f32 to vector<16xf32>
      %select_n3A = arith.select %gt3A_632, %div3A_635, %broadcast_in_dim3A_636 : vector<16xi1>, vector<16xf32>
      %swap3A = arith.index_cast %add3A_546 : i32 to index
      %swap3A_637 = arith.constant 0 : index
      %swap3A_638 = tpu.vector_load %arg13[%swap3A, %swap3A_637] {strides = array<i32>} : memref<625x16xf32, #tpu.memory_space<vmem>>, vector<1x16xf32>,
      %swap3A_639 = vector.shape_cast %swap3A_638 : vector<1x16xf32> to vector<16xf32>
      %swap3A_640 = vector.shape_cast %select_n3A : vector<16xf32> to vector<1x16xf32>
      tpu.vector_store %arg13[%swap3A, %swap3A_637], %swap3A_640 {strides = array<i32>} : memref<625x16xf32, #tpu.memory_space<vmem>>, vector<1x16xf32>,
    }
    %scan3A_55 = arith.constant 625 : i32
    %mul3A_56 = arith.constant 2 : i32
    %mul3A_57 = arith.muli %arg0, %mul3A_56 : i32
    %add3A = arith.constant 0 : i32
    %add3A_58 = arith.addi %mul3A_57, %add3A : i32
    %scan3A_59 = arith.constant 1 : i32
    %scan3A_60 = arith.constant 0 : i32
    %scan3A_61 = arith.constant 5 : i32
    %scan3A_62 = arith.addi %scan3A_60, %scan3A_61 : i32
    %scan3A_63 = arith.constant 1 : i32
    scf.for %scan3A_542 = %scan3A_60 to %scan3A_62 step %scan3A_63  : i32 {
      %mul3A_543 = arith.constant 1 : i32
      %mul3A_544 = arith.muli %scan3A_542, %mul3A_543 : i32
      %add3A_545 = arith.constant 0 : i32
      %add3A_546 = arith.addi %add3A_545, %mul3A_544 : i32
      %mul3A_547 = arith.constant 125 : i32
      %mul3A_548 = arith.muli %add3A_546, %mul3A_547 : i32
      %add3A_549 = arith.addi %mul3A_0, %mul3A_548 : i32
      %mul3A_550 = arith.constant 125 : i32
      %mul3A_551 = arith.muli %add3A_546, %mul3A_550 : i32
      %mul3A_552 = arith.constant 64 : i32
      %mul3A_553 = arith.muli %add3A_58, %mul3A_552 : i32
      "tpu.region"() ({
        %run_scoped3A = tpu.sem_alloc : memref<!tpu.dma_semaphore, #tpu.memory_space<semaphore_mem>>
        %dma_start3A_559 = arith.constant 0 : i32
        %dma_start3A_560 = arith.constant 0 : i32
        %dma_start3A_561 = tpu.memref_slice %arg10[%scan3A_59, %dma_start3A_559, %dma_start3A_560] : memref<4x125x64xf32, #tpu.memory_space<vmem>> -> memref<1x125x64xf32, #tpu.memory_space<vmem>>
        %dma_start3A_562 = tpu.memref_squeeze %dma_start3A_561 : memref<1x125x64xf32, #tpu.memory_space<vmem>> -> memref<125x64xf32, #tpu.memory_space<vmem>>
        %dma_start3A_563 = tpu.memref_slice %arg2[%add3A_549, %mul3A_553] : memref<10000x256xf32, #tpu.memory_space<hbm>> -> memref<125x64xf32, #tpu.memory_space<hbm>>
        %dma_start3A_564 = arith.constant 0 : i32
        %dma_start3A_565 = arith.constant 0 : i32
        %dma_start3A_566 = tpu.memref_slice %arg10[%scan3A_59, %dma_start3A_564, %dma_start3A_565] : memref<4x125x64xf32, #tpu.memory_space<vmem>> -> memref<1x125x64xf32, #tpu.memory_space<vmem>>
        %dma_start3A_567 = tpu.memref_squeeze %dma_start3A_566 : memref<1x125x64xf32, #tpu.memory_space<vmem>> -> memref<125x64xf32, #tpu.memory_space<vmem>>
        %dma_start3A_568 = tpu.memref_slice %arg2[%add3A_549, %mul3A_553] : memref<10000x256xf32, #tpu.memory_space<hbm>> -> memref<125x64xf32, #tpu.memory_space<hbm>>
        tpu.enqueue_dma source(%dma_start3A_568 : memref<125x64xf32, #tpu.memory_space<hbm>>) target(%dma_start3A_567 : memref<125x64xf32, #tpu.memory_space<vmem>>) target_semaphore(%run_scoped3A : memref<!tpu.dma_semaphore, #tpu.memory_space<semaphore_mem>>)
        %dma_wait3A_569 = arith.constant 0 : i32
        %dma_wait3A_570 = arith.constant 0 : i32
        %dma_wait3A_571 = tpu.memref_slice %arg10[%scan3A_59, %dma_wait3A_569, %dma_wait3A_570] : memref<4x125x64xf32, #tpu.memory_space<vmem>> -> memref<1x125x64xf32, #tpu.memory_space<vmem>>
        %dma_wait3A_572 = tpu.memref_squeeze %dma_wait3A_571 : memref<1x125x64xf32, #tpu.memory_space<vmem>> -> memref<125x64xf32, #tpu.memory_space<vmem>>
        %dma_wait3A_573 = tpu.memref_slice %arg2[%add3A_549, %mul3A_553] : memref<10000x256xf32, #tpu.memory_space<hbm>> -> memref<125x64xf32, #tpu.memory_space<hbm>>
        %dma_wait3A_574 = arith.constant 0 : i32
        %dma_wait3A_575 = arith.constant 0 : i32
        %dma_wait3A_576 = tpu.memref_slice %arg10[%scan3A_59, %dma_wait3A_574, %dma_wait3A_575] : memref<4x125x64xf32, #tpu.memory_space<vmem>> -> memref<1x125x64xf32, #tpu.memory_space<vmem>>
        %dma_wait3A_577 = tpu.memref_squeeze %dma_wait3A_576 : memref<1x125x64xf32, #tpu.memory_space<vmem>> -> memref<125x64xf32, #tpu.memory_space<vmem>>
        %dma_wait3A_578 = tpu.memref_slice %arg2[%add3A_549, %mul3A_553] : memref<10000x256xf32, #tpu.memory_space<hbm>> -> memref<125x64xf32, #tpu.memory_space<hbm>>
        tpu.wait_dma2 semaphore(%run_scoped3A : memref<!tpu.dma_semaphore, #tpu.memory_space<semaphore_mem>>) src(%dma_wait3A_578 : memref<125x64xf32, #tpu.memory_space<hbm>>) dst(%dma_wait3A_577 : memref<125x64xf32, #tpu.memory_space<vmem>>)
        tpu.yield
      }) : () -> ()
      "tpu.region"() ({
        %run_scoped3A = tpu.sem_alloc : memref<!tpu.dma_semaphore, #tpu.memory_space<semaphore_mem>>
        %dma_start3A_559 = arith.constant 0 : i32
        %dma_start3A_560 = arith.constant 0 : i32
        %dma_start3A_561 = tpu.memref_slice %arg10[%scan3A_59, %dma_start3A_559, %dma_start3A_560] : memref<4x125x64xf32, #tpu.memory_space<vmem>> -> memref<1x125x64xf32, #tpu.memory_space<vmem>>
        %dma_start3A_562 = tpu.memref_squeeze %dma_start3A_561 : memref<1x125x64xf32, #tpu.memory_space<vmem>> -> memref<125x64xf32, #tpu.memory_space<vmem>>
        %dma_start3A_563 = arith.constant 0 : i32
        %dma_start3A_564 = arith.constant 0 : i32
        %dma_start3A_565 = tpu.memref_slice %arg7[%add3A_58, %dma_start3A_563, %dma_start3A_564] : memref<4x10000x64xf32, #tpu.memory_space<hbm>> -> memref<1x10000x64xf32, #tpu.memory_space<hbm>>
        %dma_start3A_566 = tpu.memref_squeeze %dma_start3A_565 : memref<1x10000x64xf32, #tpu.memory_space<hbm>> -> memref<10000x64xf32, #tpu.memory_space<hbm>>
        %dma_start3A_567 = arith.constant 0 : i32
        %dma_start3A_568 = tpu.memref_slice %dma_start3A_566[%add3A_549, %dma_start3A_567] : memref<10000x64xf32, #tpu.memory_space<hbm>> -> memref<125x64xf32, #tpu.memory_space<hbm>>
        %dma_start3A_569 = arith.constant 0 : i32
        %dma_start3A_570 = arith.constant 0 : i32
        %dma_start3A_571 = tpu.memref_slice %arg7[%add3A_58, %dma_start3A_569, %dma_start3A_570] : memref<4x10000x64xf32, #tpu.memory_space<hbm>> -> memref<1x10000x64xf32, #tpu.memory_space<hbm>>
        %dma_start3A_572 = tpu.memref_squeeze %dma_start3A_571 : memref<1x10000x64xf32, #tpu.memory_space<hbm>> -> memref<10000x64xf32, #tpu.memory_space<hbm>>
        %dma_start3A_573 = arith.constant 0 : i32
        %dma_start3A_574 = tpu.memref_slice %dma_start3A_572[%add3A_549, %dma_start3A_573] : memref<10000x64xf32, #tpu.memory_space<hbm>> -> memref<125x64xf32, #tpu.memory_space<hbm>>
        %dma_start3A_575 = arith.constant 0 : i32
        %dma_start3A_576 = arith.constant 0 : i32
        %dma_start3A_577 = tpu.memref_slice %arg10[%scan3A_59, %dma_start3A_575, %dma_start3A_576] : memref<4x125x64xf32, #tpu.memory_space<vmem>> -> memref<1x125x64xf32, #tpu.memory_space<vmem>>
        %dma_start3A_578 = tpu.memref_squeeze %dma_start3A_577 : memref<1x125x64xf32, #tpu.memory_space<vmem>> -> memref<125x64xf32, #tpu.memory_space<vmem>>
        tpu.enqueue_dma source(%dma_start3A_578 : memref<125x64xf32, #tpu.memory_space<vmem>>) target(%dma_start3A_574 : memref<125x64xf32, #tpu.memory_space<hbm>>) target_semaphore(%run_scoped3A : memref<!tpu.dma_semaphore, #tpu.memory_space<semaphore_mem>>)
        %dma_wait3A_579 = arith.constant 0 : i32
        %dma_wait3A_580 = arith.constant 0 : i32
        %dma_wait3A_581 = tpu.memref_slice %arg10[%scan3A_59, %dma_wait3A_579, %dma_wait3A_580] : memref<4x125x64xf32, #tpu.memory_space<vmem>> -> memref<1x125x64xf32, #tpu.memory_space<vmem>>
        %dma_wait3A_582 = tpu.memref_squeeze %dma_wait3A_581 : memref<1x125x64xf32, #tpu.memory_space<vmem>> -> memref<125x64xf32, #tpu.memory_space<vmem>>
        %dma_wait3A_583 = arith.constant 0 : i32
        %dma_wait3A_584 = arith.constant 0 : i32
        %dma_wait3A_585 = tpu.memref_slice %arg7[%add3A_58, %dma_wait3A_583, %dma_wait3A_584] : memref<4x10000x64xf32, #tpu.memory_space<hbm>> -> memref<1x10000x64xf32, #tpu.memory_space<hbm>>
        %dma_wait3A_586 = tpu.memref_squeeze %dma_wait3A_585 : memref<1x10000x64xf32, #tpu.memory_space<hbm>> -> memref<10000x64xf32, #tpu.memory_space<hbm>>
        %dma_wait3A_587 = arith.constant 0 : i32
        %dma_wait3A_588 = tpu.memref_slice %dma_wait3A_586[%add3A_549, %dma_wait3A_587] : memref<10000x64xf32, #tpu.memory_space<hbm>> -> memref<125x64xf32, #tpu.memory_space<hbm>>
        %dma_wait3A_589 = arith.constant 0 : i32
        %dma_wait3A_590 = arith.constant 0 : i32
        %dma_wait3A_591 = tpu.memref_slice %arg7[%add3A_58, %dma_wait3A_589, %dma_wait3A_590] : memref<4x10000x64xf32, #tpu.memory_space<hbm>> -> memref<1x10000x64xf32, #tpu.memory_space<hbm>>
        %dma_wait3A_592 = tpu.memref_squeeze %dma_wait3A_591 : memref<1x10000x64xf32, #tpu.memory_space<hbm>> -> memref<10000x64xf32, #tpu.memory_space<hbm>>
        %dma_wait3A_593 = arith.constant 0 : i32
        %dma_wait3A_594 = tpu.memref_slice %dma_wait3A_592[%add3A_549, %dma_wait3A_593] : memref<10000x64xf32, #tpu.memory_space<hbm>> -> memref<125x64xf32, #tpu.memory_space<hbm>>
        %dma_wait3A_595 = arith.constant 0 : i32
        %dma_wait3A_596 = arith.constant 0 : i32
        %dma_wait3A_597 = tpu.memref_slice %arg10[%scan3A_59, %dma_wait3A_595, %dma_wait3A_596] : memref<4x125x64xf32, #tpu.memory_space<vmem>> -> memref<1x125x64xf32, #tpu.memory_space<vmem>>
        %dma_wait3A_598 = tpu.memref_squeeze %dma_wait3A_597 : memref<1x125x64xf32, #tpu.memory_space<vmem>> -> memref<125x64xf32, #tpu.memory_space<vmem>>
        tpu.wait_dma2 semaphore(%run_scoped3A : memref<!tpu.dma_semaphore, #tpu.memory_space<semaphore_mem>>) src(%dma_wait3A_598 : memref<125x64xf32, #tpu.memory_space<vmem>>) dst(%dma_wait3A_594 : memref<125x64xf32, #tpu.memory_space<hbm>>)
        tpu.yield
      }) : () -> ()
      %scan3A_554 = arith.constant 0 : i32
      %scan3A_555 = arith.constant 125 : i32
      %scan3A_556 = arith.addi %scan3A_554, %scan3A_555 : i32
      %scan3A_557 = arith.constant 1 : i32
      scf.for %scan3A_559 = %scan3A_554 to %scan3A_556 step %scan3A_557  : i32 {
        %mul3A_560 = arith.constant 1 : i32
        %mul3A_561 = arith.muli %scan3A_559, %mul3A_560 : i32
        %add3A_562 = arith.constant 0 : i32
        %add3A_563 = arith.addi %add3A_562, %mul3A_561 : i32
        %add3A_564 = arith.addi %mul3A_551, %add3A_563 : i32
        %get3A = arith.index_cast %add3A_564 : i32 to index
        %get3A_565 = arith.constant 0 : index
        %get3A_566 = tpu.vector_load %arg13[%get3A, %get3A_565] {strides = array<i32>} : memref<625x16xf32, #tpu.memory_space<vmem>>, vector<1x16xf32>,
        %get3A_567 = vector.shape_cast %get3A_566 : vector<1x16xf32> to vector<16xf32>
        %get3A_568 = arith.constant 1 : i32
        %get3A_569 = arith.index_cast %get3A_568 : i32 to index
        %get3A_570 = arith.index_cast %add3A_563 : i32 to index
        %get3A_571 = arith.constant 0 : index
        %get3A_572 = tpu.vector_load %arg10[%get3A_569, %get3A_570, %get3A_571] {strides = array<i32>} : memref<4x125x64xf32, #tpu.memory_space<vmem>>, vector<1x1x16xf32>,
        %get3A_573 = vector.shape_cast %get3A_572 : vector<1x1x16xf32> to vector<16xf32>
        %mul3A_574 = arith.mulf %get3A_573, %get3A_567 : vector<16xf32>
        %swap3A = arith.constant 1 : i32
        %swap3A_575 = arith.index_cast %swap3A : i32 to index
        %swap3A_576 = arith.index_cast %add3A_563 : i32 to index
        %swap3A_577 = arith.constant 0 : index
        %swap3A_578 = tpu.vector_load %arg10[%swap3A_575, %swap3A_576, %swap3A_577] {strides = array<i32>} : memref<4x125x64xf32, #tpu.memory_space<vmem>>, vector<1x1x16xf32>,
        %swap3A_579 = vector.shape_cast %swap3A_578 : vector<1x1x16xf32> to vector<16xf32>
        %swap3A_580 = vector.shape_cast %mul3A_574 : vector<16xf32> to vector<1x1x16xf32>
        tpu.vector_store %arg10[%swap3A_575, %swap3A_576, %swap3A_577], %swap3A_580 {strides = array<i32>} : memref<4x125x64xf32, #tpu.memory_space<vmem>>, vector<1x1x16xf32>,
        %get3A_581 = arith.constant 1 : i32
        %get3A_582 = arith.index_cast %get3A_581 : i32 to index
        %get3A_583 = arith.index_cast %add3A_563 : i32 to index
        %get3A_584 = arith.constant 16 : index
        %get3A_585 = tpu.vector_load %arg10[%get3A_582, %get3A_583, %get3A_584] {strides = array<i32>} : memref<4x125x64xf32, #tpu.memory_space<vmem>>, vector<1x1x16xf32>,
        %get3A_586 = vector.shape_cast %get3A_585 : vector<1x1x16xf32> to vector<16xf32>
        %mul3A_587 = arith.mulf %get3A_586, %get3A_567 : vector<16xf32>
        %swap3A_588 = arith.constant 1 : i32
        %swap3A_589 = arith.index_cast %swap3A_588 : i32 to index
        %swap3A_590 = arith.index_cast %add3A_563 : i32 to index
        %swap3A_591 = arith.constant 16 : index
        %swap3A_592 = tpu.vector_load %arg10[%swap3A_589, %swap3A_590, %swap3A_591] {strides = array<i32>} : memref<4x125x64xf32, #tpu.memory_space<vmem>>, vector<1x1x16xf32>,
        %swap3A_593 = vector.shape_cast %swap3A_592 : vector<1x1x16xf32> to vector<16xf32>
        %swap3A_594 = vector.shape_cast %mul3A_587 : vector<16xf32> to vector<1x1x16xf32>
        tpu.vector_store %arg10[%swap3A_589, %swap3A_590, %swap3A_591], %swap3A_594 {strides = array<i32>} : memref<4x125x64xf32, #tpu.memory_space<vmem>>, vector<1x1x16xf32>,
        %get3A_595 = arith.constant 1 : i32
        %get3A_596 = arith.index_cast %get3A_595 : i32 to index
        %get3A_597 = arith.index_cast %add3A_563 : i32 to index
        %get3A_598 = arith.constant 32 : index
        %get3A_599 = tpu.vector_load %arg10[%get3A_596, %get3A_597, %get3A_598] {strides = array<i32>} : memref<4x125x64xf32, #tpu.memory_space<vmem>>, vector<1x1x16xf32>,
        %get3A_600 = vector.shape_cast %get3A_599 : vector<1x1x16xf32> to vector<16xf32>
        %mul3A_601 = arith.mulf %get3A_600, %get3A_567 : vector<16xf32>
        %swap3A_602 = arith.constant 1 : i32
        %swap3A_603 = arith.index_cast %swap3A_602 : i32 to index
        %swap3A_604 = arith.index_cast %add3A_563 : i32 to index
        %swap3A_605 = arith.constant 32 : index
        %swap3A_606 = tpu.vector_load %arg10[%swap3A_603, %swap3A_604, %swap3A_605] {strides = array<i32>} : memref<4x125x64xf32, #tpu.memory_space<vmem>>, vector<1x1x16xf32>,
        %swap3A_607 = vector.shape_cast %swap3A_606 : vector<1x1x16xf32> to vector<16xf32>
        %swap3A_608 = vector.shape_cast %mul3A_601 : vector<16xf32> to vector<1x1x16xf32>
        tpu.vector_store %arg10[%swap3A_603, %swap3A_604, %swap3A_605], %swap3A_608 {strides = array<i32>} : memref<4x125x64xf32, #tpu.memory_space<vmem>>, vector<1x1x16xf32>,
        %get3A_609 = arith.constant 1 : i32
        %get3A_610 = arith.index_cast %get3A_609 : i32 to index
        %get3A_611 = arith.index_cast %add3A_563 : i32 to index
        %get3A_612 = arith.constant 48 : index
        %get3A_613 = tpu.vector_load %arg10[%get3A_610, %get3A_611, %get3A_612] {strides = array<i32>} : memref<4x125x64xf32, #tpu.memory_space<vmem>>, vector<1x1x16xf32>,
        %get3A_614 = vector.shape_cast %get3A_613 : vector<1x1x16xf32> to vector<16xf32>
        %mul3A_615 = arith.mulf %get3A_614, %get3A_567 : vector<16xf32>
        %swap3A_616 = arith.constant 1 : i32
        %swap3A_617 = arith.index_cast %swap3A_616 : i32 to index
        %swap3A_618 = arith.index_cast %add3A_563 : i32 to index
        %swap3A_619 = arith.constant 48 : index
        %swap3A_620 = tpu.vector_load %arg10[%swap3A_617, %swap3A_618, %swap3A_619] {strides = array<i32>} : memref<4x125x64xf32, #tpu.memory_space<vmem>>, vector<1x1x16xf32>,
        %swap3A_621 = vector.shape_cast %swap3A_620 : vector<1x1x16xf32> to vector<16xf32>
        %swap3A_622 = vector.shape_cast %mul3A_615 : vector<16xf32> to vector<1x1x16xf32>
        tpu.vector_store %arg10[%swap3A_617, %swap3A_618, %swap3A_619], %swap3A_622 {strides = array<i32>} : memref<4x125x64xf32, #tpu.memory_space<vmem>>, vector<1x1x16xf32>,
      }
      %scan3A_558 = arith.constant 125 : i32
      "tpu.region"() ({
        %run_scoped3A = tpu.sem_alloc : memref<!tpu.dma_semaphore, #tpu.memory_space<semaphore_mem>>
        %dma_start3A_559 = arith.constant 0 : i32
        %dma_start3A_560 = arith.constant 0 : i32
        %dma_start3A_561 = tpu.memref_slice %arg10[%scan3A_59, %dma_start3A_559, %dma_start3A_560] : memref<4x125x64xf32, #tpu.memory_space<vmem>> -> memref<1x125x64xf32, #tpu.memory_space<vmem>>
        %dma_start3A_562 = tpu.memref_squeeze %dma_start3A_561 : memref<1x125x64xf32, #tpu.memory_space<vmem>> -> memref<125x64xf32, #tpu.memory_space<vmem>>
        %dma_start3A_563 = arith.constant 0 : i32
        %dma_start3A_564 = arith.constant 0 : i32
        %dma_start3A_565 = tpu.memref_slice %arg6[%add3A_58, %dma_start3A_563, %dma_start3A_564] : memref<4x10000x64xf32, #tpu.memory_space<hbm>> -> memref<1x10000x64xf32, #tpu.memory_space<hbm>>
        %dma_start3A_566 = tpu.memref_squeeze %dma_start3A_565 : memref<1x10000x64xf32, #tpu.memory_space<hbm>> -> memref<10000x64xf32, #tpu.memory_space<hbm>>
        %dma_start3A_567 = arith.constant 0 : i32
        %dma_start3A_568 = tpu.memref_slice %dma_start3A_566[%add3A_549, %dma_start3A_567] : memref<10000x64xf32, #tpu.memory_space<hbm>> -> memref<125x64xf32, #tpu.memory_space<hbm>>
        %dma_start3A_569 = arith.constant 0 : i32
        %dma_start3A_570 = arith.constant 0 : i32
        %dma_start3A_571 = tpu.memref_slice %arg6[%add3A_58, %dma_start3A_569, %dma_start3A_570] : memref<4x10000x64xf32, #tpu.memory_space<hbm>> -> memref<1x10000x64xf32, #tpu.memory_space<hbm>>
        %dma_start3A_572 = tpu.memref_squeeze %dma_start3A_571 : memref<1x10000x64xf32, #tpu.memory_space<hbm>> -> memref<10000x64xf32, #tpu.memory_space<hbm>>
        %dma_start3A_573 = arith.constant 0 : i32
        %dma_start3A_574 = tpu.memref_slice %dma_start3A_572[%add3A_549, %dma_start3A_573] : memref<10000x64xf32, #tpu.memory_space<hbm>> -> memref<125x64xf32, #tpu.memory_space<hbm>>
        %dma_start3A_575 = arith.constant 0 : i32
        %dma_start3A_576 = arith.constant 0 : i32
        %dma_start3A_577 = tpu.memref_slice %arg10[%scan3A_59, %dma_start3A_575, %dma_start3A_576] : memref<4x125x64xf32, #tpu.memory_space<vmem>> -> memref<1x125x64xf32, #tpu.memory_space<vmem>>
        %dma_start3A_578 = tpu.memref_squeeze %dma_start3A_577 : memref<1x125x64xf32, #tpu.memory_space<vmem>> -> memref<125x64xf32, #tpu.memory_space<vmem>>
        tpu.enqueue_dma source(%dma_start3A_578 : memref<125x64xf32, #tpu.memory_space<vmem>>) target(%dma_start3A_574 : memref<125x64xf32, #tpu.memory_space<hbm>>) target_semaphore(%run_scoped3A : memref<!tpu.dma_semaphore, #tpu.memory_space<semaphore_mem>>)
        %dma_wait3A_579 = arith.constant 0 : i32
        %dma_wait3A_580 = arith.constant 0 : i32
        %dma_wait3A_581 = tpu.memref_slice %arg10[%scan3A_59, %dma_wait3A_579, %dma_wait3A_580] : memref<4x125x64xf32, #tpu.memory_space<vmem>> -> memref<1x125x64xf32, #tpu.memory_space<vmem>>
        %dma_wait3A_582 = tpu.memref_squeeze %dma_wait3A_581 : memref<1x125x64xf32, #tpu.memory_space<vmem>> -> memref<125x64xf32, #tpu.memory_space<vmem>>
        %dma_wait3A_583 = arith.constant 0 : i32
        %dma_wait3A_584 = arith.constant 0 : i32
        %dma_wait3A_585 = tpu.memref_slice %arg6[%add3A_58, %dma_wait3A_583, %dma_wait3A_584] : memref<4x10000x64xf32, #tpu.memory_space<hbm>> -> memref<1x10000x64xf32, #tpu.memory_space<hbm>>
        %dma_wait3A_586 = tpu.memref_squeeze %dma_wait3A_585 : memref<1x10000x64xf32, #tpu.memory_space<hbm>> -> memref<10000x64xf32, #tpu.memory_space<hbm>>
        %dma_wait3A_587 = arith.constant 0 : i32
        %dma_wait3A_588 = tpu.memref_slice %dma_wait3A_586[%add3A_549, %dma_wait3A_587] : memref<10000x64xf32, #tpu.memory_space<hbm>> -> memref<125x64xf32, #tpu.memory_space<hbm>>
        %dma_wait3A_589 = arith.constant 0 : i32
        %dma_wait3A_590 = arith.constant 0 : i32
        %dma_wait3A_591 = tpu.memref_slice %arg6[%add3A_58, %dma_wait3A_589, %dma_wait3A_590] : memref<4x10000x64xf32, #tpu.memory_space<hbm>> -> memref<1x10000x64xf32, #tpu.memory_space<hbm>>
        %dma_wait3A_592 = tpu.memref_squeeze %dma_wait3A_591 : memref<1x10000x64xf32, #tpu.memory_space<hbm>> -> memref<10000x64xf32, #tpu.memory_space<hbm>>
        %dma_wait3A_593 = arith.constant 0 : i32
        %dma_wait3A_594 = tpu.memref_slice %dma_wait3A_592[%add3A_549, %dma_wait3A_593] : memref<10000x64xf32, #tpu.memory_space<hbm>> -> memref<125x64xf32, #tpu.memory_space<hbm>>
        %dma_wait3A_595 = arith.constant 0 : i32
        %dma_wait3A_596 = arith.constant 0 : i32
        %dma_wait3A_597 = tpu.memref_slice %arg10[%scan3A_59, %dma_wait3A_595, %dma_wait3A_596] : memref<4x125x64xf32, #tpu.memory_space<vmem>> -> memref<1x125x64xf32, #tpu.memory_space<vmem>>
        %dma_wait3A_598 = tpu.memref_squeeze %dma_wait3A_597 : memref<1x125x64xf32, #tpu.memory_space<vmem>> -> memref<125x64xf32, #tpu.memory_space<vmem>>
        tpu.wait_dma2 semaphore(%run_scoped3A : memref<!tpu.dma_semaphore, #tpu.memory_space<semaphore_mem>>) src(%dma_wait3A_598 : memref<125x64xf32, #tpu.memory_space<vmem>>) dst(%dma_wait3A_594 : memref<125x64xf32, #tpu.memory_space<hbm>>)
        tpu.yield
      }) : () -> ()
    }
    %scan3A_64 = arith.constant 5 : i32
    %mul3A_65 = arith.constant 2 : i32
    %mul3A_66 = arith.muli %arg0, %mul3A_65 : i32
    %add3A_67 = arith.constant 1 : i32
    %add3A_68 = arith.addi %mul3A_66, %add3A_67 : i32
    %scan3A_69 = arith.constant 1 : i32
    %scan3A_70 = arith.constant 0 : i32
    %scan3A_71 = arith.constant 5 : i32
    %scan3A_72 = arith.addi %scan3A_70, %scan3A_71 : i32
    %scan3A_73 = arith.constant 1 : i32
    scf.for %scan3A_542 = %scan3A_70 to %scan3A_72 step %scan3A_73  : i32 {
      %mul3A_543 = arith.constant 1 : i32
      %mul3A_544 = arith.muli %scan3A_542, %mul3A_543 : i32
      %add3A_545 = arith.constant 0 : i32
      %add3A_546 = arith.addi %add3A_545, %mul3A_544 : i32
      %mul3A_547 = arith.constant 125 : i32
      %mul3A_548 = arith.muli %add3A_546, %mul3A_547 : i32
      %add3A_549 = arith.addi %mul3A_0, %mul3A_548 : i32
      %mul3A_550 = arith.constant 125 : i32
      %mul3A_551 = arith.muli %add3A_546, %mul3A_550 : i32
      %mul3A_552 = arith.constant 64 : i32
      %mul3A_553 = arith.muli %add3A_68, %mul3A_552 : i32
      "tpu.region"() ({
        %run_scoped3A = tpu.sem_alloc : memref<!tpu.dma_semaphore, #tpu.memory_space<semaphore_mem>>
        %dma_start3A_559 = arith.constant 0 : i32
        %dma_start3A_560 = arith.constant 0 : i32
        %dma_start3A_561 = tpu.memref_slice %arg10[%scan3A_69, %dma_start3A_559, %dma_start3A_560] : memref<4x125x64xf32, #tpu.memory_space<vmem>> -> memref<1x125x64xf32, #tpu.memory_space<vmem>>
        %dma_start3A_562 = tpu.memref_squeeze %dma_start3A_561 : memref<1x125x64xf32, #tpu.memory_space<vmem>> -> memref<125x64xf32, #tpu.memory_space<vmem>>
        %dma_start3A_563 = tpu.memref_slice %arg2[%add3A_549, %mul3A_553] : memref<10000x256xf32, #tpu.memory_space<hbm>> -> memref<125x64xf32, #tpu.memory_space<hbm>>
        %dma_start3A_564 = arith.constant 0 : i32
        %dma_start3A_565 = arith.constant 0 : i32
        %dma_start3A_566 = tpu.memref_slice %arg10[%scan3A_69, %dma_start3A_564, %dma_start3A_565] : memref<4x125x64xf32, #tpu.memory_space<vmem>> -> memref<1x125x64xf32, #tpu.memory_space<vmem>>
        %dma_start3A_567 = tpu.memref_squeeze %dma_start3A_566 : memref<1x125x64xf32, #tpu.memory_space<vmem>> -> memref<125x64xf32, #tpu.memory_space<vmem>>
        %dma_start3A_568 = tpu.memref_slice %arg2[%add3A_549, %mul3A_553] : memref<10000x256xf32, #tpu.memory_space<hbm>> -> memref<125x64xf32, #tpu.memory_space<hbm>>
        tpu.enqueue_dma source(%dma_start3A_568 : memref<125x64xf32, #tpu.memory_space<hbm>>) target(%dma_start3A_567 : memref<125x64xf32, #tpu.memory_space<vmem>>) target_semaphore(%run_scoped3A : memref<!tpu.dma_semaphore, #tpu.memory_space<semaphore_mem>>)
        %dma_wait3A_569 = arith.constant 0 : i32
        %dma_wait3A_570 = arith.constant 0 : i32
        %dma_wait3A_571 = tpu.memref_slice %arg10[%scan3A_69, %dma_wait3A_569, %dma_wait3A_570] : memref<4x125x64xf32, #tpu.memory_space<vmem>> -> memref<1x125x64xf32, #tpu.memory_space<vmem>>
        %dma_wait3A_572 = tpu.memref_squeeze %dma_wait3A_571 : memref<1x125x64xf32, #tpu.memory_space<vmem>> -> memref<125x64xf32, #tpu.memory_space<vmem>>
        %dma_wait3A_573 = tpu.memref_slice %arg2[%add3A_549, %mul3A_553] : memref<10000x256xf32, #tpu.memory_space<hbm>> -> memref<125x64xf32, #tpu.memory_space<hbm>>
        %dma_wait3A_574 = arith.constant 0 : i32
        %dma_wait3A_575 = arith.constant 0 : i32
        %dma_wait3A_576 = tpu.memref_slice %arg10[%scan3A_69, %dma_wait3A_574, %dma_wait3A_575] : memref<4x125x64xf32, #tpu.memory_space<vmem>> -> memref<1x125x64xf32, #tpu.memory_space<vmem>>
        %dma_wait3A_577 = tpu.memref_squeeze %dma_wait3A_576 : memref<1x125x64xf32, #tpu.memory_space<vmem>> -> memref<125x64xf32, #tpu.memory_space<vmem>>
        %dma_wait3A_578 = tpu.memref_slice %arg2[%add3A_549, %mul3A_553] : memref<10000x256xf32, #tpu.memory_space<hbm>> -> memref<125x64xf32, #tpu.memory_space<hbm>>
        tpu.wait_dma2 semaphore(%run_scoped3A : memref<!tpu.dma_semaphore, #tpu.memory_space<semaphore_mem>>) src(%dma_wait3A_578 : memref<125x64xf32, #tpu.memory_space<hbm>>) dst(%dma_wait3A_577 : memref<125x64xf32, #tpu.memory_space<vmem>>)
        tpu.yield
      }) : () -> ()
      "tpu.region"() ({
        %run_scoped3A = tpu.sem_alloc : memref<!tpu.dma_semaphore, #tpu.memory_space<semaphore_mem>>
        %dma_start3A_559 = arith.constant 0 : i32
        %dma_start3A_560 = arith.constant 0 : i32
        %dma_start3A_561 = tpu.memref_slice %arg10[%scan3A_69, %dma_start3A_559, %dma_start3A_560] : memref<4x125x64xf32, #tpu.memory_space<vmem>> -> memref<1x125x64xf32, #tpu.memory_space<vmem>>
        %dma_start3A_562 = tpu.memref_squeeze %dma_start3A_561 : memref<1x125x64xf32, #tpu.memory_space<vmem>> -> memref<125x64xf32, #tpu.memory_space<vmem>>
        %dma_start3A_563 = arith.constant 0 : i32
        %dma_start3A_564 = arith.constant 0 : i32
        %dma_start3A_565 = tpu.memref_slice %arg7[%add3A_68, %dma_start3A_563, %dma_start3A_564] : memref<4x10000x64xf32, #tpu.memory_space<hbm>> -> memref<1x10000x64xf32, #tpu.memory_space<hbm>>
        %dma_start3A_566 = tpu.memref_squeeze %dma_start3A_565 : memref<1x10000x64xf32, #tpu.memory_space<hbm>> -> memref<10000x64xf32, #tpu.memory_space<hbm>>
        %dma_start3A_567 = arith.constant 0 : i32
        %dma_start3A_568 = tpu.memref_slice %dma_start3A_566[%add3A_549, %dma_start3A_567] : memref<10000x64xf32, #tpu.memory_space<hbm>> -> memref<125x64xf32, #tpu.memory_space<hbm>>
        %dma_start3A_569 = arith.constant 0 : i32
        %dma_start3A_570 = arith.constant 0 : i32
        %dma_start3A_571 = tpu.memref_slice %arg7[%add3A_68, %dma_start3A_569, %dma_start3A_570] : memref<4x10000x64xf32, #tpu.memory_space<hbm>> -> memref<1x10000x64xf32, #tpu.memory_space<hbm>>
        %dma_start3A_572 = tpu.memref_squeeze %dma_start3A_571 : memref<1x10000x64xf32, #tpu.memory_space<hbm>> -> memref<10000x64xf32, #tpu.memory_space<hbm>>
        %dma_start3A_573 = arith.constant 0 : i32
        %dma_start3A_574 = tpu.memref_slice %dma_start3A_572[%add3A_549, %dma_start3A_573] : memref<10000x64xf32, #tpu.memory_space<hbm>> -> memref<125x64xf32, #tpu.memory_space<hbm>>
        %dma_start3A_575 = arith.constant 0 : i32
        %dma_start3A_576 = arith.constant 0 : i32
        %dma_start3A_577 = tpu.memref_slice %arg10[%scan3A_69, %dma_start3A_575, %dma_start3A_576] : memref<4x125x64xf32, #tpu.memory_space<vmem>> -> memref<1x125x64xf32, #tpu.memory_space<vmem>>
        %dma_start3A_578 = tpu.memref_squeeze %dma_start3A_577 : memref<1x125x64xf32, #tpu.memory_space<vmem>> -> memref<125x64xf32, #tpu.memory_space<vmem>>
        tpu.enqueue_dma source(%dma_start3A_578 : memref<125x64xf32, #tpu.memory_space<vmem>>) target(%dma_start3A_574 : memref<125x64xf32, #tpu.memory_space<hbm>>) target_semaphore(%run_scoped3A : memref<!tpu.dma_semaphore, #tpu.memory_space<semaphore_mem>>)
        %dma_wait3A_579 = arith.constant 0 : i32
        %dma_wait3A_580 = arith.constant 0 : i32
        %dma_wait3A_581 = tpu.memref_slice %arg10[%scan3A_69, %dma_wait3A_579, %dma_wait3A_580] : memref<4x125x64xf32, #tpu.memory_space<vmem>> -> memref<1x125x64xf32, #tpu.memory_space<vmem>>
        %dma_wait3A_582 = tpu.memref_squeeze %dma_wait3A_581 : memref<1x125x64xf32, #tpu.memory_space<vmem>> -> memref<125x64xf32, #tpu.memory_space<vmem>>
        %dma_wait3A_583 = arith.constant 0 : i32
        %dma_wait3A_584 = arith.constant 0 : i32
        %dma_wait3A_585 = tpu.memref_slice %arg7[%add3A_68, %dma_wait3A_583, %dma_wait3A_584] : memref<4x10000x64xf32, #tpu.memory_space<hbm>> -> memref<1x10000x64xf32, #tpu.memory_space<hbm>>
        %dma_wait3A_586 = tpu.memref_squeeze %dma_wait3A_585 : memref<1x10000x64xf32, #tpu.memory_space<hbm>> -> memref<10000x64xf32, #tpu.memory_space<hbm>>
        %dma_wait3A_587 = arith.constant 0 : i32
        %dma_wait3A_588 = tpu.memref_slice %dma_wait3A_586[%add3A_549, %dma_wait3A_587] : memref<10000x64xf32, #tpu.memory_space<hbm>> -> memref<125x64xf32, #tpu.memory_space<hbm>>
        %dma_wait3A_589 = arith.constant 0 : i32
        %dma_wait3A_590 = arith.constant 0 : i32
        %dma_wait3A_591 = tpu.memref_slice %arg7[%add3A_68, %dma_wait3A_589, %dma_wait3A_590] : memref<4x10000x64xf32, #tpu.memory_space<hbm>> -> memref<1x10000x64xf32, #tpu.memory_space<hbm>>
        %dma_wait3A_592 = tpu.memref_squeeze %dma_wait3A_591 : memref<1x10000x64xf32, #tpu.memory_space<hbm>> -> memref<10000x64xf32, #tpu.memory_space<hbm>>
        %dma_wait3A_593 = arith.constant 0 : i32
        %dma_wait3A_594 = tpu.memref_slice %dma_wait3A_592[%add3A_549, %dma_wait3A_593] : memref<10000x64xf32, #tpu.memory_space<hbm>> -> memref<125x64xf32, #tpu.memory_space<hbm>>
        %dma_wait3A_595 = arith.constant 0 : i32
        %dma_wait3A_596 = arith.constant 0 : i32
        %dma_wait3A_597 = tpu.memref_slice %arg10[%scan3A_69, %dma_wait3A_595, %dma_wait3A_596] : memref<4x125x64xf32, #tpu.memory_space<vmem>> -> memref<1x125x64xf32, #tpu.memory_space<vmem>>
        %dma_wait3A_598 = tpu.memref_squeeze %dma_wait3A_597 : memref<1x125x64xf32, #tpu.memory_space<vmem>> -> memref<125x64xf32, #tpu.memory_space<vmem>>
        tpu.wait_dma2 semaphore(%run_scoped3A : memref<!tpu.dma_semaphore, #tpu.memory_space<semaphore_mem>>) src(%dma_wait3A_598 : memref<125x64xf32, #tpu.memory_space<vmem>>) dst(%dma_wait3A_594 : memref<125x64xf32, #tpu.memory_space<hbm>>)
        tpu.yield
      }) : () -> ()
      %scan3A_554 = arith.constant 0 : i32
      %scan3A_555 = arith.constant 125 : i32
      %scan3A_556 = arith.addi %scan3A_554, %scan3A_555 : i32
      %scan3A_557 = arith.constant 1 : i32
      scf.for %scan3A_559 = %scan3A_554 to %scan3A_556 step %scan3A_557  : i32 {
        %mul3A_560 = arith.constant 1 : i32
        %mul3A_561 = arith.muli %scan3A_559, %mul3A_560 : i32
        %add3A_562 = arith.constant 0 : i32
        %add3A_563 = arith.addi %add3A_562, %mul3A_561 : i32
        %add3A_564 = arith.addi %mul3A_551, %add3A_563 : i32
        %get3A = arith.index_cast %add3A_564 : i32 to index
        %get3A_565 = arith.constant 0 : index
        %get3A_566 = tpu.vector_load %arg13[%get3A, %get3A_565] {strides = array<i32>} : memref<625x16xf32, #tpu.memory_space<vmem>>, vector<1x16xf32>,
        %get3A_567 = vector.shape_cast %get3A_566 : vector<1x16xf32> to vector<16xf32>
        %get3A_568 = arith.constant 1 : i32
        %get3A_569 = arith.index_cast %get3A_568 : i32 to index
        %get3A_570 = arith.index_cast %add3A_563 : i32 to index
        %get3A_571 = arith.constant 0 : index
        %get3A_572 = tpu.vector_load %arg10[%get3A_569, %get3A_570, %get3A_571] {strides = array<i32>} : memref<4x125x64xf32, #tpu.memory_space<vmem>>, vector<1x1x16xf32>,
        %get3A_573 = vector.shape_cast %get3A_572 : vector<1x1x16xf32> to vector<16xf32>
        %mul3A_574 = arith.mulf %get3A_573, %get3A_567 : vector<16xf32>
        %swap3A = arith.constant 1 : i32
        %swap3A_575 = arith.index_cast %swap3A : i32 to index
        %swap3A_576 = arith.index_cast %add3A_563 : i32 to index
        %swap3A_577 = arith.constant 0 : index
        %swap3A_578 = tpu.vector_load %arg10[%swap3A_575, %swap3A_576, %swap3A_577] {strides = array<i32>} : memref<4x125x64xf32, #tpu.memory_space<vmem>>, vector<1x1x16xf32>,
        %swap3A_579 = vector.shape_cast %swap3A_578 : vector<1x1x16xf32> to vector<16xf32>
        %swap3A_580 = vector.shape_cast %mul3A_574 : vector<16xf32> to vector<1x1x16xf32>
        tpu.vector_store %arg10[%swap3A_575, %swap3A_576, %swap3A_577], %swap3A_580 {strides = array<i32>} : memref<4x125x64xf32, #tpu.memory_space<vmem>>, vector<1x1x16xf32>,
        %get3A_581 = arith.constant 1 : i32
        %get3A_582 = arith.index_cast %get3A_581 : i32 to index
        %get3A_583 = arith.index_cast %add3A_563 : i32 to index
        %get3A_584 = arith.constant 16 : index
        %get3A_585 = tpu.vector_load %arg10[%get3A_582, %get3A_583, %get3A_584] {strides = array<i32>} : memref<4x125x64xf32, #tpu.memory_space<vmem>>, vector<1x1x16xf32>,
        %get3A_586 = vector.shape_cast %get3A_585 : vector<1x1x16xf32> to vector<16xf32>
        %mul3A_587 = arith.mulf %get3A_586, %get3A_567 : vector<16xf32>
        %swap3A_588 = arith.constant 1 : i32
        %swap3A_589 = arith.index_cast %swap3A_588 : i32 to index
        %swap3A_590 = arith.index_cast %add3A_563 : i32 to index
        %swap3A_591 = arith.constant 16 : index
        %swap3A_592 = tpu.vector_load %arg10[%swap3A_589, %swap3A_590, %swap3A_591] {strides = array<i32>} : memref<4x125x64xf32, #tpu.memory_space<vmem>>, vector<1x1x16xf32>,
        %swap3A_593 = vector.shape_cast %swap3A_592 : vector<1x1x16xf32> to vector<16xf32>
        %swap3A_594 = vector.shape_cast %mul3A_587 : vector<16xf32> to vector<1x1x16xf32>
        tpu.vector_store %arg10[%swap3A_589, %swap3A_590, %swap3A_591], %swap3A_594 {strides = array<i32>} : memref<4x125x64xf32, #tpu.memory_space<vmem>>, vector<1x1x16xf32>,
        %get3A_595 = arith.constant 1 : i32
        %get3A_596 = arith.index_cast %get3A_595 : i32 to index
        %get3A_597 = arith.index_cast %add3A_563 : i32 to index
        %get3A_598 = arith.constant 32 : index
        %get3A_599 = tpu.vector_load %arg10[%get3A_596, %get3A_597, %get3A_598] {strides = array<i32>} : memref<4x125x64xf32, #tpu.memory_space<vmem>>, vector<1x1x16xf32>,
        %get3A_600 = vector.shape_cast %get3A_599 : vector<1x1x16xf32> to vector<16xf32>
        %mul3A_601 = arith.mulf %get3A_600, %get3A_567 : vector<16xf32>
        %swap3A_602 = arith.constant 1 : i32
        %swap3A_603 = arith.index_cast %swap3A_602 : i32 to index
        %swap3A_604 = arith.index_cast %add3A_563 : i32 to index
        %swap3A_605 = arith.constant 32 : index
        %swap3A_606 = tpu.vector_load %arg10[%swap3A_603, %swap3A_604, %swap3A_605] {strides = array<i32>} : memref<4x125x64xf32, #tpu.memory_space<vmem>>, vector<1x1x16xf32>,
        %swap3A_607 = vector.shape_cast %swap3A_606 : vector<1x1x16xf32> to vector<16xf32>
        %swap3A_608 = vector.shape_cast %mul3A_601 : vector<16xf32> to vector<1x1x16xf32>
        tpu.vector_store %arg10[%swap3A_603, %swap3A_604, %swap3A_605], %swap3A_608 {strides = array<i32>} : memref<4x125x64xf32, #tpu.memory_space<vmem>>, vector<1x1x16xf32>,
        %get3A_609 = arith.constant 1 : i32
        %get3A_610 = arith.index_cast %get3A_609 : i32 to index
        %get3A_611 = arith.index_cast %add3A_563 : i32 to index
        %get3A_612 = arith.constant 48 : index
        %get3A_613 = tpu.vector_load %arg10[%get3A_610, %get3A_611, %get3A_612] {strides = array<i32>} : memref<4x125x64xf32, #tpu.memory_space<vmem>>, vector<1x1x16xf32>,
        %get3A_614 = vector.shape_cast %get3A_613 : vector<1x1x16xf32> to vector<16xf32>
        %mul3A_615 = arith.mulf %get3A_614, %get3A_567 : vector<16xf32>
        %swap3A_616 = arith.constant 1 : i32
        %swap3A_617 = arith.index_cast %swap3A_616 : i32 to index
        %swap3A_618 = arith.index_cast %add3A_563 : i32 to index
        %swap3A_619 = arith.constant 48 : index
        %swap3A_620 = tpu.vector_load %arg10[%swap3A_617, %swap3A_618, %swap3A_619] {strides = array<i32>} : memref<4x125x64xf32, #tpu.memory_space<vmem>>, vector<1x1x16xf32>,
        %swap3A_621 = vector.shape_cast %swap3A_620 : vector<1x1x16xf32> to vector<16xf32>
        %swap3A_622 = vector.shape_cast %mul3A_615 : vector<16xf32> to vector<1x1x16xf32>
        tpu.vector_store %arg10[%swap3A_617, %swap3A_618, %swap3A_619], %swap3A_622 {strides = array<i32>} : memref<4x125x64xf32, #tpu.memory_space<vmem>>, vector<1x1x16xf32>,
      }
      %scan3A_558 = arith.constant 125 : i32
      "tpu.region"() ({
        %run_scoped3A = tpu.sem_alloc : memref<!tpu.dma_semaphore, #tpu.memory_space<semaphore_mem>>
        %dma_start3A_559 = arith.constant 0 : i32
        %dma_start3A_560 = arith.constant 0 : i32
        %dma_start3A_561 = tpu.memref_slice %arg10[%scan3A_69, %dma_start3A_559, %dma_start3A_560] : memref<4x125x64xf32, #tpu.memory_space<vmem>> -> memref<1x125x64xf32, #tpu.memory_space<vmem>>
        %dma_start3A_562 = tpu.memref_squeeze %dma_start3A_561 : memref<1x125x64xf32, #tpu.memory_space<vmem>> -> memref<125x64xf32, #tpu.memory_space<vmem>>
        %dma_start3A_563 = arith.constant 0 : i32
        %dma_start3A_564 = arith.constant 0 : i32
        %dma_start3A_565 = tpu.memref_slice %arg6[%add3A_68, %dma_start3A_563, %dma_start3A_564] : memref<4x10000x64xf32, #tpu.memory_space<hbm>> -> memref<1x10000x64xf32, #tpu.memory_space<hbm>>
        %dma_start3A_566 = tpu.memref_squeeze %dma_start3A_565 : memref<1x10000x64xf32, #tpu.memory_space<hbm>> -> memref<10000x64xf32, #tpu.memory_space<hbm>>
        %dma_start3A_567 = arith.constant 0 : i32
        %dma_start3A_568 = tpu.memref_slice %dma_start3A_566[%add3A_549, %dma_start3A_567] : memref<10000x64xf32, #tpu.memory_space<hbm>> -> memref<125x64xf32, #tpu.memory_space<hbm>>
        %dma_start3A_569 = arith.constant 0 : i32
        %dma_start3A_570 = arith.constant 0 : i32
        %dma_start3A_571 = tpu.memref_slice %arg6[%add3A_68, %dma_start3A_569, %dma_start3A_570] : memref<4x10000x64xf32, #tpu.memory_space<hbm>> -> memref<1x10000x64xf32, #tpu.memory_space<hbm>>
        %dma_start3A_572 = tpu.memref_squeeze %dma_start3A_571 : memref<1x10000x64xf32, #tpu.memory_space<hbm>> -> memref<10000x64xf32, #tpu.memory_space<hbm>>
        %dma_start3A_573 = arith.constant 0 : i32
        %dma_start3A_574 = tpu.memref_slice %dma_start3A_572[%add3A_549, %dma_start3A_573] : memref<10000x64xf32, #tpu.memory_space<hbm>> -> memref<125x64xf32, #tpu.memory_space<hbm>>
        %dma_start3A_575 = arith.constant 0 : i32
        %dma_start3A_576 = arith.constant 0 : i32
        %dma_start3A_577 = tpu.memref_slice %arg10[%scan3A_69, %dma_start3A_575, %dma_start3A_576] : memref<4x125x64xf32, #tpu.memory_space<vmem>> -> memref<1x125x64xf32, #tpu.memory_space<vmem>>
        %dma_start3A_578 = tpu.memref_squeeze %dma_start3A_577 : memref<1x125x64xf32, #tpu.memory_space<vmem>> -> memref<125x64xf32, #tpu.memory_space<vmem>>
        tpu.enqueue_dma source(%dma_start3A_578 : memref<125x64xf32, #tpu.memory_space<vmem>>) target(%dma_start3A_574 : memref<125x64xf32, #tpu.memory_space<hbm>>) target_semaphore(%run_scoped3A : memref<!tpu.dma_semaphore, #tpu.memory_space<semaphore_mem>>)
        %dma_wait3A_579 = arith.constant 0 : i32
        %dma_wait3A_580 = arith.constant 0 : i32
        %dma_wait3A_581 = tpu.memref_slice %arg10[%scan3A_69, %dma_wait3A_579, %dma_wait3A_580] : memref<4x125x64xf32, #tpu.memory_space<vmem>> -> memref<1x125x64xf32, #tpu.memory_space<vmem>>
        %dma_wait3A_582 = tpu.memref_squeeze %dma_wait3A_581 : memref<1x125x64xf32, #tpu.memory_space<vmem>> -> memref<125x64xf32, #tpu.memory_space<vmem>>
        %dma_wait3A_583 = arith.constant 0 : i32
        %dma_wait3A_584 = arith.constant 0 : i32
        %dma_wait3A_585 = tpu.memref_slice %arg6[%add3A_68, %dma_wait3A_583, %dma_wait3A_584] : memref<4x10000x64xf32, #tpu.memory_space<hbm>> -> memref<1x10000x64xf32, #tpu.memory_space<hbm>>
        %dma_wait3A_586 = tpu.memref_squeeze %dma_wait3A_585 : memref<1x10000x64xf32, #tpu.memory_space<hbm>> -> memref<10000x64xf32, #tpu.memory_space<hbm>>
        %dma_wait3A_587 = arith.constant 0 : i32
        %dma_wait3A_588 = tpu.memref_slice %dma_wait3A_586[%add3A_549, %dma_wait3A_587] : memref<10000x64xf32, #tpu.memory_space<hbm>> -> memref<125x64xf32, #tpu.memory_space<hbm>>
        %dma_wait3A_589 = arith.constant 0 : i32
        %dma_wait3A_590 = arith.constant 0 : i32
        %dma_wait3A_591 = tpu.memref_slice %arg6[%add3A_68, %dma_wait3A_589, %dma_wait3A_590] : memref<4x10000x64xf32, #tpu.memory_space<hbm>> -> memref<1x10000x64xf32, #tpu.memory_space<hbm>>
        %dma_wait3A_592 = tpu.memref_squeeze %dma_wait3A_591 : memref<1x10000x64xf32, #tpu.memory_space<hbm>> -> memref<10000x64xf32, #tpu.memory_space<hbm>>
        %dma_wait3A_593 = arith.constant 0 : i32
        %dma_wait3A_594 = tpu.memref_slice %dma_wait3A_592[%add3A_549, %dma_wait3A_593] : memref<10000x64xf32, #tpu.memory_space<hbm>> -> memref<125x64xf32, #tpu.memory_space<hbm>>
        %dma_wait3A_595 = arith.constant 0 : i32
        %dma_wait3A_596 = arith.constant 0 : i32
        %dma_wait3A_597 = tpu.memref_slice %arg10[%scan3A_69, %dma_wait3A_595, %dma_wait3A_596] : memref<4x125x64xf32, #tpu.memory_space<vmem>> -> memref<1x125x64xf32, #tpu.memory_space<vmem>>
        %dma_wait3A_598 = tpu.memref_squeeze %dma_wait3A_597 : memref<1x125x64xf32, #tpu.memory_space<vmem>> -> memref<125x64xf32, #tpu.memory_space<vmem>>
        tpu.wait_dma2 semaphore(%run_scoped3A : memref<!tpu.dma_semaphore, #tpu.memory_space<semaphore_mem>>) src(%dma_wait3A_598 : memref<125x64xf32, #tpu.memory_space<vmem>>) dst(%dma_wait3A_594 : memref<125x64xf32, #tpu.memory_space<hbm>>)
        tpu.yield
      }) : () -> ()
    }
    %scan3A_74 = arith.constant 5 : i32
    %barrier3A_75 = arith.constant 0 : index
    tpu.barrier barrier_id(%barrier3A_75)
    %mul3A_76 = arith.constant 2 : i32
    %mul3A_77 = arith.muli %arg0, %mul3A_76 : i32
    %add3A_78 = arith.constant 0 : i32
    %add3A_79 = arith.addi %mul3A_77, %add3A_78 : i32
    %dma_start3A = arith.constant 0 : i32
    %dma_start3A_80 = arith.constant 0 : i32
    %dma_start3A_81 = arith.constant 0 : i32
    %dma_start3A_82 = arith.constant 0 : i32
    %dma_start3A_83 = tpu.memref_slice %arg10[%dma_start3A_80, %dma_start3A_81, %dma_start3A_82] : memref<4x125x64xf32, #tpu.memory_space<vmem>> -> memref<1x125x64xf32, #tpu.memory_space<vmem>>
    %dma_start3A_84 = tpu.memref_squeeze %dma_start3A_83 : memref<1x125x64xf32, #tpu.memory_space<vmem>> -> memref<125x64xf32, #tpu.memory_space<vmem>>
    %dma_start3A_85 = arith.constant 0 : i32
    %dma_start3A_86 = tpu.memref_slice %arg12[%dma_start3A, %dma_start3A_85] : memref<80x125xi32, #tpu.memory_space<vmem>> -> memref<1x125xi32, #tpu.memory_space<vmem>>
    %dma_start3A_87 = tpu.memref_squeeze %dma_start3A_86 : memref<1x125xi32, #tpu.memory_space<vmem>> -> memref<125xi32, #tpu.memory_space<vmem>>
    %dma_start3A_88 = arith.constant 0 : i32
    %dma_start3A_89 = arith.constant 0 : i32
    %dma_start3A_90 = tpu.memref_slice %arg6[%add3A_79, %dma_start3A_88, %dma_start3A_89] : memref<4x10000x64xf32, #tpu.memory_space<hbm>> -> memref<1x10000x64xf32, #tpu.memory_space<hbm>>
    %dma_start3A_91 = tpu.memref_squeeze %dma_start3A_90 : memref<1x10000x64xf32, #tpu.memory_space<hbm>> -> memref<10000x64xf32, #tpu.memory_space<hbm>>
    %dma_start3A_92 = arith.constant 0 : i32
    %dma_start3A_93 = arith.constant 0 : i32
    %dma_start3A_94 = tpu.memref_slice %dma_start3A_91[%dma_start3A_92, %dma_start3A_93] : memref<10000x64xf32, #tpu.memory_space<hbm>> -> memref<10000x64xf32, #tpu.memory_space<hbm>>
    tpu.enqueue_indirect_dma source(%dma_start3A_94 : memref<10000x64xf32, #tpu.memory_space<hbm>>) target(%dma_start3A_84 : memref<125x64xf32, #tpu.memory_space<vmem>>) offsets(%dma_start3A_87 : memref<125xi32, #tpu.memory_space<vmem>>) semaphore(%arg17 : memref<!tpu.dma_semaphore, #tpu.memory_space<semaphore_mem>>)
    %dma_start3A_95 = arith.constant 1 : i32
    %dma_start3A_96 = arith.constant 1 : i32
    %dma_start3A_97 = arith.constant 0 : i32
    %dma_start3A_98 = arith.constant 0 : i32
    %dma_start3A_99 = tpu.memref_slice %arg10[%dma_start3A_96, %dma_start3A_97, %dma_start3A_98] : memref<4x125x64xf32, #tpu.memory_space<vmem>> -> memref<1x125x64xf32, #tpu.memory_space<vmem>>
    %dma_start3A_100 = tpu.memref_squeeze %dma_start3A_99 : memref<1x125x64xf32, #tpu.memory_space<vmem>> -> memref<125x64xf32, #tpu.memory_space<vmem>>
    %dma_start3A_101 = arith.constant 0 : i32
    %dma_start3A_102 = tpu.memref_slice %arg12[%dma_start3A_95, %dma_start3A_101] : memref<80x125xi32, #tpu.memory_space<vmem>> -> memref<1x125xi32, #tpu.memory_space<vmem>>
    %dma_start3A_103 = tpu.memref_squeeze %dma_start3A_102 : memref<1x125xi32, #tpu.memory_space<vmem>> -> memref<125xi32, #tpu.memory_space<vmem>>
    %dma_start3A_104 = arith.constant 0 : i32
    %dma_start3A_105 = arith.constant 0 : i32
    %dma_start3A_106 = tpu.memref_slice %arg6[%add3A_79, %dma_start3A_104, %dma_start3A_105] : memref<4x10000x64xf32, #tpu.memory_space<hbm>> -> memref<1x10000x64xf32, #tpu.memory_space<hbm>>
    %dma_start3A_107 = tpu.memref_squeeze %dma_start3A_106 : memref<1x10000x64xf32, #tpu.memory_space<hbm>> -> memref<10000x64xf32, #tpu.memory_space<hbm>>
    %dma_start3A_108 = arith.constant 0 : i32
    %dma_start3A_109 = arith.constant 0 : i32
    %dma_start3A_110 = tpu.memref_slice %dma_start3A_107[%dma_start3A_108, %dma_start3A_109] : memref<10000x64xf32, #tpu.memory_space<hbm>> -> memref<10000x64xf32, #tpu.memory_space<hbm>>
    tpu.enqueue_indirect_dma source(%dma_start3A_110 : memref<10000x64xf32, #tpu.memory_space<hbm>>) target(%dma_start3A_100 : memref<125x64xf32, #tpu.memory_space<vmem>>) offsets(%dma_start3A_103 : memref<125xi32, #tpu.memory_space<vmem>>) semaphore(%arg17 : memref<!tpu.dma_semaphore, #tpu.memory_space<semaphore_mem>>)
    %dma_start3A_111 = arith.constant 2 : i32
    %dma_start3A_112 = arith.constant 2 : i32
    %dma_start3A_113 = arith.constant 0 : i32
    %dma_start3A_114 = arith.constant 0 : i32
    %dma_start3A_115 = tpu.memref_slice %arg10[%dma_start3A_112, %dma_start3A_113, %dma_start3A_114] : memref<4x125x64xf32, #tpu.memory_space<vmem>> -> memref<1x125x64xf32, #tpu.memory_space<vmem>>
    %dma_start3A_116 = tpu.memref_squeeze %dma_start3A_115 : memref<1x125x64xf32, #tpu.memory_space<vmem>> -> memref<125x64xf32, #tpu.memory_space<vmem>>
    %dma_start3A_117 = arith.constant 0 : i32
    %dma_start3A_118 = tpu.memref_slice %arg12[%dma_start3A_111, %dma_start3A_117] : memref<80x125xi32, #tpu.memory_space<vmem>> -> memref<1x125xi32, #tpu.memory_space<vmem>>
    %dma_start3A_119 = tpu.memref_squeeze %dma_start3A_118 : memref<1x125xi32, #tpu.memory_space<vmem>> -> memref<125xi32, #tpu.memory_space<vmem>>
    %dma_start3A_120 = arith.constant 0 : i32
    %dma_start3A_121 = arith.constant 0 : i32
    %dma_start3A_122 = tpu.memref_slice %arg6[%add3A_79, %dma_start3A_120, %dma_start3A_121] : memref<4x10000x64xf32, #tpu.memory_space<hbm>> -> memref<1x10000x64xf32, #tpu.memory_space<hbm>>
    %dma_start3A_123 = tpu.memref_squeeze %dma_start3A_122 : memref<1x10000x64xf32, #tpu.memory_space<hbm>> -> memref<10000x64xf32, #tpu.memory_space<hbm>>
    %dma_start3A_124 = arith.constant 0 : i32
    %dma_start3A_125 = arith.constant 0 : i32
    %dma_start3A_126 = tpu.memref_slice %dma_start3A_123[%dma_start3A_124, %dma_start3A_125] : memref<10000x64xf32, #tpu.memory_space<hbm>> -> memref<10000x64xf32, #tpu.memory_space<hbm>>
    tpu.enqueue_indirect_dma source(%dma_start3A_126 : memref<10000x64xf32, #tpu.memory_space<hbm>>) target(%dma_start3A_116 : memref<125x64xf32, #tpu.memory_space<vmem>>) offsets(%dma_start3A_119 : memref<125xi32, #tpu.memory_space<vmem>>) semaphore(%arg17 : memref<!tpu.dma_semaphore, #tpu.memory_space<semaphore_mem>>)
    %scan3A_127 = arith.constant 0 : i32
    %scan3A_128 = arith.constant 80 : i32
    %scan3A_129 = arith.addi %scan3A_127, %scan3A_128 : i32
    %scan3A_130 = arith.constant 1 : i32
    scf.for %scan3A_542 = %scan3A_127 to %scan3A_129 step %scan3A_130  : i32 {
      %mul3A_543 = arith.constant 1 : i32
      %mul3A_544 = arith.muli %scan3A_542, %mul3A_543 : i32
      %add3A_545 = arith.constant 0 : i32
      %add3A_546 = arith.addi %add3A_545, %mul3A_544 : i32
      %rem3A = arith.constant 4 : i32
      %rem3A_547 = arith.remsi %add3A_546, %rem3A : i32
      %add3A_548 = arith.constant 4 : i32
      %add3A_549 = arith.addi %add3A_546, %add3A_548 : i32
      %sub3A = arith.constant 1 : i32
      %sub3A_550 = arith.subi %add3A_549, %sub3A : i32
      %rem3A_551 = arith.constant 4 : i32
      %rem3A_552 = arith.remsi %sub3A_550, %rem3A_551 : i32
      %dma_wait3A_553 = arith.constant 0 : i32
      %dma_wait3A_554 = arith.constant 0 : i32
      %dma_wait3A_555 = tpu.memref_slice %arg10[%rem3A_547, %dma_wait3A_553, %dma_wait3A_554] : memref<4x125x64xf32, #tpu.memory_space<vmem>> -> memref<1x125x64xf32, #tpu.memory_space<vmem>>
      %dma_wait3A_556 = tpu.memref_squeeze %dma_wait3A_555 : memref<1x125x64xf32, #tpu.memory_space<vmem>> -> memref<125x64xf32, #tpu.memory_space<vmem>>
      %dma_wait3A_557 = arith.constant 0 : i32
      %dma_wait3A_558 = tpu.memref_slice %arg12[%add3A_546, %dma_wait3A_557] : memref<80x125xi32, #tpu.memory_space<vmem>> -> memref<1x125xi32, #tpu.memory_space<vmem>>
      %dma_wait3A_559 = tpu.memref_squeeze %dma_wait3A_558 : memref<1x125xi32, #tpu.memory_space<vmem>> -> memref<125xi32, #tpu.memory_space<vmem>>
      %dma_wait3A_560 = arith.constant 0 : i32
      %dma_wait3A_561 = arith.constant 0 : i32
      %dma_wait3A_562 = tpu.memref_slice %arg6[%add3A_79, %dma_wait3A_560, %dma_wait3A_561] : memref<4x10000x64xf32, #tpu.memory_space<hbm>> -> memref<1x10000x64xf32, #tpu.memory_space<hbm>>
      %dma_wait3A_563 = tpu.memref_squeeze %dma_wait3A_562 : memref<1x10000x64xf32, #tpu.memory_space<hbm>> -> memref<10000x64xf32, #tpu.memory_space<hbm>>
      %dma_wait3A_564 = arith.constant 0 : i32
      %dma_wait3A_565 = arith.constant 0 : i32
      %dma_wait3A_566 = tpu.memref_slice %dma_wait3A_563[%dma_wait3A_564, %dma_wait3A_565] : memref<10000x64xf32, #tpu.memory_space<hbm>> -> memref<10000x64xf32, #tpu.memory_space<hbm>>
      tpu.wait_indirect_dma semaphore(%arg17 : memref<!tpu.dma_semaphore, #tpu.memory_space<semaphore_mem>>) src(%dma_wait3A_566 : memref<10000x64xf32, #tpu.memory_space<hbm>>) dst(%dma_wait3A_556 : memref<125x64xf32, #tpu.memory_space<vmem>>)
      %dma_start3A_567 = arith.constant 0 : i32
      %dma_start3A_568 = arith.constant 0 : i32
      %dma_start3A_569 = tpu.memref_slice %arg10[%rem3A_547, %dma_start3A_567, %dma_start3A_568] : memref<4x125x64xf32, #tpu.memory_space<vmem>> -> memref<1x125x64xf32, #tpu.memory_space<vmem>>
      %dma_start3A_570 = tpu.memref_squeeze %dma_start3A_569 : memref<1x125x64xf32, #tpu.memory_space<vmem>> -> memref<125x64xf32, #tpu.memory_space<vmem>>
      %dma_start3A_571 = arith.constant 0 : i32
      %dma_start3A_572 = tpu.memref_slice %arg11[%add3A_546, %dma_start3A_571] : memref<80x125xi32, #tpu.memory_space<vmem>> -> memref<1x125xi32, #tpu.memory_space<vmem>>
      %dma_start3A_573 = tpu.memref_squeeze %dma_start3A_572 : memref<1x125xi32, #tpu.memory_space<vmem>> -> memref<125xi32, #tpu.memory_space<vmem>>
      %dma_start3A_574 = arith.constant 0 : i32
      %dma_start3A_575 = arith.constant 0 : i32
      %dma_start3A_576 = tpu.memref_slice %arg8[%dma_start3A_574, %dma_start3A_575] : memref<10000x64xf32, #tpu.memory_space<vmem_shared>> -> memref<10000x64xf32, #tpu.memory_space<vmem_shared>>
      tpu.enqueue_indirect_dma source(%dma_start3A_570 : memref<125x64xf32, #tpu.memory_space<vmem>>) target(%dma_start3A_576 : memref<10000x64xf32, #tpu.memory_space<vmem_shared>>) offsets(%dma_start3A_573 : memref<125xi32, #tpu.memory_space<vmem>>) semaphore(%arg18 : memref<!tpu.dma_semaphore, #tpu.memory_space<semaphore_mem>>) {add = true}
      %ge3A = arith.constant 1 : i32
      %ge3A_577 = arith.cmpi sge, %add3A_546, %ge3A : i32
      %convert_element_type3A = arith.extui %ge3A_577 : i1 to i32
      %cond3A = arith.constant 0 : i32
      %cond3A_578 = arith.cmpi ne, %convert_element_type3A, %cond3A : i32
      scf.if %cond3A_578 {
        %sub3A_583 = arith.constant 1 : i32
        %sub3A_584 = arith.subi %add3A_546, %sub3A_583 : i32
        %dma_wait3A_585 = arith.constant 0 : i32
        %dma_wait3A_586 = arith.constant 0 : i32
        %dma_wait3A_587 = tpu.memref_slice %arg10[%rem3A_552, %dma_wait3A_585, %dma_wait3A_586] : memref<4x125x64xf32, #tpu.memory_space<vmem>> -> memref<1x125x64xf32, #tpu.memory_space<vmem>>
        %dma_wait3A_588 = tpu.memref_squeeze %dma_wait3A_587 : memref<1x125x64xf32, #tpu.memory_space<vmem>> -> memref<125x64xf32, #tpu.memory_space<vmem>>
        %dma_wait3A_589 = arith.constant 0 : i32
        %dma_wait3A_590 = tpu.memref_slice %arg11[%sub3A_584, %dma_wait3A_589] : memref<80x125xi32, #tpu.memory_space<vmem>> -> memref<1x125xi32, #tpu.memory_space<vmem>>
        %dma_wait3A_591 = tpu.memref_squeeze %dma_wait3A_590 : memref<1x125xi32, #tpu.memory_space<vmem>> -> memref<125xi32, #tpu.memory_space<vmem>>
        %dma_wait3A_592 = arith.constant 0 : i32
        %dma_wait3A_593 = arith.constant 0 : i32
        %dma_wait3A_594 = tpu.memref_slice %arg8[%dma_wait3A_592, %dma_wait3A_593] : memref<10000x64xf32, #tpu.memory_space<vmem_shared>> -> memref<10000x64xf32, #tpu.memory_space<vmem_shared>>
        tpu.wait_indirect_dma semaphore(%arg18 : memref<!tpu.dma_semaphore, #tpu.memory_space<semaphore_mem>>) src(%dma_wait3A_588 : memref<125x64xf32, #tpu.memory_space<vmem>>) dst(%dma_wait3A_594 : memref<10000x64xf32, #tpu.memory_space<vmem_shared>>)
      } else {
      }
      %lt3A = arith.constant 77 : i32
      %lt3A_579 = arith.cmpi slt, %add3A_546, %lt3A : i32
      %convert_element_type3A_580 = arith.extui %lt3A_579 : i1 to i32
      %cond3A_581 = arith.constant 0 : i32
      %cond3A_582 = arith.cmpi ne, %convert_element_type3A_580, %cond3A_581 : i32
      scf.if %cond3A_582 {
        %add3A_583 = arith.constant 3 : i32
        %add3A_584 = arith.addi %add3A_546, %add3A_583 : i32
        %dma_start3A_585 = arith.constant 0 : i32
        %dma_start3A_586 = arith.constant 0 : i32
        %dma_start3A_587 = tpu.memref_slice %arg10[%rem3A_552, %dma_start3A_585, %dma_start3A_586] : memref<4x125x64xf32, #tpu.memory_space<vmem>> -> memref<1x125x64xf32, #tpu.memory_space<vmem>>
        %dma_start3A_588 = tpu.memref_squeeze %dma_start3A_587 : memref<1x125x64xf32, #tpu.memory_space<vmem>> -> memref<125x64xf32, #tpu.memory_space<vmem>>
        %dma_start3A_589 = arith.constant 0 : i32
        %dma_start3A_590 = tpu.memref_slice %arg12[%add3A_584, %dma_start3A_589] : memref<80x125xi32, #tpu.memory_space<vmem>> -> memref<1x125xi32, #tpu.memory_space<vmem>>
        %dma_start3A_591 = tpu.memref_squeeze %dma_start3A_590 : memref<1x125xi32, #tpu.memory_space<vmem>> -> memref<125xi32, #tpu.memory_space<vmem>>
        %dma_start3A_592 = arith.constant 0 : i32
        %dma_start3A_593 = arith.constant 0 : i32
        %dma_start3A_594 = tpu.memref_slice %arg6[%add3A_79, %dma_start3A_592, %dma_start3A_593] : memref<4x10000x64xf32, #tpu.memory_space<hbm>> -> memref<1x10000x64xf32, #tpu.memory_space<hbm>>
        %dma_start3A_595 = tpu.memref_squeeze %dma_start3A_594 : memref<1x10000x64xf32, #tpu.memory_space<hbm>> -> memref<10000x64xf32, #tpu.memory_space<hbm>>
        %dma_start3A_596 = arith.constant 0 : i32
        %dma_start3A_597 = arith.constant 0 : i32
        %dma_start3A_598 = tpu.memref_slice %dma_start3A_595[%dma_start3A_596, %dma_start3A_597] : memref<10000x64xf32, #tpu.memory_space<hbm>> -> memref<10000x64xf32, #tpu.memory_space<hbm>>
        tpu.enqueue_indirect_dma source(%dma_start3A_598 : memref<10000x64xf32, #tpu.memory_space<hbm>>) target(%dma_start3A_588 : memref<125x64xf32, #tpu.memory_space<vmem>>) offsets(%dma_start3A_591 : memref<125xi32, #tpu.memory_space<vmem>>) semaphore(%arg17 : memref<!tpu.dma_semaphore, #tpu.memory_space<semaphore_mem>>)
      } else {
      }
    }
    %scan3A_131 = arith.constant 80 : i32
    %dma_wait3A_132 = arith.constant 3 : i32
    %dma_wait3A_133 = arith.constant 79 : i32
    %dma_wait3A_134 = arith.constant 0 : i32
    %dma_wait3A_135 = arith.constant 0 : i32
    %dma_wait3A_136 = tpu.memref_slice %arg10[%dma_wait3A_132, %dma_wait3A_134, %dma_wait3A_135] : memref<4x125x64xf32, #tpu.memory_space<vmem>> -> memref<1x125x64xf32, #tpu.memory_space<vmem>>
    %dma_wait3A_137 = tpu.memref_squeeze %dma_wait3A_136 : memref<1x125x64xf32, #tpu.memory_space<vmem>> -> memref<125x64xf32, #tpu.memory_space<vmem>>
    %dma_wait3A_138 = arith.constant 0 : i32
    %dma_wait3A_139 = tpu.memref_slice %arg11[%dma_wait3A_133, %dma_wait3A_138] : memref<80x125xi32, #tpu.memory_space<vmem>> -> memref<1x125xi32, #tpu.memory_space<vmem>>
    %dma_wait3A_140 = tpu.memref_squeeze %dma_wait3A_139 : memref<1x125xi32, #tpu.memory_space<vmem>> -> memref<125xi32, #tpu.memory_space<vmem>>
    %dma_wait3A_141 = arith.constant 0 : i32
    %dma_wait3A_142 = arith.constant 0 : i32
    %dma_wait3A_143 = tpu.memref_slice %arg8[%dma_wait3A_141, %dma_wait3A_142] : memref<10000x64xf32, #tpu.memory_space<vmem_shared>> -> memref<10000x64xf32, #tpu.memory_space<vmem_shared>>
    tpu.wait_indirect_dma semaphore(%arg18 : memref<!tpu.dma_semaphore, #tpu.memory_space<semaphore_mem>>) src(%dma_wait3A_137 : memref<125x64xf32, #tpu.memory_space<vmem>>) dst(%dma_wait3A_143 : memref<10000x64xf32, #tpu.memory_space<vmem_shared>>)
    %barrier3A_144 = arith.constant 0 : index
    tpu.barrier barrier_id(%barrier3A_144)
    %scan3A_145 = arith.constant 1 : i32
    %scan3A_146 = arith.constant 2 : i32
    %scan3A_147 = arith.constant 0 : i32
    %scan3A_148 = arith.constant 5 : i32
    %scan3A_149 = arith.addi %scan3A_147, %scan3A_148 : i32
    %scan3A_150 = arith.constant 1 : i32
    scf.for %scan3A_542 = %scan3A_147 to %scan3A_149 step %scan3A_150  : i32 {
      %mul3A_543 = arith.constant 1 : i32
      %mul3A_544 = arith.muli %scan3A_542, %mul3A_543 : i32
      %add3A_545 = arith.constant 0 : i32
      %add3A_546 = arith.addi %add3A_545, %mul3A_544 : i32
      %mul3A_547 = arith.constant 125 : i32
      %mul3A_548 = arith.muli %add3A_546, %mul3A_547 : i32
      %add3A_549 = arith.addi %mul3A_0, %mul3A_548 : i32
      %mul3A_550 = arith.constant 125 : i32
      %mul3A_551 = arith.muli %add3A_546, %mul3A_550 : i32
      "tpu.region"() ({
        %run_scoped3A = tpu.sem_alloc : memref<!tpu.dma_semaphore, #tpu.memory_space<semaphore_mem>>
        %dma_start3A_557 = arith.constant 0 : i32
        %dma_start3A_558 = arith.constant 0 : i32
        %dma_start3A_559 = tpu.memref_slice %arg10[%scan3A_145, %dma_start3A_557, %dma_start3A_558] : memref<4x125x64xf32, #tpu.memory_space<vmem>> -> memref<1x125x64xf32, #tpu.memory_space<vmem>>
        %dma_start3A_560 = tpu.memref_squeeze %dma_start3A_559 : memref<1x125x64xf32, #tpu.memory_space<vmem>> -> memref<125x64xf32, #tpu.memory_space<vmem>>
        %dma_start3A_561 = arith.constant 0 : i32
        %dma_start3A_562 = tpu.memref_slice %arg8[%add3A_549, %dma_start3A_561] : memref<10000x64xf32, #tpu.memory_space<vmem_shared>> -> memref<125x64xf32, #tpu.memory_space<vmem_shared>>
        %dma_start3A_563 = arith.constant 0 : i32
        %dma_start3A_564 = arith.constant 0 : i32
        %dma_start3A_565 = tpu.memref_slice %arg10[%scan3A_145, %dma_start3A_563, %dma_start3A_564] : memref<4x125x64xf32, #tpu.memory_space<vmem>> -> memref<1x125x64xf32, #tpu.memory_space<vmem>>
        %dma_start3A_566 = tpu.memref_squeeze %dma_start3A_565 : memref<1x125x64xf32, #tpu.memory_space<vmem>> -> memref<125x64xf32, #tpu.memory_space<vmem>>
        %dma_start3A_567 = arith.constant 0 : i32
        %dma_start3A_568 = tpu.memref_slice %arg8[%add3A_549, %dma_start3A_567] : memref<10000x64xf32, #tpu.memory_space<vmem_shared>> -> memref<125x64xf32, #tpu.memory_space<vmem_shared>>
        tpu.enqueue_dma source(%dma_start3A_568 : memref<125x64xf32, #tpu.memory_space<vmem_shared>>) target(%dma_start3A_566 : memref<125x64xf32, #tpu.memory_space<vmem>>) target_semaphore(%run_scoped3A : memref<!tpu.dma_semaphore, #tpu.memory_space<semaphore_mem>>)
        %dma_wait3A_569 = arith.constant 0 : i32
        %dma_wait3A_570 = arith.constant 0 : i32
        %dma_wait3A_571 = tpu.memref_slice %arg10[%scan3A_145, %dma_wait3A_569, %dma_wait3A_570] : memref<4x125x64xf32, #tpu.memory_space<vmem>> -> memref<1x125x64xf32, #tpu.memory_space<vmem>>
        %dma_wait3A_572 = tpu.memref_squeeze %dma_wait3A_571 : memref<1x125x64xf32, #tpu.memory_space<vmem>> -> memref<125x64xf32, #tpu.memory_space<vmem>>
        %dma_wait3A_573 = arith.constant 0 : i32
        %dma_wait3A_574 = tpu.memref_slice %arg8[%add3A_549, %dma_wait3A_573] : memref<10000x64xf32, #tpu.memory_space<vmem_shared>> -> memref<125x64xf32, #tpu.memory_space<vmem_shared>>
        %dma_wait3A_575 = arith.constant 0 : i32
        %dma_wait3A_576 = arith.constant 0 : i32
        %dma_wait3A_577 = tpu.memref_slice %arg10[%scan3A_145, %dma_wait3A_575, %dma_wait3A_576] : memref<4x125x64xf32, #tpu.memory_space<vmem>> -> memref<1x125x64xf32, #tpu.memory_space<vmem>>
        %dma_wait3A_578 = tpu.memref_squeeze %dma_wait3A_577 : memref<1x125x64xf32, #tpu.memory_space<vmem>> -> memref<125x64xf32, #tpu.memory_space<vmem>>
        %dma_wait3A_579 = arith.constant 0 : i32
        %dma_wait3A_580 = tpu.memref_slice %arg8[%add3A_549, %dma_wait3A_579] : memref<10000x64xf32, #tpu.memory_space<vmem_shared>> -> memref<125x64xf32, #tpu.memory_space<vmem_shared>>
        tpu.wait_dma2 semaphore(%run_scoped3A : memref<!tpu.dma_semaphore, #tpu.memory_space<semaphore_mem>>) src(%dma_wait3A_580 : memref<125x64xf32, #tpu.memory_space<vmem_shared>>) dst(%dma_wait3A_578 : memref<125x64xf32, #tpu.memory_space<vmem>>)
        tpu.yield
      }) : () -> ()
      "tpu.region"() ({
        %run_scoped3A = tpu.sem_alloc : memref<!tpu.dma_semaphore, #tpu.memory_space<semaphore_mem>>
        %dma_start3A_557 = arith.constant 0 : i32
        %dma_start3A_558 = tpu.memref_slice %arg8[%add3A_549, %dma_start3A_557] : memref<10000x64xf32, #tpu.memory_space<vmem_shared>> -> memref<125x64xf32, #tpu.memory_space<vmem_shared>>
        %dma_start3A_559 = arith.constant 0 : i32
        %dma_start3A_560 = tpu.memref_slice %arg8[%add3A_549, %dma_start3A_559] : memref<10000x64xf32, #tpu.memory_space<vmem_shared>> -> memref<125x64xf32, #tpu.memory_space<vmem_shared>>
        tpu.enqueue_dma source(%arg14 : memref<125x64xf32, #tpu.memory_space<vmem>>) target(%dma_start3A_560 : memref<125x64xf32, #tpu.memory_space<vmem_shared>>) target_semaphore(%run_scoped3A : memref<!tpu.dma_semaphore, #tpu.memory_space<semaphore_mem>>)
        %dma_wait3A_561 = arith.constant 0 : i32
        %dma_wait3A_562 = tpu.memref_slice %arg8[%add3A_549, %dma_wait3A_561] : memref<10000x64xf32, #tpu.memory_space<vmem_shared>> -> memref<125x64xf32, #tpu.memory_space<vmem_shared>>
        %dma_wait3A_563 = arith.constant 0 : i32
        %dma_wait3A_564 = tpu.memref_slice %arg8[%add3A_549, %dma_wait3A_563] : memref<10000x64xf32, #tpu.memory_space<vmem_shared>> -> memref<125x64xf32, #tpu.memory_space<vmem_shared>>
        tpu.wait_dma2 semaphore(%run_scoped3A : memref<!tpu.dma_semaphore, #tpu.memory_space<semaphore_mem>>) src(%arg14 : memref<125x64xf32, #tpu.memory_space<vmem>>) dst(%dma_wait3A_564 : memref<125x64xf32, #tpu.memory_space<vmem_shared>>)
        tpu.yield
      }) : () -> ()
      "tpu.region"() ({
        %run_scoped3A = tpu.sem_alloc : memref<!tpu.dma_semaphore, #tpu.memory_space<semaphore_mem>>
        %dma_start3A_557 = arith.constant 0 : i32
        %dma_start3A_558 = arith.constant 0 : i32
        %dma_start3A_559 = tpu.memref_slice %arg10[%scan3A_146, %dma_start3A_557, %dma_start3A_558] : memref<4x125x64xf32, #tpu.memory_space<vmem>> -> memref<1x125x64xf32, #tpu.memory_space<vmem>>
        %dma_start3A_560 = tpu.memref_squeeze %dma_start3A_559 : memref<1x125x64xf32, #tpu.memory_space<vmem>> -> memref<125x64xf32, #tpu.memory_space<vmem>>
        %dma_start3A_561 = arith.constant 0 : i32
        %dma_start3A_562 = arith.constant 0 : i32
        %dma_start3A_563 = tpu.memref_slice %arg7[%add3A_79, %dma_start3A_561, %dma_start3A_562] : memref<4x10000x64xf32, #tpu.memory_space<hbm>> -> memref<1x10000x64xf32, #tpu.memory_space<hbm>>
        %dma_start3A_564 = tpu.memref_squeeze %dma_start3A_563 : memref<1x10000x64xf32, #tpu.memory_space<hbm>> -> memref<10000x64xf32, #tpu.memory_space<hbm>>
        %dma_start3A_565 = arith.constant 0 : i32
        %dma_start3A_566 = tpu.memref_slice %dma_start3A_564[%add3A_549, %dma_start3A_565] : memref<10000x64xf32, #tpu.memory_space<hbm>> -> memref<125x64xf32, #tpu.memory_space<hbm>>
        %dma_start3A_567 = arith.constant 0 : i32
        %dma_start3A_568 = arith.constant 0 : i32
        %dma_start3A_569 = tpu.memref_slice %arg10[%scan3A_146, %dma_start3A_567, %dma_start3A_568] : memref<4x125x64xf32, #tpu.memory_space<vmem>> -> memref<1x125x64xf32, #tpu.memory_space<vmem>>
        %dma_start3A_570 = tpu.memref_squeeze %dma_start3A_569 : memref<1x125x64xf32, #tpu.memory_space<vmem>> -> memref<125x64xf32, #tpu.memory_space<vmem>>
        %dma_start3A_571 = arith.constant 0 : i32
        %dma_start3A_572 = arith.constant 0 : i32
        %dma_start3A_573 = tpu.memref_slice %arg7[%add3A_79, %dma_start3A_571, %dma_start3A_572] : memref<4x10000x64xf32, #tpu.memory_space<hbm>> -> memref<1x10000x64xf32, #tpu.memory_space<hbm>>
        %dma_start3A_574 = tpu.memref_squeeze %dma_start3A_573 : memref<1x10000x64xf32, #tpu.memory_space<hbm>> -> memref<10000x64xf32, #tpu.memory_space<hbm>>
        %dma_start3A_575 = arith.constant 0 : i32
        %dma_start3A_576 = tpu.memref_slice %dma_start3A_574[%add3A_549, %dma_start3A_575] : memref<10000x64xf32, #tpu.memory_space<hbm>> -> memref<125x64xf32, #tpu.memory_space<hbm>>
        tpu.enqueue_dma source(%dma_start3A_576 : memref<125x64xf32, #tpu.memory_space<hbm>>) target(%dma_start3A_570 : memref<125x64xf32, #tpu.memory_space<vmem>>) target_semaphore(%run_scoped3A : memref<!tpu.dma_semaphore, #tpu.memory_space<semaphore_mem>>)
        %dma_wait3A_577 = arith.constant 0 : i32
        %dma_wait3A_578 = arith.constant 0 : i32
        %dma_wait3A_579 = tpu.memref_slice %arg10[%scan3A_146, %dma_wait3A_577, %dma_wait3A_578] : memref<4x125x64xf32, #tpu.memory_space<vmem>> -> memref<1x125x64xf32, #tpu.memory_space<vmem>>
        %dma_wait3A_580 = tpu.memref_squeeze %dma_wait3A_579 : memref<1x125x64xf32, #tpu.memory_space<vmem>> -> memref<125x64xf32, #tpu.memory_space<vmem>>
        %dma_wait3A_581 = arith.constant 0 : i32
        %dma_wait3A_582 = arith.constant 0 : i32
        %dma_wait3A_583 = tpu.memref_slice %arg7[%add3A_79, %dma_wait3A_581, %dma_wait3A_582] : memref<4x10000x64xf32, #tpu.memory_space<hbm>> -> memref<1x10000x64xf32, #tpu.memory_space<hbm>>
        %dma_wait3A_584 = tpu.memref_squeeze %dma_wait3A_583 : memref<1x10000x64xf32, #tpu.memory_space<hbm>> -> memref<10000x64xf32, #tpu.memory_space<hbm>>
        %dma_wait3A_585 = arith.constant 0 : i32
        %dma_wait3A_586 = tpu.memref_slice %dma_wait3A_584[%add3A_549, %dma_wait3A_585] : memref<10000x64xf32, #tpu.memory_space<hbm>> -> memref<125x64xf32, #tpu.memory_space<hbm>>
        %dma_wait3A_587 = arith.constant 0 : i32
        %dma_wait3A_588 = arith.constant 0 : i32
        %dma_wait3A_589 = tpu.memref_slice %arg10[%scan3A_146, %dma_wait3A_587, %dma_wait3A_588] : memref<4x125x64xf32, #tpu.memory_space<vmem>> -> memref<1x125x64xf32, #tpu.memory_space<vmem>>
        %dma_wait3A_590 = tpu.memref_squeeze %dma_wait3A_589 : memref<1x125x64xf32, #tpu.memory_space<vmem>> -> memref<125x64xf32, #tpu.memory_space<vmem>>
        %dma_wait3A_591 = arith.constant 0 : i32
        %dma_wait3A_592 = arith.constant 0 : i32
        %dma_wait3A_593 = tpu.memref_slice %arg7[%add3A_79, %dma_wait3A_591, %dma_wait3A_592] : memref<4x10000x64xf32, #tpu.memory_space<hbm>> -> memref<1x10000x64xf32, #tpu.memory_space<hbm>>
        %dma_wait3A_594 = tpu.memref_squeeze %dma_wait3A_593 : memref<1x10000x64xf32, #tpu.memory_space<hbm>> -> memref<10000x64xf32, #tpu.memory_space<hbm>>
        %dma_wait3A_595 = arith.constant 0 : i32
        %dma_wait3A_596 = tpu.memref_slice %dma_wait3A_594[%add3A_549, %dma_wait3A_595] : memref<10000x64xf32, #tpu.memory_space<hbm>> -> memref<125x64xf32, #tpu.memory_space<hbm>>
        tpu.wait_dma2 semaphore(%run_scoped3A : memref<!tpu.dma_semaphore, #tpu.memory_space<semaphore_mem>>) src(%dma_wait3A_596 : memref<125x64xf32, #tpu.memory_space<hbm>>) dst(%dma_wait3A_590 : memref<125x64xf32, #tpu.memory_space<vmem>>)
        tpu.yield
      }) : () -> ()
      %scan3A_552 = arith.constant 0 : i32
      %scan3A_553 = arith.constant 125 : i32
      %scan3A_554 = arith.addi %scan3A_552, %scan3A_553 : i32
      %scan3A_555 = arith.constant 1 : i32
      scf.for %scan3A_557 = %scan3A_552 to %scan3A_554 step %scan3A_555  : i32 {
        %mul3A_558 = arith.constant 1 : i32
        %mul3A_559 = arith.muli %scan3A_557, %mul3A_558 : i32
        %add3A_560 = arith.constant 0 : i32
        %add3A_561 = arith.addi %add3A_560, %mul3A_559 : i32
        %add3A_562 = arith.addi %mul3A_551, %add3A_561 : i32
        %get3A = arith.index_cast %add3A_562 : i32 to index
        %get3A_563 = arith.constant 0 : index
        %get3A_564 = tpu.vector_load %arg13[%get3A, %get3A_563] {strides = array<i32>} : memref<625x16xf32, #tpu.memory_space<vmem>>, vector<1x16xf32>,
        %get3A_565 = vector.shape_cast %get3A_564 : vector<1x16xf32> to vector<16xf32>
        %mul3A_566 = arith.mulf %get3A_565, %get3A_565 : vector<16xf32>
        %get3A_567 = arith.constant 1 : i32
        %get3A_568 = arith.index_cast %get3A_567 : i32 to index
        %get3A_569 = arith.index_cast %add3A_561 : i32 to index
        %get3A_570 = arith.constant 0 : index
        %get3A_571 = tpu.vector_load %arg10[%get3A_568, %get3A_569, %get3A_570] {strides = array<i32>} : memref<4x125x64xf32, #tpu.memory_space<vmem>>, vector<1x1x16xf32>,
        %get3A_572 = vector.shape_cast %get3A_571 : vector<1x1x16xf32> to vector<16xf32>
        %mul3A_573 = arith.mulf %get3A_572, %get3A_565 : vector<16xf32>
        %get3A_574 = arith.constant 2 : i32
        %get3A_575 = arith.index_cast %get3A_574 : i32 to index
        %get3A_576 = arith.index_cast %add3A_561 : i32 to index
        %get3A_577 = arith.constant 0 : index
        %get3A_578 = tpu.vector_load %arg10[%get3A_575, %get3A_576, %get3A_577] {strides = array<i32>} : memref<4x125x64xf32, #tpu.memory_space<vmem>>, vector<1x1x16xf32>,
        %get3A_579 = vector.shape_cast %get3A_578 : vector<1x1x16xf32> to vector<16xf32>
        %add3A_580 = arith.addf %get3A_579, %mul3A_573 : vector<16xf32>
        %swap3A = arith.constant 2 : i32
        %swap3A_581 = arith.index_cast %swap3A : i32 to index
        %swap3A_582 = arith.index_cast %add3A_561 : i32 to index
        %swap3A_583 = arith.constant 0 : index
        %swap3A_584 = tpu.vector_load %arg10[%swap3A_581, %swap3A_582, %swap3A_583] {strides = array<i32>} : memref<4x125x64xf32, #tpu.memory_space<vmem>>, vector<1x1x16xf32>,
        %swap3A_585 = vector.shape_cast %swap3A_584 : vector<1x1x16xf32> to vector<16xf32>
        %swap3A_586 = vector.shape_cast %add3A_580 : vector<16xf32> to vector<1x1x16xf32>
        tpu.vector_store %arg10[%swap3A_581, %swap3A_582, %swap3A_583], %swap3A_586 {strides = array<i32>} : memref<4x125x64xf32, #tpu.memory_space<vmem>>, vector<1x1x16xf32>,
        %mul3A_587 = arith.mulf %get3A_572, %mul3A_566 : vector<16xf32>
        %swap3A_588 = arith.constant 1 : i32
        %swap3A_589 = arith.index_cast %swap3A_588 : i32 to index
        %swap3A_590 = arith.index_cast %add3A_561 : i32 to index
        %swap3A_591 = arith.constant 0 : index
        %swap3A_592 = tpu.vector_load %arg10[%swap3A_589, %swap3A_590, %swap3A_591] {strides = array<i32>} : memref<4x125x64xf32, #tpu.memory_space<vmem>>, vector<1x1x16xf32>,
        %swap3A_593 = vector.shape_cast %swap3A_592 : vector<1x1x16xf32> to vector<16xf32>
        %swap3A_594 = vector.shape_cast %mul3A_587 : vector<16xf32> to vector<1x1x16xf32>
        tpu.vector_store %arg10[%swap3A_589, %swap3A_590, %swap3A_591], %swap3A_594 {strides = array<i32>} : memref<4x125x64xf32, #tpu.memory_space<vmem>>, vector<1x1x16xf32>,
        %get3A_595 = arith.constant 1 : i32
        %get3A_596 = arith.index_cast %get3A_595 : i32 to index
        %get3A_597 = arith.index_cast %add3A_561 : i32 to index
        %get3A_598 = arith.constant 16 : index
        %get3A_599 = tpu.vector_load %arg10[%get3A_596, %get3A_597, %get3A_598] {strides = array<i32>} : memref<4x125x64xf32, #tpu.memory_space<vmem>>, vector<1x1x16xf32>,
        %get3A_600 = vector.shape_cast %get3A_599 : vector<1x1x16xf32> to vector<16xf32>
        %mul3A_601 = arith.mulf %get3A_600, %get3A_565 : vector<16xf32>
        %get3A_602 = arith.constant 2 : i32
        %get3A_603 = arith.index_cast %get3A_602 : i32 to index
        %get3A_604 = arith.index_cast %add3A_561 : i32 to index
        %get3A_605 = arith.constant 16 : index
        %get3A_606 = tpu.vector_load %arg10[%get3A_603, %get3A_604, %get3A_605] {strides = array<i32>} : memref<4x125x64xf32, #tpu.memory_space<vmem>>, vector<1x1x16xf32>,
        %get3A_607 = vector.shape_cast %get3A_606 : vector<1x1x16xf32> to vector<16xf32>
        %add3A_608 = arith.addf %get3A_607, %mul3A_601 : vector<16xf32>
        %swap3A_609 = arith.constant 2 : i32
        %swap3A_610 = arith.index_cast %swap3A_609 : i32 to index
        %swap3A_611 = arith.index_cast %add3A_561 : i32 to index
        %swap3A_612 = arith.constant 16 : index
        %swap3A_613 = tpu.vector_load %arg10[%swap3A_610, %swap3A_611, %swap3A_612] {strides = array<i32>} : memref<4x125x64xf32, #tpu.memory_space<vmem>>, vector<1x1x16xf32>,
        %swap3A_614 = vector.shape_cast %swap3A_613 : vector<1x1x16xf32> to vector<16xf32>
        %swap3A_615 = vector.shape_cast %add3A_608 : vector<16xf32> to vector<1x1x16xf32>
        tpu.vector_store %arg10[%swap3A_610, %swap3A_611, %swap3A_612], %swap3A_615 {strides = array<i32>} : memref<4x125x64xf32, #tpu.memory_space<vmem>>, vector<1x1x16xf32>,
        %mul3A_616 = arith.mulf %get3A_600, %mul3A_566 : vector<16xf32>
        %swap3A_617 = arith.constant 1 : i32
        %swap3A_618 = arith.index_cast %swap3A_617 : i32 to index
        %swap3A_619 = arith.index_cast %add3A_561 : i32 to index
        %swap3A_620 = arith.constant 16 : index
        %swap3A_621 = tpu.vector_load %arg10[%swap3A_618, %swap3A_619, %swap3A_620] {strides = array<i32>} : memref<4x125x64xf32, #tpu.memory_space<vmem>>, vector<1x1x16xf32>,
        %swap3A_622 = vector.shape_cast %swap3A_621 : vector<1x1x16xf32> to vector<16xf32>
        %swap3A_623 = vector.shape_cast %mul3A_616 : vector<16xf32> to vector<1x1x16xf32>
        tpu.vector_store %arg10[%swap3A_618, %swap3A_619, %swap3A_620], %swap3A_623 {strides = array<i32>} : memref<4x125x64xf32, #tpu.memory_space<vmem>>, vector<1x1x16xf32>,
        %get3A_624 = arith.constant 1 : i32
        %get3A_625 = arith.index_cast %get3A_624 : i32 to index
        %get3A_626 = arith.index_cast %add3A_561 : i32 to index
        %get3A_627 = arith.constant 32 : index
        %get3A_628 = tpu.vector_load %arg10[%get3A_625, %get3A_626, %get3A_627] {strides = array<i32>} : memref<4x125x64xf32, #tpu.memory_space<vmem>>, vector<1x1x16xf32>,
        %get3A_629 = vector.shape_cast %get3A_628 : vector<1x1x16xf32> to vector<16xf32>
        %mul3A_630 = arith.mulf %get3A_629, %get3A_565 : vector<16xf32>
        %get3A_631 = arith.constant 2 : i32
        %get3A_632 = arith.index_cast %get3A_631 : i32 to index
        %get3A_633 = arith.index_cast %add3A_561 : i32 to index
        %get3A_634 = arith.constant 32 : index
        %get3A_635 = tpu.vector_load %arg10[%get3A_632, %get3A_633, %get3A_634] {strides = array<i32>} : memref<4x125x64xf32, #tpu.memory_space<vmem>>, vector<1x1x16xf32>,
        %get3A_636 = vector.shape_cast %get3A_635 : vector<1x1x16xf32> to vector<16xf32>
        %add3A_637 = arith.addf %get3A_636, %mul3A_630 : vector<16xf32>
        %swap3A_638 = arith.constant 2 : i32
        %swap3A_639 = arith.index_cast %swap3A_638 : i32 to index
        %swap3A_640 = arith.index_cast %add3A_561 : i32 to index
        %swap3A_641 = arith.constant 32 : index
        %swap3A_642 = tpu.vector_load %arg10[%swap3A_639, %swap3A_640, %swap3A_641] {strides = array<i32>} : memref<4x125x64xf32, #tpu.memory_space<vmem>>, vector<1x1x16xf32>,
        %swap3A_643 = vector.shape_cast %swap3A_642 : vector<1x1x16xf32> to vector<16xf32>
        %swap3A_644 = vector.shape_cast %add3A_637 : vector<16xf32> to vector<1x1x16xf32>
        tpu.vector_store %arg10[%swap3A_639, %swap3A_640, %swap3A_641], %swap3A_644 {strides = array<i32>} : memref<4x125x64xf32, #tpu.memory_space<vmem>>, vector<1x1x16xf32>,
        %mul3A_645 = arith.mulf %get3A_629, %mul3A_566 : vector<16xf32>
        %swap3A_646 = arith.constant 1 : i32
        %swap3A_647 = arith.index_cast %swap3A_646 : i32 to index
        %swap3A_648 = arith.index_cast %add3A_561 : i32 to index
        %swap3A_649 = arith.constant 32 : index
        %swap3A_650 = tpu.vector_load %arg10[%swap3A_647, %swap3A_648, %swap3A_649] {strides = array<i32>} : memref<4x125x64xf32, #tpu.memory_space<vmem>>, vector<1x1x16xf32>,
        %swap3A_651 = vector.shape_cast %swap3A_650 : vector<1x1x16xf32> to vector<16xf32>
        %swap3A_652 = vector.shape_cast %mul3A_645 : vector<16xf32> to vector<1x1x16xf32>
        tpu.vector_store %arg10[%swap3A_647, %swap3A_648, %swap3A_649], %swap3A_652 {strides = array<i32>} : memref<4x125x64xf32, #tpu.memory_space<vmem>>, vector<1x1x16xf32>,
        %get3A_653 = arith.constant 1 : i32
        %get3A_654 = arith.index_cast %get3A_653 : i32 to index
        %get3A_655 = arith.index_cast %add3A_561 : i32 to index
        %get3A_656 = arith.constant 48 : index
        %get3A_657 = tpu.vector_load %arg10[%get3A_654, %get3A_655, %get3A_656] {strides = array<i32>} : memref<4x125x64xf32, #tpu.memory_space<vmem>>, vector<1x1x16xf32>,
        %get3A_658 = vector.shape_cast %get3A_657 : vector<1x1x16xf32> to vector<16xf32>
        %mul3A_659 = arith.mulf %get3A_658, %get3A_565 : vector<16xf32>
        %get3A_660 = arith.constant 2 : i32
        %get3A_661 = arith.index_cast %get3A_660 : i32 to index
        %get3A_662 = arith.index_cast %add3A_561 : i32 to index
        %get3A_663 = arith.constant 48 : index
        %get3A_664 = tpu.vector_load %arg10[%get3A_661, %get3A_662, %get3A_663] {strides = array<i32>} : memref<4x125x64xf32, #tpu.memory_space<vmem>>, vector<1x1x16xf32>,
        %get3A_665 = vector.shape_cast %get3A_664 : vector<1x1x16xf32> to vector<16xf32>
        %add3A_666 = arith.addf %get3A_665, %mul3A_659 : vector<16xf32>
        %swap3A_667 = arith.constant 2 : i32
        %swap3A_668 = arith.index_cast %swap3A_667 : i32 to index
        %swap3A_669 = arith.index_cast %add3A_561 : i32 to index
        %swap3A_670 = arith.constant 48 : index
        %swap3A_671 = tpu.vector_load %arg10[%swap3A_668, %swap3A_669, %swap3A_670] {strides = array<i32>} : memref<4x125x64xf32, #tpu.memory_space<vmem>>, vector<1x1x16xf32>,
        %swap3A_672 = vector.shape_cast %swap3A_671 : vector<1x1x16xf32> to vector<16xf32>
        %swap3A_673 = vector.shape_cast %add3A_666 : vector<16xf32> to vector<1x1x16xf32>
        tpu.vector_store %arg10[%swap3A_668, %swap3A_669, %swap3A_670], %swap3A_673 {strides = array<i32>} : memref<4x125x64xf32, #tpu.memory_space<vmem>>, vector<1x1x16xf32>,
        %mul3A_674 = arith.mulf %get3A_658, %mul3A_566 : vector<16xf32>
        %swap3A_675 = arith.constant 1 : i32
        %swap3A_676 = arith.index_cast %swap3A_675 : i32 to index
        %swap3A_677 = arith.index_cast %add3A_561 : i32 to index
        %swap3A_678 = arith.constant 48 : index
        %swap3A_679 = tpu.vector_load %arg10[%swap3A_676, %swap3A_677, %swap3A_678] {strides = array<i32>} : memref<4x125x64xf32, #tpu.memory_space<vmem>>, vector<1x1x16xf32>,
        %swap3A_680 = vector.shape_cast %swap3A_679 : vector<1x1x16xf32> to vector<16xf32>
        %swap3A_681 = vector.shape_cast %mul3A_674 : vector<16xf32> to vector<1x1x16xf32>
        tpu.vector_store %arg10[%swap3A_676, %swap3A_677, %swap3A_678], %swap3A_681 {strides = array<i32>} : memref<4x125x64xf32, #tpu.memory_space<vmem>>, vector<1x1x16xf32>,
      }
      %scan3A_556 = arith.constant 125 : i32
      "tpu.region"() ({
        %run_scoped3A = tpu.sem_alloc : memref<!tpu.dma_semaphore, #tpu.memory_space<semaphore_mem>>
        %dma_start3A_557 = arith.constant 0 : i32
        %dma_start3A_558 = arith.constant 0 : i32
        %dma_start3A_559 = tpu.memref_slice %arg10[%scan3A_146, %dma_start3A_557, %dma_start3A_558] : memref<4x125x64xf32, #tpu.memory_space<vmem>> -> memref<1x125x64xf32, #tpu.memory_space<vmem>>
        %dma_start3A_560 = tpu.memref_squeeze %dma_start3A_559 : memref<1x125x64xf32, #tpu.memory_space<vmem>> -> memref<125x64xf32, #tpu.memory_space<vmem>>
        %dma_start3A_561 = arith.constant 0 : i32
        %dma_start3A_562 = arith.constant 0 : i32
        %dma_start3A_563 = tpu.memref_slice %arg7[%add3A_79, %dma_start3A_561, %dma_start3A_562] : memref<4x10000x64xf32, #tpu.memory_space<hbm>> -> memref<1x10000x64xf32, #tpu.memory_space<hbm>>
        %dma_start3A_564 = tpu.memref_squeeze %dma_start3A_563 : memref<1x10000x64xf32, #tpu.memory_space<hbm>> -> memref<10000x64xf32, #tpu.memory_space<hbm>>
        %dma_start3A_565 = arith.constant 0 : i32
        %dma_start3A_566 = tpu.memref_slice %dma_start3A_564[%add3A_549, %dma_start3A_565] : memref<10000x64xf32, #tpu.memory_space<hbm>> -> memref<125x64xf32, #tpu.memory_space<hbm>>
        %dma_start3A_567 = arith.constant 0 : i32
        %dma_start3A_568 = arith.constant 0 : i32
        %dma_start3A_569 = tpu.memref_slice %arg7[%add3A_79, %dma_start3A_567, %dma_start3A_568] : memref<4x10000x64xf32, #tpu.memory_space<hbm>> -> memref<1x10000x64xf32, #tpu.memory_space<hbm>>
        %dma_start3A_570 = tpu.memref_squeeze %dma_start3A_569 : memref<1x10000x64xf32, #tpu.memory_space<hbm>> -> memref<10000x64xf32, #tpu.memory_space<hbm>>
        %dma_start3A_571 = arith.constant 0 : i32
        %dma_start3A_572 = tpu.memref_slice %dma_start3A_570[%add3A_549, %dma_start3A_571] : memref<10000x64xf32, #tpu.memory_space<hbm>> -> memref<125x64xf32, #tpu.memory_space<hbm>>
        %dma_start3A_573 = arith.constant 0 : i32
        %dma_start3A_574 = arith.constant 0 : i32
        %dma_start3A_575 = tpu.memref_slice %arg10[%scan3A_146, %dma_start3A_573, %dma_start3A_574] : memref<4x125x64xf32, #tpu.memory_space<vmem>> -> memref<1x125x64xf32, #tpu.memory_space<vmem>>
        %dma_start3A_576 = tpu.memref_squeeze %dma_start3A_575 : memref<1x125x64xf32, #tpu.memory_space<vmem>> -> memref<125x64xf32, #tpu.memory_space<vmem>>
        tpu.enqueue_dma source(%dma_start3A_576 : memref<125x64xf32, #tpu.memory_space<vmem>>) target(%dma_start3A_572 : memref<125x64xf32, #tpu.memory_space<hbm>>) target_semaphore(%run_scoped3A : memref<!tpu.dma_semaphore, #tpu.memory_space<semaphore_mem>>)
        %dma_wait3A_577 = arith.constant 0 : i32
        %dma_wait3A_578 = arith.constant 0 : i32
        %dma_wait3A_579 = tpu.memref_slice %arg10[%scan3A_146, %dma_wait3A_577, %dma_wait3A_578] : memref<4x125x64xf32, #tpu.memory_space<vmem>> -> memref<1x125x64xf32, #tpu.memory_space<vmem>>
        %dma_wait3A_580 = tpu.memref_squeeze %dma_wait3A_579 : memref<1x125x64xf32, #tpu.memory_space<vmem>> -> memref<125x64xf32, #tpu.memory_space<vmem>>
        %dma_wait3A_581 = arith.constant 0 : i32
        %dma_wait3A_582 = arith.constant 0 : i32
        %dma_wait3A_583 = tpu.memref_slice %arg7[%add3A_79, %dma_wait3A_581, %dma_wait3A_582] : memref<4x10000x64xf32, #tpu.memory_space<hbm>> -> memref<1x10000x64xf32, #tpu.memory_space<hbm>>
        %dma_wait3A_584 = tpu.memref_squeeze %dma_wait3A_583 : memref<1x10000x64xf32, #tpu.memory_space<hbm>> -> memref<10000x64xf32, #tpu.memory_space<hbm>>
        %dma_wait3A_585 = arith.constant 0 : i32
        %dma_wait3A_586 = tpu.memref_slice %dma_wait3A_584[%add3A_549, %dma_wait3A_585] : memref<10000x64xf32, #tpu.memory_space<hbm>> -> memref<125x64xf32, #tpu.memory_space<hbm>>
        %dma_wait3A_587 = arith.constant 0 : i32
        %dma_wait3A_588 = arith.constant 0 : i32
        %dma_wait3A_589 = tpu.memref_slice %arg7[%add3A_79, %dma_wait3A_587, %dma_wait3A_588] : memref<4x10000x64xf32, #tpu.memory_space<hbm>> -> memref<1x10000x64xf32, #tpu.memory_space<hbm>>
        %dma_wait3A_590 = tpu.memref_squeeze %dma_wait3A_589 : memref<1x10000x64xf32, #tpu.memory_space<hbm>> -> memref<10000x64xf32, #tpu.memory_space<hbm>>
        %dma_wait3A_591 = arith.constant 0 : i32
        %dma_wait3A_592 = tpu.memref_slice %dma_wait3A_590[%add3A_549, %dma_wait3A_591] : memref<10000x64xf32, #tpu.memory_space<hbm>> -> memref<125x64xf32, #tpu.memory_space<hbm>>
        %dma_wait3A_593 = arith.constant 0 : i32
        %dma_wait3A_594 = arith.constant 0 : i32
        %dma_wait3A_595 = tpu.memref_slice %arg10[%scan3A_146, %dma_wait3A_593, %dma_wait3A_594] : memref<4x125x64xf32, #tpu.memory_space<vmem>> -> memref<1x125x64xf32, #tpu.memory_space<vmem>>
        %dma_wait3A_596 = tpu.memref_squeeze %dma_wait3A_595 : memref<1x125x64xf32, #tpu.memory_space<vmem>> -> memref<125x64xf32, #tpu.memory_space<vmem>>
        tpu.wait_dma2 semaphore(%run_scoped3A : memref<!tpu.dma_semaphore, #tpu.memory_space<semaphore_mem>>) src(%dma_wait3A_596 : memref<125x64xf32, #tpu.memory_space<vmem>>) dst(%dma_wait3A_592 : memref<125x64xf32, #tpu.memory_space<hbm>>)
        tpu.yield
      }) : () -> ()
      "tpu.region"() ({
        %run_scoped3A = tpu.sem_alloc : memref<!tpu.dma_semaphore, #tpu.memory_space<semaphore_mem>>
        %dma_start3A_557 = arith.constant 0 : i32
        %dma_start3A_558 = arith.constant 0 : i32
        %dma_start3A_559 = tpu.memref_slice %arg10[%scan3A_145, %dma_start3A_557, %dma_start3A_558] : memref<4x125x64xf32, #tpu.memory_space<vmem>> -> memref<1x125x64xf32, #tpu.memory_space<vmem>>
        %dma_start3A_560 = tpu.memref_squeeze %dma_start3A_559 : memref<1x125x64xf32, #tpu.memory_space<vmem>> -> memref<125x64xf32, #tpu.memory_space<vmem>>
        %dma_start3A_561 = arith.constant 0 : i32
        %dma_start3A_562 = arith.constant 0 : i32
        %dma_start3A_563 = tpu.memref_slice %arg6[%add3A_79, %dma_start3A_561, %dma_start3A_562] : memref<4x10000x64xf32, #tpu.memory_space<hbm>> -> memref<1x10000x64xf32, #tpu.memory_space<hbm>>
        %dma_start3A_564 = tpu.memref_squeeze %dma_start3A_563 : memref<1x10000x64xf32, #tpu.memory_space<hbm>> -> memref<10000x64xf32, #tpu.memory_space<hbm>>
        %dma_start3A_565 = arith.constant 0 : i32
        %dma_start3A_566 = tpu.memref_slice %dma_start3A_564[%add3A_549, %dma_start3A_565] : memref<10000x64xf32, #tpu.memory_space<hbm>> -> memref<125x64xf32, #tpu.memory_space<hbm>>
        %dma_start3A_567 = arith.constant 0 : i32
        %dma_start3A_568 = arith.constant 0 : i32
        %dma_start3A_569 = tpu.memref_slice %arg6[%add3A_79, %dma_start3A_567, %dma_start3A_568] : memref<4x10000x64xf32, #tpu.memory_space<hbm>> -> memref<1x10000x64xf32, #tpu.memory_space<hbm>>
        %dma_start3A_570 = tpu.memref_squeeze %dma_start3A_569 : memref<1x10000x64xf32, #tpu.memory_space<hbm>> -> memref<10000x64xf32, #tpu.memory_space<hbm>>
        %dma_start3A_571 = arith.constant 0 : i32
        %dma_start3A_572 = tpu.memref_slice %dma_start3A_570[%add3A_549, %dma_start3A_571] : memref<10000x64xf32, #tpu.memory_space<hbm>> -> memref<125x64xf32, #tpu.memory_space<hbm>>
        %dma_start3A_573 = arith.constant 0 : i32
        %dma_start3A_574 = arith.constant 0 : i32
        %dma_start3A_575 = tpu.memref_slice %arg10[%scan3A_145, %dma_start3A_573, %dma_start3A_574] : memref<4x125x64xf32, #tpu.memory_space<vmem>> -> memref<1x125x64xf32, #tpu.memory_space<vmem>>
        %dma_start3A_576 = tpu.memref_squeeze %dma_start3A_575 : memref<1x125x64xf32, #tpu.memory_space<vmem>> -> memref<125x64xf32, #tpu.memory_space<vmem>>
        tpu.enqueue_dma source(%dma_start3A_576 : memref<125x64xf32, #tpu.memory_space<vmem>>) target(%dma_start3A_572 : memref<125x64xf32, #tpu.memory_space<hbm>>) target_semaphore(%run_scoped3A : memref<!tpu.dma_semaphore, #tpu.memory_space<semaphore_mem>>)
        %dma_wait3A_577 = arith.constant 0 : i32
        %dma_wait3A_578 = arith.constant 0 : i32
        %dma_wait3A_579 = tpu.memref_slice %arg10[%scan3A_145, %dma_wait3A_577, %dma_wait3A_578] : memref<4x125x64xf32, #tpu.memory_space<vmem>> -> memref<1x125x64xf32, #tpu.memory_space<vmem>>
        %dma_wait3A_580 = tpu.memref_squeeze %dma_wait3A_579 : memref<1x125x64xf32, #tpu.memory_space<vmem>> -> memref<125x64xf32, #tpu.memory_space<vmem>>
        %dma_wait3A_581 = arith.constant 0 : i32
        %dma_wait3A_582 = arith.constant 0 : i32
        %dma_wait3A_583 = tpu.memref_slice %arg6[%add3A_79, %dma_wait3A_581, %dma_wait3A_582] : memref<4x10000x64xf32, #tpu.memory_space<hbm>> -> memref<1x10000x64xf32, #tpu.memory_space<hbm>>
        %dma_wait3A_584 = tpu.memref_squeeze %dma_wait3A_583 : memref<1x10000x64xf32, #tpu.memory_space<hbm>> -> memref<10000x64xf32, #tpu.memory_space<hbm>>
        %dma_wait3A_585 = arith.constant 0 : i32
        %dma_wait3A_586 = tpu.memref_slice %dma_wait3A_584[%add3A_549, %dma_wait3A_585] : memref<10000x64xf32, #tpu.memory_space<hbm>> -> memref<125x64xf32, #tpu.memory_space<hbm>>
        %dma_wait3A_587 = arith.constant 0 : i32
        %dma_wait3A_588 = arith.constant 0 : i32
        %dma_wait3A_589 = tpu.memref_slice %arg6[%add3A_79, %dma_wait3A_587, %dma_wait3A_588] : memref<4x10000x64xf32, #tpu.memory_space<hbm>> -> memref<1x10000x64xf32, #tpu.memory_space<hbm>>
        %dma_wait3A_590 = tpu.memref_squeeze %dma_wait3A_589 : memref<1x10000x64xf32, #tpu.memory_space<hbm>> -> memref<10000x64xf32, #tpu.memory_space<hbm>>
        %dma_wait3A_591 = arith.constant 0 : i32
        %dma_wait3A_592 = tpu.memref_slice %dma_wait3A_590[%add3A_549, %dma_wait3A_591] : memref<10000x64xf32, #tpu.memory_space<hbm>> -> memref<125x64xf32, #tpu.memory_space<hbm>>
        %dma_wait3A_593 = arith.constant 0 : i32
        %dma_wait3A_594 = arith.constant 0 : i32
        %dma_wait3A_595 = tpu.memref_slice %arg10[%scan3A_145, %dma_wait3A_593, %dma_wait3A_594] : memref<4x125x64xf32, #tpu.memory_space<vmem>> -> memref<1x125x64xf32, #tpu.memory_space<vmem>>
        %dma_wait3A_596 = tpu.memref_squeeze %dma_wait3A_595 : memref<1x125x64xf32, #tpu.memory_space<vmem>> -> memref<125x64xf32, #tpu.memory_space<vmem>>
        tpu.wait_dma2 semaphore(%run_scoped3A : memref<!tpu.dma_semaphore, #tpu.memory_space<semaphore_mem>>) src(%dma_wait3A_596 : memref<125x64xf32, #tpu.memory_space<vmem>>) dst(%dma_wait3A_592 : memref<125x64xf32, #tpu.memory_space<hbm>>)
        tpu.yield
      }) : () -> ()
    }
    %scan3A_151 = arith.constant 5 : i32
    %barrier3A_152 = arith.constant 0 : index
    tpu.barrier barrier_id(%barrier3A_152)
    %mul3A_153 = arith.constant 2 : i32
    %mul3A_154 = arith.muli %arg0, %mul3A_153 : i32
    %add3A_155 = arith.constant 1 : i32
    %add3A_156 = arith.addi %mul3A_154, %add3A_155 : i32
    %dma_start3A_157 = arith.constant 0 : i32
    %dma_start3A_158 = arith.constant 0 : i32
    %dma_start3A_159 = arith.constant 0 : i32
    %dma_start3A_160 = arith.constant 0 : i32
    %dma_start3A_161 = tpu.memref_slice %arg10[%dma_start3A_158, %dma_start3A_159, %dma_start3A_160] : memref<4x125x64xf32, #tpu.memory_space<vmem>> -> memref<1x125x64xf32, #tpu.memory_space<vmem>>
    %dma_start3A_162 = tpu.memref_squeeze %dma_start3A_161 : memref<1x125x64xf32, #tpu.memory_space<vmem>> -> memref<125x64xf32, #tpu.memory_space<vmem>>
    %dma_start3A_163 = arith.constant 0 : i32
    %dma_start3A_164 = tpu.memref_slice %arg12[%dma_start3A_157, %dma_start3A_163] : memref<80x125xi32, #tpu.memory_space<vmem>> -> memref<1x125xi32, #tpu.memory_space<vmem>>
    %dma_start3A_165 = tpu.memref_squeeze %dma_start3A_164 : memref<1x125xi32, #tpu.memory_space<vmem>> -> memref<125xi32, #tpu.memory_space<vmem>>
    %dma_start3A_166 = arith.constant 0 : i32
    %dma_start3A_167 = arith.constant 0 : i32
    %dma_start3A_168 = tpu.memref_slice %arg6[%add3A_156, %dma_start3A_166, %dma_start3A_167] : memref<4x10000x64xf32, #tpu.memory_space<hbm>> -> memref<1x10000x64xf32, #tpu.memory_space<hbm>>
    %dma_start3A_169 = tpu.memref_squeeze %dma_start3A_168 : memref<1x10000x64xf32, #tpu.memory_space<hbm>> -> memref<10000x64xf32, #tpu.memory_space<hbm>>
    %dma_start3A_170 = arith.constant 0 : i32
    %dma_start3A_171 = arith.constant 0 : i32
    %dma_start3A_172 = tpu.memref_slice %dma_start3A_169[%dma_start3A_170, %dma_start3A_171] : memref<10000x64xf32, #tpu.memory_space<hbm>> -> memref<10000x64xf32, #tpu.memory_space<hbm>>
    tpu.enqueue_indirect_dma source(%dma_start3A_172 : memref<10000x64xf32, #tpu.memory_space<hbm>>) target(%dma_start3A_162 : memref<125x64xf32, #tpu.memory_space<vmem>>) offsets(%dma_start3A_165 : memref<125xi32, #tpu.memory_space<vmem>>) semaphore(%arg17 : memref<!tpu.dma_semaphore, #tpu.memory_space<semaphore_mem>>)
    %dma_start3A_173 = arith.constant 1 : i32
    %dma_start3A_174 = arith.constant 1 : i32
    %dma_start3A_175 = arith.constant 0 : i32
    %dma_start3A_176 = arith.constant 0 : i32
    %dma_start3A_177 = tpu.memref_slice %arg10[%dma_start3A_174, %dma_start3A_175, %dma_start3A_176] : memref<4x125x64xf32, #tpu.memory_space<vmem>> -> memref<1x125x64xf32, #tpu.memory_space<vmem>>
    %dma_start3A_178 = tpu.memref_squeeze %dma_start3A_177 : memref<1x125x64xf32, #tpu.memory_space<vmem>> -> memref<125x64xf32, #tpu.memory_space<vmem>>
    %dma_start3A_179 = arith.constant 0 : i32
    %dma_start3A_180 = tpu.memref_slice %arg12[%dma_start3A_173, %dma_start3A_179] : memref<80x125xi32, #tpu.memory_space<vmem>> -> memref<1x125xi32, #tpu.memory_space<vmem>>
    %dma_start3A_181 = tpu.memref_squeeze %dma_start3A_180 : memref<1x125xi32, #tpu.memory_space<vmem>> -> memref<125xi32, #tpu.memory_space<vmem>>
    %dma_start3A_182 = arith.constant 0 : i32
    %dma_start3A_183 = arith.constant 0 : i32
    %dma_start3A_184 = tpu.memref_slice %arg6[%add3A_156, %dma_start3A_182, %dma_start3A_183] : memref<4x10000x64xf32, #tpu.memory_space<hbm>> -> memref<1x10000x64xf32, #tpu.memory_space<hbm>>
    %dma_start3A_185 = tpu.memref_squeeze %dma_start3A_184 : memref<1x10000x64xf32, #tpu.memory_space<hbm>> -> memref<10000x64xf32, #tpu.memory_space<hbm>>
    %dma_start3A_186 = arith.constant 0 : i32
    %dma_start3A_187 = arith.constant 0 : i32
    %dma_start3A_188 = tpu.memref_slice %dma_start3A_185[%dma_start3A_186, %dma_start3A_187] : memref<10000x64xf32, #tpu.memory_space<hbm>> -> memref<10000x64xf32, #tpu.memory_space<hbm>>
    tpu.enqueue_indirect_dma source(%dma_start3A_188 : memref<10000x64xf32, #tpu.memory_space<hbm>>) target(%dma_start3A_178 : memref<125x64xf32, #tpu.memory_space<vmem>>) offsets(%dma_start3A_181 : memref<125xi32, #tpu.memory_space<vmem>>) semaphore(%arg17 : memref<!tpu.dma_semaphore, #tpu.memory_space<semaphore_mem>>)
    %dma_start3A_189 = arith.constant 2 : i32
    %dma_start3A_190 = arith.constant 2 : i32
    %dma_start3A_191 = arith.constant 0 : i32
    %dma_start3A_192 = arith.constant 0 : i32
    %dma_start3A_193 = tpu.memref_slice %arg10[%dma_start3A_190, %dma_start3A_191, %dma_start3A_192] : memref<4x125x64xf32, #tpu.memory_space<vmem>> -> memref<1x125x64xf32, #tpu.memory_space<vmem>>
    %dma_start3A_194 = tpu.memref_squeeze %dma_start3A_193 : memref<1x125x64xf32, #tpu.memory_space<vmem>> -> memref<125x64xf32, #tpu.memory_space<vmem>>
    %dma_start3A_195 = arith.constant 0 : i32
    %dma_start3A_196 = tpu.memref_slice %arg12[%dma_start3A_189, %dma_start3A_195] : memref<80x125xi32, #tpu.memory_space<vmem>> -> memref<1x125xi32, #tpu.memory_space<vmem>>
    %dma_start3A_197 = tpu.memref_squeeze %dma_start3A_196 : memref<1x125xi32, #tpu.memory_space<vmem>> -> memref<125xi32, #tpu.memory_space<vmem>>
    %dma_start3A_198 = arith.constant 0 : i32
    %dma_start3A_199 = arith.constant 0 : i32
    %dma_start3A_200 = tpu.memref_slice %arg6[%add3A_156, %dma_start3A_198, %dma_start3A_199] : memref<4x10000x64xf32, #tpu.memory_space<hbm>> -> memref<1x10000x64xf32, #tpu.memory_space<hbm>>
    %dma_start3A_201 = tpu.memref_squeeze %dma_start3A_200 : memref<1x10000x64xf32, #tpu.memory_space<hbm>> -> memref<10000x64xf32, #tpu.memory_space<hbm>>
    %dma_start3A_202 = arith.constant 0 : i32
    %dma_start3A_203 = arith.constant 0 : i32
    %dma_start3A_204 = tpu.memref_slice %dma_start3A_201[%dma_start3A_202, %dma_start3A_203] : memref<10000x64xf32, #tpu.memory_space<hbm>> -> memref<10000x64xf32, #tpu.memory_space<hbm>>
    tpu.enqueue_indirect_dma source(%dma_start3A_204 : memref<10000x64xf32, #tpu.memory_space<hbm>>) target(%dma_start3A_194 : memref<125x64xf32, #tpu.memory_space<vmem>>) offsets(%dma_start3A_197 : memref<125xi32, #tpu.memory_space<vmem>>) semaphore(%arg17 : memref<!tpu.dma_semaphore, #tpu.memory_space<semaphore_mem>>)
    %scan3A_205 = arith.constant 0 : i32
    %scan3A_206 = arith.constant 80 : i32
    %scan3A_207 = arith.addi %scan3A_205, %scan3A_206 : i32
    %scan3A_208 = arith.constant 1 : i32
    scf.for %scan3A_542 = %scan3A_205 to %scan3A_207 step %scan3A_208  : i32 {
      %mul3A_543 = arith.constant 1 : i32
      %mul3A_544 = arith.muli %scan3A_542, %mul3A_543 : i32
      %add3A_545 = arith.constant 0 : i32
      %add3A_546 = arith.addi %add3A_545, %mul3A_544 : i32
      %rem3A = arith.constant 4 : i32
      %rem3A_547 = arith.remsi %add3A_546, %rem3A : i32
      %add3A_548 = arith.constant 4 : i32
      %add3A_549 = arith.addi %add3A_546, %add3A_548 : i32
      %sub3A = arith.constant 1 : i32
      %sub3A_550 = arith.subi %add3A_549, %sub3A : i32
      %rem3A_551 = arith.constant 4 : i32
      %rem3A_552 = arith.remsi %sub3A_550, %rem3A_551 : i32
      %dma_wait3A_553 = arith.constant 0 : i32
      %dma_wait3A_554 = arith.constant 0 : i32
      %dma_wait3A_555 = tpu.memref_slice %arg10[%rem3A_547, %dma_wait3A_553, %dma_wait3A_554] : memref<4x125x64xf32, #tpu.memory_space<vmem>> -> memref<1x125x64xf32, #tpu.memory_space<vmem>>
      %dma_wait3A_556 = tpu.memref_squeeze %dma_wait3A_555 : memref<1x125x64xf32, #tpu.memory_space<vmem>> -> memref<125x64xf32, #tpu.memory_space<vmem>>
      %dma_wait3A_557 = arith.constant 0 : i32
      %dma_wait3A_558 = tpu.memref_slice %arg12[%add3A_546, %dma_wait3A_557] : memref<80x125xi32, #tpu.memory_space<vmem>> -> memref<1x125xi32, #tpu.memory_space<vmem>>
      %dma_wait3A_559 = tpu.memref_squeeze %dma_wait3A_558 : memref<1x125xi32, #tpu.memory_space<vmem>> -> memref<125xi32, #tpu.memory_space<vmem>>
      %dma_wait3A_560 = arith.constant 0 : i32
      %dma_wait3A_561 = arith.constant 0 : i32
      %dma_wait3A_562 = tpu.memref_slice %arg6[%add3A_156, %dma_wait3A_560, %dma_wait3A_561] : memref<4x10000x64xf32, #tpu.memory_space<hbm>> -> memref<1x10000x64xf32, #tpu.memory_space<hbm>>
      %dma_wait3A_563 = tpu.memref_squeeze %dma_wait3A_562 : memref<1x10000x64xf32, #tpu.memory_space<hbm>> -> memref<10000x64xf32, #tpu.memory_space<hbm>>
      %dma_wait3A_564 = arith.constant 0 : i32
      %dma_wait3A_565 = arith.constant 0 : i32
      %dma_wait3A_566 = tpu.memref_slice %dma_wait3A_563[%dma_wait3A_564, %dma_wait3A_565] : memref<10000x64xf32, #tpu.memory_space<hbm>> -> memref<10000x64xf32, #tpu.memory_space<hbm>>
      tpu.wait_indirect_dma semaphore(%arg17 : memref<!tpu.dma_semaphore, #tpu.memory_space<semaphore_mem>>) src(%dma_wait3A_566 : memref<10000x64xf32, #tpu.memory_space<hbm>>) dst(%dma_wait3A_556 : memref<125x64xf32, #tpu.memory_space<vmem>>)
      %dma_start3A_567 = arith.constant 0 : i32
      %dma_start3A_568 = arith.constant 0 : i32
      %dma_start3A_569 = tpu.memref_slice %arg10[%rem3A_547, %dma_start3A_567, %dma_start3A_568] : memref<4x125x64xf32, #tpu.memory_space<vmem>> -> memref<1x125x64xf32, #tpu.memory_space<vmem>>
      %dma_start3A_570 = tpu.memref_squeeze %dma_start3A_569 : memref<1x125x64xf32, #tpu.memory_space<vmem>> -> memref<125x64xf32, #tpu.memory_space<vmem>>
      %dma_start3A_571 = arith.constant 0 : i32
      %dma_start3A_572 = tpu.memref_slice %arg11[%add3A_546, %dma_start3A_571] : memref<80x125xi32, #tpu.memory_space<vmem>> -> memref<1x125xi32, #tpu.memory_space<vmem>>
      %dma_start3A_573 = tpu.memref_squeeze %dma_start3A_572 : memref<1x125xi32, #tpu.memory_space<vmem>> -> memref<125xi32, #tpu.memory_space<vmem>>
      %dma_start3A_574 = arith.constant 0 : i32
      %dma_start3A_575 = arith.constant 0 : i32
      %dma_start3A_576 = tpu.memref_slice %arg8[%dma_start3A_574, %dma_start3A_575] : memref<10000x64xf32, #tpu.memory_space<vmem_shared>> -> memref<10000x64xf32, #tpu.memory_space<vmem_shared>>
      tpu.enqueue_indirect_dma source(%dma_start3A_570 : memref<125x64xf32, #tpu.memory_space<vmem>>) target(%dma_start3A_576 : memref<10000x64xf32, #tpu.memory_space<vmem_shared>>) offsets(%dma_start3A_573 : memref<125xi32, #tpu.memory_space<vmem>>) semaphore(%arg18 : memref<!tpu.dma_semaphore, #tpu.memory_space<semaphore_mem>>) {add = true}
      %ge3A = arith.constant 1 : i32
      %ge3A_577 = arith.cmpi sge, %add3A_546, %ge3A : i32
      %convert_element_type3A = arith.extui %ge3A_577 : i1 to i32
      %cond3A = arith.constant 0 : i32
      %cond3A_578 = arith.cmpi ne, %convert_element_type3A, %cond3A : i32
      scf.if %cond3A_578 {
        %sub3A_583 = arith.constant 1 : i32
        %sub3A_584 = arith.subi %add3A_546, %sub3A_583 : i32
        %dma_wait3A_585 = arith.constant 0 : i32
        %dma_wait3A_586 = arith.constant 0 : i32
        %dma_wait3A_587 = tpu.memref_slice %arg10[%rem3A_552, %dma_wait3A_585, %dma_wait3A_586] : memref<4x125x64xf32, #tpu.memory_space<vmem>> -> memref<1x125x64xf32, #tpu.memory_space<vmem>>
        %dma_wait3A_588 = tpu.memref_squeeze %dma_wait3A_587 : memref<1x125x64xf32, #tpu.memory_space<vmem>> -> memref<125x64xf32, #tpu.memory_space<vmem>>
        %dma_wait3A_589 = arith.constant 0 : i32
        %dma_wait3A_590 = tpu.memref_slice %arg11[%sub3A_584, %dma_wait3A_589] : memref<80x125xi32, #tpu.memory_space<vmem>> -> memref<1x125xi32, #tpu.memory_space<vmem>>
        %dma_wait3A_591 = tpu.memref_squeeze %dma_wait3A_590 : memref<1x125xi32, #tpu.memory_space<vmem>> -> memref<125xi32, #tpu.memory_space<vmem>>
        %dma_wait3A_592 = arith.constant 0 : i32
        %dma_wait3A_593 = arith.constant 0 : i32
        %dma_wait3A_594 = tpu.memref_slice %arg8[%dma_wait3A_592, %dma_wait3A_593] : memref<10000x64xf32, #tpu.memory_space<vmem_shared>> -> memref<10000x64xf32, #tpu.memory_space<vmem_shared>>
        tpu.wait_indirect_dma semaphore(%arg18 : memref<!tpu.dma_semaphore, #tpu.memory_space<semaphore_mem>>) src(%dma_wait3A_588 : memref<125x64xf32, #tpu.memory_space<vmem>>) dst(%dma_wait3A_594 : memref<10000x64xf32, #tpu.memory_space<vmem_shared>>)
      } else {
      }
      %lt3A = arith.constant 77 : i32
      %lt3A_579 = arith.cmpi slt, %add3A_546, %lt3A : i32
      %convert_element_type3A_580 = arith.extui %lt3A_579 : i1 to i32
      %cond3A_581 = arith.constant 0 : i32
      %cond3A_582 = arith.cmpi ne, %convert_element_type3A_580, %cond3A_581 : i32
      scf.if %cond3A_582 {
        %add3A_583 = arith.constant 3 : i32
        %add3A_584 = arith.addi %add3A_546, %add3A_583 : i32
        %dma_start3A_585 = arith.constant 0 : i32
        %dma_start3A_586 = arith.constant 0 : i32
        %dma_start3A_587 = tpu.memref_slice %arg10[%rem3A_552, %dma_start3A_585, %dma_start3A_586] : memref<4x125x64xf32, #tpu.memory_space<vmem>> -> memref<1x125x64xf32, #tpu.memory_space<vmem>>
        %dma_start3A_588 = tpu.memref_squeeze %dma_start3A_587 : memref<1x125x64xf32, #tpu.memory_space<vmem>> -> memref<125x64xf32, #tpu.memory_space<vmem>>
        %dma_start3A_589 = arith.constant 0 : i32
        %dma_start3A_590 = tpu.memref_slice %arg12[%add3A_584, %dma_start3A_589] : memref<80x125xi32, #tpu.memory_space<vmem>> -> memref<1x125xi32, #tpu.memory_space<vmem>>
        %dma_start3A_591 = tpu.memref_squeeze %dma_start3A_590 : memref<1x125xi32, #tpu.memory_space<vmem>> -> memref<125xi32, #tpu.memory_space<vmem>>
        %dma_start3A_592 = arith.constant 0 : i32
        %dma_start3A_593 = arith.constant 0 : i32
        %dma_start3A_594 = tpu.memref_slice %arg6[%add3A_156, %dma_start3A_592, %dma_start3A_593] : memref<4x10000x64xf32, #tpu.memory_space<hbm>> -> memref<1x10000x64xf32, #tpu.memory_space<hbm>>
        %dma_start3A_595 = tpu.memref_squeeze %dma_start3A_594 : memref<1x10000x64xf32, #tpu.memory_space<hbm>> -> memref<10000x64xf32, #tpu.memory_space<hbm>>
        %dma_start3A_596 = arith.constant 0 : i32
        %dma_start3A_597 = arith.constant 0 : i32
        %dma_start3A_598 = tpu.memref_slice %dma_start3A_595[%dma_start3A_596, %dma_start3A_597] : memref<10000x64xf32, #tpu.memory_space<hbm>> -> memref<10000x64xf32, #tpu.memory_space<hbm>>
        tpu.enqueue_indirect_dma source(%dma_start3A_598 : memref<10000x64xf32, #tpu.memory_space<hbm>>) target(%dma_start3A_588 : memref<125x64xf32, #tpu.memory_space<vmem>>) offsets(%dma_start3A_591 : memref<125xi32, #tpu.memory_space<vmem>>) semaphore(%arg17 : memref<!tpu.dma_semaphore, #tpu.memory_space<semaphore_mem>>)
      } else {
      }
    }
    %scan3A_209 = arith.constant 80 : i32
    %dma_wait3A_210 = arith.constant 3 : i32
    %dma_wait3A_211 = arith.constant 79 : i32
    %dma_wait3A_212 = arith.constant 0 : i32
    %dma_wait3A_213 = arith.constant 0 : i32
    %dma_wait3A_214 = tpu.memref_slice %arg10[%dma_wait3A_210, %dma_wait3A_212, %dma_wait3A_213] : memref<4x125x64xf32, #tpu.memory_space<vmem>> -> memref<1x125x64xf32, #tpu.memory_space<vmem>>
    %dma_wait3A_215 = tpu.memref_squeeze %dma_wait3A_214 : memref<1x125x64xf32, #tpu.memory_space<vmem>> -> memref<125x64xf32, #tpu.memory_space<vmem>>
    %dma_wait3A_216 = arith.constant 0 : i32
    %dma_wait3A_217 = tpu.memref_slice %arg11[%dma_wait3A_211, %dma_wait3A_216] : memref<80x125xi32, #tpu.memory_space<vmem>> -> memref<1x125xi32, #tpu.memory_space<vmem>>
    %dma_wait3A_218 = tpu.memref_squeeze %dma_wait3A_217 : memref<1x125xi32, #tpu.memory_space<vmem>> -> memref<125xi32, #tpu.memory_space<vmem>>
    %dma_wait3A_219 = arith.constant 0 : i32
    %dma_wait3A_220 = arith.constant 0 : i32
    %dma_wait3A_221 = tpu.memref_slice %arg8[%dma_wait3A_219, %dma_wait3A_220] : memref<10000x64xf32, #tpu.memory_space<vmem_shared>> -> memref<10000x64xf32, #tpu.memory_space<vmem_shared>>
    tpu.wait_indirect_dma semaphore(%arg18 : memref<!tpu.dma_semaphore, #tpu.memory_space<semaphore_mem>>) src(%dma_wait3A_215 : memref<125x64xf32, #tpu.memory_space<vmem>>) dst(%dma_wait3A_221 : memref<10000x64xf32, #tpu.memory_space<vmem_shared>>)
    %barrier3A_222 = arith.constant 0 : index
    tpu.barrier barrier_id(%barrier3A_222)
    %scan3A_223 = arith.constant 1 : i32
    %scan3A_224 = arith.constant 2 : i32
    %scan3A_225 = arith.constant 0 : i32
    %scan3A_226 = arith.constant 5 : i32
    %scan3A_227 = arith.addi %scan3A_225, %scan3A_226 : i32
    %scan3A_228 = arith.constant 1 : i32
    scf.for %scan3A_542 = %scan3A_225 to %scan3A_227 step %scan3A_228  : i32 {
      %mul3A_543 = arith.constant 1 : i32
      %mul3A_544 = arith.muli %scan3A_542, %mul3A_543 : i32
      %add3A_545 = arith.constant 0 : i32
      %add3A_546 = arith.addi %add3A_545, %mul3A_544 : i32
      %mul3A_547 = arith.constant 125 : i32
      %mul3A_548 = arith.muli %add3A_546, %mul3A_547 : i32
      %add3A_549 = arith.addi %mul3A_0, %mul3A_548 : i32
      %mul3A_550 = arith.constant 125 : i32
      %mul3A_551 = arith.muli %add3A_546, %mul3A_550 : i32
      "tpu.region"() ({
        %run_scoped3A = tpu.sem_alloc : memref<!tpu.dma_semaphore, #tpu.memory_space<semaphore_mem>>
        %dma_start3A_557 = arith.constant 0 : i32
        %dma_start3A_558 = arith.constant 0 : i32
        %dma_start3A_559 = tpu.memref_slice %arg10[%scan3A_223, %dma_start3A_557, %dma_start3A_558] : memref<4x125x64xf32, #tpu.memory_space<vmem>> -> memref<1x125x64xf32, #tpu.memory_space<vmem>>
        %dma_start3A_560 = tpu.memref_squeeze %dma_start3A_559 : memref<1x125x64xf32, #tpu.memory_space<vmem>> -> memref<125x64xf32, #tpu.memory_space<vmem>>
        %dma_start3A_561 = arith.constant 0 : i32
        %dma_start3A_562 = tpu.memref_slice %arg8[%add3A_549, %dma_start3A_561] : memref<10000x64xf32, #tpu.memory_space<vmem_shared>> -> memref<125x64xf32, #tpu.memory_space<vmem_shared>>
        %dma_start3A_563 = arith.constant 0 : i32
        %dma_start3A_564 = arith.constant 0 : i32
        %dma_start3A_565 = tpu.memref_slice %arg10[%scan3A_223, %dma_start3A_563, %dma_start3A_564] : memref<4x125x64xf32, #tpu.memory_space<vmem>> -> memref<1x125x64xf32, #tpu.memory_space<vmem>>
        %dma_start3A_566 = tpu.memref_squeeze %dma_start3A_565 : memref<1x125x64xf32, #tpu.memory_space<vmem>> -> memref<125x64xf32, #tpu.memory_space<vmem>>
        %dma_start3A_567 = arith.constant 0 : i32
        %dma_start3A_568 = tpu.memref_slice %arg8[%add3A_549, %dma_start3A_567] : memref<10000x64xf32, #tpu.memory_space<vmem_shared>> -> memref<125x64xf32, #tpu.memory_space<vmem_shared>>
        tpu.enqueue_dma source(%dma_start3A_568 : memref<125x64xf32, #tpu.memory_space<vmem_shared>>) target(%dma_start3A_566 : memref<125x64xf32, #tpu.memory_space<vmem>>) target_semaphore(%run_scoped3A : memref<!tpu.dma_semaphore, #tpu.memory_space<semaphore_mem>>)
        %dma_wait3A_569 = arith.constant 0 : i32
        %dma_wait3A_570 = arith.constant 0 : i32
        %dma_wait3A_571 = tpu.memref_slice %arg10[%scan3A_223, %dma_wait3A_569, %dma_wait3A_570] : memref<4x125x64xf32, #tpu.memory_space<vmem>> -> memref<1x125x64xf32, #tpu.memory_space<vmem>>
        %dma_wait3A_572 = tpu.memref_squeeze %dma_wait3A_571 : memref<1x125x64xf32, #tpu.memory_space<vmem>> -> memref<125x64xf32, #tpu.memory_space<vmem>>
        %dma_wait3A_573 = arith.constant 0 : i32
        %dma_wait3A_574 = tpu.memref_slice %arg8[%add3A_549, %dma_wait3A_573] : memref<10000x64xf32, #tpu.memory_space<vmem_shared>> -> memref<125x64xf32, #tpu.memory_space<vmem_shared>>
        %dma_wait3A_575 = arith.constant 0 : i32
        %dma_wait3A_576 = arith.constant 0 : i32
        %dma_wait3A_577 = tpu.memref_slice %arg10[%scan3A_223, %dma_wait3A_575, %dma_wait3A_576] : memref<4x125x64xf32, #tpu.memory_space<vmem>> -> memref<1x125x64xf32, #tpu.memory_space<vmem>>
        %dma_wait3A_578 = tpu.memref_squeeze %dma_wait3A_577 : memref<1x125x64xf32, #tpu.memory_space<vmem>> -> memref<125x64xf32, #tpu.memory_space<vmem>>
        %dma_wait3A_579 = arith.constant 0 : i32
        %dma_wait3A_580 = tpu.memref_slice %arg8[%add3A_549, %dma_wait3A_579] : memref<10000x64xf32, #tpu.memory_space<vmem_shared>> -> memref<125x64xf32, #tpu.memory_space<vmem_shared>>
        tpu.wait_dma2 semaphore(%run_scoped3A : memref<!tpu.dma_semaphore, #tpu.memory_space<semaphore_mem>>) src(%dma_wait3A_580 : memref<125x64xf32, #tpu.memory_space<vmem_shared>>) dst(%dma_wait3A_578 : memref<125x64xf32, #tpu.memory_space<vmem>>)
        tpu.yield
      }) : () -> ()
      "tpu.region"() ({
        %run_scoped3A = tpu.sem_alloc : memref<!tpu.dma_semaphore, #tpu.memory_space<semaphore_mem>>
        %dma_start3A_557 = arith.constant 0 : i32
        %dma_start3A_558 = tpu.memref_slice %arg8[%add3A_549, %dma_start3A_557] : memref<10000x64xf32, #tpu.memory_space<vmem_shared>> -> memref<125x64xf32, #tpu.memory_space<vmem_shared>>
        %dma_start3A_559 = arith.constant 0 : i32
        %dma_start3A_560 = tpu.memref_slice %arg8[%add3A_549, %dma_start3A_559] : memref<10000x64xf32, #tpu.memory_space<vmem_shared>> -> memref<125x64xf32, #tpu.memory_space<vmem_shared>>
        tpu.enqueue_dma source(%arg14 : memref<125x64xf32, #tpu.memory_space<vmem>>) target(%dma_start3A_560 : memref<125x64xf32, #tpu.memory_space<vmem_shared>>) target_semaphore(%run_scoped3A : memref<!tpu.dma_semaphore, #tpu.memory_space<semaphore_mem>>)
        %dma_wait3A_561 = arith.constant 0 : i32
        %dma_wait3A_562 = tpu.memref_slice %arg8[%add3A_549, %dma_wait3A_561] : memref<10000x64xf32, #tpu.memory_space<vmem_shared>> -> memref<125x64xf32, #tpu.memory_space<vmem_shared>>
        %dma_wait3A_563 = arith.constant 0 : i32
        %dma_wait3A_564 = tpu.memref_slice %arg8[%add3A_549, %dma_wait3A_563] : memref<10000x64xf32, #tpu.memory_space<vmem_shared>> -> memref<125x64xf32, #tpu.memory_space<vmem_shared>>
        tpu.wait_dma2 semaphore(%run_scoped3A : memref<!tpu.dma_semaphore, #tpu.memory_space<semaphore_mem>>) src(%arg14 : memref<125x64xf32, #tpu.memory_space<vmem>>) dst(%dma_wait3A_564 : memref<125x64xf32, #tpu.memory_space<vmem_shared>>)
        tpu.yield
      }) : () -> ()
      "tpu.region"() ({
        %run_scoped3A = tpu.sem_alloc : memref<!tpu.dma_semaphore, #tpu.memory_space<semaphore_mem>>
        %dma_start3A_557 = arith.constant 0 : i32
        %dma_start3A_558 = arith.constant 0 : i32
        %dma_start3A_559 = tpu.memref_slice %arg10[%scan3A_224, %dma_start3A_557, %dma_start3A_558] : memref<4x125x64xf32, #tpu.memory_space<vmem>> -> memref<1x125x64xf32, #tpu.memory_space<vmem>>
        %dma_start3A_560 = tpu.memref_squeeze %dma_start3A_559 : memref<1x125x64xf32, #tpu.memory_space<vmem>> -> memref<125x64xf32, #tpu.memory_space<vmem>>
        %dma_start3A_561 = arith.constant 0 : i32
        %dma_start3A_562 = arith.constant 0 : i32
        %dma_start3A_563 = tpu.memref_slice %arg7[%add3A_156, %dma_start3A_561, %dma_start3A_562] : memref<4x10000x64xf32, #tpu.memory_space<hbm>> -> memref<1x10000x64xf32, #tpu.memory_space<hbm>>
        %dma_start3A_564 = tpu.memref_squeeze %dma_start3A_563 : memref<1x10000x64xf32, #tpu.memory_space<hbm>> -> memref<10000x64xf32, #tpu.memory_space<hbm>>
        %dma_start3A_565 = arith.constant 0 : i32
        %dma_start3A_566 = tpu.memref_slice %dma_start3A_564[%add3A_549, %dma_start3A_565] : memref<10000x64xf32, #tpu.memory_space<hbm>> -> memref<125x64xf32, #tpu.memory_space<hbm>>
        %dma_start3A_567 = arith.constant 0 : i32
        %dma_start3A_568 = arith.constant 0 : i32
        %dma_start3A_569 = tpu.memref_slice %arg10[%scan3A_224, %dma_start3A_567, %dma_start3A_568] : memref<4x125x64xf32, #tpu.memory_space<vmem>> -> memref<1x125x64xf32, #tpu.memory_space<vmem>>
        %dma_start3A_570 = tpu.memref_squeeze %dma_start3A_569 : memref<1x125x64xf32, #tpu.memory_space<vmem>> -> memref<125x64xf32, #tpu.memory_space<vmem>>
        %dma_start3A_571 = arith.constant 0 : i32
        %dma_start3A_572 = arith.constant 0 : i32
        %dma_start3A_573 = tpu.memref_slice %arg7[%add3A_156, %dma_start3A_571, %dma_start3A_572] : memref<4x10000x64xf32, #tpu.memory_space<hbm>> -> memref<1x10000x64xf32, #tpu.memory_space<hbm>>
        %dma_start3A_574 = tpu.memref_squeeze %dma_start3A_573 : memref<1x10000x64xf32, #tpu.memory_space<hbm>> -> memref<10000x64xf32, #tpu.memory_space<hbm>>
        %dma_start3A_575 = arith.constant 0 : i32
        %dma_start3A_576 = tpu.memref_slice %dma_start3A_574[%add3A_549, %dma_start3A_575] : memref<10000x64xf32, #tpu.memory_space<hbm>> -> memref<125x64xf32, #tpu.memory_space<hbm>>
        tpu.enqueue_dma source(%dma_start3A_576 : memref<125x64xf32, #tpu.memory_space<hbm>>) target(%dma_start3A_570 : memref<125x64xf32, #tpu.memory_space<vmem>>) target_semaphore(%run_scoped3A : memref<!tpu.dma_semaphore, #tpu.memory_space<semaphore_mem>>)
        %dma_wait3A_577 = arith.constant 0 : i32
        %dma_wait3A_578 = arith.constant 0 : i32
        %dma_wait3A_579 = tpu.memref_slice %arg10[%scan3A_224, %dma_wait3A_577, %dma_wait3A_578] : memref<4x125x64xf32, #tpu.memory_space<vmem>> -> memref<1x125x64xf32, #tpu.memory_space<vmem>>
        %dma_wait3A_580 = tpu.memref_squeeze %dma_wait3A_579 : memref<1x125x64xf32, #tpu.memory_space<vmem>> -> memref<125x64xf32, #tpu.memory_space<vmem>>
        %dma_wait3A_581 = arith.constant 0 : i32
        %dma_wait3A_582 = arith.constant 0 : i32
        %dma_wait3A_583 = tpu.memref_slice %arg7[%add3A_156, %dma_wait3A_581, %dma_wait3A_582] : memref<4x10000x64xf32, #tpu.memory_space<hbm>> -> memref<1x10000x64xf32, #tpu.memory_space<hbm>>
        %dma_wait3A_584 = tpu.memref_squeeze %dma_wait3A_583 : memref<1x10000x64xf32, #tpu.memory_space<hbm>> -> memref<10000x64xf32, #tpu.memory_space<hbm>>
        %dma_wait3A_585 = arith.constant 0 : i32
        %dma_wait3A_586 = tpu.memref_slice %dma_wait3A_584[%add3A_549, %dma_wait3A_585] : memref<10000x64xf32, #tpu.memory_space<hbm>> -> memref<125x64xf32, #tpu.memory_space<hbm>>
        %dma_wait3A_587 = arith.constant 0 : i32
        %dma_wait3A_588 = arith.constant 0 : i32
        %dma_wait3A_589 = tpu.memref_slice %arg10[%scan3A_224, %dma_wait3A_587, %dma_wait3A_588] : memref<4x125x64xf32, #tpu.memory_space<vmem>> -> memref<1x125x64xf32, #tpu.memory_space<vmem>>
        %dma_wait3A_590 = tpu.memref_squeeze %dma_wait3A_589 : memref<1x125x64xf32, #tpu.memory_space<vmem>> -> memref<125x64xf32, #tpu.memory_space<vmem>>
        %dma_wait3A_591 = arith.constant 0 : i32
        %dma_wait3A_592 = arith.constant 0 : i32
        %dma_wait3A_593 = tpu.memref_slice %arg7[%add3A_156, %dma_wait3A_591, %dma_wait3A_592] : memref<4x10000x64xf32, #tpu.memory_space<hbm>> -> memref<1x10000x64xf32, #tpu.memory_space<hbm>>
        %dma_wait3A_594 = tpu.memref_squeeze %dma_wait3A_593 : memref<1x10000x64xf32, #tpu.memory_space<hbm>> -> memref<10000x64xf32, #tpu.memory_space<hbm>>
        %dma_wait3A_595 = arith.constant 0 : i32
        %dma_wait3A_596 = tpu.memref_slice %dma_wait3A_594[%add3A_549, %dma_wait3A_595] : memref<10000x64xf32, #tpu.memory_space<hbm>> -> memref<125x64xf32, #tpu.memory_space<hbm>>
        tpu.wait_dma2 semaphore(%run_scoped3A : memref<!tpu.dma_semaphore, #tpu.memory_space<semaphore_mem>>) src(%dma_wait3A_596 : memref<125x64xf32, #tpu.memory_space<hbm>>) dst(%dma_wait3A_590 : memref<125x64xf32, #tpu.memory_space<vmem>>)
        tpu.yield
      }) : () -> ()
      %scan3A_552 = arith.constant 0 : i32
      %scan3A_553 = arith.constant 125 : i32
      %scan3A_554 = arith.addi %scan3A_552, %scan3A_553 : i32
      %scan3A_555 = arith.constant 1 : i32
      scf.for %scan3A_557 = %scan3A_552 to %scan3A_554 step %scan3A_555  : i32 {
        %mul3A_558 = arith.constant 1 : i32
        %mul3A_559 = arith.muli %scan3A_557, %mul3A_558 : i32
        %add3A_560 = arith.constant 0 : i32
        %add3A_561 = arith.addi %add3A_560, %mul3A_559 : i32
        %add3A_562 = arith.addi %mul3A_551, %add3A_561 : i32
        %get3A = arith.index_cast %add3A_562 : i32 to index
        %get3A_563 = arith.constant 0 : index
        %get3A_564 = tpu.vector_load %arg13[%get3A, %get3A_563] {strides = array<i32>} : memref<625x16xf32, #tpu.memory_space<vmem>>, vector<1x16xf32>,
        %get3A_565 = vector.shape_cast %get3A_564 : vector<1x16xf32> to vector<16xf32>
        %mul3A_566 = arith.mulf %get3A_565, %get3A_565 : vector<16xf32>
        %get3A_567 = arith.constant 1 : i32
        %get3A_568 = arith.index_cast %get3A_567 : i32 to index
        %get3A_569 = arith.index_cast %add3A_561 : i32 to index
        %get3A_570 = arith.constant 0 : index
        %get3A_571 = tpu.vector_load %arg10[%get3A_568, %get3A_569, %get3A_570] {strides = array<i32>} : memref<4x125x64xf32, #tpu.memory_space<vmem>>, vector<1x1x16xf32>,
        %get3A_572 = vector.shape_cast %get3A_571 : vector<1x1x16xf32> to vector<16xf32>
        %mul3A_573 = arith.mulf %get3A_572, %get3A_565 : vector<16xf32>
        %get3A_574 = arith.constant 2 : i32
        %get3A_575 = arith.index_cast %get3A_574 : i32 to index
        %get3A_576 = arith.index_cast %add3A_561 : i32 to index
        %get3A_577 = arith.constant 0 : index
        %get3A_578 = tpu.vector_load %arg10[%get3A_575, %get3A_576, %get3A_577] {strides = array<i32>} : memref<4x125x64xf32, #tpu.memory_space<vmem>>, vector<1x1x16xf32>,
        %get3A_579 = vector.shape_cast %get3A_578 : vector<1x1x16xf32> to vector<16xf32>
        %add3A_580 = arith.addf %get3A_579, %mul3A_573 : vector<16xf32>
        %swap3A = arith.constant 2 : i32
        %swap3A_581 = arith.index_cast %swap3A : i32 to index
        %swap3A_582 = arith.index_cast %add3A_561 : i32 to index
        %swap3A_583 = arith.constant 0 : index
        %swap3A_584 = tpu.vector_load %arg10[%swap3A_581, %swap3A_582, %swap3A_583] {strides = array<i32>} : memref<4x125x64xf32, #tpu.memory_space<vmem>>, vector<1x1x16xf32>,
        %swap3A_585 = vector.shape_cast %swap3A_584 : vector<1x1x16xf32> to vector<16xf32>
        %swap3A_586 = vector.shape_cast %add3A_580 : vector<16xf32> to vector<1x1x16xf32>
        tpu.vector_store %arg10[%swap3A_581, %swap3A_582, %swap3A_583], %swap3A_586 {strides = array<i32>} : memref<4x125x64xf32, #tpu.memory_space<vmem>>, vector<1x1x16xf32>,
        %mul3A_587 = arith.mulf %get3A_572, %mul3A_566 : vector<16xf32>
        %swap3A_588 = arith.constant 1 : i32
        %swap3A_589 = arith.index_cast %swap3A_588 : i32 to index
        %swap3A_590 = arith.index_cast %add3A_561 : i32 to index
        %swap3A_591 = arith.constant 0 : index
        %swap3A_592 = tpu.vector_load %arg10[%swap3A_589, %swap3A_590, %swap3A_591] {strides = array<i32>} : memref<4x125x64xf32, #tpu.memory_space<vmem>>, vector<1x1x16xf32>,
        %swap3A_593 = vector.shape_cast %swap3A_592 : vector<1x1x16xf32> to vector<16xf32>
        %swap3A_594 = vector.shape_cast %mul3A_587 : vector<16xf32> to vector<1x1x16xf32>
        tpu.vector_store %arg10[%swap3A_589, %swap3A_590, %swap3A_591], %swap3A_594 {strides = array<i32>} : memref<4x125x64xf32, #tpu.memory_space<vmem>>, vector<1x1x16xf32>,
        %get3A_595 = arith.constant 1 : i32
        %get3A_596 = arith.index_cast %get3A_595 : i32 to index
        %get3A_597 = arith.index_cast %add3A_561 : i32 to index
        %get3A_598 = arith.constant 16 : index
        %get3A_599 = tpu.vector_load %arg10[%get3A_596, %get3A_597, %get3A_598] {strides = array<i32>} : memref<4x125x64xf32, #tpu.memory_space<vmem>>, vector<1x1x16xf32>,
        %get3A_600 = vector.shape_cast %get3A_599 : vector<1x1x16xf32> to vector<16xf32>
        %mul3A_601 = arith.mulf %get3A_600, %get3A_565 : vector<16xf32>
        %get3A_602 = arith.constant 2 : i32
        %get3A_603 = arith.index_cast %get3A_602 : i32 to index
        %get3A_604 = arith.index_cast %add3A_561 : i32 to index
        %get3A_605 = arith.constant 16 : index
        %get3A_606 = tpu.vector_load %arg10[%get3A_603, %get3A_604, %get3A_605] {strides = array<i32>} : memref<4x125x64xf32, #tpu.memory_space<vmem>>, vector<1x1x16xf32>,
        %get3A_607 = vector.shape_cast %get3A_606 : vector<1x1x16xf32> to vector<16xf32>
        %add3A_608 = arith.addf %get3A_607, %mul3A_601 : vector<16xf32>
        %swap3A_609 = arith.constant 2 : i32
        %swap3A_610 = arith.index_cast %swap3A_609 : i32 to index
        %swap3A_611 = arith.index_cast %add3A_561 : i32 to index
        %swap3A_612 = arith.constant 16 : index
        %swap3A_613 = tpu.vector_load %arg10[%swap3A_610, %swap3A_611, %swap3A_612] {strides = array<i32>} : memref<4x125x64xf32, #tpu.memory_space<vmem>>, vector<1x1x16xf32>,
        %swap3A_614 = vector.shape_cast %swap3A_613 : vector<1x1x16xf32> to vector<16xf32>
        %swap3A_615 = vector.shape_cast %add3A_608 : vector<16xf32> to vector<1x1x16xf32>
        tpu.vector_store %arg10[%swap3A_610, %swap3A_611, %swap3A_612], %swap3A_615 {strides = array<i32>} : memref<4x125x64xf32, #tpu.memory_space<vmem>>, vector<1x1x16xf32>,
        %mul3A_616 = arith.mulf %get3A_600, %mul3A_566 : vector<16xf32>
        %swap3A_617 = arith.constant 1 : i32
        %swap3A_618 = arith.index_cast %swap3A_617 : i32 to index
        %swap3A_619 = arith.index_cast %add3A_561 : i32 to index
        %swap3A_620 = arith.constant 16 : index
        %swap3A_621 = tpu.vector_load %arg10[%swap3A_618, %swap3A_619, %swap3A_620] {strides = array<i32>} : memref<4x125x64xf32, #tpu.memory_space<vmem>>, vector<1x1x16xf32>,
        %swap3A_622 = vector.shape_cast %swap3A_621 : vector<1x1x16xf32> to vector<16xf32>
        %swap3A_623 = vector.shape_cast %mul3A_616 : vector<16xf32> to vector<1x1x16xf32>
        tpu.vector_store %arg10[%swap3A_618, %swap3A_619, %swap3A_620], %swap3A_623 {strides = array<i32>} : memref<4x125x64xf32, #tpu.memory_space<vmem>>, vector<1x1x16xf32>,
        %get3A_624 = arith.constant 1 : i32
        %get3A_625 = arith.index_cast %get3A_624 : i32 to index
        %get3A_626 = arith.index_cast %add3A_561 : i32 to index
        %get3A_627 = arith.constant 32 : index
        %get3A_628 = tpu.vector_load %arg10[%get3A_625, %get3A_626, %get3A_627] {strides = array<i32>} : memref<4x125x64xf32, #tpu.memory_space<vmem>>, vector<1x1x16xf32>,
        %get3A_629 = vector.shape_cast %get3A_628 : vector<1x1x16xf32> to vector<16xf32>
        %mul3A_630 = arith.mulf %get3A_629, %get3A_565 : vector<16xf32>
        %get3A_631 = arith.constant 2 : i32
        %get3A_632 = arith.index_cast %get3A_631 : i32 to index
        %get3A_633 = arith.index_cast %add3A_561 : i32 to index
        %get3A_634 = arith.constant 32 : index
        %get3A_635 = tpu.vector_load %arg10[%get3A_632, %get3A_633, %get3A_634] {strides = array<i32>} : memref<4x125x64xf32, #tpu.memory_space<vmem>>, vector<1x1x16xf32>,
        %get3A_636 = vector.shape_cast %get3A_635 : vector<1x1x16xf32> to vector<16xf32>
        %add3A_637 = arith.addf %get3A_636, %mul3A_630 : vector<16xf32>
        %swap3A_638 = arith.constant 2 : i32
        %swap3A_639 = arith.index_cast %swap3A_638 : i32 to index
        %swap3A_640 = arith.index_cast %add3A_561 : i32 to index
        %swap3A_641 = arith.constant 32 : index
        %swap3A_642 = tpu.vector_load %arg10[%swap3A_639, %swap3A_640, %swap3A_641] {strides = array<i32>} : memref<4x125x64xf32, #tpu.memory_space<vmem>>, vector<1x1x16xf32>,
        %swap3A_643 = vector.shape_cast %swap3A_642 : vector<1x1x16xf32> to vector<16xf32>
        %swap3A_644 = vector.shape_cast %add3A_637 : vector<16xf32> to vector<1x1x16xf32>
        tpu.vector_store %arg10[%swap3A_639, %swap3A_640, %swap3A_641], %swap3A_644 {strides = array<i32>} : memref<4x125x64xf32, #tpu.memory_space<vmem>>, vector<1x1x16xf32>,
        %mul3A_645 = arith.mulf %get3A_629, %mul3A_566 : vector<16xf32>
        %swap3A_646 = arith.constant 1 : i32
        %swap3A_647 = arith.index_cast %swap3A_646 : i32 to index
        %swap3A_648 = arith.index_cast %add3A_561 : i32 to index
        %swap3A_649 = arith.constant 32 : index
        %swap3A_650 = tpu.vector_load %arg10[%swap3A_647, %swap3A_648, %swap3A_649] {strides = array<i32>} : memref<4x125x64xf32, #tpu.memory_space<vmem>>, vector<1x1x16xf32>,
        %swap3A_651 = vector.shape_cast %swap3A_650 : vector<1x1x16xf32> to vector<16xf32>
        %swap3A_652 = vector.shape_cast %mul3A_645 : vector<16xf32> to vector<1x1x16xf32>
        tpu.vector_store %arg10[%swap3A_647, %swap3A_648, %swap3A_649], %swap3A_652 {strides = array<i32>} : memref<4x125x64xf32, #tpu.memory_space<vmem>>, vector<1x1x16xf32>,
        %get3A_653 = arith.constant 1 : i32
        %get3A_654 = arith.index_cast %get3A_653 : i32 to index
        %get3A_655 = arith.index_cast %add3A_561 : i32 to index
        %get3A_656 = arith.constant 48 : index
        %get3A_657 = tpu.vector_load %arg10[%get3A_654, %get3A_655, %get3A_656] {strides = array<i32>} : memref<4x125x64xf32, #tpu.memory_space<vmem>>, vector<1x1x16xf32>,
        %get3A_658 = vector.shape_cast %get3A_657 : vector<1x1x16xf32> to vector<16xf32>
        %mul3A_659 = arith.mulf %get3A_658, %get3A_565 : vector<16xf32>
        %get3A_660 = arith.constant 2 : i32
        %get3A_661 = arith.index_cast %get3A_660 : i32 to index
        %get3A_662 = arith.index_cast %add3A_561 : i32 to index
        %get3A_663 = arith.constant 48 : index
        %get3A_664 = tpu.vector_load %arg10[%get3A_661, %get3A_662, %get3A_663] {strides = array<i32>} : memref<4x125x64xf32, #tpu.memory_space<vmem>>, vector<1x1x16xf32>,
        %get3A_665 = vector.shape_cast %get3A_664 : vector<1x1x16xf32> to vector<16xf32>
        %add3A_666 = arith.addf %get3A_665, %mul3A_659 : vector<16xf32>
        %swap3A_667 = arith.constant 2 : i32
        %swap3A_668 = arith.index_cast %swap3A_667 : i32 to index
        %swap3A_669 = arith.index_cast %add3A_561 : i32 to index
        %swap3A_670 = arith.constant 48 : index
        %swap3A_671 = tpu.vector_load %arg10[%swap3A_668, %swap3A_669, %swap3A_670] {strides = array<i32>} : memref<4x125x64xf32, #tpu.memory_space<vmem>>, vector<1x1x16xf32>,
        %swap3A_672 = vector.shape_cast %swap3A_671 : vector<1x1x16xf32> to vector<16xf32>
        %swap3A_673 = vector.shape_cast %add3A_666 : vector<16xf32> to vector<1x1x16xf32>
        tpu.vector_store %arg10[%swap3A_668, %swap3A_669, %swap3A_670], %swap3A_673 {strides = array<i32>} : memref<4x125x64xf32, #tpu.memory_space<vmem>>, vector<1x1x16xf32>,
        %mul3A_674 = arith.mulf %get3A_658, %mul3A_566 : vector<16xf32>
        %swap3A_675 = arith.constant 1 : i32
        %swap3A_676 = arith.index_cast %swap3A_675 : i32 to index
        %swap3A_677 = arith.index_cast %add3A_561 : i32 to index
        %swap3A_678 = arith.constant 48 : index
        %swap3A_679 = tpu.vector_load %arg10[%swap3A_676, %swap3A_677, %swap3A_678] {strides = array<i32>} : memref<4x125x64xf32, #tpu.memory_space<vmem>>, vector<1x1x16xf32>,
        %swap3A_680 = vector.shape_cast %swap3A_679 : vector<1x1x16xf32> to vector<16xf32>
        %swap3A_681 = vector.shape_cast %mul3A_674 : vector<16xf32> to vector<1x1x16xf32>
        tpu.vector_store %arg10[%swap3A_676, %swap3A_677, %swap3A_678], %swap3A_681 {strides = array<i32>} : memref<4x125x64xf32, #tpu.memory_space<vmem>>, vector<1x1x16xf32>,
      }
      %scan3A_556 = arith.constant 125 : i32
      "tpu.region"() ({
        %run_scoped3A = tpu.sem_alloc : memref<!tpu.dma_semaphore, #tpu.memory_space<semaphore_mem>>
        %dma_start3A_557 = arith.constant 0 : i32
        %dma_start3A_558 = arith.constant 0 : i32
        %dma_start3A_559 = tpu.memref_slice %arg10[%scan3A_224, %dma_start3A_557, %dma_start3A_558] : memref<4x125x64xf32, #tpu.memory_space<vmem>> -> memref<1x125x64xf32, #tpu.memory_space<vmem>>
        %dma_start3A_560 = tpu.memref_squeeze %dma_start3A_559 : memref<1x125x64xf32, #tpu.memory_space<vmem>> -> memref<125x64xf32, #tpu.memory_space<vmem>>
        %dma_start3A_561 = arith.constant 0 : i32
        %dma_start3A_562 = arith.constant 0 : i32
        %dma_start3A_563 = tpu.memref_slice %arg7[%add3A_156, %dma_start3A_561, %dma_start3A_562] : memref<4x10000x64xf32, #tpu.memory_space<hbm>> -> memref<1x10000x64xf32, #tpu.memory_space<hbm>>
        %dma_start3A_564 = tpu.memref_squeeze %dma_start3A_563 : memref<1x10000x64xf32, #tpu.memory_space<hbm>> -> memref<10000x64xf32, #tpu.memory_space<hbm>>
        %dma_start3A_565 = arith.constant 0 : i32
        %dma_start3A_566 = tpu.memref_slice %dma_start3A_564[%add3A_549, %dma_start3A_565] : memref<10000x64xf32, #tpu.memory_space<hbm>> -> memref<125x64xf32, #tpu.memory_space<hbm>>
        %dma_start3A_567 = arith.constant 0 : i32
        %dma_start3A_568 = arith.constant 0 : i32
        %dma_start3A_569 = tpu.memref_slice %arg7[%add3A_156, %dma_start3A_567, %dma_start3A_568] : memref<4x10000x64xf32, #tpu.memory_space<hbm>> -> memref<1x10000x64xf32, #tpu.memory_space<hbm>>
        %dma_start3A_570 = tpu.memref_squeeze %dma_start3A_569 : memref<1x10000x64xf32, #tpu.memory_space<hbm>> -> memref<10000x64xf32, #tpu.memory_space<hbm>>
        %dma_start3A_571 = arith.constant 0 : i32
        %dma_start3A_572 = tpu.memref_slice %dma_start3A_570[%add3A_549, %dma_start3A_571] : memref<10000x64xf32, #tpu.memory_space<hbm>> -> memref<125x64xf32, #tpu.memory_space<hbm>>
        %dma_start3A_573 = arith.constant 0 : i32
        %dma_start3A_574 = arith.constant 0 : i32
        %dma_start3A_575 = tpu.memref_slice %arg10[%scan3A_224, %dma_start3A_573, %dma_start3A_574] : memref<4x125x64xf32, #tpu.memory_space<vmem>> -> memref<1x125x64xf32, #tpu.memory_space<vmem>>
        %dma_start3A_576 = tpu.memref_squeeze %dma_start3A_575 : memref<1x125x64xf32, #tpu.memory_space<vmem>> -> memref<125x64xf32, #tpu.memory_space<vmem>>
        tpu.enqueue_dma source(%dma_start3A_576 : memref<125x64xf32, #tpu.memory_space<vmem>>) target(%dma_start3A_572 : memref<125x64xf32, #tpu.memory_space<hbm>>) target_semaphore(%run_scoped3A : memref<!tpu.dma_semaphore, #tpu.memory_space<semaphore_mem>>)
        %dma_wait3A_577 = arith.constant 0 : i32
        %dma_wait3A_578 = arith.constant 0 : i32
        %dma_wait3A_579 = tpu.memref_slice %arg10[%scan3A_224, %dma_wait3A_577, %dma_wait3A_578] : memref<4x125x64xf32, #tpu.memory_space<vmem>> -> memref<1x125x64xf32, #tpu.memory_space<vmem>>
        %dma_wait3A_580 = tpu.memref_squeeze %dma_wait3A_579 : memref<1x125x64xf32, #tpu.memory_space<vmem>> -> memref<125x64xf32, #tpu.memory_space<vmem>>
        %dma_wait3A_581 = arith.constant 0 : i32
        %dma_wait3A_582 = arith.constant 0 : i32
        %dma_wait3A_583 = tpu.memref_slice %arg7[%add3A_156, %dma_wait3A_581, %dma_wait3A_582] : memref<4x10000x64xf32, #tpu.memory_space<hbm>> -> memref<1x10000x64xf32, #tpu.memory_space<hbm>>
        %dma_wait3A_584 = tpu.memref_squeeze %dma_wait3A_583 : memref<1x10000x64xf32, #tpu.memory_space<hbm>> -> memref<10000x64xf32, #tpu.memory_space<hbm>>
        %dma_wait3A_585 = arith.constant 0 : i32
        %dma_wait3A_586 = tpu.memref_slice %dma_wait3A_584[%add3A_549, %dma_wait3A_585] : memref<10000x64xf32, #tpu.memory_space<hbm>> -> memref<125x64xf32, #tpu.memory_space<hbm>>
        %dma_wait3A_587 = arith.constant 0 : i32
        %dma_wait3A_588 = arith.constant 0 : i32
        %dma_wait3A_589 = tpu.memref_slice %arg7[%add3A_156, %dma_wait3A_587, %dma_wait3A_588] : memref<4x10000x64xf32, #tpu.memory_space<hbm>> -> memref<1x10000x64xf32, #tpu.memory_space<hbm>>
        %dma_wait3A_590 = tpu.memref_squeeze %dma_wait3A_589 : memref<1x10000x64xf32, #tpu.memory_space<hbm>> -> memref<10000x64xf32, #tpu.memory_space<hbm>>
        %dma_wait3A_591 = arith.constant 0 : i32
        %dma_wait3A_592 = tpu.memref_slice %dma_wait3A_590[%add3A_549, %dma_wait3A_591] : memref<10000x64xf32, #tpu.memory_space<hbm>> -> memref<125x64xf32, #tpu.memory_space<hbm>>
        %dma_wait3A_593 = arith.constant 0 : i32
        %dma_wait3A_594 = arith.constant 0 : i32
        %dma_wait3A_595 = tpu.memref_slice %arg10[%scan3A_224, %dma_wait3A_593, %dma_wait3A_594] : memref<4x125x64xf32, #tpu.memory_space<vmem>> -> memref<1x125x64xf32, #tpu.memory_space<vmem>>
        %dma_wait3A_596 = tpu.memref_squeeze %dma_wait3A_595 : memref<1x125x64xf32, #tpu.memory_space<vmem>> -> memref<125x64xf32, #tpu.memory_space<vmem>>
        tpu.wait_dma2 semaphore(%run_scoped3A : memref<!tpu.dma_semaphore, #tpu.memory_space<semaphore_mem>>) src(%dma_wait3A_596 : memref<125x64xf32, #tpu.memory_space<vmem>>) dst(%dma_wait3A_592 : memref<125x64xf32, #tpu.memory_space<hbm>>)
        tpu.yield
      }) : () -> ()
      "tpu.region"() ({
        %run_scoped3A = tpu.sem_alloc : memref<!tpu.dma_semaphore, #tpu.memory_space<semaphore_mem>>
        %dma_start3A_557 = arith.constant 0 : i32
        %dma_start3A_558 = arith.constant 0 : i32
        %dma_start3A_559 = tpu.memref_slice %arg10[%scan3A_223, %dma_start3A_557, %dma_start3A_558] : memref<4x125x64xf32, #tpu.memory_space<vmem>> -> memref<1x125x64xf32, #tpu.memory_space<vmem>>
        %dma_start3A_560 = tpu.memref_squeeze %dma_start3A_559 : memref<1x125x64xf32, #tpu.memory_space<vmem>> -> memref<125x64xf32, #tpu.memory_space<vmem>>
        %dma_start3A_561 = arith.constant 0 : i32
        %dma_start3A_562 = arith.constant 0 : i32
        %dma_start3A_563 = tpu.memref_slice %arg6[%add3A_156, %dma_start3A_561, %dma_start3A_562] : memref<4x10000x64xf32, #tpu.memory_space<hbm>> -> memref<1x10000x64xf32, #tpu.memory_space<hbm>>
        %dma_start3A_564 = tpu.memref_squeeze %dma_start3A_563 : memref<1x10000x64xf32, #tpu.memory_space<hbm>> -> memref<10000x64xf32, #tpu.memory_space<hbm>>
        %dma_start3A_565 = arith.constant 0 : i32
        %dma_start3A_566 = tpu.memref_slice %dma_start3A_564[%add3A_549, %dma_start3A_565] : memref<10000x64xf32, #tpu.memory_space<hbm>> -> memref<125x64xf32, #tpu.memory_space<hbm>>
        %dma_start3A_567 = arith.constant 0 : i32
        %dma_start3A_568 = arith.constant 0 : i32
        %dma_start3A_569 = tpu.memref_slice %arg6[%add3A_156, %dma_start3A_567, %dma_start3A_568] : memref<4x10000x64xf32, #tpu.memory_space<hbm>> -> memref<1x10000x64xf32, #tpu.memory_space<hbm>>
        %dma_start3A_570 = tpu.memref_squeeze %dma_start3A_569 : memref<1x10000x64xf32, #tpu.memory_space<hbm>> -> memref<10000x64xf32, #tpu.memory_space<hbm>>
        %dma_start3A_571 = arith.constant 0 : i32
        %dma_start3A_572 = tpu.memref_slice %dma_start3A_570[%add3A_549, %dma_start3A_571] : memref<10000x64xf32, #tpu.memory_space<hbm>> -> memref<125x64xf32, #tpu.memory_space<hbm>>
        %dma_start3A_573 = arith.constant 0 : i32
        %dma_start3A_574 = arith.constant 0 : i32
        %dma_start3A_575 = tpu.memref_slice %arg10[%scan3A_223, %dma_start3A_573, %dma_start3A_574] : memref<4x125x64xf32, #tpu.memory_space<vmem>> -> memref<1x125x64xf32, #tpu.memory_space<vmem>>
        %dma_start3A_576 = tpu.memref_squeeze %dma_start3A_575 : memref<1x125x64xf32, #tpu.memory_space<vmem>> -> memref<125x64xf32, #tpu.memory_space<vmem>>
        tpu.enqueue_dma source(%dma_start3A_576 : memref<125x64xf32, #tpu.memory_space<vmem>>) target(%dma_start3A_572 : memref<125x64xf32, #tpu.memory_space<hbm>>) target_semaphore(%run_scoped3A : memref<!tpu.dma_semaphore, #tpu.memory_space<semaphore_mem>>)
        %dma_wait3A_577 = arith.constant 0 : i32
        %dma_wait3A_578 = arith.constant 0 : i32
        %dma_wait3A_579 = tpu.memref_slice %arg10[%scan3A_223, %dma_wait3A_577, %dma_wait3A_578] : memref<4x125x64xf32, #tpu.memory_space<vmem>> -> memref<1x125x64xf32, #tpu.memory_space<vmem>>
        %dma_wait3A_580 = tpu.memref_squeeze %dma_wait3A_579 : memref<1x125x64xf32, #tpu.memory_space<vmem>> -> memref<125x64xf32, #tpu.memory_space<vmem>>
        %dma_wait3A_581 = arith.constant 0 : i32
        %dma_wait3A_582 = arith.constant 0 : i32
        %dma_wait3A_583 = tpu.memref_slice %arg6[%add3A_156, %dma_wait3A_581, %dma_wait3A_582] : memref<4x10000x64xf32, #tpu.memory_space<hbm>> -> memref<1x10000x64xf32, #tpu.memory_space<hbm>>
        %dma_wait3A_584 = tpu.memref_squeeze %dma_wait3A_583 : memref<1x10000x64xf32, #tpu.memory_space<hbm>> -> memref<10000x64xf32, #tpu.memory_space<hbm>>
        %dma_wait3A_585 = arith.constant 0 : i32
        %dma_wait3A_586 = tpu.memref_slice %dma_wait3A_584[%add3A_549, %dma_wait3A_585] : memref<10000x64xf32, #tpu.memory_space<hbm>> -> memref<125x64xf32, #tpu.memory_space<hbm>>
        %dma_wait3A_587 = arith.constant 0 : i32
        %dma_wait3A_588 = arith.constant 0 : i32
        %dma_wait3A_589 = tpu.memref_slice %arg6[%add3A_156, %dma_wait3A_587, %dma_wait3A_588] : memref<4x10000x64xf32, #tpu.memory_space<hbm>> -> memref<1x10000x64xf32, #tpu.memory_space<hbm>>
        %dma_wait3A_590 = tpu.memref_squeeze %dma_wait3A_589 : memref<1x10000x64xf32, #tpu.memory_space<hbm>> -> memref<10000x64xf32, #tpu.memory_space<hbm>>
        %dma_wait3A_591 = arith.constant 0 : i32
        %dma_wait3A_592 = tpu.memref_slice %dma_wait3A_590[%add3A_549, %dma_wait3A_591] : memref<10000x64xf32, #tpu.memory_space<hbm>> -> memref<125x64xf32, #tpu.memory_space<hbm>>
        %dma_wait3A_593 = arith.constant 0 : i32
        %dma_wait3A_594 = arith.constant 0 : i32
        %dma_wait3A_595 = tpu.memref_slice %arg10[%scan3A_223, %dma_wait3A_593, %dma_wait3A_594] : memref<4x125x64xf32, #tpu.memory_space<vmem>> -> memref<1x125x64xf32, #tpu.memory_space<vmem>>
        %dma_wait3A_596 = tpu.memref_squeeze %dma_wait3A_595 : memref<1x125x64xf32, #tpu.memory_space<vmem>> -> memref<125x64xf32, #tpu.memory_space<vmem>>
        tpu.wait_dma2 semaphore(%run_scoped3A : memref<!tpu.dma_semaphore, #tpu.memory_space<semaphore_mem>>) src(%dma_wait3A_596 : memref<125x64xf32, #tpu.memory_space<vmem>>) dst(%dma_wait3A_592 : memref<125x64xf32, #tpu.memory_space<hbm>>)
        tpu.yield
      }) : () -> ()
    }
    %scan3A_229 = arith.constant 5 : i32
    %barrier3A_230 = arith.constant 0 : index
    tpu.barrier barrier_id(%barrier3A_230)
    %mul3A_231 = arith.constant 2 : i32
    %mul3A_232 = arith.muli %arg0, %mul3A_231 : i32
    %add3A_233 = arith.constant 0 : i32
    %add3A_234 = arith.addi %mul3A_232, %add3A_233 : i32
    %dma_start3A_235 = arith.constant 0 : i32
    %dma_start3A_236 = arith.constant 0 : i32
    %dma_start3A_237 = arith.constant 0 : i32
    %dma_start3A_238 = arith.constant 0 : i32
    %dma_start3A_239 = tpu.memref_slice %arg10[%dma_start3A_236, %dma_start3A_237, %dma_start3A_238] : memref<4x125x64xf32, #tpu.memory_space<vmem>> -> memref<1x125x64xf32, #tpu.memory_space<vmem>>
    %dma_start3A_240 = tpu.memref_squeeze %dma_start3A_239 : memref<1x125x64xf32, #tpu.memory_space<vmem>> -> memref<125x64xf32, #tpu.memory_space<vmem>>
    %dma_start3A_241 = arith.constant 0 : i32
    %dma_start3A_242 = tpu.memref_slice %arg12[%dma_start3A_235, %dma_start3A_241] : memref<80x125xi32, #tpu.memory_space<vmem>> -> memref<1x125xi32, #tpu.memory_space<vmem>>
    %dma_start3A_243 = tpu.memref_squeeze %dma_start3A_242 : memref<1x125xi32, #tpu.memory_space<vmem>> -> memref<125xi32, #tpu.memory_space<vmem>>
    %dma_start3A_244 = arith.constant 0 : i32
    %dma_start3A_245 = arith.constant 0 : i32
    %dma_start3A_246 = tpu.memref_slice %arg6[%add3A_234, %dma_start3A_244, %dma_start3A_245] : memref<4x10000x64xf32, #tpu.memory_space<hbm>> -> memref<1x10000x64xf32, #tpu.memory_space<hbm>>
    %dma_start3A_247 = tpu.memref_squeeze %dma_start3A_246 : memref<1x10000x64xf32, #tpu.memory_space<hbm>> -> memref<10000x64xf32, #tpu.memory_space<hbm>>
    %dma_start3A_248 = arith.constant 0 : i32
    %dma_start3A_249 = arith.constant 0 : i32
    %dma_start3A_250 = tpu.memref_slice %dma_start3A_247[%dma_start3A_248, %dma_start3A_249] : memref<10000x64xf32, #tpu.memory_space<hbm>> -> memref<10000x64xf32, #tpu.memory_space<hbm>>
    tpu.enqueue_indirect_dma source(%dma_start3A_250 : memref<10000x64xf32, #tpu.memory_space<hbm>>) target(%dma_start3A_240 : memref<125x64xf32, #tpu.memory_space<vmem>>) offsets(%dma_start3A_243 : memref<125xi32, #tpu.memory_space<vmem>>) semaphore(%arg17 : memref<!tpu.dma_semaphore, #tpu.memory_space<semaphore_mem>>)
    %dma_start3A_251 = arith.constant 1 : i32
    %dma_start3A_252 = arith.constant 1 : i32
    %dma_start3A_253 = arith.constant 0 : i32
    %dma_start3A_254 = arith.constant 0 : i32
    %dma_start3A_255 = tpu.memref_slice %arg10[%dma_start3A_252, %dma_start3A_253, %dma_start3A_254] : memref<4x125x64xf32, #tpu.memory_space<vmem>> -> memref<1x125x64xf32, #tpu.memory_space<vmem>>
    %dma_start3A_256 = tpu.memref_squeeze %dma_start3A_255 : memref<1x125x64xf32, #tpu.memory_space<vmem>> -> memref<125x64xf32, #tpu.memory_space<vmem>>
    %dma_start3A_257 = arith.constant 0 : i32
    %dma_start3A_258 = tpu.memref_slice %arg12[%dma_start3A_251, %dma_start3A_257] : memref<80x125xi32, #tpu.memory_space<vmem>> -> memref<1x125xi32, #tpu.memory_space<vmem>>
    %dma_start3A_259 = tpu.memref_squeeze %dma_start3A_258 : memref<1x125xi32, #tpu.memory_space<vmem>> -> memref<125xi32, #tpu.memory_space<vmem>>
    %dma_start3A_260 = arith.constant 0 : i32
    %dma_start3A_261 = arith.constant 0 : i32
    %dma_start3A_262 = tpu.memref_slice %arg6[%add3A_234, %dma_start3A_260, %dma_start3A_261] : memref<4x10000x64xf32, #tpu.memory_space<hbm>> -> memref<1x10000x64xf32, #tpu.memory_space<hbm>>
    %dma_start3A_263 = tpu.memref_squeeze %dma_start3A_262 : memref<1x10000x64xf32, #tpu.memory_space<hbm>> -> memref<10000x64xf32, #tpu.memory_space<hbm>>
    %dma_start3A_264 = arith.constant 0 : i32
    %dma_start3A_265 = arith.constant 0 : i32
    %dma_start3A_266 = tpu.memref_slice %dma_start3A_263[%dma_start3A_264, %dma_start3A_265] : memref<10000x64xf32, #tpu.memory_space<hbm>> -> memref<10000x64xf32, #tpu.memory_space<hbm>>
    tpu.enqueue_indirect_dma source(%dma_start3A_266 : memref<10000x64xf32, #tpu.memory_space<hbm>>) target(%dma_start3A_256 : memref<125x64xf32, #tpu.memory_space<vmem>>) offsets(%dma_start3A_259 : memref<125xi32, #tpu.memory_space<vmem>>) semaphore(%arg17 : memref<!tpu.dma_semaphore, #tpu.memory_space<semaphore_mem>>)
    %dma_start3A_267 = arith.constant 2 : i32
    %dma_start3A_268 = arith.constant 2 : i32
    %dma_start3A_269 = arith.constant 0 : i32
    %dma_start3A_270 = arith.constant 0 : i32
    %dma_start3A_271 = tpu.memref_slice %arg10[%dma_start3A_268, %dma_start3A_269, %dma_start3A_270] : memref<4x125x64xf32, #tpu.memory_space<vmem>> -> memref<1x125x64xf32, #tpu.memory_space<vmem>>
    %dma_start3A_272 = tpu.memref_squeeze %dma_start3A_271 : memref<1x125x64xf32, #tpu.memory_space<vmem>> -> memref<125x64xf32, #tpu.memory_space<vmem>>
    %dma_start3A_273 = arith.constant 0 : i32
    %dma_start3A_274 = tpu.memref_slice %arg12[%dma_start3A_267, %dma_start3A_273] : memref<80x125xi32, #tpu.memory_space<vmem>> -> memref<1x125xi32, #tpu.memory_space<vmem>>
    %dma_start3A_275 = tpu.memref_squeeze %dma_start3A_274 : memref<1x125xi32, #tpu.memory_space<vmem>> -> memref<125xi32, #tpu.memory_space<vmem>>
    %dma_start3A_276 = arith.constant 0 : i32
    %dma_start3A_277 = arith.constant 0 : i32
    %dma_start3A_278 = tpu.memref_slice %arg6[%add3A_234, %dma_start3A_276, %dma_start3A_277] : memref<4x10000x64xf32, #tpu.memory_space<hbm>> -> memref<1x10000x64xf32, #tpu.memory_space<hbm>>
    %dma_start3A_279 = tpu.memref_squeeze %dma_start3A_278 : memref<1x10000x64xf32, #tpu.memory_space<hbm>> -> memref<10000x64xf32, #tpu.memory_space<hbm>>
    %dma_start3A_280 = arith.constant 0 : i32
    %dma_start3A_281 = arith.constant 0 : i32
    %dma_start3A_282 = tpu.memref_slice %dma_start3A_279[%dma_start3A_280, %dma_start3A_281] : memref<10000x64xf32, #tpu.memory_space<hbm>> -> memref<10000x64xf32, #tpu.memory_space<hbm>>
    tpu.enqueue_indirect_dma source(%dma_start3A_282 : memref<10000x64xf32, #tpu.memory_space<hbm>>) target(%dma_start3A_272 : memref<125x64xf32, #tpu.memory_space<vmem>>) offsets(%dma_start3A_275 : memref<125xi32, #tpu.memory_space<vmem>>) semaphore(%arg17 : memref<!tpu.dma_semaphore, #tpu.memory_space<semaphore_mem>>)
    %scan3A_283 = arith.constant 0 : i32
    %scan3A_284 = arith.constant 80 : i32
    %scan3A_285 = arith.addi %scan3A_283, %scan3A_284 : i32
    %scan3A_286 = arith.constant 1 : i32
    scf.for %scan3A_542 = %scan3A_283 to %scan3A_285 step %scan3A_286  : i32 {
      %mul3A_543 = arith.constant 1 : i32
      %mul3A_544 = arith.muli %scan3A_542, %mul3A_543 : i32
      %add3A_545 = arith.constant 0 : i32
      %add3A_546 = arith.addi %add3A_545, %mul3A_544 : i32
      %rem3A = arith.constant 4 : i32
      %rem3A_547 = arith.remsi %add3A_546, %rem3A : i32
      %add3A_548 = arith.constant 4 : i32
      %add3A_549 = arith.addi %add3A_546, %add3A_548 : i32
      %sub3A = arith.constant 1 : i32
      %sub3A_550 = arith.subi %add3A_549, %sub3A : i32
      %rem3A_551 = arith.constant 4 : i32
      %rem3A_552 = arith.remsi %sub3A_550, %rem3A_551 : i32
      %dma_wait3A_553 = arith.constant 0 : i32
      %dma_wait3A_554 = arith.constant 0 : i32
      %dma_wait3A_555 = tpu.memref_slice %arg10[%rem3A_547, %dma_wait3A_553, %dma_wait3A_554] : memref<4x125x64xf32, #tpu.memory_space<vmem>> -> memref<1x125x64xf32, #tpu.memory_space<vmem>>
      %dma_wait3A_556 = tpu.memref_squeeze %dma_wait3A_555 : memref<1x125x64xf32, #tpu.memory_space<vmem>> -> memref<125x64xf32, #tpu.memory_space<vmem>>
      %dma_wait3A_557 = arith.constant 0 : i32
      %dma_wait3A_558 = tpu.memref_slice %arg12[%add3A_546, %dma_wait3A_557] : memref<80x125xi32, #tpu.memory_space<vmem>> -> memref<1x125xi32, #tpu.memory_space<vmem>>
      %dma_wait3A_559 = tpu.memref_squeeze %dma_wait3A_558 : memref<1x125xi32, #tpu.memory_space<vmem>> -> memref<125xi32, #tpu.memory_space<vmem>>
      %dma_wait3A_560 = arith.constant 0 : i32
      %dma_wait3A_561 = arith.constant 0 : i32
      %dma_wait3A_562 = tpu.memref_slice %arg6[%add3A_234, %dma_wait3A_560, %dma_wait3A_561] : memref<4x10000x64xf32, #tpu.memory_space<hbm>> -> memref<1x10000x64xf32, #tpu.memory_space<hbm>>
      %dma_wait3A_563 = tpu.memref_squeeze %dma_wait3A_562 : memref<1x10000x64xf32, #tpu.memory_space<hbm>> -> memref<10000x64xf32, #tpu.memory_space<hbm>>
      %dma_wait3A_564 = arith.constant 0 : i32
      %dma_wait3A_565 = arith.constant 0 : i32
      %dma_wait3A_566 = tpu.memref_slice %dma_wait3A_563[%dma_wait3A_564, %dma_wait3A_565] : memref<10000x64xf32, #tpu.memory_space<hbm>> -> memref<10000x64xf32, #tpu.memory_space<hbm>>
      tpu.wait_indirect_dma semaphore(%arg17 : memref<!tpu.dma_semaphore, #tpu.memory_space<semaphore_mem>>) src(%dma_wait3A_566 : memref<10000x64xf32, #tpu.memory_space<hbm>>) dst(%dma_wait3A_556 : memref<125x64xf32, #tpu.memory_space<vmem>>)
      %dma_start3A_567 = arith.constant 0 : i32
      %dma_start3A_568 = arith.constant 0 : i32
      %dma_start3A_569 = tpu.memref_slice %arg10[%rem3A_547, %dma_start3A_567, %dma_start3A_568] : memref<4x125x64xf32, #tpu.memory_space<vmem>> -> memref<1x125x64xf32, #tpu.memory_space<vmem>>
      %dma_start3A_570 = tpu.memref_squeeze %dma_start3A_569 : memref<1x125x64xf32, #tpu.memory_space<vmem>> -> memref<125x64xf32, #tpu.memory_space<vmem>>
      %dma_start3A_571 = arith.constant 0 : i32
      %dma_start3A_572 = tpu.memref_slice %arg11[%add3A_546, %dma_start3A_571] : memref<80x125xi32, #tpu.memory_space<vmem>> -> memref<1x125xi32, #tpu.memory_space<vmem>>
      %dma_start3A_573 = tpu.memref_squeeze %dma_start3A_572 : memref<1x125xi32, #tpu.memory_space<vmem>> -> memref<125xi32, #tpu.memory_space<vmem>>
      %dma_start3A_574 = arith.constant 0 : i32
      %dma_start3A_575 = arith.constant 0 : i32
      %dma_start3A_576 = tpu.memref_slice %arg8[%dma_start3A_574, %dma_start3A_575] : memref<10000x64xf32, #tpu.memory_space<vmem_shared>> -> memref<10000x64xf32, #tpu.memory_space<vmem_shared>>
      tpu.enqueue_indirect_dma source(%dma_start3A_570 : memref<125x64xf32, #tpu.memory_space<vmem>>) target(%dma_start3A_576 : memref<10000x64xf32, #tpu.memory_space<vmem_shared>>) offsets(%dma_start3A_573 : memref<125xi32, #tpu.memory_space<vmem>>) semaphore(%arg18 : memref<!tpu.dma_semaphore, #tpu.memory_space<semaphore_mem>>) {add = true}
      %ge3A = arith.constant 1 : i32
      %ge3A_577 = arith.cmpi sge, %add3A_546, %ge3A : i32
      %convert_element_type3A = arith.extui %ge3A_577 : i1 to i32
      %cond3A = arith.constant 0 : i32
      %cond3A_578 = arith.cmpi ne, %convert_element_type3A, %cond3A : i32
      scf.if %cond3A_578 {
        %sub3A_583 = arith.constant 1 : i32
        %sub3A_584 = arith.subi %add3A_546, %sub3A_583 : i32
        %dma_wait3A_585 = arith.constant 0 : i32
        %dma_wait3A_586 = arith.constant 0 : i32
        %dma_wait3A_587 = tpu.memref_slice %arg10[%rem3A_552, %dma_wait3A_585, %dma_wait3A_586] : memref<4x125x64xf32, #tpu.memory_space<vmem>> -> memref<1x125x64xf32, #tpu.memory_space<vmem>>
        %dma_wait3A_588 = tpu.memref_squeeze %dma_wait3A_587 : memref<1x125x64xf32, #tpu.memory_space<vmem>> -> memref<125x64xf32, #tpu.memory_space<vmem>>
        %dma_wait3A_589 = arith.constant 0 : i32
        %dma_wait3A_590 = tpu.memref_slice %arg11[%sub3A_584, %dma_wait3A_589] : memref<80x125xi32, #tpu.memory_space<vmem>> -> memref<1x125xi32, #tpu.memory_space<vmem>>
        %dma_wait3A_591 = tpu.memref_squeeze %dma_wait3A_590 : memref<1x125xi32, #tpu.memory_space<vmem>> -> memref<125xi32, #tpu.memory_space<vmem>>
        %dma_wait3A_592 = arith.constant 0 : i32
        %dma_wait3A_593 = arith.constant 0 : i32
        %dma_wait3A_594 = tpu.memref_slice %arg8[%dma_wait3A_592, %dma_wait3A_593] : memref<10000x64xf32, #tpu.memory_space<vmem_shared>> -> memref<10000x64xf32, #tpu.memory_space<vmem_shared>>
        tpu.wait_indirect_dma semaphore(%arg18 : memref<!tpu.dma_semaphore, #tpu.memory_space<semaphore_mem>>) src(%dma_wait3A_588 : memref<125x64xf32, #tpu.memory_space<vmem>>) dst(%dma_wait3A_594 : memref<10000x64xf32, #tpu.memory_space<vmem_shared>>)
      } else {
      }
      %lt3A = arith.constant 77 : i32
      %lt3A_579 = arith.cmpi slt, %add3A_546, %lt3A : i32
      %convert_element_type3A_580 = arith.extui %lt3A_579 : i1 to i32
      %cond3A_581 = arith.constant 0 : i32
      %cond3A_582 = arith.cmpi ne, %convert_element_type3A_580, %cond3A_581 : i32
      scf.if %cond3A_582 {
        %add3A_583 = arith.constant 3 : i32
        %add3A_584 = arith.addi %add3A_546, %add3A_583 : i32
        %dma_start3A_585 = arith.constant 0 : i32
        %dma_start3A_586 = arith.constant 0 : i32
        %dma_start3A_587 = tpu.memref_slice %arg10[%rem3A_552, %dma_start3A_585, %dma_start3A_586] : memref<4x125x64xf32, #tpu.memory_space<vmem>> -> memref<1x125x64xf32, #tpu.memory_space<vmem>>
        %dma_start3A_588 = tpu.memref_squeeze %dma_start3A_587 : memref<1x125x64xf32, #tpu.memory_space<vmem>> -> memref<125x64xf32, #tpu.memory_space<vmem>>
        %dma_start3A_589 = arith.constant 0 : i32
        %dma_start3A_590 = tpu.memref_slice %arg12[%add3A_584, %dma_start3A_589] : memref<80x125xi32, #tpu.memory_space<vmem>> -> memref<1x125xi32, #tpu.memory_space<vmem>>
        %dma_start3A_591 = tpu.memref_squeeze %dma_start3A_590 : memref<1x125xi32, #tpu.memory_space<vmem>> -> memref<125xi32, #tpu.memory_space<vmem>>
        %dma_start3A_592 = arith.constant 0 : i32
        %dma_start3A_593 = arith.constant 0 : i32
        %dma_start3A_594 = tpu.memref_slice %arg6[%add3A_234, %dma_start3A_592, %dma_start3A_593] : memref<4x10000x64xf32, #tpu.memory_space<hbm>> -> memref<1x10000x64xf32, #tpu.memory_space<hbm>>
        %dma_start3A_595 = tpu.memref_squeeze %dma_start3A_594 : memref<1x10000x64xf32, #tpu.memory_space<hbm>> -> memref<10000x64xf32, #tpu.memory_space<hbm>>
        %dma_start3A_596 = arith.constant 0 : i32
        %dma_start3A_597 = arith.constant 0 : i32
        %dma_start3A_598 = tpu.memref_slice %dma_start3A_595[%dma_start3A_596, %dma_start3A_597] : memref<10000x64xf32, #tpu.memory_space<hbm>> -> memref<10000x64xf32, #tpu.memory_space<hbm>>
        tpu.enqueue_indirect_dma source(%dma_start3A_598 : memref<10000x64xf32, #tpu.memory_space<hbm>>) target(%dma_start3A_588 : memref<125x64xf32, #tpu.memory_space<vmem>>) offsets(%dma_start3A_591 : memref<125xi32, #tpu.memory_space<vmem>>) semaphore(%arg17 : memref<!tpu.dma_semaphore, #tpu.memory_space<semaphore_mem>>)
      } else {
      }
    }
    %scan3A_287 = arith.constant 80 : i32
    %dma_wait3A_288 = arith.constant 3 : i32
    %dma_wait3A_289 = arith.constant 79 : i32
    %dma_wait3A_290 = arith.constant 0 : i32
    %dma_wait3A_291 = arith.constant 0 : i32
    %dma_wait3A_292 = tpu.memref_slice %arg10[%dma_wait3A_288, %dma_wait3A_290, %dma_wait3A_291] : memref<4x125x64xf32, #tpu.memory_space<vmem>> -> memref<1x125x64xf32, #tpu.memory_space<vmem>>
    %dma_wait3A_293 = tpu.memref_squeeze %dma_wait3A_292 : memref<1x125x64xf32, #tpu.memory_space<vmem>> -> memref<125x64xf32, #tpu.memory_space<vmem>>
    %dma_wait3A_294 = arith.constant 0 : i32
    %dma_wait3A_295 = tpu.memref_slice %arg11[%dma_wait3A_289, %dma_wait3A_294] : memref<80x125xi32, #tpu.memory_space<vmem>> -> memref<1x125xi32, #tpu.memory_space<vmem>>
    %dma_wait3A_296 = tpu.memref_squeeze %dma_wait3A_295 : memref<1x125xi32, #tpu.memory_space<vmem>> -> memref<125xi32, #tpu.memory_space<vmem>>
    %dma_wait3A_297 = arith.constant 0 : i32
    %dma_wait3A_298 = arith.constant 0 : i32
    %dma_wait3A_299 = tpu.memref_slice %arg8[%dma_wait3A_297, %dma_wait3A_298] : memref<10000x64xf32, #tpu.memory_space<vmem_shared>> -> memref<10000x64xf32, #tpu.memory_space<vmem_shared>>
    tpu.wait_indirect_dma semaphore(%arg18 : memref<!tpu.dma_semaphore, #tpu.memory_space<semaphore_mem>>) src(%dma_wait3A_293 : memref<125x64xf32, #tpu.memory_space<vmem>>) dst(%dma_wait3A_299 : memref<10000x64xf32, #tpu.memory_space<vmem_shared>>)
    %barrier3A_300 = arith.constant 0 : index
    tpu.barrier barrier_id(%barrier3A_300)
    %scan3A_301 = arith.constant 1 : i32
    %scan3A_302 = arith.constant 2 : i32
    %scan3A_303 = arith.constant 0 : i32
    %scan3A_304 = arith.constant 5 : i32
    %scan3A_305 = arith.addi %scan3A_303, %scan3A_304 : i32
    %scan3A_306 = arith.constant 1 : i32
    scf.for %scan3A_542 = %scan3A_303 to %scan3A_305 step %scan3A_306  : i32 {
      %mul3A_543 = arith.constant 1 : i32
      %mul3A_544 = arith.muli %scan3A_542, %mul3A_543 : i32
      %add3A_545 = arith.constant 0 : i32
      %add3A_546 = arith.addi %add3A_545, %mul3A_544 : i32
      %mul3A_547 = arith.constant 125 : i32
      %mul3A_548 = arith.muli %add3A_546, %mul3A_547 : i32
      %add3A_549 = arith.addi %mul3A_0, %mul3A_548 : i32
      %mul3A_550 = arith.constant 125 : i32
      %mul3A_551 = arith.muli %add3A_546, %mul3A_550 : i32
      "tpu.region"() ({
        %run_scoped3A = tpu.sem_alloc : memref<!tpu.dma_semaphore, #tpu.memory_space<semaphore_mem>>
        %dma_start3A_557 = arith.constant 0 : i32
        %dma_start3A_558 = arith.constant 0 : i32
        %dma_start3A_559 = tpu.memref_slice %arg10[%scan3A_301, %dma_start3A_557, %dma_start3A_558] : memref<4x125x64xf32, #tpu.memory_space<vmem>> -> memref<1x125x64xf32, #tpu.memory_space<vmem>>
        %dma_start3A_560 = tpu.memref_squeeze %dma_start3A_559 : memref<1x125x64xf32, #tpu.memory_space<vmem>> -> memref<125x64xf32, #tpu.memory_space<vmem>>
        %dma_start3A_561 = arith.constant 0 : i32
        %dma_start3A_562 = tpu.memref_slice %arg8[%add3A_549, %dma_start3A_561] : memref<10000x64xf32, #tpu.memory_space<vmem_shared>> -> memref<125x64xf32, #tpu.memory_space<vmem_shared>>
        %dma_start3A_563 = arith.constant 0 : i32
        %dma_start3A_564 = arith.constant 0 : i32
        %dma_start3A_565 = tpu.memref_slice %arg10[%scan3A_301, %dma_start3A_563, %dma_start3A_564] : memref<4x125x64xf32, #tpu.memory_space<vmem>> -> memref<1x125x64xf32, #tpu.memory_space<vmem>>
        %dma_start3A_566 = tpu.memref_squeeze %dma_start3A_565 : memref<1x125x64xf32, #tpu.memory_space<vmem>> -> memref<125x64xf32, #tpu.memory_space<vmem>>
        %dma_start3A_567 = arith.constant 0 : i32
        %dma_start3A_568 = tpu.memref_slice %arg8[%add3A_549, %dma_start3A_567] : memref<10000x64xf32, #tpu.memory_space<vmem_shared>> -> memref<125x64xf32, #tpu.memory_space<vmem_shared>>
        tpu.enqueue_dma source(%dma_start3A_568 : memref<125x64xf32, #tpu.memory_space<vmem_shared>>) target(%dma_start3A_566 : memref<125x64xf32, #tpu.memory_space<vmem>>) target_semaphore(%run_scoped3A : memref<!tpu.dma_semaphore, #tpu.memory_space<semaphore_mem>>)
        %dma_wait3A_569 = arith.constant 0 : i32
        %dma_wait3A_570 = arith.constant 0 : i32
        %dma_wait3A_571 = tpu.memref_slice %arg10[%scan3A_301, %dma_wait3A_569, %dma_wait3A_570] : memref<4x125x64xf32, #tpu.memory_space<vmem>> -> memref<1x125x64xf32, #tpu.memory_space<vmem>>
        %dma_wait3A_572 = tpu.memref_squeeze %dma_wait3A_571 : memref<1x125x64xf32, #tpu.memory_space<vmem>> -> memref<125x64xf32, #tpu.memory_space<vmem>>
        %dma_wait3A_573 = arith.constant 0 : i32
        %dma_wait3A_574 = tpu.memref_slice %arg8[%add3A_549, %dma_wait3A_573] : memref<10000x64xf32, #tpu.memory_space<vmem_shared>> -> memref<125x64xf32, #tpu.memory_space<vmem_shared>>
        %dma_wait3A_575 = arith.constant 0 : i32
        %dma_wait3A_576 = arith.constant 0 : i32
        %dma_wait3A_577 = tpu.memref_slice %arg10[%scan3A_301, %dma_wait3A_575, %dma_wait3A_576] : memref<4x125x64xf32, #tpu.memory_space<vmem>> -> memref<1x125x64xf32, #tpu.memory_space<vmem>>
        %dma_wait3A_578 = tpu.memref_squeeze %dma_wait3A_577 : memref<1x125x64xf32, #tpu.memory_space<vmem>> -> memref<125x64xf32, #tpu.memory_space<vmem>>
        %dma_wait3A_579 = arith.constant 0 : i32
        %dma_wait3A_580 = tpu.memref_slice %arg8[%add3A_549, %dma_wait3A_579] : memref<10000x64xf32, #tpu.memory_space<vmem_shared>> -> memref<125x64xf32, #tpu.memory_space<vmem_shared>>
        tpu.wait_dma2 semaphore(%run_scoped3A : memref<!tpu.dma_semaphore, #tpu.memory_space<semaphore_mem>>) src(%dma_wait3A_580 : memref<125x64xf32, #tpu.memory_space<vmem_shared>>) dst(%dma_wait3A_578 : memref<125x64xf32, #tpu.memory_space<vmem>>)
        tpu.yield
      }) : () -> ()
      "tpu.region"() ({
        %run_scoped3A = tpu.sem_alloc : memref<!tpu.dma_semaphore, #tpu.memory_space<semaphore_mem>>
        %dma_start3A_557 = arith.constant 0 : i32
        %dma_start3A_558 = tpu.memref_slice %arg8[%add3A_549, %dma_start3A_557] : memref<10000x64xf32, #tpu.memory_space<vmem_shared>> -> memref<125x64xf32, #tpu.memory_space<vmem_shared>>
        %dma_start3A_559 = arith.constant 0 : i32
        %dma_start3A_560 = tpu.memref_slice %arg8[%add3A_549, %dma_start3A_559] : memref<10000x64xf32, #tpu.memory_space<vmem_shared>> -> memref<125x64xf32, #tpu.memory_space<vmem_shared>>
        tpu.enqueue_dma source(%arg14 : memref<125x64xf32, #tpu.memory_space<vmem>>) target(%dma_start3A_560 : memref<125x64xf32, #tpu.memory_space<vmem_shared>>) target_semaphore(%run_scoped3A : memref<!tpu.dma_semaphore, #tpu.memory_space<semaphore_mem>>)
        %dma_wait3A_561 = arith.constant 0 : i32
        %dma_wait3A_562 = tpu.memref_slice %arg8[%add3A_549, %dma_wait3A_561] : memref<10000x64xf32, #tpu.memory_space<vmem_shared>> -> memref<125x64xf32, #tpu.memory_space<vmem_shared>>
        %dma_wait3A_563 = arith.constant 0 : i32
        %dma_wait3A_564 = tpu.memref_slice %arg8[%add3A_549, %dma_wait3A_563] : memref<10000x64xf32, #tpu.memory_space<vmem_shared>> -> memref<125x64xf32, #tpu.memory_space<vmem_shared>>
        tpu.wait_dma2 semaphore(%run_scoped3A : memref<!tpu.dma_semaphore, #tpu.memory_space<semaphore_mem>>) src(%arg14 : memref<125x64xf32, #tpu.memory_space<vmem>>) dst(%dma_wait3A_564 : memref<125x64xf32, #tpu.memory_space<vmem_shared>>)
        tpu.yield
      }) : () -> ()
      "tpu.region"() ({
        %run_scoped3A = tpu.sem_alloc : memref<!tpu.dma_semaphore, #tpu.memory_space<semaphore_mem>>
        %dma_start3A_557 = arith.constant 0 : i32
        %dma_start3A_558 = arith.constant 0 : i32
        %dma_start3A_559 = tpu.memref_slice %arg10[%scan3A_302, %dma_start3A_557, %dma_start3A_558] : memref<4x125x64xf32, #tpu.memory_space<vmem>> -> memref<1x125x64xf32, #tpu.memory_space<vmem>>
        %dma_start3A_560 = tpu.memref_squeeze %dma_start3A_559 : memref<1x125x64xf32, #tpu.memory_space<vmem>> -> memref<125x64xf32, #tpu.memory_space<vmem>>
        %dma_start3A_561 = arith.constant 0 : i32
        %dma_start3A_562 = arith.constant 0 : i32
        %dma_start3A_563 = tpu.memref_slice %arg7[%add3A_234, %dma_start3A_561, %dma_start3A_562] : memref<4x10000x64xf32, #tpu.memory_space<hbm>> -> memref<1x10000x64xf32, #tpu.memory_space<hbm>>
        %dma_start3A_564 = tpu.memref_squeeze %dma_start3A_563 : memref<1x10000x64xf32, #tpu.memory_space<hbm>> -> memref<10000x64xf32, #tpu.memory_space<hbm>>
        %dma_start3A_565 = arith.constant 0 : i32
        %dma_start3A_566 = tpu.memref_slice %dma_start3A_564[%add3A_549, %dma_start3A_565] : memref<10000x64xf32, #tpu.memory_space<hbm>> -> memref<125x64xf32, #tpu.memory_space<hbm>>
        %dma_start3A_567 = arith.constant 0 : i32
        %dma_start3A_568 = arith.constant 0 : i32
        %dma_start3A_569 = tpu.memref_slice %arg10[%scan3A_302, %dma_start3A_567, %dma_start3A_568] : memref<4x125x64xf32, #tpu.memory_space<vmem>> -> memref<1x125x64xf32, #tpu.memory_space<vmem>>
        %dma_start3A_570 = tpu.memref_squeeze %dma_start3A_569 : memref<1x125x64xf32, #tpu.memory_space<vmem>> -> memref<125x64xf32, #tpu.memory_space<vmem>>
        %dma_start3A_571 = arith.constant 0 : i32
        %dma_start3A_572 = arith.constant 0 : i32
        %dma_start3A_573 = tpu.memref_slice %arg7[%add3A_234, %dma_start3A_571, %dma_start3A_572] : memref<4x10000x64xf32, #tpu.memory_space<hbm>> -> memref<1x10000x64xf32, #tpu.memory_space<hbm>>
        %dma_start3A_574 = tpu.memref_squeeze %dma_start3A_573 : memref<1x10000x64xf32, #tpu.memory_space<hbm>> -> memref<10000x64xf32, #tpu.memory_space<hbm>>
        %dma_start3A_575 = arith.constant 0 : i32
        %dma_start3A_576 = tpu.memref_slice %dma_start3A_574[%add3A_549, %dma_start3A_575] : memref<10000x64xf32, #tpu.memory_space<hbm>> -> memref<125x64xf32, #tpu.memory_space<hbm>>
        tpu.enqueue_dma source(%dma_start3A_576 : memref<125x64xf32, #tpu.memory_space<hbm>>) target(%dma_start3A_570 : memref<125x64xf32, #tpu.memory_space<vmem>>) target_semaphore(%run_scoped3A : memref<!tpu.dma_semaphore, #tpu.memory_space<semaphore_mem>>)
        %dma_wait3A_577 = arith.constant 0 : i32
        %dma_wait3A_578 = arith.constant 0 : i32
        %dma_wait3A_579 = tpu.memref_slice %arg10[%scan3A_302, %dma_wait3A_577, %dma_wait3A_578] : memref<4x125x64xf32, #tpu.memory_space<vmem>> -> memref<1x125x64xf32, #tpu.memory_space<vmem>>
        %dma_wait3A_580 = tpu.memref_squeeze %dma_wait3A_579 : memref<1x125x64xf32, #tpu.memory_space<vmem>> -> memref<125x64xf32, #tpu.memory_space<vmem>>
        %dma_wait3A_581 = arith.constant 0 : i32
        %dma_wait3A_582 = arith.constant 0 : i32
        %dma_wait3A_583 = tpu.memref_slice %arg7[%add3A_234, %dma_wait3A_581, %dma_wait3A_582] : memref<4x10000x64xf32, #tpu.memory_space<hbm>> -> memref<1x10000x64xf32, #tpu.memory_space<hbm>>
        %dma_wait3A_584 = tpu.memref_squeeze %dma_wait3A_583 : memref<1x10000x64xf32, #tpu.memory_space<hbm>> -> memref<10000x64xf32, #tpu.memory_space<hbm>>
        %dma_wait3A_585 = arith.constant 0 : i32
        %dma_wait3A_586 = tpu.memref_slice %dma_wait3A_584[%add3A_549, %dma_wait3A_585] : memref<10000x64xf32, #tpu.memory_space<hbm>> -> memref<125x64xf32, #tpu.memory_space<hbm>>
        %dma_wait3A_587 = arith.constant 0 : i32
        %dma_wait3A_588 = arith.constant 0 : i32
        %dma_wait3A_589 = tpu.memref_slice %arg10[%scan3A_302, %dma_wait3A_587, %dma_wait3A_588] : memref<4x125x64xf32, #tpu.memory_space<vmem>> -> memref<1x125x64xf32, #tpu.memory_space<vmem>>
        %dma_wait3A_590 = tpu.memref_squeeze %dma_wait3A_589 : memref<1x125x64xf32, #tpu.memory_space<vmem>> -> memref<125x64xf32, #tpu.memory_space<vmem>>
        %dma_wait3A_591 = arith.constant 0 : i32
        %dma_wait3A_592 = arith.constant 0 : i32
        %dma_wait3A_593 = tpu.memref_slice %arg7[%add3A_234, %dma_wait3A_591, %dma_wait3A_592] : memref<4x10000x64xf32, #tpu.memory_space<hbm>> -> memref<1x10000x64xf32, #tpu.memory_space<hbm>>
        %dma_wait3A_594 = tpu.memref_squeeze %dma_wait3A_593 : memref<1x10000x64xf32, #tpu.memory_space<hbm>> -> memref<10000x64xf32, #tpu.memory_space<hbm>>
        %dma_wait3A_595 = arith.constant 0 : i32
        %dma_wait3A_596 = tpu.memref_slice %dma_wait3A_594[%add3A_549, %dma_wait3A_595] : memref<10000x64xf32, #tpu.memory_space<hbm>> -> memref<125x64xf32, #tpu.memory_space<hbm>>
        tpu.wait_dma2 semaphore(%run_scoped3A : memref<!tpu.dma_semaphore, #tpu.memory_space<semaphore_mem>>) src(%dma_wait3A_596 : memref<125x64xf32, #tpu.memory_space<hbm>>) dst(%dma_wait3A_590 : memref<125x64xf32, #tpu.memory_space<vmem>>)
        tpu.yield
      }) : () -> ()
      %scan3A_552 = arith.constant 0 : i32
      %scan3A_553 = arith.constant 125 : i32
      %scan3A_554 = arith.addi %scan3A_552, %scan3A_553 : i32
      %scan3A_555 = arith.constant 1 : i32
      scf.for %scan3A_557 = %scan3A_552 to %scan3A_554 step %scan3A_555  : i32 {
        %mul3A_558 = arith.constant 1 : i32
        %mul3A_559 = arith.muli %scan3A_557, %mul3A_558 : i32
        %add3A_560 = arith.constant 0 : i32
        %add3A_561 = arith.addi %add3A_560, %mul3A_559 : i32
        %add3A_562 = arith.addi %mul3A_551, %add3A_561 : i32
        %get3A = arith.index_cast %add3A_562 : i32 to index
        %get3A_563 = arith.constant 0 : index
        %get3A_564 = tpu.vector_load %arg13[%get3A, %get3A_563] {strides = array<i32>} : memref<625x16xf32, #tpu.memory_space<vmem>>, vector<1x16xf32>,
        %get3A_565 = vector.shape_cast %get3A_564 : vector<1x16xf32> to vector<16xf32>
        %mul3A_566 = arith.mulf %get3A_565, %get3A_565 : vector<16xf32>
        %get3A_567 = arith.constant 1 : i32
        %get3A_568 = arith.index_cast %get3A_567 : i32 to index
        %get3A_569 = arith.index_cast %add3A_561 : i32 to index
        %get3A_570 = arith.constant 0 : index
        %get3A_571 = tpu.vector_load %arg10[%get3A_568, %get3A_569, %get3A_570] {strides = array<i32>} : memref<4x125x64xf32, #tpu.memory_space<vmem>>, vector<1x1x16xf32>,
        %get3A_572 = vector.shape_cast %get3A_571 : vector<1x1x16xf32> to vector<16xf32>
        %mul3A_573 = arith.mulf %get3A_572, %get3A_565 : vector<16xf32>
        %get3A_574 = arith.constant 2 : i32
        %get3A_575 = arith.index_cast %get3A_574 : i32 to index
        %get3A_576 = arith.index_cast %add3A_561 : i32 to index
        %get3A_577 = arith.constant 0 : index
        %get3A_578 = tpu.vector_load %arg10[%get3A_575, %get3A_576, %get3A_577] {strides = array<i32>} : memref<4x125x64xf32, #tpu.memory_space<vmem>>, vector<1x1x16xf32>,
        %get3A_579 = vector.shape_cast %get3A_578 : vector<1x1x16xf32> to vector<16xf32>
        %add3A_580 = arith.addf %get3A_579, %mul3A_573 : vector<16xf32>
        %swap3A = arith.constant 2 : i32
        %swap3A_581 = arith.index_cast %swap3A : i32 to index
        %swap3A_582 = arith.index_cast %add3A_561 : i32 to index
        %swap3A_583 = arith.constant 0 : index
        %swap3A_584 = tpu.vector_load %arg10[%swap3A_581, %swap3A_582, %swap3A_583] {strides = array<i32>} : memref<4x125x64xf32, #tpu.memory_space<vmem>>, vector<1x1x16xf32>,
        %swap3A_585 = vector.shape_cast %swap3A_584 : vector<1x1x16xf32> to vector<16xf32>
        %swap3A_586 = vector.shape_cast %add3A_580 : vector<16xf32> to vector<1x1x16xf32>
        tpu.vector_store %arg10[%swap3A_581, %swap3A_582, %swap3A_583], %swap3A_586 {strides = array<i32>} : memref<4x125x64xf32, #tpu.memory_space<vmem>>, vector<1x1x16xf32>,
        %mul3A_587 = arith.mulf %get3A_572, %mul3A_566 : vector<16xf32>
        %swap3A_588 = arith.constant 1 : i32
        %swap3A_589 = arith.index_cast %swap3A_588 : i32 to index
        %swap3A_590 = arith.index_cast %add3A_561 : i32 to index
        %swap3A_591 = arith.constant 0 : index
        %swap3A_592 = tpu.vector_load %arg10[%swap3A_589, %swap3A_590, %swap3A_591] {strides = array<i32>} : memref<4x125x64xf32, #tpu.memory_space<vmem>>, vector<1x1x16xf32>,
        %swap3A_593 = vector.shape_cast %swap3A_592 : vector<1x1x16xf32> to vector<16xf32>
        %swap3A_594 = vector.shape_cast %mul3A_587 : vector<16xf32> to vector<1x1x16xf32>
        tpu.vector_store %arg10[%swap3A_589, %swap3A_590, %swap3A_591], %swap3A_594 {strides = array<i32>} : memref<4x125x64xf32, #tpu.memory_space<vmem>>, vector<1x1x16xf32>,
        %get3A_595 = arith.constant 1 : i32
        %get3A_596 = arith.index_cast %get3A_595 : i32 to index
        %get3A_597 = arith.index_cast %add3A_561 : i32 to index
        %get3A_598 = arith.constant 16 : index
        %get3A_599 = tpu.vector_load %arg10[%get3A_596, %get3A_597, %get3A_598] {strides = array<i32>} : memref<4x125x64xf32, #tpu.memory_space<vmem>>, vector<1x1x16xf32>,
        %get3A_600 = vector.shape_cast %get3A_599 : vector<1x1x16xf32> to vector<16xf32>
        %mul3A_601 = arith.mulf %get3A_600, %get3A_565 : vector<16xf32>
        %get3A_602 = arith.constant 2 : i32
        %get3A_603 = arith.index_cast %get3A_602 : i32 to index
        %get3A_604 = arith.index_cast %add3A_561 : i32 to index
        %get3A_605 = arith.constant 16 : index
        %get3A_606 = tpu.vector_load %arg10[%get3A_603, %get3A_604, %get3A_605] {strides = array<i32>} : memref<4x125x64xf32, #tpu.memory_space<vmem>>, vector<1x1x16xf32>,
        %get3A_607 = vector.shape_cast %get3A_606 : vector<1x1x16xf32> to vector<16xf32>
        %add3A_608 = arith.addf %get3A_607, %mul3A_601 : vector<16xf32>
        %swap3A_609 = arith.constant 2 : i32
        %swap3A_610 = arith.index_cast %swap3A_609 : i32 to index
        %swap3A_611 = arith.index_cast %add3A_561 : i32 to index
        %swap3A_612 = arith.constant 16 : index
        %swap3A_613 = tpu.vector_load %arg10[%swap3A_610, %swap3A_611, %swap3A_612] {strides = array<i32>} : memref<4x125x64xf32, #tpu.memory_space<vmem>>, vector<1x1x16xf32>,
        %swap3A_614 = vector.shape_cast %swap3A_613 : vector<1x1x16xf32> to vector<16xf32>
        %swap3A_615 = vector.shape_cast %add3A_608 : vector<16xf32> to vector<1x1x16xf32>
        tpu.vector_store %arg10[%swap3A_610, %swap3A_611, %swap3A_612], %swap3A_615 {strides = array<i32>} : memref<4x125x64xf32, #tpu.memory_space<vmem>>, vector<1x1x16xf32>,
        %mul3A_616 = arith.mulf %get3A_600, %mul3A_566 : vector<16xf32>
        %swap3A_617 = arith.constant 1 : i32
        %swap3A_618 = arith.index_cast %swap3A_617 : i32 to index
        %swap3A_619 = arith.index_cast %add3A_561 : i32 to index
        %swap3A_620 = arith.constant 16 : index
        %swap3A_621 = tpu.vector_load %arg10[%swap3A_618, %swap3A_619, %swap3A_620] {strides = array<i32>} : memref<4x125x64xf32, #tpu.memory_space<vmem>>, vector<1x1x16xf32>,
        %swap3A_622 = vector.shape_cast %swap3A_621 : vector<1x1x16xf32> to vector<16xf32>
        %swap3A_623 = vector.shape_cast %mul3A_616 : vector<16xf32> to vector<1x1x16xf32>
        tpu.vector_store %arg10[%swap3A_618, %swap3A_619, %swap3A_620], %swap3A_623 {strides = array<i32>} : memref<4x125x64xf32, #tpu.memory_space<vmem>>, vector<1x1x16xf32>,
        %get3A_624 = arith.constant 1 : i32
        %get3A_625 = arith.index_cast %get3A_624 : i32 to index
        %get3A_626 = arith.index_cast %add3A_561 : i32 to index
        %get3A_627 = arith.constant 32 : index
        %get3A_628 = tpu.vector_load %arg10[%get3A_625, %get3A_626, %get3A_627] {strides = array<i32>} : memref<4x125x64xf32, #tpu.memory_space<vmem>>, vector<1x1x16xf32>,
        %get3A_629 = vector.shape_cast %get3A_628 : vector<1x1x16xf32> to vector<16xf32>
        %mul3A_630 = arith.mulf %get3A_629, %get3A_565 : vector<16xf32>
        %get3A_631 = arith.constant 2 : i32
        %get3A_632 = arith.index_cast %get3A_631 : i32 to index
        %get3A_633 = arith.index_cast %add3A_561 : i32 to index
        %get3A_634 = arith.constant 32 : index
        %get3A_635 = tpu.vector_load %arg10[%get3A_632, %get3A_633, %get3A_634] {strides = array<i32>} : memref<4x125x64xf32, #tpu.memory_space<vmem>>, vector<1x1x16xf32>,
        %get3A_636 = vector.shape_cast %get3A_635 : vector<1x1x16xf32> to vector<16xf32>
        %add3A_637 = arith.addf %get3A_636, %mul3A_630 : vector<16xf32>
        %swap3A_638 = arith.constant 2 : i32
        %swap3A_639 = arith.index_cast %swap3A_638 : i32 to index
        %swap3A_640 = arith.index_cast %add3A_561 : i32 to index
        %swap3A_641 = arith.constant 32 : index
        %swap3A_642 = tpu.vector_load %arg10[%swap3A_639, %swap3A_640, %swap3A_641] {strides = array<i32>} : memref<4x125x64xf32, #tpu.memory_space<vmem>>, vector<1x1x16xf32>,
        %swap3A_643 = vector.shape_cast %swap3A_642 : vector<1x1x16xf32> to vector<16xf32>
        %swap3A_644 = vector.shape_cast %add3A_637 : vector<16xf32> to vector<1x1x16xf32>
        tpu.vector_store %arg10[%swap3A_639, %swap3A_640, %swap3A_641], %swap3A_644 {strides = array<i32>} : memref<4x125x64xf32, #tpu.memory_space<vmem>>, vector<1x1x16xf32>,
        %mul3A_645 = arith.mulf %get3A_629, %mul3A_566 : vector<16xf32>
        %swap3A_646 = arith.constant 1 : i32
        %swap3A_647 = arith.index_cast %swap3A_646 : i32 to index
        %swap3A_648 = arith.index_cast %add3A_561 : i32 to index
        %swap3A_649 = arith.constant 32 : index
        %swap3A_650 = tpu.vector_load %arg10[%swap3A_647, %swap3A_648, %swap3A_649] {strides = array<i32>} : memref<4x125x64xf32, #tpu.memory_space<vmem>>, vector<1x1x16xf32>,
        %swap3A_651 = vector.shape_cast %swap3A_650 : vector<1x1x16xf32> to vector<16xf32>
        %swap3A_652 = vector.shape_cast %mul3A_645 : vector<16xf32> to vector<1x1x16xf32>
        tpu.vector_store %arg10[%swap3A_647, %swap3A_648, %swap3A_649], %swap3A_652 {strides = array<i32>} : memref<4x125x64xf32, #tpu.memory_space<vmem>>, vector<1x1x16xf32>,
        %get3A_653 = arith.constant 1 : i32
        %get3A_654 = arith.index_cast %get3A_653 : i32 to index
        %get3A_655 = arith.index_cast %add3A_561 : i32 to index
        %get3A_656 = arith.constant 48 : index
        %get3A_657 = tpu.vector_load %arg10[%get3A_654, %get3A_655, %get3A_656] {strides = array<i32>} : memref<4x125x64xf32, #tpu.memory_space<vmem>>, vector<1x1x16xf32>,
        %get3A_658 = vector.shape_cast %get3A_657 : vector<1x1x16xf32> to vector<16xf32>
        %mul3A_659 = arith.mulf %get3A_658, %get3A_565 : vector<16xf32>
        %get3A_660 = arith.constant 2 : i32
        %get3A_661 = arith.index_cast %get3A_660 : i32 to index
        %get3A_662 = arith.index_cast %add3A_561 : i32 to index
        %get3A_663 = arith.constant 48 : index
        %get3A_664 = tpu.vector_load %arg10[%get3A_661, %get3A_662, %get3A_663] {strides = array<i32>} : memref<4x125x64xf32, #tpu.memory_space<vmem>>, vector<1x1x16xf32>,
        %get3A_665 = vector.shape_cast %get3A_664 : vector<1x1x16xf32> to vector<16xf32>
        %add3A_666 = arith.addf %get3A_665, %mul3A_659 : vector<16xf32>
        %swap3A_667 = arith.constant 2 : i32
        %swap3A_668 = arith.index_cast %swap3A_667 : i32 to index
        %swap3A_669 = arith.index_cast %add3A_561 : i32 to index
        %swap3A_670 = arith.constant 48 : index
        %swap3A_671 = tpu.vector_load %arg10[%swap3A_668, %swap3A_669, %swap3A_670] {strides = array<i32>} : memref<4x125x64xf32, #tpu.memory_space<vmem>>, vector<1x1x16xf32>,
        %swap3A_672 = vector.shape_cast %swap3A_671 : vector<1x1x16xf32> to vector<16xf32>
        %swap3A_673 = vector.shape_cast %add3A_666 : vector<16xf32> to vector<1x1x16xf32>
        tpu.vector_store %arg10[%swap3A_668, %swap3A_669, %swap3A_670], %swap3A_673 {strides = array<i32>} : memref<4x125x64xf32, #tpu.memory_space<vmem>>, vector<1x1x16xf32>,
        %mul3A_674 = arith.mulf %get3A_658, %mul3A_566 : vector<16xf32>
        %swap3A_675 = arith.constant 1 : i32
        %swap3A_676 = arith.index_cast %swap3A_675 : i32 to index
        %swap3A_677 = arith.index_cast %add3A_561 : i32 to index
        %swap3A_678 = arith.constant 48 : index
        %swap3A_679 = tpu.vector_load %arg10[%swap3A_676, %swap3A_677, %swap3A_678] {strides = array<i32>} : memref<4x125x64xf32, #tpu.memory_space<vmem>>, vector<1x1x16xf32>,
        %swap3A_680 = vector.shape_cast %swap3A_679 : vector<1x1x16xf32> to vector<16xf32>
        %swap3A_681 = vector.shape_cast %mul3A_674 : vector<16xf32> to vector<1x1x16xf32>
        tpu.vector_store %arg10[%swap3A_676, %swap3A_677, %swap3A_678], %swap3A_681 {strides = array<i32>} : memref<4x125x64xf32, #tpu.memory_space<vmem>>, vector<1x1x16xf32>,
      }
      %scan3A_556 = arith.constant 125 : i32
      "tpu.region"() ({
        %run_scoped3A = tpu.sem_alloc : memref<!tpu.dma_semaphore, #tpu.memory_space<semaphore_mem>>
        %dma_start3A_557 = arith.constant 0 : i32
        %dma_start3A_558 = arith.constant 0 : i32
        %dma_start3A_559 = tpu.memref_slice %arg10[%scan3A_302, %dma_start3A_557, %dma_start3A_558] : memref<4x125x64xf32, #tpu.memory_space<vmem>> -> memref<1x125x64xf32, #tpu.memory_space<vmem>>
        %dma_start3A_560 = tpu.memref_squeeze %dma_start3A_559 : memref<1x125x64xf32, #tpu.memory_space<vmem>> -> memref<125x64xf32, #tpu.memory_space<vmem>>
        %dma_start3A_561 = arith.constant 0 : i32
        %dma_start3A_562 = arith.constant 0 : i32
        %dma_start3A_563 = tpu.memref_slice %arg7[%add3A_234, %dma_start3A_561, %dma_start3A_562] : memref<4x10000x64xf32, #tpu.memory_space<hbm>> -> memref<1x10000x64xf32, #tpu.memory_space<hbm>>
        %dma_start3A_564 = tpu.memref_squeeze %dma_start3A_563 : memref<1x10000x64xf32, #tpu.memory_space<hbm>> -> memref<10000x64xf32, #tpu.memory_space<hbm>>
        %dma_start3A_565 = arith.constant 0 : i32
        %dma_start3A_566 = tpu.memref_slice %dma_start3A_564[%add3A_549, %dma_start3A_565] : memref<10000x64xf32, #tpu.memory_space<hbm>> -> memref<125x64xf32, #tpu.memory_space<hbm>>
        %dma_start3A_567 = arith.constant 0 : i32
        %dma_start3A_568 = arith.constant 0 : i32
        %dma_start3A_569 = tpu.memref_slice %arg7[%add3A_234, %dma_start3A_567, %dma_start3A_568] : memref<4x10000x64xf32, #tpu.memory_space<hbm>> -> memref<1x10000x64xf32, #tpu.memory_space<hbm>>
        %dma_start3A_570 = tpu.memref_squeeze %dma_start3A_569 : memref<1x10000x64xf32, #tpu.memory_space<hbm>> -> memref<10000x64xf32, #tpu.memory_space<hbm>>
        %dma_start3A_571 = arith.constant 0 : i32
        %dma_start3A_572 = tpu.memref_slice %dma_start3A_570[%add3A_549, %dma_start3A_571] : memref<10000x64xf32, #tpu.memory_space<hbm>> -> memref<125x64xf32, #tpu.memory_space<hbm>>
        %dma_start3A_573 = arith.constant 0 : i32
        %dma_start3A_574 = arith.constant 0 : i32
        %dma_start3A_575 = tpu.memref_slice %arg10[%scan3A_302, %dma_start3A_573, %dma_start3A_574] : memref<4x125x64xf32, #tpu.memory_space<vmem>> -> memref<1x125x64xf32, #tpu.memory_space<vmem>>
        %dma_start3A_576 = tpu.memref_squeeze %dma_start3A_575 : memref<1x125x64xf32, #tpu.memory_space<vmem>> -> memref<125x64xf32, #tpu.memory_space<vmem>>
        tpu.enqueue_dma source(%dma_start3A_576 : memref<125x64xf32, #tpu.memory_space<vmem>>) target(%dma_start3A_572 : memref<125x64xf32, #tpu.memory_space<hbm>>) target_semaphore(%run_scoped3A : memref<!tpu.dma_semaphore, #tpu.memory_space<semaphore_mem>>)
        %dma_wait3A_577 = arith.constant 0 : i32
        %dma_wait3A_578 = arith.constant 0 : i32
        %dma_wait3A_579 = tpu.memref_slice %arg10[%scan3A_302, %dma_wait3A_577, %dma_wait3A_578] : memref<4x125x64xf32, #tpu.memory_space<vmem>> -> memref<1x125x64xf32, #tpu.memory_space<vmem>>
        %dma_wait3A_580 = tpu.memref_squeeze %dma_wait3A_579 : memref<1x125x64xf32, #tpu.memory_space<vmem>> -> memref<125x64xf32, #tpu.memory_space<vmem>>
        %dma_wait3A_581 = arith.constant 0 : i32
        %dma_wait3A_582 = arith.constant 0 : i32
        %dma_wait3A_583 = tpu.memref_slice %arg7[%add3A_234, %dma_wait3A_581, %dma_wait3A_582] : memref<4x10000x64xf32, #tpu.memory_space<hbm>> -> memref<1x10000x64xf32, #tpu.memory_space<hbm>>
        %dma_wait3A_584 = tpu.memref_squeeze %dma_wait3A_583 : memref<1x10000x64xf32, #tpu.memory_space<hbm>> -> memref<10000x64xf32, #tpu.memory_space<hbm>>
        %dma_wait3A_585 = arith.constant 0 : i32
        %dma_wait3A_586 = tpu.memref_slice %dma_wait3A_584[%add3A_549, %dma_wait3A_585] : memref<10000x64xf32, #tpu.memory_space<hbm>> -> memref<125x64xf32, #tpu.memory_space<hbm>>
        %dma_wait3A_587 = arith.constant 0 : i32
        %dma_wait3A_588 = arith.constant 0 : i32
        %dma_wait3A_589 = tpu.memref_slice %arg7[%add3A_234, %dma_wait3A_587, %dma_wait3A_588] : memref<4x10000x64xf32, #tpu.memory_space<hbm>> -> memref<1x10000x64xf32, #tpu.memory_space<hbm>>
        %dma_wait3A_590 = tpu.memref_squeeze %dma_wait3A_589 : memref<1x10000x64xf32, #tpu.memory_space<hbm>> -> memref<10000x64xf32, #tpu.memory_space<hbm>>
        %dma_wait3A_591 = arith.constant 0 : i32
        %dma_wait3A_592 = tpu.memref_slice %dma_wait3A_590[%add3A_549, %dma_wait3A_591] : memref<10000x64xf32, #tpu.memory_space<hbm>> -> memref<125x64xf32, #tpu.memory_space<hbm>>
        %dma_wait3A_593 = arith.constant 0 : i32
        %dma_wait3A_594 = arith.constant 0 : i32
        %dma_wait3A_595 = tpu.memref_slice %arg10[%scan3A_302, %dma_wait3A_593, %dma_wait3A_594] : memref<4x125x64xf32, #tpu.memory_space<vmem>> -> memref<1x125x64xf32, #tpu.memory_space<vmem>>
        %dma_wait3A_596 = tpu.memref_squeeze %dma_wait3A_595 : memref<1x125x64xf32, #tpu.memory_space<vmem>> -> memref<125x64xf32, #tpu.memory_space<vmem>>
        tpu.wait_dma2 semaphore(%run_scoped3A : memref<!tpu.dma_semaphore, #tpu.memory_space<semaphore_mem>>) src(%dma_wait3A_596 : memref<125x64xf32, #tpu.memory_space<vmem>>) dst(%dma_wait3A_592 : memref<125x64xf32, #tpu.memory_space<hbm>>)
        tpu.yield
      }) : () -> ()
      "tpu.region"() ({
        %run_scoped3A = tpu.sem_alloc : memref<!tpu.dma_semaphore, #tpu.memory_space<semaphore_mem>>
        %dma_start3A_557 = arith.constant 0 : i32
        %dma_start3A_558 = arith.constant 0 : i32
        %dma_start3A_559 = tpu.memref_slice %arg10[%scan3A_301, %dma_start3A_557, %dma_start3A_558] : memref<4x125x64xf32, #tpu.memory_space<vmem>> -> memref<1x125x64xf32, #tpu.memory_space<vmem>>
        %dma_start3A_560 = tpu.memref_squeeze %dma_start3A_559 : memref<1x125x64xf32, #tpu.memory_space<vmem>> -> memref<125x64xf32, #tpu.memory_space<vmem>>
        %dma_start3A_561 = arith.constant 0 : i32
        %dma_start3A_562 = arith.constant 0 : i32
        %dma_start3A_563 = tpu.memref_slice %arg6[%add3A_234, %dma_start3A_561, %dma_start3A_562] : memref<4x10000x64xf32, #tpu.memory_space<hbm>> -> memref<1x10000x64xf32, #tpu.memory_space<hbm>>
        %dma_start3A_564 = tpu.memref_squeeze %dma_start3A_563 : memref<1x10000x64xf32, #tpu.memory_space<hbm>> -> memref<10000x64xf32, #tpu.memory_space<hbm>>
        %dma_start3A_565 = arith.constant 0 : i32
        %dma_start3A_566 = tpu.memref_slice %dma_start3A_564[%add3A_549, %dma_start3A_565] : memref<10000x64xf32, #tpu.memory_space<hbm>> -> memref<125x64xf32, #tpu.memory_space<hbm>>
        %dma_start3A_567 = arith.constant 0 : i32
        %dma_start3A_568 = arith.constant 0 : i32
        %dma_start3A_569 = tpu.memref_slice %arg6[%add3A_234, %dma_start3A_567, %dma_start3A_568] : memref<4x10000x64xf32, #tpu.memory_space<hbm>> -> memref<1x10000x64xf32, #tpu.memory_space<hbm>>
        %dma_start3A_570 = tpu.memref_squeeze %dma_start3A_569 : memref<1x10000x64xf32, #tpu.memory_space<hbm>> -> memref<10000x64xf32, #tpu.memory_space<hbm>>
        %dma_start3A_571 = arith.constant 0 : i32
        %dma_start3A_572 = tpu.memref_slice %dma_start3A_570[%add3A_549, %dma_start3A_571] : memref<10000x64xf32, #tpu.memory_space<hbm>> -> memref<125x64xf32, #tpu.memory_space<hbm>>
        %dma_start3A_573 = arith.constant 0 : i32
        %dma_start3A_574 = arith.constant 0 : i32
        %dma_start3A_575 = tpu.memref_slice %arg10[%scan3A_301, %dma_start3A_573, %dma_start3A_574] : memref<4x125x64xf32, #tpu.memory_space<vmem>> -> memref<1x125x64xf32, #tpu.memory_space<vmem>>
        %dma_start3A_576 = tpu.memref_squeeze %dma_start3A_575 : memref<1x125x64xf32, #tpu.memory_space<vmem>> -> memref<125x64xf32, #tpu.memory_space<vmem>>
        tpu.enqueue_dma source(%dma_start3A_576 : memref<125x64xf32, #tpu.memory_space<vmem>>) target(%dma_start3A_572 : memref<125x64xf32, #tpu.memory_space<hbm>>) target_semaphore(%run_scoped3A : memref<!tpu.dma_semaphore, #tpu.memory_space<semaphore_mem>>)
        %dma_wait3A_577 = arith.constant 0 : i32
        %dma_wait3A_578 = arith.constant 0 : i32
        %dma_wait3A_579 = tpu.memref_slice %arg10[%scan3A_301, %dma_wait3A_577, %dma_wait3A_578] : memref<4x125x64xf32, #tpu.memory_space<vmem>> -> memref<1x125x64xf32, #tpu.memory_space<vmem>>
        %dma_wait3A_580 = tpu.memref_squeeze %dma_wait3A_579 : memref<1x125x64xf32, #tpu.memory_space<vmem>> -> memref<125x64xf32, #tpu.memory_space<vmem>>
        %dma_wait3A_581 = arith.constant 0 : i32
        %dma_wait3A_582 = arith.constant 0 : i32
        %dma_wait3A_583 = tpu.memref_slice %arg6[%add3A_234, %dma_wait3A_581, %dma_wait3A_582] : memref<4x10000x64xf32, #tpu.memory_space<hbm>> -> memref<1x10000x64xf32, #tpu.memory_space<hbm>>
        %dma_wait3A_584 = tpu.memref_squeeze %dma_wait3A_583 : memref<1x10000x64xf32, #tpu.memory_space<hbm>> -> memref<10000x64xf32, #tpu.memory_space<hbm>>
        %dma_wait3A_585 = arith.constant 0 : i32
        %dma_wait3A_586 = tpu.memref_slice %dma_wait3A_584[%add3A_549, %dma_wait3A_585] : memref<10000x64xf32, #tpu.memory_space<hbm>> -> memref<125x64xf32, #tpu.memory_space<hbm>>
        %dma_wait3A_587 = arith.constant 0 : i32
        %dma_wait3A_588 = arith.constant 0 : i32
        %dma_wait3A_589 = tpu.memref_slice %arg6[%add3A_234, %dma_wait3A_587, %dma_wait3A_588] : memref<4x10000x64xf32, #tpu.memory_space<hbm>> -> memref<1x10000x64xf32, #tpu.memory_space<hbm>>
        %dma_wait3A_590 = tpu.memref_squeeze %dma_wait3A_589 : memref<1x10000x64xf32, #tpu.memory_space<hbm>> -> memref<10000x64xf32, #tpu.memory_space<hbm>>
        %dma_wait3A_591 = arith.constant 0 : i32
        %dma_wait3A_592 = tpu.memref_slice %dma_wait3A_590[%add3A_549, %dma_wait3A_591] : memref<10000x64xf32, #tpu.memory_space<hbm>> -> memref<125x64xf32, #tpu.memory_space<hbm>>
        %dma_wait3A_593 = arith.constant 0 : i32
        %dma_wait3A_594 = arith.constant 0 : i32
        %dma_wait3A_595 = tpu.memref_slice %arg10[%scan3A_301, %dma_wait3A_593, %dma_wait3A_594] : memref<4x125x64xf32, #tpu.memory_space<vmem>> -> memref<1x125x64xf32, #tpu.memory_space<vmem>>
        %dma_wait3A_596 = tpu.memref_squeeze %dma_wait3A_595 : memref<1x125x64xf32, #tpu.memory_space<vmem>> -> memref<125x64xf32, #tpu.memory_space<vmem>>
        tpu.wait_dma2 semaphore(%run_scoped3A : memref<!tpu.dma_semaphore, #tpu.memory_space<semaphore_mem>>) src(%dma_wait3A_596 : memref<125x64xf32, #tpu.memory_space<vmem>>) dst(%dma_wait3A_592 : memref<125x64xf32, #tpu.memory_space<hbm>>)
        tpu.yield
      }) : () -> ()
    }
    %scan3A_307 = arith.constant 5 : i32
    %barrier3A_308 = arith.constant 0 : index
    tpu.barrier barrier_id(%barrier3A_308)
    %mul3A_309 = arith.constant 2 : i32
    %mul3A_310 = arith.muli %arg0, %mul3A_309 : i32
    %add3A_311 = arith.constant 1 : i32
    %add3A_312 = arith.addi %mul3A_310, %add3A_311 : i32
    %dma_start3A_313 = arith.constant 0 : i32
    %dma_start3A_314 = arith.constant 0 : i32
    %dma_start3A_315 = arith.constant 0 : i32
    %dma_start3A_316 = arith.constant 0 : i32
    %dma_start3A_317 = tpu.memref_slice %arg10[%dma_start3A_314, %dma_start3A_315, %dma_start3A_316] : memref<4x125x64xf32, #tpu.memory_space<vmem>> -> memref<1x125x64xf32, #tpu.memory_space<vmem>>
    %dma_start3A_318 = tpu.memref_squeeze %dma_start3A_317 : memref<1x125x64xf32, #tpu.memory_space<vmem>> -> memref<125x64xf32, #tpu.memory_space<vmem>>
    %dma_start3A_319 = arith.constant 0 : i32
    %dma_start3A_320 = tpu.memref_slice %arg12[%dma_start3A_313, %dma_start3A_319] : memref<80x125xi32, #tpu.memory_space<vmem>> -> memref<1x125xi32, #tpu.memory_space<vmem>>
    %dma_start3A_321 = tpu.memref_squeeze %dma_start3A_320 : memref<1x125xi32, #tpu.memory_space<vmem>> -> memref<125xi32, #tpu.memory_space<vmem>>
    %dma_start3A_322 = arith.constant 0 : i32
    %dma_start3A_323 = arith.constant 0 : i32
    %dma_start3A_324 = tpu.memref_slice %arg6[%add3A_312, %dma_start3A_322, %dma_start3A_323] : memref<4x10000x64xf32, #tpu.memory_space<hbm>> -> memref<1x10000x64xf32, #tpu.memory_space<hbm>>
    %dma_start3A_325 = tpu.memref_squeeze %dma_start3A_324 : memref<1x10000x64xf32, #tpu.memory_space<hbm>> -> memref<10000x64xf32, #tpu.memory_space<hbm>>
    %dma_start3A_326 = arith.constant 0 : i32
    %dma_start3A_327 = arith.constant 0 : i32
    %dma_start3A_328 = tpu.memref_slice %dma_start3A_325[%dma_start3A_326, %dma_start3A_327] : memref<10000x64xf32, #tpu.memory_space<hbm>> -> memref<10000x64xf32, #tpu.memory_space<hbm>>
    tpu.enqueue_indirect_dma source(%dma_start3A_328 : memref<10000x64xf32, #tpu.memory_space<hbm>>) target(%dma_start3A_318 : memref<125x64xf32, #tpu.memory_space<vmem>>) offsets(%dma_start3A_321 : memref<125xi32, #tpu.memory_space<vmem>>) semaphore(%arg17 : memref<!tpu.dma_semaphore, #tpu.memory_space<semaphore_mem>>)
    %dma_start3A_329 = arith.constant 1 : i32
    %dma_start3A_330 = arith.constant 1 : i32
    %dma_start3A_331 = arith.constant 0 : i32
    %dma_start3A_332 = arith.constant 0 : i32
    %dma_start3A_333 = tpu.memref_slice %arg10[%dma_start3A_330, %dma_start3A_331, %dma_start3A_332] : memref<4x125x64xf32, #tpu.memory_space<vmem>> -> memref<1x125x64xf32, #tpu.memory_space<vmem>>
    %dma_start3A_334 = tpu.memref_squeeze %dma_start3A_333 : memref<1x125x64xf32, #tpu.memory_space<vmem>> -> memref<125x64xf32, #tpu.memory_space<vmem>>
    %dma_start3A_335 = arith.constant 0 : i32
    %dma_start3A_336 = tpu.memref_slice %arg12[%dma_start3A_329, %dma_start3A_335] : memref<80x125xi32, #tpu.memory_space<vmem>> -> memref<1x125xi32, #tpu.memory_space<vmem>>
    %dma_start3A_337 = tpu.memref_squeeze %dma_start3A_336 : memref<1x125xi32, #tpu.memory_space<vmem>> -> memref<125xi32, #tpu.memory_space<vmem>>
    %dma_start3A_338 = arith.constant 0 : i32
    %dma_start3A_339 = arith.constant 0 : i32
    %dma_start3A_340 = tpu.memref_slice %arg6[%add3A_312, %dma_start3A_338, %dma_start3A_339] : memref<4x10000x64xf32, #tpu.memory_space<hbm>> -> memref<1x10000x64xf32, #tpu.memory_space<hbm>>
    %dma_start3A_341 = tpu.memref_squeeze %dma_start3A_340 : memref<1x10000x64xf32, #tpu.memory_space<hbm>> -> memref<10000x64xf32, #tpu.memory_space<hbm>>
    %dma_start3A_342 = arith.constant 0 : i32
    %dma_start3A_343 = arith.constant 0 : i32
    %dma_start3A_344 = tpu.memref_slice %dma_start3A_341[%dma_start3A_342, %dma_start3A_343] : memref<10000x64xf32, #tpu.memory_space<hbm>> -> memref<10000x64xf32, #tpu.memory_space<hbm>>
    tpu.enqueue_indirect_dma source(%dma_start3A_344 : memref<10000x64xf32, #tpu.memory_space<hbm>>) target(%dma_start3A_334 : memref<125x64xf32, #tpu.memory_space<vmem>>) offsets(%dma_start3A_337 : memref<125xi32, #tpu.memory_space<vmem>>) semaphore(%arg17 : memref<!tpu.dma_semaphore, #tpu.memory_space<semaphore_mem>>)
    %dma_start3A_345 = arith.constant 2 : i32
    %dma_start3A_346 = arith.constant 2 : i32
    %dma_start3A_347 = arith.constant 0 : i32
    %dma_start3A_348 = arith.constant 0 : i32
    %dma_start3A_349 = tpu.memref_slice %arg10[%dma_start3A_346, %dma_start3A_347, %dma_start3A_348] : memref<4x125x64xf32, #tpu.memory_space<vmem>> -> memref<1x125x64xf32, #tpu.memory_space<vmem>>
    %dma_start3A_350 = tpu.memref_squeeze %dma_start3A_349 : memref<1x125x64xf32, #tpu.memory_space<vmem>> -> memref<125x64xf32, #tpu.memory_space<vmem>>
    %dma_start3A_351 = arith.constant 0 : i32
    %dma_start3A_352 = tpu.memref_slice %arg12[%dma_start3A_345, %dma_start3A_351] : memref<80x125xi32, #tpu.memory_space<vmem>> -> memref<1x125xi32, #tpu.memory_space<vmem>>
    %dma_start3A_353 = tpu.memref_squeeze %dma_start3A_352 : memref<1x125xi32, #tpu.memory_space<vmem>> -> memref<125xi32, #tpu.memory_space<vmem>>
    %dma_start3A_354 = arith.constant 0 : i32
    %dma_start3A_355 = arith.constant 0 : i32
    %dma_start3A_356 = tpu.memref_slice %arg6[%add3A_312, %dma_start3A_354, %dma_start3A_355] : memref<4x10000x64xf32, #tpu.memory_space<hbm>> -> memref<1x10000x64xf32, #tpu.memory_space<hbm>>
    %dma_start3A_357 = tpu.memref_squeeze %dma_start3A_356 : memref<1x10000x64xf32, #tpu.memory_space<hbm>> -> memref<10000x64xf32, #tpu.memory_space<hbm>>
    %dma_start3A_358 = arith.constant 0 : i32
    %dma_start3A_359 = arith.constant 0 : i32
    %dma_start3A_360 = tpu.memref_slice %dma_start3A_357[%dma_start3A_358, %dma_start3A_359] : memref<10000x64xf32, #tpu.memory_space<hbm>> -> memref<10000x64xf32, #tpu.memory_space<hbm>>
    tpu.enqueue_indirect_dma source(%dma_start3A_360 : memref<10000x64xf32, #tpu.memory_space<hbm>>) target(%dma_start3A_350 : memref<125x64xf32, #tpu.memory_space<vmem>>) offsets(%dma_start3A_353 : memref<125xi32, #tpu.memory_space<vmem>>) semaphore(%arg17 : memref<!tpu.dma_semaphore, #tpu.memory_space<semaphore_mem>>)
    %scan3A_361 = arith.constant 0 : i32
    %scan3A_362 = arith.constant 80 : i32
    %scan3A_363 = arith.addi %scan3A_361, %scan3A_362 : i32
    %scan3A_364 = arith.constant 1 : i32
    scf.for %scan3A_542 = %scan3A_361 to %scan3A_363 step %scan3A_364  : i32 {
      %mul3A_543 = arith.constant 1 : i32
      %mul3A_544 = arith.muli %scan3A_542, %mul3A_543 : i32
      %add3A_545 = arith.constant 0 : i32
      %add3A_546 = arith.addi %add3A_545, %mul3A_544 : i32
      %rem3A = arith.constant 4 : i32
      %rem3A_547 = arith.remsi %add3A_546, %rem3A : i32
      %add3A_548 = arith.constant 4 : i32
      %add3A_549 = arith.addi %add3A_546, %add3A_548 : i32
      %sub3A = arith.constant 1 : i32
      %sub3A_550 = arith.subi %add3A_549, %sub3A : i32
      %rem3A_551 = arith.constant 4 : i32
      %rem3A_552 = arith.remsi %sub3A_550, %rem3A_551 : i32
      %dma_wait3A_553 = arith.constant 0 : i32
      %dma_wait3A_554 = arith.constant 0 : i32
      %dma_wait3A_555 = tpu.memref_slice %arg10[%rem3A_547, %dma_wait3A_553, %dma_wait3A_554] : memref<4x125x64xf32, #tpu.memory_space<vmem>> -> memref<1x125x64xf32, #tpu.memory_space<vmem>>
      %dma_wait3A_556 = tpu.memref_squeeze %dma_wait3A_555 : memref<1x125x64xf32, #tpu.memory_space<vmem>> -> memref<125x64xf32, #tpu.memory_space<vmem>>
      %dma_wait3A_557 = arith.constant 0 : i32
      %dma_wait3A_558 = tpu.memref_slice %arg12[%add3A_546, %dma_wait3A_557] : memref<80x125xi32, #tpu.memory_space<vmem>> -> memref<1x125xi32, #tpu.memory_space<vmem>>
      %dma_wait3A_559 = tpu.memref_squeeze %dma_wait3A_558 : memref<1x125xi32, #tpu.memory_space<vmem>> -> memref<125xi32, #tpu.memory_space<vmem>>
      %dma_wait3A_560 = arith.constant 0 : i32
      %dma_wait3A_561 = arith.constant 0 : i32
      %dma_wait3A_562 = tpu.memref_slice %arg6[%add3A_312, %dma_wait3A_560, %dma_wait3A_561] : memref<4x10000x64xf32, #tpu.memory_space<hbm>> -> memref<1x10000x64xf32, #tpu.memory_space<hbm>>
      %dma_wait3A_563 = tpu.memref_squeeze %dma_wait3A_562 : memref<1x10000x64xf32, #tpu.memory_space<hbm>> -> memref<10000x64xf32, #tpu.memory_space<hbm>>
      %dma_wait3A_564 = arith.constant 0 : i32
      %dma_wait3A_565 = arith.constant 0 : i32
      %dma_wait3A_566 = tpu.memref_slice %dma_wait3A_563[%dma_wait3A_564, %dma_wait3A_565] : memref<10000x64xf32, #tpu.memory_space<hbm>> -> memref<10000x64xf32, #tpu.memory_space<hbm>>
      tpu.wait_indirect_dma semaphore(%arg17 : memref<!tpu.dma_semaphore, #tpu.memory_space<semaphore_mem>>) src(%dma_wait3A_566 : memref<10000x64xf32, #tpu.memory_space<hbm>>) dst(%dma_wait3A_556 : memref<125x64xf32, #tpu.memory_space<vmem>>)
      %dma_start3A_567 = arith.constant 0 : i32
      %dma_start3A_568 = arith.constant 0 : i32
      %dma_start3A_569 = tpu.memref_slice %arg10[%rem3A_547, %dma_start3A_567, %dma_start3A_568] : memref<4x125x64xf32, #tpu.memory_space<vmem>> -> memref<1x125x64xf32, #tpu.memory_space<vmem>>
      %dma_start3A_570 = tpu.memref_squeeze %dma_start3A_569 : memref<1x125x64xf32, #tpu.memory_space<vmem>> -> memref<125x64xf32, #tpu.memory_space<vmem>>
      %dma_start3A_571 = arith.constant 0 : i32
      %dma_start3A_572 = tpu.memref_slice %arg11[%add3A_546, %dma_start3A_571] : memref<80x125xi32, #tpu.memory_space<vmem>> -> memref<1x125xi32, #tpu.memory_space<vmem>>
      %dma_start3A_573 = tpu.memref_squeeze %dma_start3A_572 : memref<1x125xi32, #tpu.memory_space<vmem>> -> memref<125xi32, #tpu.memory_space<vmem>>
      %dma_start3A_574 = arith.constant 0 : i32
      %dma_start3A_575 = arith.constant 0 : i32
      %dma_start3A_576 = tpu.memref_slice %arg8[%dma_start3A_574, %dma_start3A_575] : memref<10000x64xf32, #tpu.memory_space<vmem_shared>> -> memref<10000x64xf32, #tpu.memory_space<vmem_shared>>
      tpu.enqueue_indirect_dma source(%dma_start3A_570 : memref<125x64xf32, #tpu.memory_space<vmem>>) target(%dma_start3A_576 : memref<10000x64xf32, #tpu.memory_space<vmem_shared>>) offsets(%dma_start3A_573 : memref<125xi32, #tpu.memory_space<vmem>>) semaphore(%arg18 : memref<!tpu.dma_semaphore, #tpu.memory_space<semaphore_mem>>) {add = true}
      %ge3A = arith.constant 1 : i32
      %ge3A_577 = arith.cmpi sge, %add3A_546, %ge3A : i32
      %convert_element_type3A = arith.extui %ge3A_577 : i1 to i32
      %cond3A = arith.constant 0 : i32
      %cond3A_578 = arith.cmpi ne, %convert_element_type3A, %cond3A : i32
      scf.if %cond3A_578 {
        %sub3A_583 = arith.constant 1 : i32
        %sub3A_584 = arith.subi %add3A_546, %sub3A_583 : i32
        %dma_wait3A_585 = arith.constant 0 : i32
        %dma_wait3A_586 = arith.constant 0 : i32
        %dma_wait3A_587 = tpu.memref_slice %arg10[%rem3A_552, %dma_wait3A_585, %dma_wait3A_586] : memref<4x125x64xf32, #tpu.memory_space<vmem>> -> memref<1x125x64xf32, #tpu.memory_space<vmem>>
        %dma_wait3A_588 = tpu.memref_squeeze %dma_wait3A_587 : memref<1x125x64xf32, #tpu.memory_space<vmem>> -> memref<125x64xf32, #tpu.memory_space<vmem>>
        %dma_wait3A_589 = arith.constant 0 : i32
        %dma_wait3A_590 = tpu.memref_slice %arg11[%sub3A_584, %dma_wait3A_589] : memref<80x125xi32, #tpu.memory_space<vmem>> -> memref<1x125xi32, #tpu.memory_space<vmem>>
        %dma_wait3A_591 = tpu.memref_squeeze %dma_wait3A_590 : memref<1x125xi32, #tpu.memory_space<vmem>> -> memref<125xi32, #tpu.memory_space<vmem>>
        %dma_wait3A_592 = arith.constant 0 : i32
        %dma_wait3A_593 = arith.constant 0 : i32
        %dma_wait3A_594 = tpu.memref_slice %arg8[%dma_wait3A_592, %dma_wait3A_593] : memref<10000x64xf32, #tpu.memory_space<vmem_shared>> -> memref<10000x64xf32, #tpu.memory_space<vmem_shared>>
        tpu.wait_indirect_dma semaphore(%arg18 : memref<!tpu.dma_semaphore, #tpu.memory_space<semaphore_mem>>) src(%dma_wait3A_588 : memref<125x64xf32, #tpu.memory_space<vmem>>) dst(%dma_wait3A_594 : memref<10000x64xf32, #tpu.memory_space<vmem_shared>>)
      } else {
      }
      %lt3A = arith.constant 77 : i32
      %lt3A_579 = arith.cmpi slt, %add3A_546, %lt3A : i32
      %convert_element_type3A_580 = arith.extui %lt3A_579 : i1 to i32
      %cond3A_581 = arith.constant 0 : i32
      %cond3A_582 = arith.cmpi ne, %convert_element_type3A_580, %cond3A_581 : i32
      scf.if %cond3A_582 {
        %add3A_583 = arith.constant 3 : i32
        %add3A_584 = arith.addi %add3A_546, %add3A_583 : i32
        %dma_start3A_585 = arith.constant 0 : i32
        %dma_start3A_586 = arith.constant 0 : i32
        %dma_start3A_587 = tpu.memref_slice %arg10[%rem3A_552, %dma_start3A_585, %dma_start3A_586] : memref<4x125x64xf32, #tpu.memory_space<vmem>> -> memref<1x125x64xf32, #tpu.memory_space<vmem>>
        %dma_start3A_588 = tpu.memref_squeeze %dma_start3A_587 : memref<1x125x64xf32, #tpu.memory_space<vmem>> -> memref<125x64xf32, #tpu.memory_space<vmem>>
        %dma_start3A_589 = arith.constant 0 : i32
        %dma_start3A_590 = tpu.memref_slice %arg12[%add3A_584, %dma_start3A_589] : memref<80x125xi32, #tpu.memory_space<vmem>> -> memref<1x125xi32, #tpu.memory_space<vmem>>
        %dma_start3A_591 = tpu.memref_squeeze %dma_start3A_590 : memref<1x125xi32, #tpu.memory_space<vmem>> -> memref<125xi32, #tpu.memory_space<vmem>>
        %dma_start3A_592 = arith.constant 0 : i32
        %dma_start3A_593 = arith.constant 0 : i32
        %dma_start3A_594 = tpu.memref_slice %arg6[%add3A_312, %dma_start3A_592, %dma_start3A_593] : memref<4x10000x64xf32, #tpu.memory_space<hbm>> -> memref<1x10000x64xf32, #tpu.memory_space<hbm>>
        %dma_start3A_595 = tpu.memref_squeeze %dma_start3A_594 : memref<1x10000x64xf32, #tpu.memory_space<hbm>> -> memref<10000x64xf32, #tpu.memory_space<hbm>>
        %dma_start3A_596 = arith.constant 0 : i32
        %dma_start3A_597 = arith.constant 0 : i32
        %dma_start3A_598 = tpu.memref_slice %dma_start3A_595[%dma_start3A_596, %dma_start3A_597] : memref<10000x64xf32, #tpu.memory_space<hbm>> -> memref<10000x64xf32, #tpu.memory_space<hbm>>
        tpu.enqueue_indirect_dma source(%dma_start3A_598 : memref<10000x64xf32, #tpu.memory_space<hbm>>) target(%dma_start3A_588 : memref<125x64xf32, #tpu.memory_space<vmem>>) offsets(%dma_start3A_591 : memref<125xi32, #tpu.memory_space<vmem>>) semaphore(%arg17 : memref<!tpu.dma_semaphore, #tpu.memory_space<semaphore_mem>>)
      } else {
      }
    }
    %scan3A_365 = arith.constant 80 : i32
    %dma_wait3A_366 = arith.constant 3 : i32
    %dma_wait3A_367 = arith.constant 79 : i32
    %dma_wait3A_368 = arith.constant 0 : i32
    %dma_wait3A_369 = arith.constant 0 : i32
    %dma_wait3A_370 = tpu.memref_slice %arg10[%dma_wait3A_366, %dma_wait3A_368, %dma_wait3A_369] : memref<4x125x64xf32, #tpu.memory_space<vmem>> -> memref<1x125x64xf32, #tpu.memory_space<vmem>>
    %dma_wait3A_371 = tpu.memref_squeeze %dma_wait3A_370 : memref<1x125x64xf32, #tpu.memory_space<vmem>> -> memref<125x64xf32, #tpu.memory_space<vmem>>
    %dma_wait3A_372 = arith.constant 0 : i32
    %dma_wait3A_373 = tpu.memref_slice %arg11[%dma_wait3A_367, %dma_wait3A_372] : memref<80x125xi32, #tpu.memory_space<vmem>> -> memref<1x125xi32, #tpu.memory_space<vmem>>
    %dma_wait3A_374 = tpu.memref_squeeze %dma_wait3A_373 : memref<1x125xi32, #tpu.memory_space<vmem>> -> memref<125xi32, #tpu.memory_space<vmem>>
    %dma_wait3A_375 = arith.constant 0 : i32
    %dma_wait3A_376 = arith.constant 0 : i32
    %dma_wait3A_377 = tpu.memref_slice %arg8[%dma_wait3A_375, %dma_wait3A_376] : memref<10000x64xf32, #tpu.memory_space<vmem_shared>> -> memref<10000x64xf32, #tpu.memory_space<vmem_shared>>
    tpu.wait_indirect_dma semaphore(%arg18 : memref<!tpu.dma_semaphore, #tpu.memory_space<semaphore_mem>>) src(%dma_wait3A_371 : memref<125x64xf32, #tpu.memory_space<vmem>>) dst(%dma_wait3A_377 : memref<10000x64xf32, #tpu.memory_space<vmem_shared>>)
    %barrier3A_378 = arith.constant 0 : index
    tpu.barrier barrier_id(%barrier3A_378)
    %scan3A_379 = arith.constant 1 : i32
    %scan3A_380 = arith.constant 2 : i32
    %scan3A_381 = arith.constant 0 : i32
    %scan3A_382 = arith.constant 5 : i32
    %scan3A_383 = arith.addi %scan3A_381, %scan3A_382 : i32
    %scan3A_384 = arith.constant 1 : i32
    scf.for %scan3A_542 = %scan3A_381 to %scan3A_383 step %scan3A_384  : i32 {
      %mul3A_543 = arith.constant 1 : i32
      %mul3A_544 = arith.muli %scan3A_542, %mul3A_543 : i32
      %add3A_545 = arith.constant 0 : i32
      %add3A_546 = arith.addi %add3A_545, %mul3A_544 : i32
      %mul3A_547 = arith.constant 125 : i32
      %mul3A_548 = arith.muli %add3A_546, %mul3A_547 : i32
      %add3A_549 = arith.addi %mul3A_0, %mul3A_548 : i32
      %mul3A_550 = arith.constant 125 : i32
      %mul3A_551 = arith.muli %add3A_546, %mul3A_550 : i32
      "tpu.region"() ({
        %run_scoped3A = tpu.sem_alloc : memref<!tpu.dma_semaphore, #tpu.memory_space<semaphore_mem>>
        %dma_start3A_557 = arith.constant 0 : i32
        %dma_start3A_558 = arith.constant 0 : i32
        %dma_start3A_559 = tpu.memref_slice %arg10[%scan3A_379, %dma_start3A_557, %dma_start3A_558] : memref<4x125x64xf32, #tpu.memory_space<vmem>> -> memref<1x125x64xf32, #tpu.memory_space<vmem>>
        %dma_start3A_560 = tpu.memref_squeeze %dma_start3A_559 : memref<1x125x64xf32, #tpu.memory_space<vmem>> -> memref<125x64xf32, #tpu.memory_space<vmem>>
        %dma_start3A_561 = arith.constant 0 : i32
        %dma_start3A_562 = tpu.memref_slice %arg8[%add3A_549, %dma_start3A_561] : memref<10000x64xf32, #tpu.memory_space<vmem_shared>> -> memref<125x64xf32, #tpu.memory_space<vmem_shared>>
        %dma_start3A_563 = arith.constant 0 : i32
        %dma_start3A_564 = arith.constant 0 : i32
        %dma_start3A_565 = tpu.memref_slice %arg10[%scan3A_379, %dma_start3A_563, %dma_start3A_564] : memref<4x125x64xf32, #tpu.memory_space<vmem>> -> memref<1x125x64xf32, #tpu.memory_space<vmem>>
        %dma_start3A_566 = tpu.memref_squeeze %dma_start3A_565 : memref<1x125x64xf32, #tpu.memory_space<vmem>> -> memref<125x64xf32, #tpu.memory_space<vmem>>
        %dma_start3A_567 = arith.constant 0 : i32
        %dma_start3A_568 = tpu.memref_slice %arg8[%add3A_549, %dma_start3A_567] : memref<10000x64xf32, #tpu.memory_space<vmem_shared>> -> memref<125x64xf32, #tpu.memory_space<vmem_shared>>
        tpu.enqueue_dma source(%dma_start3A_568 : memref<125x64xf32, #tpu.memory_space<vmem_shared>>) target(%dma_start3A_566 : memref<125x64xf32, #tpu.memory_space<vmem>>) target_semaphore(%run_scoped3A : memref<!tpu.dma_semaphore, #tpu.memory_space<semaphore_mem>>)
        %dma_wait3A_569 = arith.constant 0 : i32
        %dma_wait3A_570 = arith.constant 0 : i32
        %dma_wait3A_571 = tpu.memref_slice %arg10[%scan3A_379, %dma_wait3A_569, %dma_wait3A_570] : memref<4x125x64xf32, #tpu.memory_space<vmem>> -> memref<1x125x64xf32, #tpu.memory_space<vmem>>
        %dma_wait3A_572 = tpu.memref_squeeze %dma_wait3A_571 : memref<1x125x64xf32, #tpu.memory_space<vmem>> -> memref<125x64xf32, #tpu.memory_space<vmem>>
        %dma_wait3A_573 = arith.constant 0 : i32
        %dma_wait3A_574 = tpu.memref_slice %arg8[%add3A_549, %dma_wait3A_573] : memref<10000x64xf32, #tpu.memory_space<vmem_shared>> -> memref<125x64xf32, #tpu.memory_space<vmem_shared>>
        %dma_wait3A_575 = arith.constant 0 : i32
        %dma_wait3A_576 = arith.constant 0 : i32
        %dma_wait3A_577 = tpu.memref_slice %arg10[%scan3A_379, %dma_wait3A_575, %dma_wait3A_576] : memref<4x125x64xf32, #tpu.memory_space<vmem>> -> memref<1x125x64xf32, #tpu.memory_space<vmem>>
        %dma_wait3A_578 = tpu.memref_squeeze %dma_wait3A_577 : memref<1x125x64xf32, #tpu.memory_space<vmem>> -> memref<125x64xf32, #tpu.memory_space<vmem>>
        %dma_wait3A_579 = arith.constant 0 : i32
        %dma_wait3A_580 = tpu.memref_slice %arg8[%add3A_549, %dma_wait3A_579] : memref<10000x64xf32, #tpu.memory_space<vmem_shared>> -> memref<125x64xf32, #tpu.memory_space<vmem_shared>>
        tpu.wait_dma2 semaphore(%run_scoped3A : memref<!tpu.dma_semaphore, #tpu.memory_space<semaphore_mem>>) src(%dma_wait3A_580 : memref<125x64xf32, #tpu.memory_space<vmem_shared>>) dst(%dma_wait3A_578 : memref<125x64xf32, #tpu.memory_space<vmem>>)
        tpu.yield
      }) : () -> ()
      "tpu.region"() ({
        %run_scoped3A = tpu.sem_alloc : memref<!tpu.dma_semaphore, #tpu.memory_space<semaphore_mem>>
        %dma_start3A_557 = arith.constant 0 : i32
        %dma_start3A_558 = tpu.memref_slice %arg8[%add3A_549, %dma_start3A_557] : memref<10000x64xf32, #tpu.memory_space<vmem_shared>> -> memref<125x64xf32, #tpu.memory_space<vmem_shared>>
        %dma_start3A_559 = arith.constant 0 : i32
        %dma_start3A_560 = tpu.memref_slice %arg8[%add3A_549, %dma_start3A_559] : memref<10000x64xf32, #tpu.memory_space<vmem_shared>> -> memref<125x64xf32, #tpu.memory_space<vmem_shared>>
        tpu.enqueue_dma source(%arg14 : memref<125x64xf32, #tpu.memory_space<vmem>>) target(%dma_start3A_560 : memref<125x64xf32, #tpu.memory_space<vmem_shared>>) target_semaphore(%run_scoped3A : memref<!tpu.dma_semaphore, #tpu.memory_space<semaphore_mem>>)
        %dma_wait3A_561 = arith.constant 0 : i32
        %dma_wait3A_562 = tpu.memref_slice %arg8[%add3A_549, %dma_wait3A_561] : memref<10000x64xf32, #tpu.memory_space<vmem_shared>> -> memref<125x64xf32, #tpu.memory_space<vmem_shared>>
        %dma_wait3A_563 = arith.constant 0 : i32
        %dma_wait3A_564 = tpu.memref_slice %arg8[%add3A_549, %dma_wait3A_563] : memref<10000x64xf32, #tpu.memory_space<vmem_shared>> -> memref<125x64xf32, #tpu.memory_space<vmem_shared>>
        tpu.wait_dma2 semaphore(%run_scoped3A : memref<!tpu.dma_semaphore, #tpu.memory_space<semaphore_mem>>) src(%arg14 : memref<125x64xf32, #tpu.memory_space<vmem>>) dst(%dma_wait3A_564 : memref<125x64xf32, #tpu.memory_space<vmem_shared>>)
        tpu.yield
      }) : () -> ()
      "tpu.region"() ({
        %run_scoped3A = tpu.sem_alloc : memref<!tpu.dma_semaphore, #tpu.memory_space<semaphore_mem>>
        %dma_start3A_557 = arith.constant 0 : i32
        %dma_start3A_558 = arith.constant 0 : i32
        %dma_start3A_559 = tpu.memref_slice %arg10[%scan3A_380, %dma_start3A_557, %dma_start3A_558] : memref<4x125x64xf32, #tpu.memory_space<vmem>> -> memref<1x125x64xf32, #tpu.memory_space<vmem>>
        %dma_start3A_560 = tpu.memref_squeeze %dma_start3A_559 : memref<1x125x64xf32, #tpu.memory_space<vmem>> -> memref<125x64xf32, #tpu.memory_space<vmem>>
        %dma_start3A_561 = arith.constant 0 : i32
        %dma_start3A_562 = arith.constant 0 : i32
        %dma_start3A_563 = tpu.memref_slice %arg7[%add3A_312, %dma_start3A_561, %dma_start3A_562] : memref<4x10000x64xf32, #tpu.memory_space<hbm>> -> memref<1x10000x64xf32, #tpu.memory_space<hbm>>
        %dma_start3A_564 = tpu.memref_squeeze %dma_start3A_563 : memref<1x10000x64xf32, #tpu.memory_space<hbm>> -> memref<10000x64xf32, #tpu.memory_space<hbm>>
        %dma_start3A_565 = arith.constant 0 : i32
        %dma_start3A_566 = tpu.memref_slice %dma_start3A_564[%add3A_549, %dma_start3A_565] : memref<10000x64xf32, #tpu.memory_space<hbm>> -> memref<125x64xf32, #tpu.memory_space<hbm>>
        %dma_start3A_567 = arith.constant 0 : i32
        %dma_start3A_568 = arith.constant 0 : i32
        %dma_start3A_569 = tpu.memref_slice %arg10[%scan3A_380, %dma_start3A_567, %dma_start3A_568] : memref<4x125x64xf32, #tpu.memory_space<vmem>> -> memref<1x125x64xf32, #tpu.memory_space<vmem>>
        %dma_start3A_570 = tpu.memref_squeeze %dma_start3A_569 : memref<1x125x64xf32, #tpu.memory_space<vmem>> -> memref<125x64xf32, #tpu.memory_space<vmem>>
        %dma_start3A_571 = arith.constant 0 : i32
        %dma_start3A_572 = arith.constant 0 : i32
        %dma_start3A_573 = tpu.memref_slice %arg7[%add3A_312, %dma_start3A_571, %dma_start3A_572] : memref<4x10000x64xf32, #tpu.memory_space<hbm>> -> memref<1x10000x64xf32, #tpu.memory_space<hbm>>
        %dma_start3A_574 = tpu.memref_squeeze %dma_start3A_573 : memref<1x10000x64xf32, #tpu.memory_space<hbm>> -> memref<10000x64xf32, #tpu.memory_space<hbm>>
        %dma_start3A_575 = arith.constant 0 : i32
        %dma_start3A_576 = tpu.memref_slice %dma_start3A_574[%add3A_549, %dma_start3A_575] : memref<10000x64xf32, #tpu.memory_space<hbm>> -> memref<125x64xf32, #tpu.memory_space<hbm>>
        tpu.enqueue_dma source(%dma_start3A_576 : memref<125x64xf32, #tpu.memory_space<hbm>>) target(%dma_start3A_570 : memref<125x64xf32, #tpu.memory_space<vmem>>) target_semaphore(%run_scoped3A : memref<!tpu.dma_semaphore, #tpu.memory_space<semaphore_mem>>)
        %dma_wait3A_577 = arith.constant 0 : i32
        %dma_wait3A_578 = arith.constant 0 : i32
        %dma_wait3A_579 = tpu.memref_slice %arg10[%scan3A_380, %dma_wait3A_577, %dma_wait3A_578] : memref<4x125x64xf32, #tpu.memory_space<vmem>> -> memref<1x125x64xf32, #tpu.memory_space<vmem>>
        %dma_wait3A_580 = tpu.memref_squeeze %dma_wait3A_579 : memref<1x125x64xf32, #tpu.memory_space<vmem>> -> memref<125x64xf32, #tpu.memory_space<vmem>>
        %dma_wait3A_581 = arith.constant 0 : i32
        %dma_wait3A_582 = arith.constant 0 : i32
        %dma_wait3A_583 = tpu.memref_slice %arg7[%add3A_312, %dma_wait3A_581, %dma_wait3A_582] : memref<4x10000x64xf32, #tpu.memory_space<hbm>> -> memref<1x10000x64xf32, #tpu.memory_space<hbm>>
        %dma_wait3A_584 = tpu.memref_squeeze %dma_wait3A_583 : memref<1x10000x64xf32, #tpu.memory_space<hbm>> -> memref<10000x64xf32, #tpu.memory_space<hbm>>
        %dma_wait3A_585 = arith.constant 0 : i32
        %dma_wait3A_586 = tpu.memref_slice %dma_wait3A_584[%add3A_549, %dma_wait3A_585] : memref<10000x64xf32, #tpu.memory_space<hbm>> -> memref<125x64xf32, #tpu.memory_space<hbm>>
        %dma_wait3A_587 = arith.constant 0 : i32
        %dma_wait3A_588 = arith.constant 0 : i32
        %dma_wait3A_589 = tpu.memref_slice %arg10[%scan3A_380, %dma_wait3A_587, %dma_wait3A_588] : memref<4x125x64xf32, #tpu.memory_space<vmem>> -> memref<1x125x64xf32, #tpu.memory_space<vmem>>
        %dma_wait3A_590 = tpu.memref_squeeze %dma_wait3A_589 : memref<1x125x64xf32, #tpu.memory_space<vmem>> -> memref<125x64xf32, #tpu.memory_space<vmem>>
        %dma_wait3A_591 = arith.constant 0 : i32
        %dma_wait3A_592 = arith.constant 0 : i32
        %dma_wait3A_593 = tpu.memref_slice %arg7[%add3A_312, %dma_wait3A_591, %dma_wait3A_592] : memref<4x10000x64xf32, #tpu.memory_space<hbm>> -> memref<1x10000x64xf32, #tpu.memory_space<hbm>>
        %dma_wait3A_594 = tpu.memref_squeeze %dma_wait3A_593 : memref<1x10000x64xf32, #tpu.memory_space<hbm>> -> memref<10000x64xf32, #tpu.memory_space<hbm>>
        %dma_wait3A_595 = arith.constant 0 : i32
        %dma_wait3A_596 = tpu.memref_slice %dma_wait3A_594[%add3A_549, %dma_wait3A_595] : memref<10000x64xf32, #tpu.memory_space<hbm>> -> memref<125x64xf32, #tpu.memory_space<hbm>>
        tpu.wait_dma2 semaphore(%run_scoped3A : memref<!tpu.dma_semaphore, #tpu.memory_space<semaphore_mem>>) src(%dma_wait3A_596 : memref<125x64xf32, #tpu.memory_space<hbm>>) dst(%dma_wait3A_590 : memref<125x64xf32, #tpu.memory_space<vmem>>)
        tpu.yield
      }) : () -> ()
      %scan3A_552 = arith.constant 0 : i32
      %scan3A_553 = arith.constant 125 : i32
      %scan3A_554 = arith.addi %scan3A_552, %scan3A_553 : i32
      %scan3A_555 = arith.constant 1 : i32
      scf.for %scan3A_557 = %scan3A_552 to %scan3A_554 step %scan3A_555  : i32 {
        %mul3A_558 = arith.constant 1 : i32
        %mul3A_559 = arith.muli %scan3A_557, %mul3A_558 : i32
        %add3A_560 = arith.constant 0 : i32
        %add3A_561 = arith.addi %add3A_560, %mul3A_559 : i32
        %add3A_562 = arith.addi %mul3A_551, %add3A_561 : i32
        %get3A = arith.index_cast %add3A_562 : i32 to index
        %get3A_563 = arith.constant 0 : index
        %get3A_564 = tpu.vector_load %arg13[%get3A, %get3A_563] {strides = array<i32>} : memref<625x16xf32, #tpu.memory_space<vmem>>, vector<1x16xf32>,
        %get3A_565 = vector.shape_cast %get3A_564 : vector<1x16xf32> to vector<16xf32>
        %mul3A_566 = arith.mulf %get3A_565, %get3A_565 : vector<16xf32>
        %get3A_567 = arith.constant 1 : i32
        %get3A_568 = arith.index_cast %get3A_567 : i32 to index
        %get3A_569 = arith.index_cast %add3A_561 : i32 to index
        %get3A_570 = arith.constant 0 : index
        %get3A_571 = tpu.vector_load %arg10[%get3A_568, %get3A_569, %get3A_570] {strides = array<i32>} : memref<4x125x64xf32, #tpu.memory_space<vmem>>, vector<1x1x16xf32>,
        %get3A_572 = vector.shape_cast %get3A_571 : vector<1x1x16xf32> to vector<16xf32>
        %mul3A_573 = arith.mulf %get3A_572, %get3A_565 : vector<16xf32>
        %get3A_574 = arith.constant 2 : i32
        %get3A_575 = arith.index_cast %get3A_574 : i32 to index
        %get3A_576 = arith.index_cast %add3A_561 : i32 to index
        %get3A_577 = arith.constant 0 : index
        %get3A_578 = tpu.vector_load %arg10[%get3A_575, %get3A_576, %get3A_577] {strides = array<i32>} : memref<4x125x64xf32, #tpu.memory_space<vmem>>, vector<1x1x16xf32>,
        %get3A_579 = vector.shape_cast %get3A_578 : vector<1x1x16xf32> to vector<16xf32>
        %add3A_580 = arith.addf %get3A_579, %mul3A_573 : vector<16xf32>
        %swap3A = arith.constant 2 : i32
        %swap3A_581 = arith.index_cast %swap3A : i32 to index
        %swap3A_582 = arith.index_cast %add3A_561 : i32 to index
        %swap3A_583 = arith.constant 0 : index
        %swap3A_584 = tpu.vector_load %arg10[%swap3A_581, %swap3A_582, %swap3A_583] {strides = array<i32>} : memref<4x125x64xf32, #tpu.memory_space<vmem>>, vector<1x1x16xf32>,
        %swap3A_585 = vector.shape_cast %swap3A_584 : vector<1x1x16xf32> to vector<16xf32>
        %swap3A_586 = vector.shape_cast %add3A_580 : vector<16xf32> to vector<1x1x16xf32>
        tpu.vector_store %arg10[%swap3A_581, %swap3A_582, %swap3A_583], %swap3A_586 {strides = array<i32>} : memref<4x125x64xf32, #tpu.memory_space<vmem>>, vector<1x1x16xf32>,
        %mul3A_587 = arith.mulf %get3A_572, %mul3A_566 : vector<16xf32>
        %swap3A_588 = arith.constant 1 : i32
        %swap3A_589 = arith.index_cast %swap3A_588 : i32 to index
        %swap3A_590 = arith.index_cast %add3A_561 : i32 to index
        %swap3A_591 = arith.constant 0 : index
        %swap3A_592 = tpu.vector_load %arg10[%swap3A_589, %swap3A_590, %swap3A_591] {strides = array<i32>} : memref<4x125x64xf32, #tpu.memory_space<vmem>>, vector<1x1x16xf32>,
        %swap3A_593 = vector.shape_cast %swap3A_592 : vector<1x1x16xf32> to vector<16xf32>
        %swap3A_594 = vector.shape_cast %mul3A_587 : vector<16xf32> to vector<1x1x16xf32>
        tpu.vector_store %arg10[%swap3A_589, %swap3A_590, %swap3A_591], %swap3A_594 {strides = array<i32>} : memref<4x125x64xf32, #tpu.memory_space<vmem>>, vector<1x1x16xf32>,
        %get3A_595 = arith.constant 1 : i32
        %get3A_596 = arith.index_cast %get3A_595 : i32 to index
        %get3A_597 = arith.index_cast %add3A_561 : i32 to index
        %get3A_598 = arith.constant 16 : index
        %get3A_599 = tpu.vector_load %arg10[%get3A_596, %get3A_597, %get3A_598] {strides = array<i32>} : memref<4x125x64xf32, #tpu.memory_space<vmem>>, vector<1x1x16xf32>,
        %get3A_600 = vector.shape_cast %get3A_599 : vector<1x1x16xf32> to vector<16xf32>
        %mul3A_601 = arith.mulf %get3A_600, %get3A_565 : vector<16xf32>
        %get3A_602 = arith.constant 2 : i32
        %get3A_603 = arith.index_cast %get3A_602 : i32 to index
        %get3A_604 = arith.index_cast %add3A_561 : i32 to index
        %get3A_605 = arith.constant 16 : index
        %get3A_606 = tpu.vector_load %arg10[%get3A_603, %get3A_604, %get3A_605] {strides = array<i32>} : memref<4x125x64xf32, #tpu.memory_space<vmem>>, vector<1x1x16xf32>,
        %get3A_607 = vector.shape_cast %get3A_606 : vector<1x1x16xf32> to vector<16xf32>
        %add3A_608 = arith.addf %get3A_607, %mul3A_601 : vector<16xf32>
        %swap3A_609 = arith.constant 2 : i32
        %swap3A_610 = arith.index_cast %swap3A_609 : i32 to index
        %swap3A_611 = arith.index_cast %add3A_561 : i32 to index
        %swap3A_612 = arith.constant 16 : index
        %swap3A_613 = tpu.vector_load %arg10[%swap3A_610, %swap3A_611, %swap3A_612] {strides = array<i32>} : memref<4x125x64xf32, #tpu.memory_space<vmem>>, vector<1x1x16xf32>,
        %swap3A_614 = vector.shape_cast %swap3A_613 : vector<1x1x16xf32> to vector<16xf32>
        %swap3A_615 = vector.shape_cast %add3A_608 : vector<16xf32> to vector<1x1x16xf32>
        tpu.vector_store %arg10[%swap3A_610, %swap3A_611, %swap3A_612], %swap3A_615 {strides = array<i32>} : memref<4x125x64xf32, #tpu.memory_space<vmem>>, vector<1x1x16xf32>,
        %mul3A_616 = arith.mulf %get3A_600, %mul3A_566 : vector<16xf32>
        %swap3A_617 = arith.constant 1 : i32
        %swap3A_618 = arith.index_cast %swap3A_617 : i32 to index
        %swap3A_619 = arith.index_cast %add3A_561 : i32 to index
        %swap3A_620 = arith.constant 16 : index
        %swap3A_621 = tpu.vector_load %arg10[%swap3A_618, %swap3A_619, %swap3A_620] {strides = array<i32>} : memref<4x125x64xf32, #tpu.memory_space<vmem>>, vector<1x1x16xf32>,
        %swap3A_622 = vector.shape_cast %swap3A_621 : vector<1x1x16xf32> to vector<16xf32>
        %swap3A_623 = vector.shape_cast %mul3A_616 : vector<16xf32> to vector<1x1x16xf32>
        tpu.vector_store %arg10[%swap3A_618, %swap3A_619, %swap3A_620], %swap3A_623 {strides = array<i32>} : memref<4x125x64xf32, #tpu.memory_space<vmem>>, vector<1x1x16xf32>,
        %get3A_624 = arith.constant 1 : i32
        %get3A_625 = arith.index_cast %get3A_624 : i32 to index
        %get3A_626 = arith.index_cast %add3A_561 : i32 to index
        %get3A_627 = arith.constant 32 : index
        %get3A_628 = tpu.vector_load %arg10[%get3A_625, %get3A_626, %get3A_627] {strides = array<i32>} : memref<4x125x64xf32, #tpu.memory_space<vmem>>, vector<1x1x16xf32>,
        %get3A_629 = vector.shape_cast %get3A_628 : vector<1x1x16xf32> to vector<16xf32>
        %mul3A_630 = arith.mulf %get3A_629, %get3A_565 : vector<16xf32>
        %get3A_631 = arith.constant 2 : i32
        %get3A_632 = arith.index_cast %get3A_631 : i32 to index
        %get3A_633 = arith.index_cast %add3A_561 : i32 to index
        %get3A_634 = arith.constant 32 : index
        %get3A_635 = tpu.vector_load %arg10[%get3A_632, %get3A_633, %get3A_634] {strides = array<i32>} : memref<4x125x64xf32, #tpu.memory_space<vmem>>, vector<1x1x16xf32>,
        %get3A_636 = vector.shape_cast %get3A_635 : vector<1x1x16xf32> to vector<16xf32>
        %add3A_637 = arith.addf %get3A_636, %mul3A_630 : vector<16xf32>
        %swap3A_638 = arith.constant 2 : i32
        %swap3A_639 = arith.index_cast %swap3A_638 : i32 to index
        %swap3A_640 = arith.index_cast %add3A_561 : i32 to index
        %swap3A_641 = arith.constant 32 : index
        %swap3A_642 = tpu.vector_load %arg10[%swap3A_639, %swap3A_640, %swap3A_641] {strides = array<i32>} : memref<4x125x64xf32, #tpu.memory_space<vmem>>, vector<1x1x16xf32>,
        %swap3A_643 = vector.shape_cast %swap3A_642 : vector<1x1x16xf32> to vector<16xf32>
        %swap3A_644 = vector.shape_cast %add3A_637 : vector<16xf32> to vector<1x1x16xf32>
        tpu.vector_store %arg10[%swap3A_639, %swap3A_640, %swap3A_641], %swap3A_644 {strides = array<i32>} : memref<4x125x64xf32, #tpu.memory_space<vmem>>, vector<1x1x16xf32>,
        %mul3A_645 = arith.mulf %get3A_629, %mul3A_566 : vector<16xf32>
        %swap3A_646 = arith.constant 1 : i32
        %swap3A_647 = arith.index_cast %swap3A_646 : i32 to index
        %swap3A_648 = arith.index_cast %add3A_561 : i32 to index
        %swap3A_649 = arith.constant 32 : index
        %swap3A_650 = tpu.vector_load %arg10[%swap3A_647, %swap3A_648, %swap3A_649] {strides = array<i32>} : memref<4x125x64xf32, #tpu.memory_space<vmem>>, vector<1x1x16xf32>,
        %swap3A_651 = vector.shape_cast %swap3A_650 : vector<1x1x16xf32> to vector<16xf32>
        %swap3A_652 = vector.shape_cast %mul3A_645 : vector<16xf32> to vector<1x1x16xf32>
        tpu.vector_store %arg10[%swap3A_647, %swap3A_648, %swap3A_649], %swap3A_652 {strides = array<i32>} : memref<4x125x64xf32, #tpu.memory_space<vmem>>, vector<1x1x16xf32>,
        %get3A_653 = arith.constant 1 : i32
        %get3A_654 = arith.index_cast %get3A_653 : i32 to index
        %get3A_655 = arith.index_cast %add3A_561 : i32 to index
        %get3A_656 = arith.constant 48 : index
        %get3A_657 = tpu.vector_load %arg10[%get3A_654, %get3A_655, %get3A_656] {strides = array<i32>} : memref<4x125x64xf32, #tpu.memory_space<vmem>>, vector<1x1x16xf32>,
        %get3A_658 = vector.shape_cast %get3A_657 : vector<1x1x16xf32> to vector<16xf32>
        %mul3A_659 = arith.mulf %get3A_658, %get3A_565 : vector<16xf32>
        %get3A_660 = arith.constant 2 : i32
        %get3A_661 = arith.index_cast %get3A_660 : i32 to index
        %get3A_662 = arith.index_cast %add3A_561 : i32 to index
        %get3A_663 = arith.constant 48 : index
        %get3A_664 = tpu.vector_load %arg10[%get3A_661, %get3A_662, %get3A_663] {strides = array<i32>} : memref<4x125x64xf32, #tpu.memory_space<vmem>>, vector<1x1x16xf32>,
        %get3A_665 = vector.shape_cast %get3A_664 : vector<1x1x16xf32> to vector<16xf32>
        %add3A_666 = arith.addf %get3A_665, %mul3A_659 : vector<16xf32>
        %swap3A_667 = arith.constant 2 : i32
        %swap3A_668 = arith.index_cast %swap3A_667 : i32 to index
        %swap3A_669 = arith.index_cast %add3A_561 : i32 to index
        %swap3A_670 = arith.constant 48 : index
        %swap3A_671 = tpu.vector_load %arg10[%swap3A_668, %swap3A_669, %swap3A_670] {strides = array<i32>} : memref<4x125x64xf32, #tpu.memory_space<vmem>>, vector<1x1x16xf32>,
        %swap3A_672 = vector.shape_cast %swap3A_671 : vector<1x1x16xf32> to vector<16xf32>
        %swap3A_673 = vector.shape_cast %add3A_666 : vector<16xf32> to vector<1x1x16xf32>
        tpu.vector_store %arg10[%swap3A_668, %swap3A_669, %swap3A_670], %swap3A_673 {strides = array<i32>} : memref<4x125x64xf32, #tpu.memory_space<vmem>>, vector<1x1x16xf32>,
        %mul3A_674 = arith.mulf %get3A_658, %mul3A_566 : vector<16xf32>
        %swap3A_675 = arith.constant 1 : i32
        %swap3A_676 = arith.index_cast %swap3A_675 : i32 to index
        %swap3A_677 = arith.index_cast %add3A_561 : i32 to index
        %swap3A_678 = arith.constant 48 : index
        %swap3A_679 = tpu.vector_load %arg10[%swap3A_676, %swap3A_677, %swap3A_678] {strides = array<i32>} : memref<4x125x64xf32, #tpu.memory_space<vmem>>, vector<1x1x16xf32>,
        %swap3A_680 = vector.shape_cast %swap3A_679 : vector<1x1x16xf32> to vector<16xf32>
        %swap3A_681 = vector.shape_cast %mul3A_674 : vector<16xf32> to vector<1x1x16xf32>
        tpu.vector_store %arg10[%swap3A_676, %swap3A_677, %swap3A_678], %swap3A_681 {strides = array<i32>} : memref<4x125x64xf32, #tpu.memory_space<vmem>>, vector<1x1x16xf32>,
      }
      %scan3A_556 = arith.constant 125 : i32
      "tpu.region"() ({
        %run_scoped3A = tpu.sem_alloc : memref<!tpu.dma_semaphore, #tpu.memory_space<semaphore_mem>>
        %dma_start3A_557 = arith.constant 0 : i32
        %dma_start3A_558 = arith.constant 0 : i32
        %dma_start3A_559 = tpu.memref_slice %arg10[%scan3A_380, %dma_start3A_557, %dma_start3A_558] : memref<4x125x64xf32, #tpu.memory_space<vmem>> -> memref<1x125x64xf32, #tpu.memory_space<vmem>>
        %dma_start3A_560 = tpu.memref_squeeze %dma_start3A_559 : memref<1x125x64xf32, #tpu.memory_space<vmem>> -> memref<125x64xf32, #tpu.memory_space<vmem>>
        %dma_start3A_561 = arith.constant 0 : i32
        %dma_start3A_562 = arith.constant 0 : i32
        %dma_start3A_563 = tpu.memref_slice %arg7[%add3A_312, %dma_start3A_561, %dma_start3A_562] : memref<4x10000x64xf32, #tpu.memory_space<hbm>> -> memref<1x10000x64xf32, #tpu.memory_space<hbm>>
        %dma_start3A_564 = tpu.memref_squeeze %dma_start3A_563 : memref<1x10000x64xf32, #tpu.memory_space<hbm>> -> memref<10000x64xf32, #tpu.memory_space<hbm>>
        %dma_start3A_565 = arith.constant 0 : i32
        %dma_start3A_566 = tpu.memref_slice %dma_start3A_564[%add3A_549, %dma_start3A_565] : memref<10000x64xf32, #tpu.memory_space<hbm>> -> memref<125x64xf32, #tpu.memory_space<hbm>>
        %dma_start3A_567 = arith.constant 0 : i32
        %dma_start3A_568 = arith.constant 0 : i32
        %dma_start3A_569 = tpu.memref_slice %arg7[%add3A_312, %dma_start3A_567, %dma_start3A_568] : memref<4x10000x64xf32, #tpu.memory_space<hbm>> -> memref<1x10000x64xf32, #tpu.memory_space<hbm>>
        %dma_start3A_570 = tpu.memref_squeeze %dma_start3A_569 : memref<1x10000x64xf32, #tpu.memory_space<hbm>> -> memref<10000x64xf32, #tpu.memory_space<hbm>>
        %dma_start3A_571 = arith.constant 0 : i32
        %dma_start3A_572 = tpu.memref_slice %dma_start3A_570[%add3A_549, %dma_start3A_571] : memref<10000x64xf32, #tpu.memory_space<hbm>> -> memref<125x64xf32, #tpu.memory_space<hbm>>
        %dma_start3A_573 = arith.constant 0 : i32
        %dma_start3A_574 = arith.constant 0 : i32
        %dma_start3A_575 = tpu.memref_slice %arg10[%scan3A_380, %dma_start3A_573, %dma_start3A_574] : memref<4x125x64xf32, #tpu.memory_space<vmem>> -> memref<1x125x64xf32, #tpu.memory_space<vmem>>
        %dma_start3A_576 = tpu.memref_squeeze %dma_start3A_575 : memref<1x125x64xf32, #tpu.memory_space<vmem>> -> memref<125x64xf32, #tpu.memory_space<vmem>>
        tpu.enqueue_dma source(%dma_start3A_576 : memref<125x64xf32, #tpu.memory_space<vmem>>) target(%dma_start3A_572 : memref<125x64xf32, #tpu.memory_space<hbm>>) target_semaphore(%run_scoped3A : memref<!tpu.dma_semaphore, #tpu.memory_space<semaphore_mem>>)
        %dma_wait3A_577 = arith.constant 0 : i32
        %dma_wait3A_578 = arith.constant 0 : i32
        %dma_wait3A_579 = tpu.memref_slice %arg10[%scan3A_380, %dma_wait3A_577, %dma_wait3A_578] : memref<4x125x64xf32, #tpu.memory_space<vmem>> -> memref<1x125x64xf32, #tpu.memory_space<vmem>>
        %dma_wait3A_580 = tpu.memref_squeeze %dma_wait3A_579 : memref<1x125x64xf32, #tpu.memory_space<vmem>> -> memref<125x64xf32, #tpu.memory_space<vmem>>
        %dma_wait3A_581 = arith.constant 0 : i32
        %dma_wait3A_582 = arith.constant 0 : i32
        %dma_wait3A_583 = tpu.memref_slice %arg7[%add3A_312, %dma_wait3A_581, %dma_wait3A_582] : memref<4x10000x64xf32, #tpu.memory_space<hbm>> -> memref<1x10000x64xf32, #tpu.memory_space<hbm>>
        %dma_wait3A_584 = tpu.memref_squeeze %dma_wait3A_583 : memref<1x10000x64xf32, #tpu.memory_space<hbm>> -> memref<10000x64xf32, #tpu.memory_space<hbm>>
        %dma_wait3A_585 = arith.constant 0 : i32
        %dma_wait3A_586 = tpu.memref_slice %dma_wait3A_584[%add3A_549, %dma_wait3A_585] : memref<10000x64xf32, #tpu.memory_space<hbm>> -> memref<125x64xf32, #tpu.memory_space<hbm>>
        %dma_wait3A_587 = arith.constant 0 : i32
        %dma_wait3A_588 = arith.constant 0 : i32
        %dma_wait3A_589 = tpu.memref_slice %arg7[%add3A_312, %dma_wait3A_587, %dma_wait3A_588] : memref<4x10000x64xf32, #tpu.memory_space<hbm>> -> memref<1x10000x64xf32, #tpu.memory_space<hbm>>
        %dma_wait3A_590 = tpu.memref_squeeze %dma_wait3A_589 : memref<1x10000x64xf32, #tpu.memory_space<hbm>> -> memref<10000x64xf32, #tpu.memory_space<hbm>>
        %dma_wait3A_591 = arith.constant 0 : i32
        %dma_wait3A_592 = tpu.memref_slice %dma_wait3A_590[%add3A_549, %dma_wait3A_591] : memref<10000x64xf32, #tpu.memory_space<hbm>> -> memref<125x64xf32, #tpu.memory_space<hbm>>
        %dma_wait3A_593 = arith.constant 0 : i32
        %dma_wait3A_594 = arith.constant 0 : i32
        %dma_wait3A_595 = tpu.memref_slice %arg10[%scan3A_380, %dma_wait3A_593, %dma_wait3A_594] : memref<4x125x64xf32, #tpu.memory_space<vmem>> -> memref<1x125x64xf32, #tpu.memory_space<vmem>>
        %dma_wait3A_596 = tpu.memref_squeeze %dma_wait3A_595 : memref<1x125x64xf32, #tpu.memory_space<vmem>> -> memref<125x64xf32, #tpu.memory_space<vmem>>
        tpu.wait_dma2 semaphore(%run_scoped3A : memref<!tpu.dma_semaphore, #tpu.memory_space<semaphore_mem>>) src(%dma_wait3A_596 : memref<125x64xf32, #tpu.memory_space<vmem>>) dst(%dma_wait3A_592 : memref<125x64xf32, #tpu.memory_space<hbm>>)
        tpu.yield
      }) : () -> ()
      "tpu.region"() ({
        %run_scoped3A = tpu.sem_alloc : memref<!tpu.dma_semaphore, #tpu.memory_space<semaphore_mem>>
        %dma_start3A_557 = arith.constant 0 : i32
        %dma_start3A_558 = arith.constant 0 : i32
        %dma_start3A_559 = tpu.memref_slice %arg10[%scan3A_379, %dma_start3A_557, %dma_start3A_558] : memref<4x125x64xf32, #tpu.memory_space<vmem>> -> memref<1x125x64xf32, #tpu.memory_space<vmem>>
        %dma_start3A_560 = tpu.memref_squeeze %dma_start3A_559 : memref<1x125x64xf32, #tpu.memory_space<vmem>> -> memref<125x64xf32, #tpu.memory_space<vmem>>
        %dma_start3A_561 = arith.constant 0 : i32
        %dma_start3A_562 = arith.constant 0 : i32
        %dma_start3A_563 = tpu.memref_slice %arg6[%add3A_312, %dma_start3A_561, %dma_start3A_562] : memref<4x10000x64xf32, #tpu.memory_space<hbm>> -> memref<1x10000x64xf32, #tpu.memory_space<hbm>>
        %dma_start3A_564 = tpu.memref_squeeze %dma_start3A_563 : memref<1x10000x64xf32, #tpu.memory_space<hbm>> -> memref<10000x64xf32, #tpu.memory_space<hbm>>
        %dma_start3A_565 = arith.constant 0 : i32
        %dma_start3A_566 = tpu.memref_slice %dma_start3A_564[%add3A_549, %dma_start3A_565] : memref<10000x64xf32, #tpu.memory_space<hbm>> -> memref<125x64xf32, #tpu.memory_space<hbm>>
        %dma_start3A_567 = arith.constant 0 : i32
        %dma_start3A_568 = arith.constant 0 : i32
        %dma_start3A_569 = tpu.memref_slice %arg6[%add3A_312, %dma_start3A_567, %dma_start3A_568] : memref<4x10000x64xf32, #tpu.memory_space<hbm>> -> memref<1x10000x64xf32, #tpu.memory_space<hbm>>
        %dma_start3A_570 = tpu.memref_squeeze %dma_start3A_569 : memref<1x10000x64xf32, #tpu.memory_space<hbm>> -> memref<10000x64xf32, #tpu.memory_space<hbm>>
        %dma_start3A_571 = arith.constant 0 : i32
        %dma_start3A_572 = tpu.memref_slice %dma_start3A_570[%add3A_549, %dma_start3A_571] : memref<10000x64xf32, #tpu.memory_space<hbm>> -> memref<125x64xf32, #tpu.memory_space<hbm>>
        %dma_start3A_573 = arith.constant 0 : i32
        %dma_start3A_574 = arith.constant 0 : i32
        %dma_start3A_575 = tpu.memref_slice %arg10[%scan3A_379, %dma_start3A_573, %dma_start3A_574] : memref<4x125x64xf32, #tpu.memory_space<vmem>> -> memref<1x125x64xf32, #tpu.memory_space<vmem>>
        %dma_start3A_576 = tpu.memref_squeeze %dma_start3A_575 : memref<1x125x64xf32, #tpu.memory_space<vmem>> -> memref<125x64xf32, #tpu.memory_space<vmem>>
        tpu.enqueue_dma source(%dma_start3A_576 : memref<125x64xf32, #tpu.memory_space<vmem>>) target(%dma_start3A_572 : memref<125x64xf32, #tpu.memory_space<hbm>>) target_semaphore(%run_scoped3A : memref<!tpu.dma_semaphore, #tpu.memory_space<semaphore_mem>>)
        %dma_wait3A_577 = arith.constant 0 : i32
        %dma_wait3A_578 = arith.constant 0 : i32
        %dma_wait3A_579 = tpu.memref_slice %arg10[%scan3A_379, %dma_wait3A_577, %dma_wait3A_578] : memref<4x125x64xf32, #tpu.memory_space<vmem>> -> memref<1x125x64xf32, #tpu.memory_space<vmem>>
        %dma_wait3A_580 = tpu.memref_squeeze %dma_wait3A_579 : memref<1x125x64xf32, #tpu.memory_space<vmem>> -> memref<125x64xf32, #tpu.memory_space<vmem>>
        %dma_wait3A_581 = arith.constant 0 : i32
        %dma_wait3A_582 = arith.constant 0 : i32
        %dma_wait3A_583 = tpu.memref_slice %arg6[%add3A_312, %dma_wait3A_581, %dma_wait3A_582] : memref<4x10000x64xf32, #tpu.memory_space<hbm>> -> memref<1x10000x64xf32, #tpu.memory_space<hbm>>
        %dma_wait3A_584 = tpu.memref_squeeze %dma_wait3A_583 : memref<1x10000x64xf32, #tpu.memory_space<hbm>> -> memref<10000x64xf32, #tpu.memory_space<hbm>>
        %dma_wait3A_585 = arith.constant 0 : i32
        %dma_wait3A_586 = tpu.memref_slice %dma_wait3A_584[%add3A_549, %dma_wait3A_585] : memref<10000x64xf32, #tpu.memory_space<hbm>> -> memref<125x64xf32, #tpu.memory_space<hbm>>
        %dma_wait3A_587 = arith.constant 0 : i32
        %dma_wait3A_588 = arith.constant 0 : i32
        %dma_wait3A_589 = tpu.memref_slice %arg6[%add3A_312, %dma_wait3A_587, %dma_wait3A_588] : memref<4x10000x64xf32, #tpu.memory_space<hbm>> -> memref<1x10000x64xf32, #tpu.memory_space<hbm>>
        %dma_wait3A_590 = tpu.memref_squeeze %dma_wait3A_589 : memref<1x10000x64xf32, #tpu.memory_space<hbm>> -> memref<10000x64xf32, #tpu.memory_space<hbm>>
        %dma_wait3A_591 = arith.constant 0 : i32
        %dma_wait3A_592 = tpu.memref_slice %dma_wait3A_590[%add3A_549, %dma_wait3A_591] : memref<10000x64xf32, #tpu.memory_space<hbm>> -> memref<125x64xf32, #tpu.memory_space<hbm>>
        %dma_wait3A_593 = arith.constant 0 : i32
        %dma_wait3A_594 = arith.constant 0 : i32
        %dma_wait3A_595 = tpu.memref_slice %arg10[%scan3A_379, %dma_wait3A_593, %dma_wait3A_594] : memref<4x125x64xf32, #tpu.memory_space<vmem>> -> memref<1x125x64xf32, #tpu.memory_space<vmem>>
        %dma_wait3A_596 = tpu.memref_squeeze %dma_wait3A_595 : memref<1x125x64xf32, #tpu.memory_space<vmem>> -> memref<125x64xf32, #tpu.memory_space<vmem>>
        tpu.wait_dma2 semaphore(%run_scoped3A : memref<!tpu.dma_semaphore, #tpu.memory_space<semaphore_mem>>) src(%dma_wait3A_596 : memref<125x64xf32, #tpu.memory_space<vmem>>) dst(%dma_wait3A_592 : memref<125x64xf32, #tpu.memory_space<hbm>>)
        tpu.yield
      }) : () -> ()
    }
    %scan3A_385 = arith.constant 5 : i32
    %barrier3A_386 = arith.constant 0 : index
    tpu.barrier barrier_id(%barrier3A_386)
    %mul3A_387 = arith.constant 2 : i32
    %mul3A_388 = arith.muli %arg0, %mul3A_387 : i32
    %add3A_389 = arith.constant 0 : i32
    %add3A_390 = arith.addi %mul3A_388, %add3A_389 : i32
    %dma_start3A_391 = arith.constant 0 : i32
    %dma_start3A_392 = arith.constant 0 : i32
    %dma_start3A_393 = arith.constant 0 : i32
    %dma_start3A_394 = arith.constant 0 : i32
    %dma_start3A_395 = tpu.memref_slice %arg10[%dma_start3A_392, %dma_start3A_393, %dma_start3A_394] : memref<4x125x64xf32, #tpu.memory_space<vmem>> -> memref<1x125x64xf32, #tpu.memory_space<vmem>>
    %dma_start3A_396 = tpu.memref_squeeze %dma_start3A_395 : memref<1x125x64xf32, #tpu.memory_space<vmem>> -> memref<125x64xf32, #tpu.memory_space<vmem>>
    %dma_start3A_397 = arith.constant 0 : i32
    %dma_start3A_398 = tpu.memref_slice %arg12[%dma_start3A_391, %dma_start3A_397] : memref<80x125xi32, #tpu.memory_space<vmem>> -> memref<1x125xi32, #tpu.memory_space<vmem>>
    %dma_start3A_399 = tpu.memref_squeeze %dma_start3A_398 : memref<1x125xi32, #tpu.memory_space<vmem>> -> memref<125xi32, #tpu.memory_space<vmem>>
    %dma_start3A_400 = arith.constant 0 : i32
    %dma_start3A_401 = arith.constant 0 : i32
    %dma_start3A_402 = tpu.memref_slice %arg6[%add3A_390, %dma_start3A_400, %dma_start3A_401] : memref<4x10000x64xf32, #tpu.memory_space<hbm>> -> memref<1x10000x64xf32, #tpu.memory_space<hbm>>
    %dma_start3A_403 = tpu.memref_squeeze %dma_start3A_402 : memref<1x10000x64xf32, #tpu.memory_space<hbm>> -> memref<10000x64xf32, #tpu.memory_space<hbm>>
    %dma_start3A_404 = arith.constant 0 : i32
    %dma_start3A_405 = arith.constant 0 : i32
    %dma_start3A_406 = tpu.memref_slice %dma_start3A_403[%dma_start3A_404, %dma_start3A_405] : memref<10000x64xf32, #tpu.memory_space<hbm>> -> memref<10000x64xf32, #tpu.memory_space<hbm>>
    tpu.enqueue_indirect_dma source(%dma_start3A_406 : memref<10000x64xf32, #tpu.memory_space<hbm>>) target(%dma_start3A_396 : memref<125x64xf32, #tpu.memory_space<vmem>>) offsets(%dma_start3A_399 : memref<125xi32, #tpu.memory_space<vmem>>) semaphore(%arg17 : memref<!tpu.dma_semaphore, #tpu.memory_space<semaphore_mem>>)
    %dma_start3A_407 = arith.constant 1 : i32
    %dma_start3A_408 = arith.constant 1 : i32
    %dma_start3A_409 = arith.constant 0 : i32
    %dma_start3A_410 = arith.constant 0 : i32
    %dma_start3A_411 = tpu.memref_slice %arg10[%dma_start3A_408, %dma_start3A_409, %dma_start3A_410] : memref<4x125x64xf32, #tpu.memory_space<vmem>> -> memref<1x125x64xf32, #tpu.memory_space<vmem>>
    %dma_start3A_412 = tpu.memref_squeeze %dma_start3A_411 : memref<1x125x64xf32, #tpu.memory_space<vmem>> -> memref<125x64xf32, #tpu.memory_space<vmem>>
    %dma_start3A_413 = arith.constant 0 : i32
    %dma_start3A_414 = tpu.memref_slice %arg12[%dma_start3A_407, %dma_start3A_413] : memref<80x125xi32, #tpu.memory_space<vmem>> -> memref<1x125xi32, #tpu.memory_space<vmem>>
    %dma_start3A_415 = tpu.memref_squeeze %dma_start3A_414 : memref<1x125xi32, #tpu.memory_space<vmem>> -> memref<125xi32, #tpu.memory_space<vmem>>
    %dma_start3A_416 = arith.constant 0 : i32
    %dma_start3A_417 = arith.constant 0 : i32
    %dma_start3A_418 = tpu.memref_slice %arg6[%add3A_390, %dma_start3A_416, %dma_start3A_417] : memref<4x10000x64xf32, #tpu.memory_space<hbm>> -> memref<1x10000x64xf32, #tpu.memory_space<hbm>>
    %dma_start3A_419 = tpu.memref_squeeze %dma_start3A_418 : memref<1x10000x64xf32, #tpu.memory_space<hbm>> -> memref<10000x64xf32, #tpu.memory_space<hbm>>
    %dma_start3A_420 = arith.constant 0 : i32
    %dma_start3A_421 = arith.constant 0 : i32
    %dma_start3A_422 = tpu.memref_slice %dma_start3A_419[%dma_start3A_420, %dma_start3A_421] : memref<10000x64xf32, #tpu.memory_space<hbm>> -> memref<10000x64xf32, #tpu.memory_space<hbm>>
    tpu.enqueue_indirect_dma source(%dma_start3A_422 : memref<10000x64xf32, #tpu.memory_space<hbm>>) target(%dma_start3A_412 : memref<125x64xf32, #tpu.memory_space<vmem>>) offsets(%dma_start3A_415 : memref<125xi32, #tpu.memory_space<vmem>>) semaphore(%arg17 : memref<!tpu.dma_semaphore, #tpu.memory_space<semaphore_mem>>)
    %dma_start3A_423 = arith.constant 2 : i32
    %dma_start3A_424 = arith.constant 2 : i32
    %dma_start3A_425 = arith.constant 0 : i32
    %dma_start3A_426 = arith.constant 0 : i32
    %dma_start3A_427 = tpu.memref_slice %arg10[%dma_start3A_424, %dma_start3A_425, %dma_start3A_426] : memref<4x125x64xf32, #tpu.memory_space<vmem>> -> memref<1x125x64xf32, #tpu.memory_space<vmem>>
    %dma_start3A_428 = tpu.memref_squeeze %dma_start3A_427 : memref<1x125x64xf32, #tpu.memory_space<vmem>> -> memref<125x64xf32, #tpu.memory_space<vmem>>
    %dma_start3A_429 = arith.constant 0 : i32
    %dma_start3A_430 = tpu.memref_slice %arg12[%dma_start3A_423, %dma_start3A_429] : memref<80x125xi32, #tpu.memory_space<vmem>> -> memref<1x125xi32, #tpu.memory_space<vmem>>
    %dma_start3A_431 = tpu.memref_squeeze %dma_start3A_430 : memref<1x125xi32, #tpu.memory_space<vmem>> -> memref<125xi32, #tpu.memory_space<vmem>>
    %dma_start3A_432 = arith.constant 0 : i32
    %dma_start3A_433 = arith.constant 0 : i32
    %dma_start3A_434 = tpu.memref_slice %arg6[%add3A_390, %dma_start3A_432, %dma_start3A_433] : memref<4x10000x64xf32, #tpu.memory_space<hbm>> -> memref<1x10000x64xf32, #tpu.memory_space<hbm>>
    %dma_start3A_435 = tpu.memref_squeeze %dma_start3A_434 : memref<1x10000x64xf32, #tpu.memory_space<hbm>> -> memref<10000x64xf32, #tpu.memory_space<hbm>>
    %dma_start3A_436 = arith.constant 0 : i32
    %dma_start3A_437 = arith.constant 0 : i32
    %dma_start3A_438 = tpu.memref_slice %dma_start3A_435[%dma_start3A_436, %dma_start3A_437] : memref<10000x64xf32, #tpu.memory_space<hbm>> -> memref<10000x64xf32, #tpu.memory_space<hbm>>
    tpu.enqueue_indirect_dma source(%dma_start3A_438 : memref<10000x64xf32, #tpu.memory_space<hbm>>) target(%dma_start3A_428 : memref<125x64xf32, #tpu.memory_space<vmem>>) offsets(%dma_start3A_431 : memref<125xi32, #tpu.memory_space<vmem>>) semaphore(%arg17 : memref<!tpu.dma_semaphore, #tpu.memory_space<semaphore_mem>>)
    %scan3A_439 = arith.constant 0 : i32
    %scan3A_440 = arith.constant 80 : i32
    %scan3A_441 = arith.addi %scan3A_439, %scan3A_440 : i32
    %scan3A_442 = arith.constant 1 : i32
    scf.for %scan3A_542 = %scan3A_439 to %scan3A_441 step %scan3A_442  : i32 {
      %mul3A_543 = arith.constant 1 : i32
      %mul3A_544 = arith.muli %scan3A_542, %mul3A_543 : i32
      %add3A_545 = arith.constant 0 : i32
      %add3A_546 = arith.addi %add3A_545, %mul3A_544 : i32
      %rem3A = arith.constant 4 : i32
      %rem3A_547 = arith.remsi %add3A_546, %rem3A : i32
      %add3A_548 = arith.constant 4 : i32
      %add3A_549 = arith.addi %add3A_546, %add3A_548 : i32
      %sub3A = arith.constant 1 : i32
      %sub3A_550 = arith.subi %add3A_549, %sub3A : i32
      %rem3A_551 = arith.constant 4 : i32
      %rem3A_552 = arith.remsi %sub3A_550, %rem3A_551 : i32
      %dma_wait3A_553 = arith.constant 0 : i32
      %dma_wait3A_554 = arith.constant 0 : i32
      %dma_wait3A_555 = tpu.memref_slice %arg10[%rem3A_547, %dma_wait3A_553, %dma_wait3A_554] : memref<4x125x64xf32, #tpu.memory_space<vmem>> -> memref<1x125x64xf32, #tpu.memory_space<vmem>>
      %dma_wait3A_556 = tpu.memref_squeeze %dma_wait3A_555 : memref<1x125x64xf32, #tpu.memory_space<vmem>> -> memref<125x64xf32, #tpu.memory_space<vmem>>
      %dma_wait3A_557 = arith.constant 0 : i32
      %dma_wait3A_558 = tpu.memref_slice %arg12[%add3A_546, %dma_wait3A_557] : memref<80x125xi32, #tpu.memory_space<vmem>> -> memref<1x125xi32, #tpu.memory_space<vmem>>
      %dma_wait3A_559 = tpu.memref_squeeze %dma_wait3A_558 : memref<1x125xi32, #tpu.memory_space<vmem>> -> memref<125xi32, #tpu.memory_space<vmem>>
      %dma_wait3A_560 = arith.constant 0 : i32
      %dma_wait3A_561 = arith.constant 0 : i32
      %dma_wait3A_562 = tpu.memref_slice %arg6[%add3A_390, %dma_wait3A_560, %dma_wait3A_561] : memref<4x10000x64xf32, #tpu.memory_space<hbm>> -> memref<1x10000x64xf32, #tpu.memory_space<hbm>>
      %dma_wait3A_563 = tpu.memref_squeeze %dma_wait3A_562 : memref<1x10000x64xf32, #tpu.memory_space<hbm>> -> memref<10000x64xf32, #tpu.memory_space<hbm>>
      %dma_wait3A_564 = arith.constant 0 : i32
      %dma_wait3A_565 = arith.constant 0 : i32
      %dma_wait3A_566 = tpu.memref_slice %dma_wait3A_563[%dma_wait3A_564, %dma_wait3A_565] : memref<10000x64xf32, #tpu.memory_space<hbm>> -> memref<10000x64xf32, #tpu.memory_space<hbm>>
      tpu.wait_indirect_dma semaphore(%arg17 : memref<!tpu.dma_semaphore, #tpu.memory_space<semaphore_mem>>) src(%dma_wait3A_566 : memref<10000x64xf32, #tpu.memory_space<hbm>>) dst(%dma_wait3A_556 : memref<125x64xf32, #tpu.memory_space<vmem>>)
      %dma_start3A_567 = arith.constant 0 : i32
      %dma_start3A_568 = arith.constant 0 : i32
      %dma_start3A_569 = tpu.memref_slice %arg10[%rem3A_547, %dma_start3A_567, %dma_start3A_568] : memref<4x125x64xf32, #tpu.memory_space<vmem>> -> memref<1x125x64xf32, #tpu.memory_space<vmem>>
      %dma_start3A_570 = tpu.memref_squeeze %dma_start3A_569 : memref<1x125x64xf32, #tpu.memory_space<vmem>> -> memref<125x64xf32, #tpu.memory_space<vmem>>
      %dma_start3A_571 = arith.constant 0 : i32
      %dma_start3A_572 = tpu.memref_slice %arg11[%add3A_546, %dma_start3A_571] : memref<80x125xi32, #tpu.memory_space<vmem>> -> memref<1x125xi32, #tpu.memory_space<vmem>>
      %dma_start3A_573 = tpu.memref_squeeze %dma_start3A_572 : memref<1x125xi32, #tpu.memory_space<vmem>> -> memref<125xi32, #tpu.memory_space<vmem>>
      %dma_start3A_574 = arith.constant 0 : i32
      %dma_start3A_575 = arith.constant 0 : i32
      %dma_start3A_576 = tpu.memref_slice %arg8[%dma_start3A_574, %dma_start3A_575] : memref<10000x64xf32, #tpu.memory_space<vmem_shared>> -> memref<10000x64xf32, #tpu.memory_space<vmem_shared>>
      tpu.enqueue_indirect_dma source(%dma_start3A_570 : memref<125x64xf32, #tpu.memory_space<vmem>>) target(%dma_start3A_576 : memref<10000x64xf32, #tpu.memory_space<vmem_shared>>) offsets(%dma_start3A_573 : memref<125xi32, #tpu.memory_space<vmem>>) semaphore(%arg18 : memref<!tpu.dma_semaphore, #tpu.memory_space<semaphore_mem>>) {add = true}
      %ge3A = arith.constant 1 : i32
      %ge3A_577 = arith.cmpi sge, %add3A_546, %ge3A : i32
      %convert_element_type3A = arith.extui %ge3A_577 : i1 to i32
      %cond3A = arith.constant 0 : i32
      %cond3A_578 = arith.cmpi ne, %convert_element_type3A, %cond3A : i32
      scf.if %cond3A_578 {
        %sub3A_583 = arith.constant 1 : i32
        %sub3A_584 = arith.subi %add3A_546, %sub3A_583 : i32
        %dma_wait3A_585 = arith.constant 0 : i32
        %dma_wait3A_586 = arith.constant 0 : i32
        %dma_wait3A_587 = tpu.memref_slice %arg10[%rem3A_552, %dma_wait3A_585, %dma_wait3A_586] : memref<4x125x64xf32, #tpu.memory_space<vmem>> -> memref<1x125x64xf32, #tpu.memory_space<vmem>>
        %dma_wait3A_588 = tpu.memref_squeeze %dma_wait3A_587 : memref<1x125x64xf32, #tpu.memory_space<vmem>> -> memref<125x64xf32, #tpu.memory_space<vmem>>
        %dma_wait3A_589 = arith.constant 0 : i32
        %dma_wait3A_590 = tpu.memref_slice %arg11[%sub3A_584, %dma_wait3A_589] : memref<80x125xi32, #tpu.memory_space<vmem>> -> memref<1x125xi32, #tpu.memory_space<vmem>>
        %dma_wait3A_591 = tpu.memref_squeeze %dma_wait3A_590 : memref<1x125xi32, #tpu.memory_space<vmem>> -> memref<125xi32, #tpu.memory_space<vmem>>
        %dma_wait3A_592 = arith.constant 0 : i32
        %dma_wait3A_593 = arith.constant 0 : i32
        %dma_wait3A_594 = tpu.memref_slice %arg8[%dma_wait3A_592, %dma_wait3A_593] : memref<10000x64xf32, #tpu.memory_space<vmem_shared>> -> memref<10000x64xf32, #tpu.memory_space<vmem_shared>>
        tpu.wait_indirect_dma semaphore(%arg18 : memref<!tpu.dma_semaphore, #tpu.memory_space<semaphore_mem>>) src(%dma_wait3A_588 : memref<125x64xf32, #tpu.memory_space<vmem>>) dst(%dma_wait3A_594 : memref<10000x64xf32, #tpu.memory_space<vmem_shared>>)
      } else {
      }
      %lt3A = arith.constant 77 : i32
      %lt3A_579 = arith.cmpi slt, %add3A_546, %lt3A : i32
      %convert_element_type3A_580 = arith.extui %lt3A_579 : i1 to i32
      %cond3A_581 = arith.constant 0 : i32
      %cond3A_582 = arith.cmpi ne, %convert_element_type3A_580, %cond3A_581 : i32
      scf.if %cond3A_582 {
        %add3A_583 = arith.constant 3 : i32
        %add3A_584 = arith.addi %add3A_546, %add3A_583 : i32
        %dma_start3A_585 = arith.constant 0 : i32
        %dma_start3A_586 = arith.constant 0 : i32
        %dma_start3A_587 = tpu.memref_slice %arg10[%rem3A_552, %dma_start3A_585, %dma_start3A_586] : memref<4x125x64xf32, #tpu.memory_space<vmem>> -> memref<1x125x64xf32, #tpu.memory_space<vmem>>
        %dma_start3A_588 = tpu.memref_squeeze %dma_start3A_587 : memref<1x125x64xf32, #tpu.memory_space<vmem>> -> memref<125x64xf32, #tpu.memory_space<vmem>>
        %dma_start3A_589 = arith.constant 0 : i32
        %dma_start3A_590 = tpu.memref_slice %arg12[%add3A_584, %dma_start3A_589] : memref<80x125xi32, #tpu.memory_space<vmem>> -> memref<1x125xi32, #tpu.memory_space<vmem>>
        %dma_start3A_591 = tpu.memref_squeeze %dma_start3A_590 : memref<1x125xi32, #tpu.memory_space<vmem>> -> memref<125xi32, #tpu.memory_space<vmem>>
        %dma_start3A_592 = arith.constant 0 : i32
        %dma_start3A_593 = arith.constant 0 : i32
        %dma_start3A_594 = tpu.memref_slice %arg6[%add3A_390, %dma_start3A_592, %dma_start3A_593] : memref<4x10000x64xf32, #tpu.memory_space<hbm>> -> memref<1x10000x64xf32, #tpu.memory_space<hbm>>
        %dma_start3A_595 = tpu.memref_squeeze %dma_start3A_594 : memref<1x10000x64xf32, #tpu.memory_space<hbm>> -> memref<10000x64xf32, #tpu.memory_space<hbm>>
        %dma_start3A_596 = arith.constant 0 : i32
        %dma_start3A_597 = arith.constant 0 : i32
        %dma_start3A_598 = tpu.memref_slice %dma_start3A_595[%dma_start3A_596, %dma_start3A_597] : memref<10000x64xf32, #tpu.memory_space<hbm>> -> memref<10000x64xf32, #tpu.memory_space<hbm>>
        tpu.enqueue_indirect_dma source(%dma_start3A_598 : memref<10000x64xf32, #tpu.memory_space<hbm>>) target(%dma_start3A_588 : memref<125x64xf32, #tpu.memory_space<vmem>>) offsets(%dma_start3A_591 : memref<125xi32, #tpu.memory_space<vmem>>) semaphore(%arg17 : memref<!tpu.dma_semaphore, #tpu.memory_space<semaphore_mem>>)
      } else {
      }
    }
    %scan3A_443 = arith.constant 80 : i32
    %dma_wait3A_444 = arith.constant 3 : i32
    %dma_wait3A_445 = arith.constant 79 : i32
    %dma_wait3A_446 = arith.constant 0 : i32
    %dma_wait3A_447 = arith.constant 0 : i32
    %dma_wait3A_448 = tpu.memref_slice %arg10[%dma_wait3A_444, %dma_wait3A_446, %dma_wait3A_447] : memref<4x125x64xf32, #tpu.memory_space<vmem>> -> memref<1x125x64xf32, #tpu.memory_space<vmem>>
    %dma_wait3A_449 = tpu.memref_squeeze %dma_wait3A_448 : memref<1x125x64xf32, #tpu.memory_space<vmem>> -> memref<125x64xf32, #tpu.memory_space<vmem>>
    %dma_wait3A_450 = arith.constant 0 : i32
    %dma_wait3A_451 = tpu.memref_slice %arg11[%dma_wait3A_445, %dma_wait3A_450] : memref<80x125xi32, #tpu.memory_space<vmem>> -> memref<1x125xi32, #tpu.memory_space<vmem>>
    %dma_wait3A_452 = tpu.memref_squeeze %dma_wait3A_451 : memref<1x125xi32, #tpu.memory_space<vmem>> -> memref<125xi32, #tpu.memory_space<vmem>>
    %dma_wait3A_453 = arith.constant 0 : i32
    %dma_wait3A_454 = arith.constant 0 : i32
    %dma_wait3A_455 = tpu.memref_slice %arg8[%dma_wait3A_453, %dma_wait3A_454] : memref<10000x64xf32, #tpu.memory_space<vmem_shared>> -> memref<10000x64xf32, #tpu.memory_space<vmem_shared>>
    tpu.wait_indirect_dma semaphore(%arg18 : memref<!tpu.dma_semaphore, #tpu.memory_space<semaphore_mem>>) src(%dma_wait3A_449 : memref<125x64xf32, #tpu.memory_space<vmem>>) dst(%dma_wait3A_455 : memref<10000x64xf32, #tpu.memory_space<vmem_shared>>)
    %barrier3A_456 = arith.constant 0 : index
    tpu.barrier barrier_id(%barrier3A_456)
    %scan3A_457 = arith.constant 1 : i32
    %scan3A_458 = arith.constant 2 : i32
    %scan3A_459 = arith.constant 0 : i32
    %scan3A_460 = arith.constant 5 : i32
    %scan3A_461 = arith.addi %scan3A_459, %scan3A_460 : i32
    %scan3A_462 = arith.constant 1 : i32
    scf.for %scan3A_542 = %scan3A_459 to %scan3A_461 step %scan3A_462  : i32 {
      %mul3A_543 = arith.constant 1 : i32
      %mul3A_544 = arith.muli %scan3A_542, %mul3A_543 : i32
      %add3A_545 = arith.constant 0 : i32
      %add3A_546 = arith.addi %add3A_545, %mul3A_544 : i32
      %mul3A_547 = arith.constant 125 : i32
      %mul3A_548 = arith.muli %add3A_546, %mul3A_547 : i32
      %add3A_549 = arith.addi %mul3A_0, %mul3A_548 : i32
      %mul3A_550 = arith.constant 125 : i32
      %mul3A_551 = arith.muli %add3A_546, %mul3A_550 : i32
      "tpu.region"() ({
        %run_scoped3A = tpu.sem_alloc : memref<!tpu.dma_semaphore, #tpu.memory_space<semaphore_mem>>
        %dma_start3A_559 = arith.constant 0 : i32
        %dma_start3A_560 = arith.constant 0 : i32
        %dma_start3A_561 = tpu.memref_slice %arg10[%scan3A_457, %dma_start3A_559, %dma_start3A_560] : memref<4x125x64xf32, #tpu.memory_space<vmem>> -> memref<1x125x64xf32, #tpu.memory_space<vmem>>
        %dma_start3A_562 = tpu.memref_squeeze %dma_start3A_561 : memref<1x125x64xf32, #tpu.memory_space<vmem>> -> memref<125x64xf32, #tpu.memory_space<vmem>>
        %dma_start3A_563 = arith.constant 0 : i32
        %dma_start3A_564 = tpu.memref_slice %arg8[%add3A_549, %dma_start3A_563] : memref<10000x64xf32, #tpu.memory_space<vmem_shared>> -> memref<125x64xf32, #tpu.memory_space<vmem_shared>>
        %dma_start3A_565 = arith.constant 0 : i32
        %dma_start3A_566 = arith.constant 0 : i32
        %dma_start3A_567 = tpu.memref_slice %arg10[%scan3A_457, %dma_start3A_565, %dma_start3A_566] : memref<4x125x64xf32, #tpu.memory_space<vmem>> -> memref<1x125x64xf32, #tpu.memory_space<vmem>>
        %dma_start3A_568 = tpu.memref_squeeze %dma_start3A_567 : memref<1x125x64xf32, #tpu.memory_space<vmem>> -> memref<125x64xf32, #tpu.memory_space<vmem>>
        %dma_start3A_569 = arith.constant 0 : i32
        %dma_start3A_570 = tpu.memref_slice %arg8[%add3A_549, %dma_start3A_569] : memref<10000x64xf32, #tpu.memory_space<vmem_shared>> -> memref<125x64xf32, #tpu.memory_space<vmem_shared>>
        tpu.enqueue_dma source(%dma_start3A_570 : memref<125x64xf32, #tpu.memory_space<vmem_shared>>) target(%dma_start3A_568 : memref<125x64xf32, #tpu.memory_space<vmem>>) target_semaphore(%run_scoped3A : memref<!tpu.dma_semaphore, #tpu.memory_space<semaphore_mem>>)
        %dma_wait3A_571 = arith.constant 0 : i32
        %dma_wait3A_572 = arith.constant 0 : i32
        %dma_wait3A_573 = tpu.memref_slice %arg10[%scan3A_457, %dma_wait3A_571, %dma_wait3A_572] : memref<4x125x64xf32, #tpu.memory_space<vmem>> -> memref<1x125x64xf32, #tpu.memory_space<vmem>>
        %dma_wait3A_574 = tpu.memref_squeeze %dma_wait3A_573 : memref<1x125x64xf32, #tpu.memory_space<vmem>> -> memref<125x64xf32, #tpu.memory_space<vmem>>
        %dma_wait3A_575 = arith.constant 0 : i32
        %dma_wait3A_576 = tpu.memref_slice %arg8[%add3A_549, %dma_wait3A_575] : memref<10000x64xf32, #tpu.memory_space<vmem_shared>> -> memref<125x64xf32, #tpu.memory_space<vmem_shared>>
        %dma_wait3A_577 = arith.constant 0 : i32
        %dma_wait3A_578 = arith.constant 0 : i32
        %dma_wait3A_579 = tpu.memref_slice %arg10[%scan3A_457, %dma_wait3A_577, %dma_wait3A_578] : memref<4x125x64xf32, #tpu.memory_space<vmem>> -> memref<1x125x64xf32, #tpu.memory_space<vmem>>
        %dma_wait3A_580 = tpu.memref_squeeze %dma_wait3A_579 : memref<1x125x64xf32, #tpu.memory_space<vmem>> -> memref<125x64xf32, #tpu.memory_space<vmem>>
        %dma_wait3A_581 = arith.constant 0 : i32
        %dma_wait3A_582 = tpu.memref_slice %arg8[%add3A_549, %dma_wait3A_581] : memref<10000x64xf32, #tpu.memory_space<vmem_shared>> -> memref<125x64xf32, #tpu.memory_space<vmem_shared>>
        tpu.wait_dma2 semaphore(%run_scoped3A : memref<!tpu.dma_semaphore, #tpu.memory_space<semaphore_mem>>) src(%dma_wait3A_582 : memref<125x64xf32, #tpu.memory_space<vmem_shared>>) dst(%dma_wait3A_580 : memref<125x64xf32, #tpu.memory_space<vmem>>)
        tpu.yield
      }) : () -> ()
      "tpu.region"() ({
        %run_scoped3A = tpu.sem_alloc : memref<!tpu.dma_semaphore, #tpu.memory_space<semaphore_mem>>
        %dma_start3A_559 = arith.constant 0 : i32
        %dma_start3A_560 = tpu.memref_slice %arg8[%add3A_549, %dma_start3A_559] : memref<10000x64xf32, #tpu.memory_space<vmem_shared>> -> memref<125x64xf32, #tpu.memory_space<vmem_shared>>
        %dma_start3A_561 = arith.constant 0 : i32
        %dma_start3A_562 = tpu.memref_slice %arg8[%add3A_549, %dma_start3A_561] : memref<10000x64xf32, #tpu.memory_space<vmem_shared>> -> memref<125x64xf32, #tpu.memory_space<vmem_shared>>
        tpu.enqueue_dma source(%arg14 : memref<125x64xf32, #tpu.memory_space<vmem>>) target(%dma_start3A_562 : memref<125x64xf32, #tpu.memory_space<vmem_shared>>) target_semaphore(%run_scoped3A : memref<!tpu.dma_semaphore, #tpu.memory_space<semaphore_mem>>)
        %dma_wait3A_563 = arith.constant 0 : i32
        %dma_wait3A_564 = tpu.memref_slice %arg8[%add3A_549, %dma_wait3A_563] : memref<10000x64xf32, #tpu.memory_space<vmem_shared>> -> memref<125x64xf32, #tpu.memory_space<vmem_shared>>
        %dma_wait3A_565 = arith.constant 0 : i32
        %dma_wait3A_566 = tpu.memref_slice %arg8[%add3A_549, %dma_wait3A_565] : memref<10000x64xf32, #tpu.memory_space<vmem_shared>> -> memref<125x64xf32, #tpu.memory_space<vmem_shared>>
        tpu.wait_dma2 semaphore(%run_scoped3A : memref<!tpu.dma_semaphore, #tpu.memory_space<semaphore_mem>>) src(%arg14 : memref<125x64xf32, #tpu.memory_space<vmem>>) dst(%dma_wait3A_566 : memref<125x64xf32, #tpu.memory_space<vmem_shared>>)
        tpu.yield
      }) : () -> ()
      "tpu.region"() ({
        %run_scoped3A = tpu.sem_alloc : memref<!tpu.dma_semaphore, #tpu.memory_space<semaphore_mem>>
        %dma_start3A_559 = arith.constant 0 : i32
        %dma_start3A_560 = arith.constant 0 : i32
        %dma_start3A_561 = tpu.memref_slice %arg10[%scan3A_458, %dma_start3A_559, %dma_start3A_560] : memref<4x125x64xf32, #tpu.memory_space<vmem>> -> memref<1x125x64xf32, #tpu.memory_space<vmem>>
        %dma_start3A_562 = tpu.memref_squeeze %dma_start3A_561 : memref<1x125x64xf32, #tpu.memory_space<vmem>> -> memref<125x64xf32, #tpu.memory_space<vmem>>
        %dma_start3A_563 = arith.constant 0 : i32
        %dma_start3A_564 = arith.constant 0 : i32
        %dma_start3A_565 = tpu.memref_slice %arg7[%add3A_390, %dma_start3A_563, %dma_start3A_564] : memref<4x10000x64xf32, #tpu.memory_space<hbm>> -> memref<1x10000x64xf32, #tpu.memory_space<hbm>>
        %dma_start3A_566 = tpu.memref_squeeze %dma_start3A_565 : memref<1x10000x64xf32, #tpu.memory_space<hbm>> -> memref<10000x64xf32, #tpu.memory_space<hbm>>
        %dma_start3A_567 = arith.constant 0 : i32
        %dma_start3A_568 = tpu.memref_slice %dma_start3A_566[%add3A_549, %dma_start3A_567] : memref<10000x64xf32, #tpu.memory_space<hbm>> -> memref<125x64xf32, #tpu.memory_space<hbm>>
        %dma_start3A_569 = arith.constant 0 : i32
        %dma_start3A_570 = arith.constant 0 : i32
        %dma_start3A_571 = tpu.memref_slice %arg10[%scan3A_458, %dma_start3A_569, %dma_start3A_570] : memref<4x125x64xf32, #tpu.memory_space<vmem>> -> memref<1x125x64xf32, #tpu.memory_space<vmem>>
        %dma_start3A_572 = tpu.memref_squeeze %dma_start3A_571 : memref<1x125x64xf32, #tpu.memory_space<vmem>> -> memref<125x64xf32, #tpu.memory_space<vmem>>
        %dma_start3A_573 = arith.constant 0 : i32
        %dma_start3A_574 = arith.constant 0 : i32
        %dma_start3A_575 = tpu.memref_slice %arg7[%add3A_390, %dma_start3A_573, %dma_start3A_574] : memref<4x10000x64xf32, #tpu.memory_space<hbm>> -> memref<1x10000x64xf32, #tpu.memory_space<hbm>>
        %dma_start3A_576 = tpu.memref_squeeze %dma_start3A_575 : memref<1x10000x64xf32, #tpu.memory_space<hbm>> -> memref<10000x64xf32, #tpu.memory_space<hbm>>
        %dma_start3A_577 = arith.constant 0 : i32
        %dma_start3A_578 = tpu.memref_slice %dma_start3A_576[%add3A_549, %dma_start3A_577] : memref<10000x64xf32, #tpu.memory_space<hbm>> -> memref<125x64xf32, #tpu.memory_space<hbm>>
        tpu.enqueue_dma source(%dma_start3A_578 : memref<125x64xf32, #tpu.memory_space<hbm>>) target(%dma_start3A_572 : memref<125x64xf32, #tpu.memory_space<vmem>>) target_semaphore(%run_scoped3A : memref<!tpu.dma_semaphore, #tpu.memory_space<semaphore_mem>>)
        %dma_wait3A_579 = arith.constant 0 : i32
        %dma_wait3A_580 = arith.constant 0 : i32
        %dma_wait3A_581 = tpu.memref_slice %arg10[%scan3A_458, %dma_wait3A_579, %dma_wait3A_580] : memref<4x125x64xf32, #tpu.memory_space<vmem>> -> memref<1x125x64xf32, #tpu.memory_space<vmem>>
        %dma_wait3A_582 = tpu.memref_squeeze %dma_wait3A_581 : memref<1x125x64xf32, #tpu.memory_space<vmem>> -> memref<125x64xf32, #tpu.memory_space<vmem>>
        %dma_wait3A_583 = arith.constant 0 : i32
        %dma_wait3A_584 = arith.constant 0 : i32
        %dma_wait3A_585 = tpu.memref_slice %arg7[%add3A_390, %dma_wait3A_583, %dma_wait3A_584] : memref<4x10000x64xf32, #tpu.memory_space<hbm>> -> memref<1x10000x64xf32, #tpu.memory_space<hbm>>
        %dma_wait3A_586 = tpu.memref_squeeze %dma_wait3A_585 : memref<1x10000x64xf32, #tpu.memory_space<hbm>> -> memref<10000x64xf32, #tpu.memory_space<hbm>>
        %dma_wait3A_587 = arith.constant 0 : i32
        %dma_wait3A_588 = tpu.memref_slice %dma_wait3A_586[%add3A_549, %dma_wait3A_587] : memref<10000x64xf32, #tpu.memory_space<hbm>> -> memref<125x64xf32, #tpu.memory_space<hbm>>
        %dma_wait3A_589 = arith.constant 0 : i32
        %dma_wait3A_590 = arith.constant 0 : i32
        %dma_wait3A_591 = tpu.memref_slice %arg10[%scan3A_458, %dma_wait3A_589, %dma_wait3A_590] : memref<4x125x64xf32, #tpu.memory_space<vmem>> -> memref<1x125x64xf32, #tpu.memory_space<vmem>>
        %dma_wait3A_592 = tpu.memref_squeeze %dma_wait3A_591 : memref<1x125x64xf32, #tpu.memory_space<vmem>> -> memref<125x64xf32, #tpu.memory_space<vmem>>
        %dma_wait3A_593 = arith.constant 0 : i32
        %dma_wait3A_594 = arith.constant 0 : i32
        %dma_wait3A_595 = tpu.memref_slice %arg7[%add3A_390, %dma_wait3A_593, %dma_wait3A_594] : memref<4x10000x64xf32, #tpu.memory_space<hbm>> -> memref<1x10000x64xf32, #tpu.memory_space<hbm>>
        %dma_wait3A_596 = tpu.memref_squeeze %dma_wait3A_595 : memref<1x10000x64xf32, #tpu.memory_space<hbm>> -> memref<10000x64xf32, #tpu.memory_space<hbm>>
        %dma_wait3A_597 = arith.constant 0 : i32
        %dma_wait3A_598 = tpu.memref_slice %dma_wait3A_596[%add3A_549, %dma_wait3A_597] : memref<10000x64xf32, #tpu.memory_space<hbm>> -> memref<125x64xf32, #tpu.memory_space<hbm>>
        tpu.wait_dma2 semaphore(%run_scoped3A : memref<!tpu.dma_semaphore, #tpu.memory_space<semaphore_mem>>) src(%dma_wait3A_598 : memref<125x64xf32, #tpu.memory_space<hbm>>) dst(%dma_wait3A_592 : memref<125x64xf32, #tpu.memory_space<vmem>>)
        tpu.yield
      }) : () -> ()
      %scan3A_552 = arith.constant 0 : i32
      %scan3A_553 = arith.constant 125 : i32
      %scan3A_554 = arith.addi %scan3A_552, %scan3A_553 : i32
      %scan3A_555 = arith.constant 1 : i32
      scf.for %scan3A_559 = %scan3A_552 to %scan3A_554 step %scan3A_555  : i32 {
        %mul3A_560 = arith.constant 1 : i32
        %mul3A_561 = arith.muli %scan3A_559, %mul3A_560 : i32
        %add3A_562 = arith.constant 0 : i32
        %add3A_563 = arith.addi %add3A_562, %mul3A_561 : i32
        %add3A_564 = arith.addi %mul3A_551, %add3A_563 : i32
        %get3A = arith.index_cast %add3A_564 : i32 to index
        %get3A_565 = arith.constant 0 : index
        %get3A_566 = tpu.vector_load %arg13[%get3A, %get3A_565] {strides = array<i32>} : memref<625x16xf32, #tpu.memory_space<vmem>>, vector<1x16xf32>,
        %get3A_567 = vector.shape_cast %get3A_566 : vector<1x16xf32> to vector<16xf32>
        %mul3A_568 = arith.mulf %get3A_567, %get3A_567 : vector<16xf32>
        %get3A_569 = arith.constant 1 : i32
        %get3A_570 = arith.index_cast %get3A_569 : i32 to index
        %get3A_571 = arith.index_cast %add3A_563 : i32 to index
        %get3A_572 = arith.constant 0 : index
        %get3A_573 = tpu.vector_load %arg10[%get3A_570, %get3A_571, %get3A_572] {strides = array<i32>} : memref<4x125x64xf32, #tpu.memory_space<vmem>>, vector<1x1x16xf32>,
        %get3A_574 = vector.shape_cast %get3A_573 : vector<1x1x16xf32> to vector<16xf32>
        %mul3A_575 = arith.mulf %get3A_574, %get3A_567 : vector<16xf32>
        %get3A_576 = arith.constant 2 : i32
        %get3A_577 = arith.index_cast %get3A_576 : i32 to index
        %get3A_578 = arith.index_cast %add3A_563 : i32 to index
        %get3A_579 = arith.constant 0 : index
        %get3A_580 = tpu.vector_load %arg10[%get3A_577, %get3A_578, %get3A_579] {strides = array<i32>} : memref<4x125x64xf32, #tpu.memory_space<vmem>>, vector<1x1x16xf32>,
        %get3A_581 = vector.shape_cast %get3A_580 : vector<1x1x16xf32> to vector<16xf32>
        %add3A_582 = arith.addf %get3A_581, %mul3A_575 : vector<16xf32>
        %mul3A_583 = arith.constant 2.500000e-01 : f32
        %mul3A_584 = vector.broadcast %mul3A_583 : f32 to vector<16xf32>
        %mul3A_585 = arith.mulf %add3A_582, %mul3A_584 : vector<16xf32>
        %swap3A = arith.constant 1 : i32
        %swap3A_586 = arith.index_cast %swap3A : i32 to index
        %swap3A_587 = arith.index_cast %add3A_563 : i32 to index
        %swap3A_588 = arith.constant 0 : index
        %swap3A_589 = tpu.vector_load %arg10[%swap3A_586, %swap3A_587, %swap3A_588] {strides = array<i32>} : memref<4x125x64xf32, #tpu.memory_space<vmem>>, vector<1x1x16xf32>,
        %swap3A_590 = vector.shape_cast %swap3A_589 : vector<1x1x16xf32> to vector<16xf32>
        %swap3A_591 = vector.shape_cast %mul3A_585 : vector<16xf32> to vector<1x1x16xf32>
        tpu.vector_store %arg10[%swap3A_586, %swap3A_587, %swap3A_588], %swap3A_591 {strides = array<i32>} : memref<4x125x64xf32, #tpu.memory_space<vmem>>, vector<1x1x16xf32>,
        %get3A_592 = arith.constant 1 : i32
        %get3A_593 = arith.index_cast %get3A_592 : i32 to index
        %get3A_594 = arith.index_cast %add3A_563 : i32 to index
        %get3A_595 = arith.constant 16 : index
        %get3A_596 = tpu.vector_load %arg10[%get3A_593, %get3A_594, %get3A_595] {strides = array<i32>} : memref<4x125x64xf32, #tpu.memory_space<vmem>>, vector<1x1x16xf32>,
        %get3A_597 = vector.shape_cast %get3A_596 : vector<1x1x16xf32> to vector<16xf32>
        %mul3A_598 = arith.mulf %get3A_597, %get3A_567 : vector<16xf32>
        %get3A_599 = arith.constant 2 : i32
        %get3A_600 = arith.index_cast %get3A_599 : i32 to index
        %get3A_601 = arith.index_cast %add3A_563 : i32 to index
        %get3A_602 = arith.constant 16 : index
        %get3A_603 = tpu.vector_load %arg10[%get3A_600, %get3A_601, %get3A_602] {strides = array<i32>} : memref<4x125x64xf32, #tpu.memory_space<vmem>>, vector<1x1x16xf32>,
        %get3A_604 = vector.shape_cast %get3A_603 : vector<1x1x16xf32> to vector<16xf32>
        %add3A_605 = arith.addf %get3A_604, %mul3A_598 : vector<16xf32>
        %mul3A_606 = arith.constant 2.500000e-01 : f32
        %mul3A_607 = vector.broadcast %mul3A_606 : f32 to vector<16xf32>
        %mul3A_608 = arith.mulf %add3A_605, %mul3A_607 : vector<16xf32>
        %swap3A_609 = arith.constant 1 : i32
        %swap3A_610 = arith.index_cast %swap3A_609 : i32 to index
        %swap3A_611 = arith.index_cast %add3A_563 : i32 to index
        %swap3A_612 = arith.constant 16 : index
        %swap3A_613 = tpu.vector_load %arg10[%swap3A_610, %swap3A_611, %swap3A_612] {strides = array<i32>} : memref<4x125x64xf32, #tpu.memory_space<vmem>>, vector<1x1x16xf32>,
        %swap3A_614 = vector.shape_cast %swap3A_613 : vector<1x1x16xf32> to vector<16xf32>
        %swap3A_615 = vector.shape_cast %mul3A_608 : vector<16xf32> to vector<1x1x16xf32>
        tpu.vector_store %arg10[%swap3A_610, %swap3A_611, %swap3A_612], %swap3A_615 {strides = array<i32>} : memref<4x125x64xf32, #tpu.memory_space<vmem>>, vector<1x1x16xf32>,
        %get3A_616 = arith.constant 1 : i32
        %get3A_617 = arith.index_cast %get3A_616 : i32 to index
        %get3A_618 = arith.index_cast %add3A_563 : i32 to index
        %get3A_619 = arith.constant 32 : index
        %get3A_620 = tpu.vector_load %arg10[%get3A_617, %get3A_618, %get3A_619] {strides = array<i32>} : memref<4x125x64xf32, #tpu.memory_space<vmem>>, vector<1x1x16xf32>,
        %get3A_621 = vector.shape_cast %get3A_620 : vector<1x1x16xf32> to vector<16xf32>
        %mul3A_622 = arith.mulf %get3A_621, %get3A_567 : vector<16xf32>
        %get3A_623 = arith.constant 2 : i32
        %get3A_624 = arith.index_cast %get3A_623 : i32 to index
        %get3A_625 = arith.index_cast %add3A_563 : i32 to index
        %get3A_626 = arith.constant 32 : index
        %get3A_627 = tpu.vector_load %arg10[%get3A_624, %get3A_625, %get3A_626] {strides = array<i32>} : memref<4x125x64xf32, #tpu.memory_space<vmem>>, vector<1x1x16xf32>,
        %get3A_628 = vector.shape_cast %get3A_627 : vector<1x1x16xf32> to vector<16xf32>
        %add3A_629 = arith.addf %get3A_628, %mul3A_622 : vector<16xf32>
        %mul3A_630 = arith.constant 2.500000e-01 : f32
        %mul3A_631 = vector.broadcast %mul3A_630 : f32 to vector<16xf32>
        %mul3A_632 = arith.mulf %add3A_629, %mul3A_631 : vector<16xf32>
        %swap3A_633 = arith.constant 1 : i32
        %swap3A_634 = arith.index_cast %swap3A_633 : i32 to index
        %swap3A_635 = arith.index_cast %add3A_563 : i32 to index
        %swap3A_636 = arith.constant 32 : index
        %swap3A_637 = tpu.vector_load %arg10[%swap3A_634, %swap3A_635, %swap3A_636] {strides = array<i32>} : memref<4x125x64xf32, #tpu.memory_space<vmem>>, vector<1x1x16xf32>,
        %swap3A_638 = vector.shape_cast %swap3A_637 : vector<1x1x16xf32> to vector<16xf32>
        %swap3A_639 = vector.shape_cast %mul3A_632 : vector<16xf32> to vector<1x1x16xf32>
        tpu.vector_store %arg10[%swap3A_634, %swap3A_635, %swap3A_636], %swap3A_639 {strides = array<i32>} : memref<4x125x64xf32, #tpu.memory_space<vmem>>, vector<1x1x16xf32>,
        %get3A_640 = arith.constant 1 : i32
        %get3A_641 = arith.index_cast %get3A_640 : i32 to index
        %get3A_642 = arith.index_cast %add3A_563 : i32 to index
        %get3A_643 = arith.constant 48 : index
        %get3A_644 = tpu.vector_load %arg10[%get3A_641, %get3A_642, %get3A_643] {strides = array<i32>} : memref<4x125x64xf32, #tpu.memory_space<vmem>>, vector<1x1x16xf32>,
        %get3A_645 = vector.shape_cast %get3A_644 : vector<1x1x16xf32> to vector<16xf32>
        %mul3A_646 = arith.mulf %get3A_645, %get3A_567 : vector<16xf32>
        %get3A_647 = arith.constant 2 : i32
        %get3A_648 = arith.index_cast %get3A_647 : i32 to index
        %get3A_649 = arith.index_cast %add3A_563 : i32 to index
        %get3A_650 = arith.constant 48 : index
        %get3A_651 = tpu.vector_load %arg10[%get3A_648, %get3A_649, %get3A_650] {strides = array<i32>} : memref<4x125x64xf32, #tpu.memory_space<vmem>>, vector<1x1x16xf32>,
        %get3A_652 = vector.shape_cast %get3A_651 : vector<1x1x16xf32> to vector<16xf32>
        %add3A_653 = arith.addf %get3A_652, %mul3A_646 : vector<16xf32>
        %mul3A_654 = arith.constant 2.500000e-01 : f32
        %mul3A_655 = vector.broadcast %mul3A_654 : f32 to vector<16xf32>
        %mul3A_656 = arith.mulf %add3A_653, %mul3A_655 : vector<16xf32>
        %swap3A_657 = arith.constant 1 : i32
        %swap3A_658 = arith.index_cast %swap3A_657 : i32 to index
        %swap3A_659 = arith.index_cast %add3A_563 : i32 to index
        %swap3A_660 = arith.constant 48 : index
        %swap3A_661 = tpu.vector_load %arg10[%swap3A_658, %swap3A_659, %swap3A_660] {strides = array<i32>} : memref<4x125x64xf32, #tpu.memory_space<vmem>>, vector<1x1x16xf32>,
        %swap3A_662 = vector.shape_cast %swap3A_661 : vector<1x1x16xf32> to vector<16xf32>
        %swap3A_663 = vector.shape_cast %mul3A_656 : vector<16xf32> to vector<1x1x16xf32>
        tpu.vector_store %arg10[%swap3A_658, %swap3A_659, %swap3A_660], %swap3A_663 {strides = array<i32>} : memref<4x125x64xf32, #tpu.memory_space<vmem>>, vector<1x1x16xf32>,
      }
      %scan3A_556 = arith.constant 125 : i32
      %mul3A_557 = arith.constant 64 : i32
      %mul3A_558 = arith.muli %add3A_390, %mul3A_557 : i32
      "tpu.region"() ({
        %run_scoped3A = tpu.sem_alloc : memref<!tpu.dma_semaphore, #tpu.memory_space<semaphore_mem>>
        %dma_start3A_559 = arith.constant 0 : i32
        %dma_start3A_560 = arith.constant 0 : i32
        %dma_start3A_561 = tpu.memref_slice %arg10[%scan3A_457, %dma_start3A_559, %dma_start3A_560] : memref<4x125x64xf32, #tpu.memory_space<vmem>> -> memref<1x125x64xf32, #tpu.memory_space<vmem>>
        %dma_start3A_562 = tpu.memref_squeeze %dma_start3A_561 : memref<1x125x64xf32, #tpu.memory_space<vmem>> -> memref<125x64xf32, #tpu.memory_space<vmem>>
        %dma_start3A_563 = tpu.memref_slice %arg5[%add3A_549, %mul3A_558] : memref<10000x256xf32, #tpu.memory_space<hbm>> -> memref<125x64xf32, #tpu.memory_space<hbm>>
        %dma_start3A_564 = tpu.memref_slice %arg5[%add3A_549, %mul3A_558] : memref<10000x256xf32, #tpu.memory_space<hbm>> -> memref<125x64xf32, #tpu.memory_space<hbm>>
        %dma_start3A_565 = arith.constant 0 : i32
        %dma_start3A_566 = arith.constant 0 : i32
        %dma_start3A_567 = tpu.memref_slice %arg10[%scan3A_457, %dma_start3A_565, %dma_start3A_566] : memref<4x125x64xf32, #tpu.memory_space<vmem>> -> memref<1x125x64xf32, #tpu.memory_space<vmem>>
        %dma_start3A_568 = tpu.memref_squeeze %dma_start3A_567 : memref<1x125x64xf32, #tpu.memory_space<vmem>> -> memref<125x64xf32, #tpu.memory_space<vmem>>
        tpu.enqueue_dma source(%dma_start3A_568 : memref<125x64xf32, #tpu.memory_space<vmem>>) target(%dma_start3A_564 : memref<125x64xf32, #tpu.memory_space<hbm>>) target_semaphore(%run_scoped3A : memref<!tpu.dma_semaphore, #tpu.memory_space<semaphore_mem>>)
        %dma_wait3A_569 = arith.constant 0 : i32
        %dma_wait3A_570 = arith.constant 0 : i32
        %dma_wait3A_571 = tpu.memref_slice %arg10[%scan3A_457, %dma_wait3A_569, %dma_wait3A_570] : memref<4x125x64xf32, #tpu.memory_space<vmem>> -> memref<1x125x64xf32, #tpu.memory_space<vmem>>
        %dma_wait3A_572 = tpu.memref_squeeze %dma_wait3A_571 : memref<1x125x64xf32, #tpu.memory_space<vmem>> -> memref<125x64xf32, #tpu.memory_space<vmem>>
        %dma_wait3A_573 = tpu.memref_slice %arg5[%add3A_549, %mul3A_558] : memref<10000x256xf32, #tpu.memory_space<hbm>> -> memref<125x64xf32, #tpu.memory_space<hbm>>
        %dma_wait3A_574 = tpu.memref_slice %arg5[%add3A_549, %mul3A_558] : memref<10000x256xf32, #tpu.memory_space<hbm>> -> memref<125x64xf32, #tpu.memory_space<hbm>>
        %dma_wait3A_575 = arith.constant 0 : i32
        %dma_wait3A_576 = arith.constant 0 : i32
        %dma_wait3A_577 = tpu.memref_slice %arg10[%scan3A_457, %dma_wait3A_575, %dma_wait3A_576] : memref<4x125x64xf32, #tpu.memory_space<vmem>> -> memref<1x125x64xf32, #tpu.memory_space<vmem>>
        %dma_wait3A_578 = tpu.memref_squeeze %dma_wait3A_577 : memref<1x125x64xf32, #tpu.memory_space<vmem>> -> memref<125x64xf32, #tpu.memory_space<vmem>>
        tpu.wait_dma2 semaphore(%run_scoped3A : memref<!tpu.dma_semaphore, #tpu.memory_space<semaphore_mem>>) src(%dma_wait3A_578 : memref<125x64xf32, #tpu.memory_space<vmem>>) dst(%dma_wait3A_574 : memref<125x64xf32, #tpu.memory_space<hbm>>)
        tpu.yield
      }) : () -> ()
    }
    %scan3A_463 = arith.constant 5 : i32
    %barrier3A_464 = arith.constant 0 : index
    tpu.barrier barrier_id(%barrier3A_464)
    %mul3A_465 = arith.constant 2 : i32
    %mul3A_466 = arith.muli %arg0, %mul3A_465 : i32
    %add3A_467 = arith.constant 1 : i32
    %add3A_468 = arith.addi %mul3A_466, %add3A_467 : i32
    %dma_start3A_469 = arith.constant 0 : i32
    %dma_start3A_470 = arith.constant 0 : i32
    %dma_start3A_471 = arith.constant 0 : i32
    %dma_start3A_472 = arith.constant 0 : i32
    %dma_start3A_473 = tpu.memref_slice %arg10[%dma_start3A_470, %dma_start3A_471, %dma_start3A_472] : memref<4x125x64xf32, #tpu.memory_space<vmem>> -> memref<1x125x64xf32, #tpu.memory_space<vmem>>
    %dma_start3A_474 = tpu.memref_squeeze %dma_start3A_473 : memref<1x125x64xf32, #tpu.memory_space<vmem>> -> memref<125x64xf32, #tpu.memory_space<vmem>>
    %dma_start3A_475 = arith.constant 0 : i32
    %dma_start3A_476 = tpu.memref_slice %arg12[%dma_start3A_469, %dma_start3A_475] : memref<80x125xi32, #tpu.memory_space<vmem>> -> memref<1x125xi32, #tpu.memory_space<vmem>>
    %dma_start3A_477 = tpu.memref_squeeze %dma_start3A_476 : memref<1x125xi32, #tpu.memory_space<vmem>> -> memref<125xi32, #tpu.memory_space<vmem>>
    %dma_start3A_478 = arith.constant 0 : i32
    %dma_start3A_479 = arith.constant 0 : i32
    %dma_start3A_480 = tpu.memref_slice %arg6[%add3A_468, %dma_start3A_478, %dma_start3A_479] : memref<4x10000x64xf32, #tpu.memory_space<hbm>> -> memref<1x10000x64xf32, #tpu.memory_space<hbm>>
    %dma_start3A_481 = tpu.memref_squeeze %dma_start3A_480 : memref<1x10000x64xf32, #tpu.memory_space<hbm>> -> memref<10000x64xf32, #tpu.memory_space<hbm>>
    %dma_start3A_482 = arith.constant 0 : i32
    %dma_start3A_483 = arith.constant 0 : i32
    %dma_start3A_484 = tpu.memref_slice %dma_start3A_481[%dma_start3A_482, %dma_start3A_483] : memref<10000x64xf32, #tpu.memory_space<hbm>> -> memref<10000x64xf32, #tpu.memory_space<hbm>>
    tpu.enqueue_indirect_dma source(%dma_start3A_484 : memref<10000x64xf32, #tpu.memory_space<hbm>>) target(%dma_start3A_474 : memref<125x64xf32, #tpu.memory_space<vmem>>) offsets(%dma_start3A_477 : memref<125xi32, #tpu.memory_space<vmem>>) semaphore(%arg17 : memref<!tpu.dma_semaphore, #tpu.memory_space<semaphore_mem>>)
    %dma_start3A_485 = arith.constant 1 : i32
    %dma_start3A_486 = arith.constant 1 : i32
    %dma_start3A_487 = arith.constant 0 : i32
    %dma_start3A_488 = arith.constant 0 : i32
    %dma_start3A_489 = tpu.memref_slice %arg10[%dma_start3A_486, %dma_start3A_487, %dma_start3A_488] : memref<4x125x64xf32, #tpu.memory_space<vmem>> -> memref<1x125x64xf32, #tpu.memory_space<vmem>>
    %dma_start3A_490 = tpu.memref_squeeze %dma_start3A_489 : memref<1x125x64xf32, #tpu.memory_space<vmem>> -> memref<125x64xf32, #tpu.memory_space<vmem>>
    %dma_start3A_491 = arith.constant 0 : i32
    %dma_start3A_492 = tpu.memref_slice %arg12[%dma_start3A_485, %dma_start3A_491] : memref<80x125xi32, #tpu.memory_space<vmem>> -> memref<1x125xi32, #tpu.memory_space<vmem>>
    %dma_start3A_493 = tpu.memref_squeeze %dma_start3A_492 : memref<1x125xi32, #tpu.memory_space<vmem>> -> memref<125xi32, #tpu.memory_space<vmem>>
    %dma_start3A_494 = arith.constant 0 : i32
    %dma_start3A_495 = arith.constant 0 : i32
    %dma_start3A_496 = tpu.memref_slice %arg6[%add3A_468, %dma_start3A_494, %dma_start3A_495] : memref<4x10000x64xf32, #tpu.memory_space<hbm>> -> memref<1x10000x64xf32, #tpu.memory_space<hbm>>
    %dma_start3A_497 = tpu.memref_squeeze %dma_start3A_496 : memref<1x10000x64xf32, #tpu.memory_space<hbm>> -> memref<10000x64xf32, #tpu.memory_space<hbm>>
    %dma_start3A_498 = arith.constant 0 : i32
    %dma_start3A_499 = arith.constant 0 : i32
    %dma_start3A_500 = tpu.memref_slice %dma_start3A_497[%dma_start3A_498, %dma_start3A_499] : memref<10000x64xf32, #tpu.memory_space<hbm>> -> memref<10000x64xf32, #tpu.memory_space<hbm>>
    tpu.enqueue_indirect_dma source(%dma_start3A_500 : memref<10000x64xf32, #tpu.memory_space<hbm>>) target(%dma_start3A_490 : memref<125x64xf32, #tpu.memory_space<vmem>>) offsets(%dma_start3A_493 : memref<125xi32, #tpu.memory_space<vmem>>) semaphore(%arg17 : memref<!tpu.dma_semaphore, #tpu.memory_space<semaphore_mem>>)
    %dma_start3A_501 = arith.constant 2 : i32
    %dma_start3A_502 = arith.constant 2 : i32
    %dma_start3A_503 = arith.constant 0 : i32
    %dma_start3A_504 = arith.constant 0 : i32
    %dma_start3A_505 = tpu.memref_slice %arg10[%dma_start3A_502, %dma_start3A_503, %dma_start3A_504] : memref<4x125x64xf32, #tpu.memory_space<vmem>> -> memref<1x125x64xf32, #tpu.memory_space<vmem>>
    %dma_start3A_506 = tpu.memref_squeeze %dma_start3A_505 : memref<1x125x64xf32, #tpu.memory_space<vmem>> -> memref<125x64xf32, #tpu.memory_space<vmem>>
    %dma_start3A_507 = arith.constant 0 : i32
    %dma_start3A_508 = tpu.memref_slice %arg12[%dma_start3A_501, %dma_start3A_507] : memref<80x125xi32, #tpu.memory_space<vmem>> -> memref<1x125xi32, #tpu.memory_space<vmem>>
    %dma_start3A_509 = tpu.memref_squeeze %dma_start3A_508 : memref<1x125xi32, #tpu.memory_space<vmem>> -> memref<125xi32, #tpu.memory_space<vmem>>
    %dma_start3A_510 = arith.constant 0 : i32
    %dma_start3A_511 = arith.constant 0 : i32
    %dma_start3A_512 = tpu.memref_slice %arg6[%add3A_468, %dma_start3A_510, %dma_start3A_511] : memref<4x10000x64xf32, #tpu.memory_space<hbm>> -> memref<1x10000x64xf32, #tpu.memory_space<hbm>>
    %dma_start3A_513 = tpu.memref_squeeze %dma_start3A_512 : memref<1x10000x64xf32, #tpu.memory_space<hbm>> -> memref<10000x64xf32, #tpu.memory_space<hbm>>
    %dma_start3A_514 = arith.constant 0 : i32
    %dma_start3A_515 = arith.constant 0 : i32
    %dma_start3A_516 = tpu.memref_slice %dma_start3A_513[%dma_start3A_514, %dma_start3A_515] : memref<10000x64xf32, #tpu.memory_space<hbm>> -> memref<10000x64xf32, #tpu.memory_space<hbm>>
    tpu.enqueue_indirect_dma source(%dma_start3A_516 : memref<10000x64xf32, #tpu.memory_space<hbm>>) target(%dma_start3A_506 : memref<125x64xf32, #tpu.memory_space<vmem>>) offsets(%dma_start3A_509 : memref<125xi32, #tpu.memory_space<vmem>>) semaphore(%arg17 : memref<!tpu.dma_semaphore, #tpu.memory_space<semaphore_mem>>)
    %scan3A_517 = arith.constant 0 : i32
    %scan3A_518 = arith.constant 80 : i32
    %scan3A_519 = arith.addi %scan3A_517, %scan3A_518 : i32
    %scan3A_520 = arith.constant 1 : i32
    scf.for %scan3A_542 = %scan3A_517 to %scan3A_519 step %scan3A_520  : i32 {
      %mul3A_543 = arith.constant 1 : i32
      %mul3A_544 = arith.muli %scan3A_542, %mul3A_543 : i32
      %add3A_545 = arith.constant 0 : i32
      %add3A_546 = arith.addi %add3A_545, %mul3A_544 : i32
      %rem3A = arith.constant 4 : i32
      %rem3A_547 = arith.remsi %add3A_546, %rem3A : i32
      %add3A_548 = arith.constant 4 : i32
      %add3A_549 = arith.addi %add3A_546, %add3A_548 : i32
      %sub3A = arith.constant 1 : i32
      %sub3A_550 = arith.subi %add3A_549, %sub3A : i32
      %rem3A_551 = arith.constant 4 : i32
      %rem3A_552 = arith.remsi %sub3A_550, %rem3A_551 : i32
      %dma_wait3A_553 = arith.constant 0 : i32
      %dma_wait3A_554 = arith.constant 0 : i32
      %dma_wait3A_555 = tpu.memref_slice %arg10[%rem3A_547, %dma_wait3A_553, %dma_wait3A_554] : memref<4x125x64xf32, #tpu.memory_space<vmem>> -> memref<1x125x64xf32, #tpu.memory_space<vmem>>
      %dma_wait3A_556 = tpu.memref_squeeze %dma_wait3A_555 : memref<1x125x64xf32, #tpu.memory_space<vmem>> -> memref<125x64xf32, #tpu.memory_space<vmem>>
      %dma_wait3A_557 = arith.constant 0 : i32
      %dma_wait3A_558 = tpu.memref_slice %arg12[%add3A_546, %dma_wait3A_557] : memref<80x125xi32, #tpu.memory_space<vmem>> -> memref<1x125xi32, #tpu.memory_space<vmem>>
      %dma_wait3A_559 = tpu.memref_squeeze %dma_wait3A_558 : memref<1x125xi32, #tpu.memory_space<vmem>> -> memref<125xi32, #tpu.memory_space<vmem>>
      %dma_wait3A_560 = arith.constant 0 : i32
      %dma_wait3A_561 = arith.constant 0 : i32
      %dma_wait3A_562 = tpu.memref_slice %arg6[%add3A_468, %dma_wait3A_560, %dma_wait3A_561] : memref<4x10000x64xf32, #tpu.memory_space<hbm>> -> memref<1x10000x64xf32, #tpu.memory_space<hbm>>
      %dma_wait3A_563 = tpu.memref_squeeze %dma_wait3A_562 : memref<1x10000x64xf32, #tpu.memory_space<hbm>> -> memref<10000x64xf32, #tpu.memory_space<hbm>>
      %dma_wait3A_564 = arith.constant 0 : i32
      %dma_wait3A_565 = arith.constant 0 : i32
      %dma_wait3A_566 = tpu.memref_slice %dma_wait3A_563[%dma_wait3A_564, %dma_wait3A_565] : memref<10000x64xf32, #tpu.memory_space<hbm>> -> memref<10000x64xf32, #tpu.memory_space<hbm>>
      tpu.wait_indirect_dma semaphore(%arg17 : memref<!tpu.dma_semaphore, #tpu.memory_space<semaphore_mem>>) src(%dma_wait3A_566 : memref<10000x64xf32, #tpu.memory_space<hbm>>) dst(%dma_wait3A_556 : memref<125x64xf32, #tpu.memory_space<vmem>>)
      %dma_start3A_567 = arith.constant 0 : i32
      %dma_start3A_568 = arith.constant 0 : i32
      %dma_start3A_569 = tpu.memref_slice %arg10[%rem3A_547, %dma_start3A_567, %dma_start3A_568] : memref<4x125x64xf32, #tpu.memory_space<vmem>> -> memref<1x125x64xf32, #tpu.memory_space<vmem>>
      %dma_start3A_570 = tpu.memref_squeeze %dma_start3A_569 : memref<1x125x64xf32, #tpu.memory_space<vmem>> -> memref<125x64xf32, #tpu.memory_space<vmem>>
      %dma_start3A_571 = arith.constant 0 : i32
      %dma_start3A_572 = tpu.memref_slice %arg11[%add3A_546, %dma_start3A_571] : memref<80x125xi32, #tpu.memory_space<vmem>> -> memref<1x125xi32, #tpu.memory_space<vmem>>
      %dma_start3A_573 = tpu.memref_squeeze %dma_start3A_572 : memref<1x125xi32, #tpu.memory_space<vmem>> -> memref<125xi32, #tpu.memory_space<vmem>>
      %dma_start3A_574 = arith.constant 0 : i32
      %dma_start3A_575 = arith.constant 0 : i32
      %dma_start3A_576 = tpu.memref_slice %arg8[%dma_start3A_574, %dma_start3A_575] : memref<10000x64xf32, #tpu.memory_space<vmem_shared>> -> memref<10000x64xf32, #tpu.memory_space<vmem_shared>>
      tpu.enqueue_indirect_dma source(%dma_start3A_570 : memref<125x64xf32, #tpu.memory_space<vmem>>) target(%dma_start3A_576 : memref<10000x64xf32, #tpu.memory_space<vmem_shared>>) offsets(%dma_start3A_573 : memref<125xi32, #tpu.memory_space<vmem>>) semaphore(%arg18 : memref<!tpu.dma_semaphore, #tpu.memory_space<semaphore_mem>>) {add = true}
      %ge3A = arith.constant 1 : i32
      %ge3A_577 = arith.cmpi sge, %add3A_546, %ge3A : i32
      %convert_element_type3A = arith.extui %ge3A_577 : i1 to i32
      %cond3A = arith.constant 0 : i32
      %cond3A_578 = arith.cmpi ne, %convert_element_type3A, %cond3A : i32
      scf.if %cond3A_578 {
        %sub3A_583 = arith.constant 1 : i32
        %sub3A_584 = arith.subi %add3A_546, %sub3A_583 : i32
        %dma_wait3A_585 = arith.constant 0 : i32
        %dma_wait3A_586 = arith.constant 0 : i32
        %dma_wait3A_587 = tpu.memref_slice %arg10[%rem3A_552, %dma_wait3A_585, %dma_wait3A_586] : memref<4x125x64xf32, #tpu.memory_space<vmem>> -> memref<1x125x64xf32, #tpu.memory_space<vmem>>
        %dma_wait3A_588 = tpu.memref_squeeze %dma_wait3A_587 : memref<1x125x64xf32, #tpu.memory_space<vmem>> -> memref<125x64xf32, #tpu.memory_space<vmem>>
        %dma_wait3A_589 = arith.constant 0 : i32
        %dma_wait3A_590 = tpu.memref_slice %arg11[%sub3A_584, %dma_wait3A_589] : memref<80x125xi32, #tpu.memory_space<vmem>> -> memref<1x125xi32, #tpu.memory_space<vmem>>
        %dma_wait3A_591 = tpu.memref_squeeze %dma_wait3A_590 : memref<1x125xi32, #tpu.memory_space<vmem>> -> memref<125xi32, #tpu.memory_space<vmem>>
        %dma_wait3A_592 = arith.constant 0 : i32
        %dma_wait3A_593 = arith.constant 0 : i32
        %dma_wait3A_594 = tpu.memref_slice %arg8[%dma_wait3A_592, %dma_wait3A_593] : memref<10000x64xf32, #tpu.memory_space<vmem_shared>> -> memref<10000x64xf32, #tpu.memory_space<vmem_shared>>
        tpu.wait_indirect_dma semaphore(%arg18 : memref<!tpu.dma_semaphore, #tpu.memory_space<semaphore_mem>>) src(%dma_wait3A_588 : memref<125x64xf32, #tpu.memory_space<vmem>>) dst(%dma_wait3A_594 : memref<10000x64xf32, #tpu.memory_space<vmem_shared>>)
      } else {
      }
      %lt3A = arith.constant 77 : i32
      %lt3A_579 = arith.cmpi slt, %add3A_546, %lt3A : i32
      %convert_element_type3A_580 = arith.extui %lt3A_579 : i1 to i32
      %cond3A_581 = arith.constant 0 : i32
      %cond3A_582 = arith.cmpi ne, %convert_element_type3A_580, %cond3A_581 : i32
      scf.if %cond3A_582 {
        %add3A_583 = arith.constant 3 : i32
        %add3A_584 = arith.addi %add3A_546, %add3A_583 : i32
        %dma_start3A_585 = arith.constant 0 : i32
        %dma_start3A_586 = arith.constant 0 : i32
        %dma_start3A_587 = tpu.memref_slice %arg10[%rem3A_552, %dma_start3A_585, %dma_start3A_586] : memref<4x125x64xf32, #tpu.memory_space<vmem>> -> memref<1x125x64xf32, #tpu.memory_space<vmem>>
        %dma_start3A_588 = tpu.memref_squeeze %dma_start3A_587 : memref<1x125x64xf32, #tpu.memory_space<vmem>> -> memref<125x64xf32, #tpu.memory_space<vmem>>
        %dma_start3A_589 = arith.constant 0 : i32
        %dma_start3A_590 = tpu.memref_slice %arg12[%add3A_584, %dma_start3A_589] : memref<80x125xi32, #tpu.memory_space<vmem>> -> memref<1x125xi32, #tpu.memory_space<vmem>>
        %dma_start3A_591 = tpu.memref_squeeze %dma_start3A_590 : memref<1x125xi32, #tpu.memory_space<vmem>> -> memref<125xi32, #tpu.memory_space<vmem>>
        %dma_start3A_592 = arith.constant 0 : i32
        %dma_start3A_593 = arith.constant 0 : i32
        %dma_start3A_594 = tpu.memref_slice %arg6[%add3A_468, %dma_start3A_592, %dma_start3A_593] : memref<4x10000x64xf32, #tpu.memory_space<hbm>> -> memref<1x10000x64xf32, #tpu.memory_space<hbm>>
        %dma_start3A_595 = tpu.memref_squeeze %dma_start3A_594 : memref<1x10000x64xf32, #tpu.memory_space<hbm>> -> memref<10000x64xf32, #tpu.memory_space<hbm>>
        %dma_start3A_596 = arith.constant 0 : i32
        %dma_start3A_597 = arith.constant 0 : i32
        %dma_start3A_598 = tpu.memref_slice %dma_start3A_595[%dma_start3A_596, %dma_start3A_597] : memref<10000x64xf32, #tpu.memory_space<hbm>> -> memref<10000x64xf32, #tpu.memory_space<hbm>>
        tpu.enqueue_indirect_dma source(%dma_start3A_598 : memref<10000x64xf32, #tpu.memory_space<hbm>>) target(%dma_start3A_588 : memref<125x64xf32, #tpu.memory_space<vmem>>) offsets(%dma_start3A_591 : memref<125xi32, #tpu.memory_space<vmem>>) semaphore(%arg17 : memref<!tpu.dma_semaphore, #tpu.memory_space<semaphore_mem>>)
      } else {
      }
    }
    %scan3A_521 = arith.constant 80 : i32
    %dma_wait3A_522 = arith.constant 3 : i32
    %dma_wait3A_523 = arith.constant 79 : i32
    %dma_wait3A_524 = arith.constant 0 : i32
    %dma_wait3A_525 = arith.constant 0 : i32
    %dma_wait3A_526 = tpu.memref_slice %arg10[%dma_wait3A_522, %dma_wait3A_524, %dma_wait3A_525] : memref<4x125x64xf32, #tpu.memory_space<vmem>> -> memref<1x125x64xf32, #tpu.memory_space<vmem>>
    %dma_wait3A_527 = tpu.memref_squeeze %dma_wait3A_526 : memref<1x125x64xf32, #tpu.memory_space<vmem>> -> memref<125x64xf32, #tpu.memory_space<vmem>>
    %dma_wait3A_528 = arith.constant 0 : i32
    %dma_wait3A_529 = tpu.memref_slice %arg11[%dma_wait3A_523, %dma_wait3A_528] : memref<80x125xi32, #tpu.memory_space<vmem>> -> memref<1x125xi32, #tpu.memory_space<vmem>>
    %dma_wait3A_530 = tpu.memref_squeeze %dma_wait3A_529 : memref<1x125xi32, #tpu.memory_space<vmem>> -> memref<125xi32, #tpu.memory_space<vmem>>
    %dma_wait3A_531 = arith.constant 0 : i32
    %dma_wait3A_532 = arith.constant 0 : i32
    %dma_wait3A_533 = tpu.memref_slice %arg8[%dma_wait3A_531, %dma_wait3A_532] : memref<10000x64xf32, #tpu.memory_space<vmem_shared>> -> memref<10000x64xf32, #tpu.memory_space<vmem_shared>>
    tpu.wait_indirect_dma semaphore(%arg18 : memref<!tpu.dma_semaphore, #tpu.memory_space<semaphore_mem>>) src(%dma_wait3A_527 : memref<125x64xf32, #tpu.memory_space<vmem>>) dst(%dma_wait3A_533 : memref<10000x64xf32, #tpu.memory_space<vmem_shared>>)
    %barrier3A_534 = arith.constant 0 : index
    tpu.barrier barrier_id(%barrier3A_534)
    %scan3A_535 = arith.constant 1 : i32
    %scan3A_536 = arith.constant 2 : i32
    %scan3A_537 = arith.constant 0 : i32
    %scan3A_538 = arith.constant 5 : i32
    %scan3A_539 = arith.addi %scan3A_537, %scan3A_538 : i32
    %scan3A_540 = arith.constant 1 : i32
    scf.for %scan3A_542 = %scan3A_537 to %scan3A_539 step %scan3A_540  : i32 {
      %mul3A_543 = arith.constant 1 : i32
      %mul3A_544 = arith.muli %scan3A_542, %mul3A_543 : i32
      %add3A_545 = arith.constant 0 : i32
      %add3A_546 = arith.addi %add3A_545, %mul3A_544 : i32
      %mul3A_547 = arith.constant 125 : i32
      %mul3A_548 = arith.muli %add3A_546, %mul3A_547 : i32
      %add3A_549 = arith.addi %mul3A_0, %mul3A_548 : i32
      %mul3A_550 = arith.constant 125 : i32
      %mul3A_551 = arith.muli %add3A_546, %mul3A_550 : i32
      "tpu.region"() ({
        %run_scoped3A = tpu.sem_alloc : memref<!tpu.dma_semaphore, #tpu.memory_space<semaphore_mem>>
        %dma_start3A_559 = arith.constant 0 : i32
        %dma_start3A_560 = arith.constant 0 : i32
        %dma_start3A_561 = tpu.memref_slice %arg10[%scan3A_535, %dma_start3A_559, %dma_start3A_560] : memref<4x125x64xf32, #tpu.memory_space<vmem>> -> memref<1x125x64xf32, #tpu.memory_space<vmem>>
        %dma_start3A_562 = tpu.memref_squeeze %dma_start3A_561 : memref<1x125x64xf32, #tpu.memory_space<vmem>> -> memref<125x64xf32, #tpu.memory_space<vmem>>
        %dma_start3A_563 = arith.constant 0 : i32
        %dma_start3A_564 = tpu.memref_slice %arg8[%add3A_549, %dma_start3A_563] : memref<10000x64xf32, #tpu.memory_space<vmem_shared>> -> memref<125x64xf32, #tpu.memory_space<vmem_shared>>
        %dma_start3A_565 = arith.constant 0 : i32
        %dma_start3A_566 = arith.constant 0 : i32
        %dma_start3A_567 = tpu.memref_slice %arg10[%scan3A_535, %dma_start3A_565, %dma_start3A_566] : memref<4x125x64xf32, #tpu.memory_space<vmem>> -> memref<1x125x64xf32, #tpu.memory_space<vmem>>
        %dma_start3A_568 = tpu.memref_squeeze %dma_start3A_567 : memref<1x125x64xf32, #tpu.memory_space<vmem>> -> memref<125x64xf32, #tpu.memory_space<vmem>>
        %dma_start3A_569 = arith.constant 0 : i32
        %dma_start3A_570 = tpu.memref_slice %arg8[%add3A_549, %dma_start3A_569] : memref<10000x64xf32, #tpu.memory_space<vmem_shared>> -> memref<125x64xf32, #tpu.memory_space<vmem_shared>>
        tpu.enqueue_dma source(%dma_start3A_570 : memref<125x64xf32, #tpu.memory_space<vmem_shared>>) target(%dma_start3A_568 : memref<125x64xf32, #tpu.memory_space<vmem>>) target_semaphore(%run_scoped3A : memref<!tpu.dma_semaphore, #tpu.memory_space<semaphore_mem>>)
        %dma_wait3A_571 = arith.constant 0 : i32
        %dma_wait3A_572 = arith.constant 0 : i32
        %dma_wait3A_573 = tpu.memref_slice %arg10[%scan3A_535, %dma_wait3A_571, %dma_wait3A_572] : memref<4x125x64xf32, #tpu.memory_space<vmem>> -> memref<1x125x64xf32, #tpu.memory_space<vmem>>
        %dma_wait3A_574 = tpu.memref_squeeze %dma_wait3A_573 : memref<1x125x64xf32, #tpu.memory_space<vmem>> -> memref<125x64xf32, #tpu.memory_space<vmem>>
        %dma_wait3A_575 = arith.constant 0 : i32
        %dma_wait3A_576 = tpu.memref_slice %arg8[%add3A_549, %dma_wait3A_575] : memref<10000x64xf32, #tpu.memory_space<vmem_shared>> -> memref<125x64xf32, #tpu.memory_space<vmem_shared>>
        %dma_wait3A_577 = arith.constant 0 : i32
        %dma_wait3A_578 = arith.constant 0 : i32
        %dma_wait3A_579 = tpu.memref_slice %arg10[%scan3A_535, %dma_wait3A_577, %dma_wait3A_578] : memref<4x125x64xf32, #tpu.memory_space<vmem>> -> memref<1x125x64xf32, #tpu.memory_space<vmem>>
        %dma_wait3A_580 = tpu.memref_squeeze %dma_wait3A_579 : memref<1x125x64xf32, #tpu.memory_space<vmem>> -> memref<125x64xf32, #tpu.memory_space<vmem>>
        %dma_wait3A_581 = arith.constant 0 : i32
        %dma_wait3A_582 = tpu.memref_slice %arg8[%add3A_549, %dma_wait3A_581] : memref<10000x64xf32, #tpu.memory_space<vmem_shared>> -> memref<125x64xf32, #tpu.memory_space<vmem_shared>>
        tpu.wait_dma2 semaphore(%run_scoped3A : memref<!tpu.dma_semaphore, #tpu.memory_space<semaphore_mem>>) src(%dma_wait3A_582 : memref<125x64xf32, #tpu.memory_space<vmem_shared>>) dst(%dma_wait3A_580 : memref<125x64xf32, #tpu.memory_space<vmem>>)
        tpu.yield
      }) : () -> ()
      "tpu.region"() ({
        %run_scoped3A = tpu.sem_alloc : memref<!tpu.dma_semaphore, #tpu.memory_space<semaphore_mem>>
        %dma_start3A_559 = arith.constant 0 : i32
        %dma_start3A_560 = arith.constant 0 : i32
        %dma_start3A_561 = tpu.memref_slice %arg10[%scan3A_536, %dma_start3A_559, %dma_start3A_560] : memref<4x125x64xf32, #tpu.memory_space<vmem>> -> memref<1x125x64xf32, #tpu.memory_space<vmem>>
        %dma_start3A_562 = tpu.memref_squeeze %dma_start3A_561 : memref<1x125x64xf32, #tpu.memory_space<vmem>> -> memref<125x64xf32, #tpu.memory_space<vmem>>
        %dma_start3A_563 = arith.constant 0 : i32
        %dma_start3A_564 = arith.constant 0 : i32
        %dma_start3A_565 = tpu.memref_slice %arg7[%add3A_468, %dma_start3A_563, %dma_start3A_564] : memref<4x10000x64xf32, #tpu.memory_space<hbm>> -> memref<1x10000x64xf32, #tpu.memory_space<hbm>>
        %dma_start3A_566 = tpu.memref_squeeze %dma_start3A_565 : memref<1x10000x64xf32, #tpu.memory_space<hbm>> -> memref<10000x64xf32, #tpu.memory_space<hbm>>
        %dma_start3A_567 = arith.constant 0 : i32
        %dma_start3A_568 = tpu.memref_slice %dma_start3A_566[%add3A_549, %dma_start3A_567] : memref<10000x64xf32, #tpu.memory_space<hbm>> -> memref<125x64xf32, #tpu.memory_space<hbm>>
        %dma_start3A_569 = arith.constant 0 : i32
        %dma_start3A_570 = arith.constant 0 : i32
        %dma_start3A_571 = tpu.memref_slice %arg10[%scan3A_536, %dma_start3A_569, %dma_start3A_570] : memref<4x125x64xf32, #tpu.memory_space<vmem>> -> memref<1x125x64xf32, #tpu.memory_space<vmem>>
        %dma_start3A_572 = tpu.memref_squeeze %dma_start3A_571 : memref<1x125x64xf32, #tpu.memory_space<vmem>> -> memref<125x64xf32, #tpu.memory_space<vmem>>
        %dma_start3A_573 = arith.constant 0 : i32
        %dma_start3A_574 = arith.constant 0 : i32
        %dma_start3A_575 = tpu.memref_slice %arg7[%add3A_468, %dma_start3A_573, %dma_start3A_574] : memref<4x10000x64xf32, #tpu.memory_space<hbm>> -> memref<1x10000x64xf32, #tpu.memory_space<hbm>>
        %dma_start3A_576 = tpu.memref_squeeze %dma_start3A_575 : memref<1x10000x64xf32, #tpu.memory_space<hbm>> -> memref<10000x64xf32, #tpu.memory_space<hbm>>
        %dma_start3A_577 = arith.constant 0 : i32
        %dma_start3A_578 = tpu.memref_slice %dma_start3A_576[%add3A_549, %dma_start3A_577] : memref<10000x64xf32, #tpu.memory_space<hbm>> -> memref<125x64xf32, #tpu.memory_space<hbm>>
        tpu.enqueue_dma source(%dma_start3A_578 : memref<125x64xf32, #tpu.memory_space<hbm>>) target(%dma_start3A_572 : memref<125x64xf32, #tpu.memory_space<vmem>>) target_semaphore(%run_scoped3A : memref<!tpu.dma_semaphore, #tpu.memory_space<semaphore_mem>>)
        %dma_wait3A_579 = arith.constant 0 : i32
        %dma_wait3A_580 = arith.constant 0 : i32
        %dma_wait3A_581 = tpu.memref_slice %arg10[%scan3A_536, %dma_wait3A_579, %dma_wait3A_580] : memref<4x125x64xf32, #tpu.memory_space<vmem>> -> memref<1x125x64xf32, #tpu.memory_space<vmem>>
        %dma_wait3A_582 = tpu.memref_squeeze %dma_wait3A_581 : memref<1x125x64xf32, #tpu.memory_space<vmem>> -> memref<125x64xf32, #tpu.memory_space<vmem>>
        %dma_wait3A_583 = arith.constant 0 : i32
        %dma_wait3A_584 = arith.constant 0 : i32
        %dma_wait3A_585 = tpu.memref_slice %arg7[%add3A_468, %dma_wait3A_583, %dma_wait3A_584] : memref<4x10000x64xf32, #tpu.memory_space<hbm>> -> memref<1x10000x64xf32, #tpu.memory_space<hbm>>
        %dma_wait3A_586 = tpu.memref_squeeze %dma_wait3A_585 : memref<1x10000x64xf32, #tpu.memory_space<hbm>> -> memref<10000x64xf32, #tpu.memory_space<hbm>>
        %dma_wait3A_587 = arith.constant 0 : i32
        %dma_wait3A_588 = tpu.memref_slice %dma_wait3A_586[%add3A_549, %dma_wait3A_587] : memref<10000x64xf32, #tpu.memory_space<hbm>> -> memref<125x64xf32, #tpu.memory_space<hbm>>
        %dma_wait3A_589 = arith.constant 0 : i32
        %dma_wait3A_590 = arith.constant 0 : i32
        %dma_wait3A_591 = tpu.memref_slice %arg10[%scan3A_536, %dma_wait3A_589, %dma_wait3A_590] : memref<4x125x64xf32, #tpu.memory_space<vmem>> -> memref<1x125x64xf32, #tpu.memory_space<vmem>>
        %dma_wait3A_592 = tpu.memref_squeeze %dma_wait3A_591 : memref<1x125x64xf32, #tpu.memory_space<vmem>> -> memref<125x64xf32, #tpu.memory_space<vmem>>
        %dma_wait3A_593 = arith.constant 0 : i32
        %dma_wait3A_594 = arith.constant 0 : i32
        %dma_wait3A_595 = tpu.memref_slice %arg7[%add3A_468, %dma_wait3A_593, %dma_wait3A_594] : memref<4x10000x64xf32, #tpu.memory_space<hbm>> -> memref<1x10000x64xf32, #tpu.memory_space<hbm>>
        %dma_wait3A_596 = tpu.memref_squeeze %dma_wait3A_595 : memref<1x10000x64xf32, #tpu.memory_space<hbm>> -> memref<10000x64xf32, #tpu.memory_space<hbm>>
        %dma_wait3A_597 = arith.constant 0 : i32
        %dma_wait3A_598 = tpu.memref_slice %dma_wait3A_596[%add3A_549, %dma_wait3A_597] : memref<10000x64xf32, #tpu.memory_space<hbm>> -> memref<125x64xf32, #tpu.memory_space<hbm>>
        tpu.wait_dma2 semaphore(%run_scoped3A : memref<!tpu.dma_semaphore, #tpu.memory_space<semaphore_mem>>) src(%dma_wait3A_598 : memref<125x64xf32, #tpu.memory_space<hbm>>) dst(%dma_wait3A_592 : memref<125x64xf32, #tpu.memory_space<vmem>>)
        tpu.yield
      }) : () -> ()
      %scan3A_552 = arith.constant 0 : i32
      %scan3A_553 = arith.constant 125 : i32
      %scan3A_554 = arith.addi %scan3A_552, %scan3A_553 : i32
      %scan3A_555 = arith.constant 1 : i32
      scf.for %scan3A_559 = %scan3A_552 to %scan3A_554 step %scan3A_555  : i32 {
        %mul3A_560 = arith.constant 1 : i32
        %mul3A_561 = arith.muli %scan3A_559, %mul3A_560 : i32
        %add3A_562 = arith.constant 0 : i32
        %add3A_563 = arith.addi %add3A_562, %mul3A_561 : i32
        %add3A_564 = arith.addi %mul3A_551, %add3A_563 : i32
        %get3A = arith.index_cast %add3A_564 : i32 to index
        %get3A_565 = arith.constant 0 : index
        %get3A_566 = tpu.vector_load %arg13[%get3A, %get3A_565] {strides = array<i32>} : memref<625x16xf32, #tpu.memory_space<vmem>>, vector<1x16xf32>,
        %get3A_567 = vector.shape_cast %get3A_566 : vector<1x16xf32> to vector<16xf32>
        %mul3A_568 = arith.mulf %get3A_567, %get3A_567 : vector<16xf32>
        %get3A_569 = arith.constant 1 : i32
        %get3A_570 = arith.index_cast %get3A_569 : i32 to index
        %get3A_571 = arith.index_cast %add3A_563 : i32 to index
        %get3A_572 = arith.constant 0 : index
        %get3A_573 = tpu.vector_load %arg10[%get3A_570, %get3A_571, %get3A_572] {strides = array<i32>} : memref<4x125x64xf32, #tpu.memory_space<vmem>>, vector<1x1x16xf32>,
        %get3A_574 = vector.shape_cast %get3A_573 : vector<1x1x16xf32> to vector<16xf32>
        %mul3A_575 = arith.mulf %get3A_574, %get3A_567 : vector<16xf32>
        %get3A_576 = arith.constant 2 : i32
        %get3A_577 = arith.index_cast %get3A_576 : i32 to index
        %get3A_578 = arith.index_cast %add3A_563 : i32 to index
        %get3A_579 = arith.constant 0 : index
        %get3A_580 = tpu.vector_load %arg10[%get3A_577, %get3A_578, %get3A_579] {strides = array<i32>} : memref<4x125x64xf32, #tpu.memory_space<vmem>>, vector<1x1x16xf32>,
        %get3A_581 = vector.shape_cast %get3A_580 : vector<1x1x16xf32> to vector<16xf32>
        %add3A_582 = arith.addf %get3A_581, %mul3A_575 : vector<16xf32>
        %mul3A_583 = arith.constant 2.500000e-01 : f32
        %mul3A_584 = vector.broadcast %mul3A_583 : f32 to vector<16xf32>
        %mul3A_585 = arith.mulf %add3A_582, %mul3A_584 : vector<16xf32>
        %swap3A = arith.constant 1 : i32
        %swap3A_586 = arith.index_cast %swap3A : i32 to index
        %swap3A_587 = arith.index_cast %add3A_563 : i32 to index
        %swap3A_588 = arith.constant 0 : index
        %swap3A_589 = tpu.vector_load %arg10[%swap3A_586, %swap3A_587, %swap3A_588] {strides = array<i32>} : memref<4x125x64xf32, #tpu.memory_space<vmem>>, vector<1x1x16xf32>,
        %swap3A_590 = vector.shape_cast %swap3A_589 : vector<1x1x16xf32> to vector<16xf32>
        %swap3A_591 = vector.shape_cast %mul3A_585 : vector<16xf32> to vector<1x1x16xf32>
        tpu.vector_store %arg10[%swap3A_586, %swap3A_587, %swap3A_588], %swap3A_591 {strides = array<i32>} : memref<4x125x64xf32, #tpu.memory_space<vmem>>, vector<1x1x16xf32>,
        %get3A_592 = arith.constant 1 : i32
        %get3A_593 = arith.index_cast %get3A_592 : i32 to index
        %get3A_594 = arith.index_cast %add3A_563 : i32 to index
        %get3A_595 = arith.constant 16 : index
        %get3A_596 = tpu.vector_load %arg10[%get3A_593, %get3A_594, %get3A_595] {strides = array<i32>} : memref<4x125x64xf32, #tpu.memory_space<vmem>>, vector<1x1x16xf32>,
        %get3A_597 = vector.shape_cast %get3A_596 : vector<1x1x16xf32> to vector<16xf32>
        %mul3A_598 = arith.mulf %get3A_597, %get3A_567 : vector<16xf32>
        %get3A_599 = arith.constant 2 : i32
        %get3A_600 = arith.index_cast %get3A_599 : i32 to index
        %get3A_601 = arith.index_cast %add3A_563 : i32 to index
        %get3A_602 = arith.constant 16 : index
        %get3A_603 = tpu.vector_load %arg10[%get3A_600, %get3A_601, %get3A_602] {strides = array<i32>} : memref<4x125x64xf32, #tpu.memory_space<vmem>>, vector<1x1x16xf32>,
        %get3A_604 = vector.shape_cast %get3A_603 : vector<1x1x16xf32> to vector<16xf32>
        %add3A_605 = arith.addf %get3A_604, %mul3A_598 : vector<16xf32>
        %mul3A_606 = arith.constant 2.500000e-01 : f32
        %mul3A_607 = vector.broadcast %mul3A_606 : f32 to vector<16xf32>
        %mul3A_608 = arith.mulf %add3A_605, %mul3A_607 : vector<16xf32>
        %swap3A_609 = arith.constant 1 : i32
        %swap3A_610 = arith.index_cast %swap3A_609 : i32 to index
        %swap3A_611 = arith.index_cast %add3A_563 : i32 to index
        %swap3A_612 = arith.constant 16 : index
        %swap3A_613 = tpu.vector_load %arg10[%swap3A_610, %swap3A_611, %swap3A_612] {strides = array<i32>} : memref<4x125x64xf32, #tpu.memory_space<vmem>>, vector<1x1x16xf32>,
        %swap3A_614 = vector.shape_cast %swap3A_613 : vector<1x1x16xf32> to vector<16xf32>
        %swap3A_615 = vector.shape_cast %mul3A_608 : vector<16xf32> to vector<1x1x16xf32>
        tpu.vector_store %arg10[%swap3A_610, %swap3A_611, %swap3A_612], %swap3A_615 {strides = array<i32>} : memref<4x125x64xf32, #tpu.memory_space<vmem>>, vector<1x1x16xf32>,
        %get3A_616 = arith.constant 1 : i32
        %get3A_617 = arith.index_cast %get3A_616 : i32 to index
        %get3A_618 = arith.index_cast %add3A_563 : i32 to index
        %get3A_619 = arith.constant 32 : index
        %get3A_620 = tpu.vector_load %arg10[%get3A_617, %get3A_618, %get3A_619] {strides = array<i32>} : memref<4x125x64xf32, #tpu.memory_space<vmem>>, vector<1x1x16xf32>,
        %get3A_621 = vector.shape_cast %get3A_620 : vector<1x1x16xf32> to vector<16xf32>
        %mul3A_622 = arith.mulf %get3A_621, %get3A_567 : vector<16xf32>
        %get3A_623 = arith.constant 2 : i32
        %get3A_624 = arith.index_cast %get3A_623 : i32 to index
        %get3A_625 = arith.index_cast %add3A_563 : i32 to index
        %get3A_626 = arith.constant 32 : index
        %get3A_627 = tpu.vector_load %arg10[%get3A_624, %get3A_625, %get3A_626] {strides = array<i32>} : memref<4x125x64xf32, #tpu.memory_space<vmem>>, vector<1x1x16xf32>,
        %get3A_628 = vector.shape_cast %get3A_627 : vector<1x1x16xf32> to vector<16xf32>
        %add3A_629 = arith.addf %get3A_628, %mul3A_622 : vector<16xf32>
        %mul3A_630 = arith.constant 2.500000e-01 : f32
        %mul3A_631 = vector.broadcast %mul3A_630 : f32 to vector<16xf32>
        %mul3A_632 = arith.mulf %add3A_629, %mul3A_631 : vector<16xf32>
        %swap3A_633 = arith.constant 1 : i32
        %swap3A_634 = arith.index_cast %swap3A_633 : i32 to index
        %swap3A_635 = arith.index_cast %add3A_563 : i32 to index
        %swap3A_636 = arith.constant 32 : index
        %swap3A_637 = tpu.vector_load %arg10[%swap3A_634, %swap3A_635, %swap3A_636] {strides = array<i32>} : memref<4x125x64xf32, #tpu.memory_space<vmem>>, vector<1x1x16xf32>,
        %swap3A_638 = vector.shape_cast %swap3A_637 : vector<1x1x16xf32> to vector<16xf32>
        %swap3A_639 = vector.shape_cast %mul3A_632 : vector<16xf32> to vector<1x1x16xf32>
        tpu.vector_store %arg10[%swap3A_634, %swap3A_635, %swap3A_636], %swap3A_639 {strides = array<i32>} : memref<4x125x64xf32, #tpu.memory_space<vmem>>, vector<1x1x16xf32>,
        %get3A_640 = arith.constant 1 : i32
        %get3A_641 = arith.index_cast %get3A_640 : i32 to index
        %get3A_642 = arith.index_cast %add3A_563 : i32 to index
        %get3A_643 = arith.constant 48 : index
        %get3A_644 = tpu.vector_load %arg10[%get3A_641, %get3A_642, %get3A_643] {strides = array<i32>} : memref<4x125x64xf32, #tpu.memory_space<vmem>>, vector<1x1x16xf32>,
        %get3A_645 = vector.shape_cast %get3A_644 : vector<1x1x16xf32> to vector<16xf32>
        %mul3A_646 = arith.mulf %get3A_645, %get3A_567 : vector<16xf32>
        %get3A_647 = arith.constant 2 : i32
        %get3A_648 = arith.index_cast %get3A_647 : i32 to index
        %get3A_649 = arith.index_cast %add3A_563 : i32 to index
        %get3A_650 = arith.constant 48 : index
        %get3A_651 = tpu.vector_load %arg10[%get3A_648, %get3A_649, %get3A_650] {strides = array<i32>} : memref<4x125x64xf32, #tpu.memory_space<vmem>>, vector<1x1x16xf32>,
        %get3A_652 = vector.shape_cast %get3A_651 : vector<1x1x16xf32> to vector<16xf32>
        %add3A_653 = arith.addf %get3A_652, %mul3A_646 : vector<16xf32>
        %mul3A_654 = arith.constant 2.500000e-01 : f32
        %mul3A_655 = vector.broadcast %mul3A_654 : f32 to vector<16xf32>
        %mul3A_656 = arith.mulf %add3A_653, %mul3A_655 : vector<16xf32>
        %swap3A_657 = arith.constant 1 : i32
        %swap3A_658 = arith.index_cast %swap3A_657 : i32 to index
        %swap3A_659 = arith.index_cast %add3A_563 : i32 to index
        %swap3A_660 = arith.constant 48 : index
        %swap3A_661 = tpu.vector_load %arg10[%swap3A_658, %swap3A_659, %swap3A_660] {strides = array<i32>} : memref<4x125x64xf32, #tpu.memory_space<vmem>>, vector<1x1x16xf32>,
        %swap3A_662 = vector.shape_cast %swap3A_661 : vector<1x1x16xf32> to vector<16xf32>
        %swap3A_663 = vector.shape_cast %mul3A_656 : vector<16xf32> to vector<1x1x16xf32>
        tpu.vector_store %arg10[%swap3A_658, %swap3A_659, %swap3A_660], %swap3A_663 {strides = array<i32>} : memref<4x125x64xf32, #tpu.memory_space<vmem>>, vector<1x1x16xf32>,
      }
      %scan3A_556 = arith.constant 125 : i32
      %mul3A_557 = arith.constant 64 : i32
      %mul3A_558 = arith.muli %add3A_468, %mul3A_557 : i32
      "tpu.region"() ({
        %run_scoped3A = tpu.sem_alloc : memref<!tpu.dma_semaphore, #tpu.memory_space<semaphore_mem>>
        %dma_start3A_559 = arith.constant 0 : i32
        %dma_start3A_560 = arith.constant 0 : i32
        %dma_start3A_561 = tpu.memref_slice %arg10[%scan3A_535, %dma_start3A_559, %dma_start3A_560] : memref<4x125x64xf32, #tpu.memory_space<vmem>> -> memref<1x125x64xf32, #tpu.memory_space<vmem>>
        %dma_start3A_562 = tpu.memref_squeeze %dma_start3A_561 : memref<1x125x64xf32, #tpu.memory_space<vmem>> -> memref<125x64xf32, #tpu.memory_space<vmem>>
        %dma_start3A_563 = tpu.memref_slice %arg5[%add3A_549, %mul3A_558] : memref<10000x256xf32, #tpu.memory_space<hbm>> -> memref<125x64xf32, #tpu.memory_space<hbm>>
        %dma_start3A_564 = tpu.memref_slice %arg5[%add3A_549, %mul3A_558] : memref<10000x256xf32, #tpu.memory_space<hbm>> -> memref<125x64xf32, #tpu.memory_space<hbm>>
        %dma_start3A_565 = arith.constant 0 : i32
        %dma_start3A_566 = arith.constant 0 : i32
        %dma_start3A_567 = tpu.memref_slice %arg10[%scan3A_535, %dma_start3A_565, %dma_start3A_566] : memref<4x125x64xf32, #tpu.memory_space<vmem>> -> memref<1x125x64xf32, #tpu.memory_space<vmem>>
        %dma_start3A_568 = tpu.memref_squeeze %dma_start3A_567 : memref<1x125x64xf32, #tpu.memory_space<vmem>> -> memref<125x64xf32, #tpu.memory_space<vmem>>
        tpu.enqueue_dma source(%dma_start3A_568 : memref<125x64xf32, #tpu.memory_space<vmem>>) target(%dma_start3A_564 : memref<125x64xf32, #tpu.memory_space<hbm>>) target_semaphore(%run_scoped3A : memref<!tpu.dma_semaphore, #tpu.memory_space<semaphore_mem>>)
        %dma_wait3A_569 = arith.constant 0 : i32
        %dma_wait3A_570 = arith.constant 0 : i32
        %dma_wait3A_571 = tpu.memref_slice %arg10[%scan3A_535, %dma_wait3A_569, %dma_wait3A_570] : memref<4x125x64xf32, #tpu.memory_space<vmem>> -> memref<1x125x64xf32, #tpu.memory_space<vmem>>
        %dma_wait3A_572 = tpu.memref_squeeze %dma_wait3A_571 : memref<1x125x64xf32, #tpu.memory_space<vmem>> -> memref<125x64xf32, #tpu.memory_space<vmem>>
        %dma_wait3A_573 = tpu.memref_slice %arg5[%add3A_549, %mul3A_558] : memref<10000x256xf32, #tpu.memory_space<hbm>> -> memref<125x64xf32, #tpu.memory_space<hbm>>
        %dma_wait3A_574 = tpu.memref_slice %arg5[%add3A_549, %mul3A_558] : memref<10000x256xf32, #tpu.memory_space<hbm>> -> memref<125x64xf32, #tpu.memory_space<hbm>>
        %dma_wait3A_575 = arith.constant 0 : i32
        %dma_wait3A_576 = arith.constant 0 : i32
        %dma_wait3A_577 = tpu.memref_slice %arg10[%scan3A_535, %dma_wait3A_575, %dma_wait3A_576] : memref<4x125x64xf32, #tpu.memory_space<vmem>> -> memref<1x125x64xf32, #tpu.memory_space<vmem>>
        %dma_wait3A_578 = tpu.memref_squeeze %dma_wait3A_577 : memref<1x125x64xf32, #tpu.memory_space<vmem>> -> memref<125x64xf32, #tpu.memory_space<vmem>>
        tpu.wait_dma2 semaphore(%run_scoped3A : memref<!tpu.dma_semaphore, #tpu.memory_space<semaphore_mem>>) src(%dma_wait3A_578 : memref<125x64xf32, #tpu.memory_space<vmem>>) dst(%dma_wait3A_574 : memref<125x64xf32, #tpu.memory_space<hbm>>)
        tpu.yield
      }) : () -> ()
    }
    %scan3A_541 = arith.constant 5 : i32
    return
  }
}

</mosaic_0001>

<sc_bundles>
// kernel: kernel.3.cloned.1.call-start
scs
__scs_entry_jumppad:
0x0: {  	(pc) =	sbr.rel $0x88, $3  }
0x1: {  	(tag) =	ssettag $0x0;
	lr =	simm.s32 $0x1  }
0x2: {  	[smem:$0x3F9F] =	sst lr;
	_ =	strace $0xD0000000  }
0x3: {  	_ = 	snop  }
0x4: {  	_ = 	snop  }
0x5: {  	_ = 	snop  }
0x6: {  	_ = 	snop  }
0x7: {  	_ = 	snop  }
__scs_overlays_trampoline_lowered:
0x8: {  	[smem:$0x3FAE] =	sst s0  }
0x9: {  	[smem:$0x3FAF] =	sst s1  }
0xa: {  	[smem:$0x3FB0] =	sst s2  }
0xb: {  	[smem:$0x3FB1] =	sst s3  }
0xc: {  	[smem:$0x3FB2] =	sst s4  }
0xd: {  	[smem:$0x3FB3] =	sst s5  }
0xe: {  	[smem:$0x3FB4] =	sst s6  }
0xf: {  	[smem:$0x3FB5] =	sst s7  }
0x10: {  	[smem:$0x3FB6] =	sst s8  }
0x11: {  	[smem:$0x3FB7] =	sst s9;
	s0 =	simm.s32 @!p0 $0x0  }
0x12: {  	s1 =	sld [smem:$0x3F9D];
	s0 =	simm.s32 @p0 $0x1  }
0x13: {  	[smem:$0x3FB8] =	sst s0;
	s0 =	simm.s32 @!p1 $0x0  }
0x14: {  	s2 =	sld [smem:$0x3F9C];
	s0 =	simm.s32 @p1 $0x1  }
0x15: {  	[smem:$0x3FB9] =	sst s0;
	s0 =	simm.s32 @!p2 $0x0  }
0x16: {  	s3 =	sld [smem:$0x3FDB];
	s0 =	simm.s32 @p2 $0x1  }
0x17: {  	s4 =	simm.s32 $0x1BF5;
	[smem:$0x3FBB] =	sst s0  }
0x18: {  	s0 =	sld [smem:$0x3F9E];
	_ =	swait.ge [sflag:s4], $0x0  }
0x19: {  	s7 =	sld [smem:$0x3F9F]  }
0x1a: {  	s8 =	sadd.s32 $0xFFFFE003, lr  }
0x1b: {  	s9 =	sadd.s32 $0xFFFFFEF7, lr;
	s5 =	simm.s32 $0xFFFFFFFF;
	p2 =	slt.u32 s8, $0xFFFFF086  }
0x1c: {  	p1 =	slt.u32 s9, $0xF7A;
	s5 =	simm.s32 @!p2 $0x0  }
0x1d: {  	s5 =	simm.s32 @p1 $0x1;
	p0 =	seq.s32 s7, s2  }
0x1e: {  	s7 =	smul.u32 @!p0 $0xF7A, s2;
	p2 =	seq.s32 @!p0 s5, $0x0  }
0x1f: {  	s9 =	smul.u32 $0xF7A, s1;
	s8 =	simm.s32 @!p0 $0x1BF5;
	p2 =	por !p2, p0  }
0x20: {  	[sflag:s8] =	ssyncset.s32 @!p0 $0xFFFFF086;
	s6 =	sadd.s32 @!p0 s3, s7;
	s7 =	simm.s32 @!p0 $0x108  }
0x21: {  	s3 =	sadd.s32 s3, s9;
	s6 =	sadd.s32 @!p0 $0x88, s6;
	s7 =	simm.s32 @p2 $0x1082  }
0x22: {  	[simem:s7], [sflag:s8] =	dma.local @!p0 [hbm:s6], $0xF7A  }
0x23: {  	s9 =	sor.u32 $0xD0000000, s2;
	s6 =	simm.s32 $0x108;
	_ =	swait.ge @!p0 [sflag:s8], $0x0  }
0x24: {  	s3 =	sadd.s32 $0x88, s3;
	s6 =	simm.s32 @!p1 $0x1082;
	[sflag:s4] =	ssyncset.s32 $0xFFFFF086  }
0x25: {  	[simem:s6], [sflag:s4] =	dma.local [hbm:s3], $0xF7A  }
0x26: {  	[smem:$0x3F9F] =	sst s1;
	(tag) =	ssettag s2;
	_ =	strace s9  }
0x27: {  	s1 =	sld [smem:$0x3FAF]  }
0x28: {  	s2 =	sld [smem:$0x3FB0]  }
0x29: {  	s4 =	sld [smem:$0x3FB2]  }
0x2a: {  	p0 =	seq.s32 s5, $0x0;
	s5 =	sld [smem:$0x3FB3]  }
0x2b: {  	s6 =	sld [smem:$0x3FB4]  }
0x2c: {  	s7 =	sld [smem:$0x3FB5]  }
0x2d: {  	s3 =	simm.s32 $0x108;
	s8 =	sld [smem:$0x3FB6]  }
0x2e: {  	s3 =	simm.s32 @!p0 $0x1082;
	s9 =	sld [smem:$0x3FB7]  }
0x2f: {  	lr =	sadd.s32 s0, s3;
	s0 =	sld [smem:$0x3FAE]  }
0x30: {  	s3 =	sld [smem:$0x3FB1]  }
0x31: {  	[smem:$0x3FBA] =	sst s10  }
0x32: {  	s10 =	sld [smem:$0x3FB8];
	_ =	sdelay $0x3  }
0x33: {  	p0 =	seq.s32 s10, $0x1;
	s10 =	sld [smem:$0x3FBA];
	_ =	sdelay $0x3  }
0x34: {  	[smem:$0x3FBA] =	sst s10  }
0x35: {  	s10 =	sld [smem:$0x3FB9];
	_ =	sdelay $0x3  }
0x36: {  	p1 =	seq.s32 s10, $0x1;
	s10 =	sld [smem:$0x3FBA];
	_ =	sdelay $0x3  }
0x37: {  	[smem:$0x3FBA] =	sst s10  }
0x38: {  	s10 =	sld [smem:$0x3FBB]  }
0x39: {  	_ = 	snop;
	(pc) =	sbr.ind lr, $3  }
0x3a: {  	_ = 	snop  }
0x3b: {  	_ = 	snop  }
0x3c: {  	p2 =	seq.s32 s10, $0x1;
	s10 =	sld [smem:$0x3FBA]  }
0x3d: {  	_ =	shalt  }
0x3e: {  	_ =	shalt  }
0x3f: {  	_ =	shalt  }
0x40: {  	_ =	shalt  }
0x41: {  	_ =	shalt  }
0x42: {  	_ =	shalt  }
0x43: {  	_ =	shalt  }
0x44: {  	_ =	shalt  }
0x45: {  	_ =	shalt  }
0x46: {  	_ =	shalt  }
0x47: {  	_ =	shalt  }
0x48: {  	_ =	shalt  }
0x49: {  	_ =	shalt  }
0x4a: {  	_ =	shalt  }
0x4b: {  	_ =	shalt  }
0x4c: {  	_ =	shalt  }
0x4d: {  	_ =	shalt  }
0x4e: {  	_ =	shalt  }
0x4f: {  	_ =	shalt  }
0x50: {  	_ =	shalt  }
0x51: {  	_ =	shalt  }
0x52: {  	_ =	shalt  }
0x53: {  	_ =	shalt  }
0x54: {  	_ =	shalt  }
0x55: {  	_ =	shalt  }
0x56: {  	_ =	shalt  }
0x57: {  	_ =	shalt  }
0x58: {  	_ =	shalt  }
0x59: {  	_ =	shalt  }
0x5a: {  	_ =	shalt  }
0x5b: {  	_ =	shalt  }
0x5c: {  	_ =	shalt  }
0x5d: {  	_ =	shalt  }
0x5e: {  	_ =	shalt  }
0x5f: {  	_ =	shalt  }
0x60: {  	_ =	shalt  }
0x61: {  	_ =	shalt  }
0x62: {  	_ =	shalt  }
0x63: {  	_ =	shalt  }
0x64: {  	_ =	shalt  }
0x65: {  	_ =	shalt  }
0x66: {  	_ =	shalt  }
0x67: {  	_ =	shalt  }
0x68: {  	_ =	shalt  }
0x69: {  	_ =	shalt  }
0x6a: {  	_ =	shalt  }
0x6b: {  	_ =	shalt  }
0x6c: {  	_ =	shalt  }
0x6d: {  	_ =	shalt  }
0x6e: {  	_ =	shalt  }
0x6f: {  	_ =	shalt  }
0x70: {  	_ =	shalt  }
0x71: {  	_ =	shalt  }
0x72: {  	_ =	shalt  }
0x73: {  	_ =	shalt  }
0x74: {  	_ =	shalt  }
0x75: {  	_ =	shalt  }
0x76: {  	_ =	shalt  }
0x77: {  	_ =	shalt  }
0x78: {  	_ =	shalt  }
0x79: {  	_ =	shalt  }
0x7a: {  	_ =	shalt  }
0x7b: {  	_ =	shalt  }
0x7c: {  	_ =	shalt  }
0x7d: {  	_ =	shalt  }
0x7e: {  	_ =	shalt  }
0x7f: {  	_ =	shalt  }
0x80: {  	_ =	shalt  }
0x81: {  	_ =	shalt  }
0x82: {  	_ =	shalt  }
0x83: {  	_ =	shalt  }
0x84: {  	_ =	shalt  }
0x85: {  	_ =	shalt  }
0x86: {  	_ =	shalt  }
0x87: {  	_ =	shalt  }
.Lfunc_end0:
.L_simem_size_0:
called_computation_lowered:
.L_overlay_start_0:
0x88: {  	s2 =	sld [smem:$0x3FD9]  }
0x89: {  	s3 =	sld [smem:$0x3FFE];
	_ =	sdelay $0x1  }
0x8a: {  	s1 =	srdreg.scid  }
0x8b: {  	s0 =	sand.u32 $0x1, s1  }
0x8c: {  	s17 =	sshll.u32 s0, $0xA;
	s2 =	sadd.s32 s3, s2  }
0x8d: {  	s2 =	sadd.s32 s2, s17  }
0x8e: {  	[smem:$0x3FC6] =	sst s2  }
0x8f: {  	_ = 	snop  }
0x90: {  	s2 =	sld [smem:$0x3FD0];
	(tm) =	ssettm $0x1  }
0x91: {  	s18 =	sld [smem:$0x3FFB];
	_ =	sdelay $0x3  }
0x92: {  	_ =	strace s18  }
0x93: {  	s3 =	sld [smem:$0x3FFC];
	_ =	sdelay $0x3  }
0x94: {  	_ =	strace s3  }
0x95: {  	s3 =	sld [smem:$0x3FFD];
	_ =	sdelay $0x3  }
0x96: {  	_ =	strace s3  }
0x97: {  	_ =	strace $0x8FFFFFFF  }
0x98: {  	s19 =	sld [smem:$0x3FDB];
	_ =	sdelay $0x1  }
0x99: {  	s4 =	simm.s32 $_scs_section_size  }
0x9a: {  	s5 =	simm.s32 $_size__tile_overlayer_lowered;
	s6 =	simm.s32 $_tile_overlayer_lowered  }
0x9b: {  	s22 =	simm.s32 $0x1BFF;
	s21 =	sshll.u32 s6, $0x1;
	s3 =	sadd.s32 s4, s19  }
0x9c: {  	s7 =	simm.s32 $0x0;
	s20 =	sshll.u32 s5, $0x1;
	s5 =	sadd.s32 s21, s3  }
0x9d: {  	[timem:s7], [sflag:s22] =	dma.local [hbm:s5], s20  }
0x9e: {  	_ =	swait.ge [sflag:s22], s20  }
0x9f: {  	s4 =	ssub.s32 $0x0, s20;
	[sflag:s22] =	ssyncset.done $0x0  }
0xa0: {  	[sflag:s22] =	ssyncadd.s32 s4;
	_ =	sdelay $0x1  }
0xa1: {  	s23 =	simm.s32 $0x1B8B  }
0xa2: {  	_ =	swait.ge [sflag:s23], $0x1  }
0xa3: {  	[sflag:s23] =	ssyncset.done $0x0  }
0xa4: {  	s25 =	simm.s32 $0x1B8E;
	s24 =	sld [smem:$0x3FFE];
	[sflag:s23] =	ssyncadd.s32 $0xFFFFFFFF  }
0xa5: {  	s26 =	simm.s32 $execute0_lowered;
	[smem:$0x3FD2] =	sst s25  }
0xa6: {  	s5 =	sshll.u32 s26, $0x1;
	_ =	strace $0x80000046;
	[dreg:$0x1] =	wrdreg $0xFFFFFFFF  }
0xa7: {  	s28 =	simm.s32 $_size_execute0_lowered;
	s3 =	sadd.s32 s3, s5;
	[dreg:$0x0] =	wrdreg $0x0  }
0xa8: {  	s5 =	sshll.u32 s28, $0x1;
	[dreg:$0x2] =	wrdreg s3  }
0xa9: {  	[dreg:$0x3] =	wrdreg s5  }
0xaa: {  	[dreg:$0x4] =	wrdreg $0xC0  }
0xab: {  	_ =	task [dreg:s7], $0x5FFFF  }
0xac: {  	[dreg:$0x1] =	wrdreg $0xFFFFFFFF  }
0xad: {  	[dreg:$0x0] =	wrdreg $0x60  }
0xae: {  	[dreg:$0x2] =	wrdreg s2  }
0xaf: {  	[dreg:$0x3] =	wrdreg s24  }
0xb0: {  	[dreg:$0x4] =	wrdreg $0x0  }
0xb1: {  	[dreg:$0x5] =	wrdreg $0x9C400  }
0xb2: {  	[dreg:$0x6] =	wrdreg $0x9  }
0xb3: {  	_ =	task.clear_ibuf [dreg:s7], $0x7FFFF;
	_ =	strace $0x90000046  }
0xb4: {  	s29 =	simm.s32 $0x9;
	_ =	strace $0x80000048  }
0xb5: {  	_ =	swait.ge [sflag:s29], $0x1  }
0xb6: {  	[sflag:s29] =	ssyncadd.s32 $0xFFFFFFFF  }
0xb7: {  	_ =	strace $0x90000048  }
0xb8: {  	_ =	sfence  }
0xb9: {  	s30 =	sld [smem:$0x0];
	_ =	sdelay $0x2  }
0xba: {  	s31 =	sshll.u32 s1, $0xD;
	s1 =	sshrl.u32 s1, $0x2  }
0xbb: {  	s3 =	sand.u32 $0x4000, s31;
	s1 =	sadd.s32 s1, s30  }
0xbc: {  	s0 =	sor.u32 s3, s0;
	s1 =	sshll.u32 s1, $0x11  }
0xbd: {  	s0 =	sor.u32 s1, s0  }
0xbe: {  	s0 =	sadd.s32 $0x8F2B, s0  }
0xbf: {  	[sflag:s0] =	ssyncadd.remote.s32 $0x1  }
0xc0: {  	_ =	sfence.sel $0xFFFF  }
0xc1: {  	[dreg:$0x0] =	wrdreg $0xFFFFFFFF;
	(pc) =	sbr.abs _section_cstart, $3  }
0xc2: {  	[dreg:$0x1] =	wrdreg $0xFFFFFFFF  }
0xc3: {  	_ =	task.clear_ibuf [dreg:s7], $0x2FFFF;
	_ =	strace $0x9FFFFFFF  }
0xc4: {  	(tm) =	ssettm $0x7FFFFFFF  }
0xc5: {  	_ =	shalt  }
tec
execute0_lowered:
.L_overlay_start_1:
0x0: {  	(tag) =	ssettag $0x1  }
0x1: {  	s0 =	rddreg [dreg:$0x0]  }
0x2: {  	s3 =	rddreg [dreg:$0x1]  }
0x3: {  	s1 =	rddreg [dreg:$0x2]  }
0x4: {  	s2 =	rddreg [dreg:$0x3];
	s4 =	simm.s32 $0x0;
	s5 =	srdreg.scid  }
0x5: {  	s11 =	stileid.u32;
	s29 =	simm.s32 $0x3;
	s31 =	simm.s32 $0x1B760  }
0x6: {  	[smem:$0x7FF] =	sst s4;
	s6 =	sand.u32 $0x1, s5;
	s8 =	smul.u32 $0x500, s11  }
0x7: {  	s7 =	sadd.s32 $0xA6400, s3;
	s13 =	sadd.s32 $0xA000, s3;
	s10 =	smul.u32 $0x9C40, s11  }
0x8: {  	s12 =	sadd.s32 $0x58200, s3;
	s17 =	smul.u32 $0x27100, s11;
	_ =	strace $0x80000047  }
0x9: {  	s5 =	ssub.s32 $0x2, s6;
	s25 =	smul.u32 $0x27100, s6;
	s26 =	sshll.u32 s6, $0x4  }
0xa: {  	s6 =	sshllo.u32 s6, $0x1;
	s9 =	sshrl.u32 s5, $0x1;
	s18 =	sadd.s32 s3, s8  }
0xb: {  	s24 =	sshrl.u32 s10, $0x2;
	s8 =	sadd.s32 s0, s26;
	s14 =	smul.u32 $0x13880, s6  }
0xc: {  	s6 =	sshll.u32 s6, $0x3;
	s28 =	sshrl.u32 s17, $0x2;
	s16 =	ssub.s32 s5, s9  }
0xd: {  	s5 =	smul.u32 $0x271, s11;
	s21 =	sadd.s32 s24, s2;
	s9 =	sadd.s32 s12, s25  }
0xe: {  	s11 =	sadd.s32 s0, s6;
	s0 =	sadd.s32 s28, s1;
	[dreg:$0x5] =	wrdreg s18  }
0xf: {  	s10 =	sadd.s32 s13, s25;
	s15 =	sadd.s32 s7, s6;
	[dreg:$0x8] =	wrdreg s0  }
0x10: {  	s12 =	sadd.s32 s12, s14;
	s30 =	smax.u32 s16, $0x1;
	[dreg:$0x6] =	wrdreg s21  }
0x11: {  	s13 =	sadd.s32 s13, s14;
	s14 =	sadd.s32 s7, s26;
	[dreg:$0x7] =	wrdreg s30  }
0x12: {  	s6 =	sadd.s32 $0x7D, s5;
	s16 =	sadd.s32 $0xFA, s5;
	s20 =	sadd.s32 $0x177, s5  }
0x13: {  	s23 =	sadd.s32 $0x1F4, s5;
	s30 =	sadd.s32 $0x5000, s18;
	s18 =	simm.s32 $0x40  }
0x14: {  	s7 =	sshll.u32 s6, $0x6;
	s0 =	sshll.u32 s6, $0x4;
	s17 =	sshll.u32 s16, $0x6  }
0x15: {  	s19 =	sshll.u32 s16, $0x4;
	s22 =	sshll.u32 s20, $0x6;
	s24 =	sshll.u32 s20, $0x4  }
0x16: {  	s25 =	sshll.u32 s23, $0x6;
	[dreg:$0x11] =	wrdreg s30;
	s3 =	sadd.s32 s7, s1  }
0x17: {  	s28 =	sshll.u32 s23, $0x4;
	s0 =	sadd.s32 s0, s2;
	[dreg:$0x9] =	wrdreg s3  }
0x18: {  	s16 =	simm.s32 $0x1DE70;
	s26 =	sadd.s32 s25, s1;
	[dreg:$0xa] =	wrdreg s0  }
0x19: {  	s20 =	simm.s32 $0xE290;
	s0 =	sadd.s32 s17, s1;
	[dreg:$0xf] =	wrdreg s26  }
0x1a: {  	s6 =	simm.s32 $0x0;
	[dreg:$0xb] =	wrdreg s0;
	s0 =	sadd.s32 s19, s2  }
0x1b: {  	s25 =	simm.s32 $0x1;
	[dreg:$0xc] =	wrdreg s0;
	s0 =	sadd.s32 s22, s1  }
0x1c: {  	s3 =	simm.s32 $0x7D;
	[dreg:$0xd] =	wrdreg s0;
	s0 =	sadd.s32 s24, s2  }
0x1d: {  	s17 =	simm.s32 $0x2;
	[dreg:$0xe] =	wrdreg s0;
	s0 =	sadd.s32 s28, s2  }
0x1e: {  	v0 =	vimm.f32 $0.0e+00;
	v1 =	vimm.f32 $1.000000000e+00;
	s19 =	simm.s32 $0x100;
	s24 =	simm.s32 $0x101D0;
	[dreg:$0x10] =	wrdreg s0  }
.LBB2_1:
0x1f: {  	[dreg:$0x12] =	wrdreg s6;
	s6 =	simm.s32 $0x100;
	s0 =	simm.s32 $0x0  }
.LBB2_2:
0x20: {  	p0 =	sne.s32 s6, $0x7C00;
	[tilespmem:s0+$0x1B790] =	vst v0;
	s7 =	smov.u32 s6;
	s6 =	sadd.s32 $0x100, s6  }
.Ltmp0:
0x21: {  	[tilespmem:s0+$0x1B780] =	vst v0;
	(pc) =	sbr.rel @p0 .LBB2_2-.Ltmp0, $3  }
0x22: {  	[tilespmem:s0+$0x1B760] =	vst v0  }
0x23: {  	[tilespmem:s0+$0x1B770] =	vst v0;
	_ =	sdelay $0x1  }
0x24: {  	s0 =	sshra.s32 s7, $0x2  }
0x25: {  	[tilespmem:s0+$0x1B790] =	vst v0  }
0x26: {  	[tilespmem:s0+$0x1B780] =	vst v0  }
0x27: {  	[tilespmem:s0+$0x1B760] =	vst v0  }
0x28: {  	[tilespmem:s0+$0x1B770] =	vst v0;
	s0 =	simm.s32 $0x40;
	s6 =	simm.s32 $0x0  }
.LBB2_4:
0x29: {  	p0 =	sne.s32 s0, $0x1F00;
	[tilespmem:s6+$0x1D6A0] =	vst v0;
	s6 =	smov.u32 s0;
	s0 =	sadd.s32 $0x40, s0  }
.Ltmp1:
0x2a: {  	(pc) =	sbr.rel @p0 .LBB2_4-.Ltmp1, $2  }
0x2b: {  	_ =	sdelay $0x2  }
0x2c: {  	s6 =	sshra.s32 s6, $0x2  }
0x2d: {  	[tilespmem:s6+$0x1D6A0] =	vst v0;
	s0 =	simm.s32 $0x40;
	s6 =	simm.s32 $0x0  }
.LBB2_6:
0x2e: {  	p0 =	sne.s32 s0, $0x1F00;
	[tilespmem:s6+$0x1DE70] =	vst v1;
	s6 =	smov.u32 s0;
	s0 =	sadd.s32 $0x40, s0  }
.Ltmp2:
0x2f: {  	(pc) =	sbr.rel @p0 .LBB2_6-.Ltmp2, $2  }
0x30: {  	_ =	sdelay $0x2  }
0x31: {  	s6 =	sshra.s32 s6, $0x2  }
0x32: {  	[tilespmem:s6+$0x1DE70] =	vst v1;
	s0 =	rddreg [dreg:$0x11];
	s6 =	simm.s32 $0x14050  }
0x33: {  	[tilespmem:s6], [sflag:$0x3] =	stream.linear.gather [hbm4b:s0+s4], $0x2800, $0x38;
	[tilespmem:$0x1E640] =	vst v63  }
0x34: {  	_ =	swait.ge [sflag:s29], $0x2800  }
0x35: {  	[sflag:s29] =	ssyncset.done $0x0  }
0x36: {  	s7 =	simm.s32 $0x16850;
	s26 =	rddreg [dreg:$0x5];
	[sflag:s29] =	ssyncadd.s32 $0xFFFFD800  }
0x37: {  	[tilespmem:s7], [sflag:$0x3] =	stream.linear.gather [hbm4b:s26+s4], $0x2800, $0x38;
	[tilespmem:$0x1E640] =	vst v63  }
0x38: {  	_ =	swait.ge [sflag:s29], $0x2800  }
0x39: {  	[sflag:s29] =	ssyncset.done $0x0  }
0x3a: {  	s28 =	rddreg [dreg:$0x8];
	[sflag:s29] =	ssyncadd.s32 $0xFFFFD800  }
0x3b: {  	[spmem:s28] =	stream.linear.scatter [tilespmem:s31], [sflag:$0x3], $0x1F40, $0x38;
	[tilespmem:$0x1E640] =	vst v63  }
0x3c: {  	_ =	swait.ge [sflag:s29], $0x1F40  }
0x3d: {  	[sflag:s29] =	ssyncset.done $0x0  }
0x3e: {  	s7 =	simm.s32 $0x1D6A0;
	[sflag:s29] =	ssyncadd.s32 $0xFFFFE0C0  }
0x3f: {  	[spmem:s21] =	stream.linear.scatter [tilespmem:s7], [sflag:$0x3], $0x7D0, $0x38;
	[tilespmem:$0x1E640] =	vst v63  }
0x40: {  	_ =	swait.ge [sflag:s29], $0x7D0  }
0x41: {  	[sflag:s29] =	ssyncset.done $0x0  }
0x42: {  	s30 =	rddreg [dreg:$0x9];
	[sflag:s29] =	ssyncadd.s32 $0xFFFFF830  }
0x43: {  	[spmem:s30] =	stream.linear.scatter [tilespmem:s31], [sflag:$0x3], $0x1F40, $0x38;
	[tilespmem:$0x1E640] =	vst v63  }
0x44: {  	_ =	swait.ge [sflag:s29], $0x1F40  }
0x45: {  	[sflag:s29] =	ssyncset.done $0x0  }
0x46: {  	s22 =	rddreg [dreg:$0xa];
	[sflag:s29] =	ssyncadd.s32 $0xFFFFE0C0  }
0x47: {  	[spmem:s22] =	stream.linear.scatter [tilespmem:s7], [sflag:$0x3], $0x7D0, $0x38;
	[tilespmem:$0x1E640] =	vst v63  }
0x48: {  	_ =	swait.ge [sflag:s29], $0x7D0  }
0x49: {  	[sflag:s29] =	ssyncset.done $0x0  }
0x4a: {  	s23 =	rddreg [dreg:$0xb];
	[sflag:s29] =	ssyncadd.s32 $0xFFFFF830  }
0x4b: {  	[spmem:s23] =	stream.linear.scatter [tilespmem:s31], [sflag:$0x3], $0x1F40, $0x38;
	[tilespmem:$0x1E640] =	vst v63  }
0x4c: {  	_ =	swait.ge [sflag:s29], $0x1F40  }
0x4d: {  	[sflag:s29] =	ssyncset.done $0x0  }
0x4e: {  	s26 =	rddreg [dreg:$0xc];
	[sflag:s29] =	ssyncadd.s32 $0xFFFFE0C0  }
0x4f: {  	[spmem:s26] =	stream.linear.scatter [tilespmem:s7], [sflag:$0x3], $0x7D0, $0x38;
	[tilespmem:$0x1E640] =	vst v63  }
0x50: {  	_ =	swait.ge [sflag:s29], $0x7D0  }
0x51: {  	[sflag:s29] =	ssyncset.done $0x0  }
0x52: {  	s28 =	rddreg [dreg:$0xd];
	[sflag:s29] =	ssyncadd.s32 $0xFFFFF830  }
0x53: {  	[spmem:s28] =	stream.linear.scatter [tilespmem:s31], [sflag:$0x3], $0x1F40, $0x38;
	[tilespmem:$0x1E640] =	vst v63  }
0x54: {  	_ =	swait.ge [sflag:s29], $0x1F40  }
0x55: {  	[sflag:s29] =	ssyncset.done $0x0  }
0x56: {  	s30 =	rddreg [dreg:$0xe];
	[sflag:s29] =	ssyncadd.s32 $0xFFFFE0C0  }
0x57: {  	[spmem:s30] =	stream.linear.scatter [tilespmem:s7], [sflag:$0x3], $0x7D0, $0x38;
	[tilespmem:$0x1E640] =	vst v63  }
0x58: {  	_ =	swait.ge [sflag:s29], $0x7D0  }
0x59: {  	[sflag:s29] =	ssyncset.done $0x0  }
0x5a: {  	s22 =	rddreg [dreg:$0xf];
	[sflag:s29] =	ssyncadd.s32 $0xFFFFF830  }
0x5b: {  	[spmem:s22] =	stream.linear.scatter [tilespmem:s31], [sflag:$0x3], $0x1F40, $0x38;
	[tilespmem:$0x1E640] =	vst v63  }
0x5c: {  	_ =	swait.ge [sflag:s29], $0x1F40  }
0x5d: {  	[sflag:s29] =	ssyncset.done $0x0  }
0x5e: {  	s23 =	rddreg [dreg:$0x10];
	[sflag:s29] =	ssyncadd.s32 $0xFFFFE0C0  }
0x5f: {  	[spmem:s23] =	stream.linear.scatter [tilespmem:s7], [sflag:$0x3], $0x7D0, $0x38;
	[tilespmem:$0x1E640] =	vst v63  }
0x60: {  	_ =	swait.ge [sflag:s29], $0x7D0  }
0x61: {  	[sflag:s29] =	ssyncset.done $0x0  }
0x62: {  	[sflag:s29] =	ssyncadd.s32 $0xFFFFF830  }
0x63: {  	[bflag:$0x0] =	sbarrier.arrive $0xFFFF  }
0x64: {  	[spmem:s2] =	stream.indirect.scatter.add.f32 [tilespmem:s16], [sflag:$0x2], $0x10, s6, s3, $0xb8;
	[tilespmem:$0x1E640] =	vst v63  }
0x65: {  	s26 =	simm.s32 $0x140D0  }
0x66: {  	[spmem:s2] =	stream.indirect.scatter.add.f32 [tilespmem:s16], [sflag:$0x2], $0x10, s26, s3, $0xb8;
	[tilespmem:$0x1E640] =	vst v63  }
0x67: {  	s28 =	simm.s32 $0x14150  }
0x68: {  	[spmem:s2] =	stream.indirect.scatter.add.f32 [tilespmem:s16], [sflag:$0x2], $0x10, s28, s3, $0xb8;
	[tilespmem:$0x1E640] =	vst v63  }
0x69: {  	s30 =	simm.s32 $0x141D0  }
0x6a: {  	[spmem:s2] =	stream.indirect.scatter.add.f32 [tilespmem:s16], [sflag:$0x2], $0x10, s30, s3, $0xb8;
	[tilespmem:$0x1E640] =	vst v63  }
0x6b: {  	s0 =	simm.s32 $0x800;
	_ =	swait.ge [sflag:s17], $0x7D0  }
.LBB2_8:
0x6c: {  	s6 =	sshra.s32 s0, $0x2;
	[sflag:s17] =	ssyncset.done $0x0;
	p0 =	sne.s32 s0, $0x9E00  }
.Ltmp3:
0x6d: {  	s6 =	sadd.s32 $0x14050, s6;
	[sflag:s17] =	ssyncadd.s32 $0xFFFFF830;
	(pc) =	sbr.rel @p0 .LBB2_8-.Ltmp3, $3  }
0x6e: {  	[spmem:s2] =	stream.indirect.scatter.add.f32 [tilespmem:s16], [sflag:$0x2], $0x10, s6, s3, $0xb8;
	[tilespmem:$0x1E640] =	vst v63  }
0x6f: {  	s0 =	sadd.s32 $0x200, s0;
	_ =	sdelay $0x1  }
0x70: {  	_ =	swait.ge [sflag:s17], $0x7D0  }
0x71: {  	[sflag:s17] =	ssyncset.done $0x0  }
0x72: {  	[sflag:s17] =	ssyncadd.s32 $0xFFFFF830  }
0x73: {  	_ =	swait.ge [sflag:s17], $0x7D0  }
0x74: {  	[sflag:s17] =	ssyncset.done $0x0  }
0x75: {  	[sflag:s17] =	ssyncadd.s32 $0xFFFFF830  }
0x76: {  	_ =	swait.ge [sflag:s17], $0x7D0  }
0x77: {  	[sflag:s17] =	ssyncset.done $0x0  }
0x78: {  	[sflag:s17] =	ssyncadd.s32 $0xFFFFF830  }
0x79: {  	_ =	swait.ge [sflag:s17], $0x7D0  }
0x7a: {  	[sflag:s17] =	ssyncset.done $0x0  }
0x7b: {  	[sflag:s17] =	ssyncadd.s32 $0xFFFFF830  }
0x7c: {  	s0 =	simm.s32 $0x19050;
	[bflag:$0x0] =	sbarrier.arrive $0xFFFF  }
0x7d: {  	[tilespmem:s0], [sflag:$0x3] =	stream.linear.gather [spmem:s21], $0x2710, $0x38;
	[tilespmem:$0x1E640] =	vst v63  }
0x7e: {  	_ =	swait.ge [sflag:s29], $0x2710  }
0x7f: {  	s22 =	simm.s32 $0x0;
	[sflag:s29] =	ssyncset.done $0x0  }
0x80: {  	s23 =	simm.s32 $0x40;
	s0 =	simm.s32 $0x0;
	[sflag:s29] =	ssyncadd.s32 $0xFFFFD8F0  }
.LBB2_10:
0x81: {  	p0 =	sne.s32 s23, $0x9C00;
	v2 =	vld [tilespmem:s22+$0x19050];
	_ =	sdelay $0x4  }
0x82: {  	v3 =	vmax.f32 v2, $1.000000000e+00  }
0x83: {  	(erf) = vrcp.f32 v3;
	_ =	sdelay $0x8  }
0x84: {  	v4 =	vpop (erf)  }
0x85: {  	v4 =	vmul.f32 v4, v3;
	_ =	sdelay $0x1  }
0x86: {  	v4 =	vadd.f32 v4, v3;
	_ =	sdelay $0x1  }
0x87: {  	v4 =	vmul.f32 $5.000000000e-01, v4;
	_ =	sdelay $0x1  }
0x88: {  	(erf) = vrcp.f32 v4;
	_ =	sdelay $0x8  }
0x89: {  	v5 =	vpop (erf)  }
0x8a: {  	v5 =	vmul.f32 v5, v3;
	_ =	sdelay $0x1  }
0x8b: {  	v4 =	vadd.f32 v5, v4;
	_ =	sdelay $0x1  }
0x8c: {  	v4 =	vmul.f32 $5.000000000e-01, v4;
	_ =	sdelay $0x1  }
0x8d: {  	(erf) = vrcp.f32 v4;
	_ =	sdelay $0x8  }
0x8e: {  	v5 =	vpop (erf)  }
0x8f: {  	v5 =	vmul.f32 v5, v3;
	_ =	sdelay $0x1  }
0x90: {  	v4 =	vadd.f32 v5, v4;
	_ =	sdelay $0x1  }
0x91: {  	v4 =	vmul.f32 $5.000000000e-01, v4;
	_ =	sdelay $0x1  }
0x92: {  	(erf) = vrcp.f32 v4;
	_ =	sdelay $0x8  }
0x93: {  	v5 =	vpop (erf)  }
0x94: {  	v5 =	vmul.f32 v5, v3;
	_ =	sdelay $0x1  }
0x95: {  	v4 =	vadd.f32 v5, v4;
	_ =	sdelay $0x1  }
0x96: {  	v4 =	vmul.f32 $5.000000000e-01, v4;
	_ =	sdelay $0x1  }
0x97: {  	(erf) = vrcp.f32 v4;
	_ =	sdelay $0x8  }
0x98: {  	v5 =	vpop (erf)  }
0x99: {  	v5 =	vmul.f32 v5, v3;
	_ =	sdelay $0x1  }
0x9a: {  	v4 =	vadd.f32 v5, v4;
	_ =	sdelay $0x1  }
0x9b: {  	v4 =	vmul.f32 $5.000000000e-01, v4;
	_ =	sdelay $0x1  }
0x9c: {  	(erf) = vrcp.f32 v4;
	_ =	sdelay $0x8  }
0x9d: {  	v5 =	vpop (erf)  }
0x9e: {  	v5 =	vmul.f32 v5, v3;
	_ =	sdelay $0x1  }
0x9f: {  	v4 =	vadd.f32 v5, v4;
	_ =	sdelay $0x1  }
0xa0: {  	v4 =	vmul.f32 $5.000000000e-01, v4;
	_ =	sdelay $0x1  }
0xa1: {  	(erf) = vrcp.f32 v4;
	_ =	sdelay $0x8  }
0xa2: {  	v5 =	vpop (erf)  }
0xa3: {  	v5 =	vmul.f32 v5, v3;
	_ =	sdelay $0x1  }
0xa4: {  	v4 =	vadd.f32 v5, v4;
	_ =	sdelay $0x1  }
0xa5: {  	v4 =	vmul.f32 $5.000000000e-01, v4;
	_ =	sdelay $0x1  }
0xa6: {  	(erf) = vrcp.f32 v4;
	_ =	sdelay $0x8  }
0xa7: {  	v5 =	vpop (erf)  }
0xa8: {  	v5 =	vmul.f32 v5, v3;
	_ =	sdelay $0x1  }
0xa9: {  	v4 =	vadd.f32 v5, v4;
	_ =	sdelay $0x1  }
0xaa: {  	v4 =	vmul.f32 $5.000000000e-01, v4;
	_ =	sdelay $0x1  }
0xab: {  	(erf) = vrcp.f32 v4;
	_ =	sdelay $0x8  }
0xac: {  	v5 =	vpop (erf)  }
0xad: {  	v5 =	vmul.f32 v5, v3;
	_ =	sdelay $0x1  }
0xae: {  	v4 =	vadd.f32 v5, v4;
	_ =	sdelay $0x1  }
0xaf: {  	v4 =	vmul.f32 $5.000000000e-01, v4;
	_ =	sdelay $0x1  }
0xb0: {  	(erf) = vrcp.f32 v4;
	_ =	sdelay $0x8  }
0xb1: {  	v5 =	vpop (erf)  }
0xb2: {  	v5 =	vmul.f32 v5, v3;
	_ =	sdelay $0x1  }
0xb3: {  	v4 =	vadd.f32 v5, v4;
	_ =	sdelay $0x1  }
0xb4: {  	v4 =	vmul.f32 $5.000000000e-01, v4;
	_ =	sdelay $0x1  }
0xb5: {  	(erf) = vrcp.f32 v4;
	_ =	sdelay $0x8  }
0xb6: {  	v5 =	vpop (erf)  }
0xb7: {  	v5 =	vmul.f32 v5, v3;
	_ =	sdelay $0x1  }
0xb8: {  	v4 =	vadd.f32 v5, v4;
	_ =	sdelay $0x1  }
0xb9: {  	v4 =	vmul.f32 $5.000000000e-01, v4;
	_ =	sdelay $0x1  }
0xba: {  	(erf) = vrcp.f32 v4;
	_ =	sdelay $0x8  }
0xbb: {  	v5 =	vpop (erf)  }
0xbc: {  	v5 =	vmul.f32 v5, v3;
	_ =	sdelay $0x1  }
0xbd: {  	v4 =	vadd.f32 v5, v4;
	_ =	sdelay $0x1  }
0xbe: {  	v4 =	vmul.f32 $5.000000000e-01, v4;
	_ =	sdelay $0x1  }
0xbf: {  	(erf) = vrcp.f32 v4;
	_ =	sdelay $0x8  }
0xc0: {  	v5 =	vpop (erf)  }
0xc1: {  	v5 =	vmul.f32 v5, v3;
	_ =	sdelay $0x1  }
0xc2: {  	v4 =	vadd.f32 v5, v4;
	_ =	sdelay $0x1  }
0xc3: {  	v4 =	vmul.f32 $5.000000000e-01, v4;
	_ =	sdelay $0x1  }
0xc4: {  	(erf) = vrcp.f32 v4;
	_ =	sdelay $0x8  }
0xc5: {  	v5 =	vpop (erf)  }
0xc6: {  	v5 =	vmul.f32 v5, v3;
	_ =	sdelay $0x1  }
0xc7: {  	v4 =	vadd.f32 v5, v4;
	_ =	sdelay $0x1  }
0xc8: {  	v4 =	vmul.f32 $5.000000000e-01, v4;
	_ =	sdelay $0x1  }
0xc9: {  	(erf) = vrcp.f32 v4;
	_ =	sdelay $0x8  }
0xca: {  	v5 =	vpop (erf)  }
0xcb: {  	v5 =	vmul.f32 v5, v3;
	_ =	sdelay $0x1  }
0xcc: {  	v4 =	vadd.f32 v5, v4;
	_ =	sdelay $0x1  }
0xcd: {  	v4 =	vmul.f32 $5.000000000e-01, v4;
	_ =	sdelay $0x1  }
0xce: {  	(erf) = vrcp.f32 v4;
	_ =	sdelay $0x8  }
0xcf: {  	v5 =	vpop (erf)  }
0xd0: {  	v3 =	vmul.f32 v5, v3;
	_ =	sdelay $0x1  }
0xd1: {  	v3 =	vadd.f32 v3, v4;
	_ =	sdelay $0x1  }
0xd2: {  	v3 =	vmul.f32 $5.000000000e-01, v3;
	_ =	sdelay $0x1  }
0xd3: {  	(erf) = vrcp.f32 v3;
	_ =	sdelay $0x6  }
.Ltmp4:
0xd4: {  	(pc) =	sbr.rel @p0 .LBB2_10-.Ltmp4, $4  }
0xd5: {  	_ = 	snop  }
0xd6: {  	vm0 =	vgt.f32 v2, $0.0e+00;
	v2 =	vpop (erf)  }
0xd7: {  	v2 =	vnsel vm0, $0x0, v2  }
0xd8: {  	[tilespmem:s22+$0x19050] =	vst v2;
	s22 =	sshra.s32 s23, $0x2;
	s23 =	sadd.s32 $0x40, s23  }
0xd9: {  	v2 =	vld [tilespmem:s22+$0x19050];
	_ =	sdelay $0x4  }
0xda: {  	v3 =	vmax.f32 v2, $1.000000000e+00  }
0xdb: {  	(erf) = vrcp.f32 v3;
	_ =	sdelay $0x8  }
0xdc: {  	v4 =	vpop (erf)  }
0xdd: {  	v4 =	vmul.f32 v4, v3;
	_ =	sdelay $0x1  }
0xde: {  	v4 =	vadd.f32 v4, v3;
	_ =	sdelay $0x1  }
0xdf: {  	v4 =	vmul.f32 $5.000000000e-01, v4;
	_ =	sdelay $0x1  }
0xe0: {  	(erf) = vrcp.f32 v4;
	_ =	sdelay $0x8  }
0xe1: {  	v5 =	vpop (erf)  }
0xe2: {  	v5 =	vmul.f32 v5, v3;
	_ =	sdelay $0x1  }
0xe3: {  	v4 =	vadd.f32 v5, v4;
	_ =	sdelay $0x1  }
0xe4: {  	v4 =	vmul.f32 $5.000000000e-01, v4;
	_ =	sdelay $0x1  }
0xe5: {  	(erf) = vrcp.f32 v4;
	_ =	sdelay $0x8  }
0xe6: {  	v50 =	vpop (erf)  }
0xe7: {  	v5 =	vmul.f32 v50, v3;
	_ =	sdelay $0x1  }
0xe8: {  	v4 =	vadd.f32 v5, v4;
	_ =	sdelay $0x1  }
0xe9: {  	v4 =	vmul.f32 $5.000000000e-01, v4;
	_ =	sdelay $0x1  }
0xea: {  	(erf) = vrcp.f32 v4;
	_ =	sdelay $0x8  }
0xeb: {  	v51 =	vpop (erf)  }
0xec: {  	v5 =	vmul.f32 v51, v3;
	_ =	sdelay $0x1  }
0xed: {  	v4 =	vadd.f32 v5, v4;
	_ =	sdelay $0x1  }
0xee: {  	v4 =	vmul.f32 $5.000000000e-01, v4;
	_ =	sdelay $0x1  }
0xef: {  	(erf) = vrcp.f32 v4;
	_ =	sdelay $0x8  }
0xf0: {  	v52 =	vpop (erf)  }
0xf1: {  	v5 =	vmul.f32 v52, v3;
	_ =	sdelay $0x1  }
0xf2: {  	v4 =	vadd.f32 v5, v4;
	_ =	sdelay $0x1  }
0xf3: {  	v4 =	vmul.f32 $5.000000000e-01, v4;
	_ =	sdelay $0x1  }
0xf4: {  	(erf) = vrcp.f32 v4;
	_ =	sdelay $0x8  }
0xf5: {  	v53 =	vpop (erf)  }
0xf6: {  	v5 =	vmul.f32 v53, v3;
	_ =	sdelay $0x1  }
0xf7: {  	v4 =	vadd.f32 v5, v4;
	_ =	sdelay $0x1  }
0xf8: {  	v4 =	vmul.f32 $5.000000000e-01, v4;
	_ =	sdelay $0x1  }
0xf9: {  	(erf) = vrcp.f32 v4;
	_ =	sdelay $0x8  }
0xfa: {  	v54 =	vpop (erf)  }
0xfb: {  	v5 =	vmul.f32 v54, v3;
	_ =	sdelay $0x1  }
0xfc: {  	v4 =	vadd.f32 v5, v4;
	_ =	sdelay $0x1  }
0xfd: {  	v4 =	vmul.f32 $5.000000000e-01, v4;
	_ =	sdelay $0x1  }
0xfe: {  	(erf) = vrcp.f32 v4;
	_ =	sdelay $0x8  }
0xff: {  	v55 =	vpop (erf)  }
0x100: {  	v5 =	vmul.f32 v55, v3;
	_ =	sdelay $0x1  }
0x101: {  	v4 =	vadd.f32 v5, v4;
	_ =	sdelay $0x1  }
0x102: {  	v4 =	vmul.f32 $5.000000000e-01, v4;
	_ =	sdelay $0x1  }
0x103: {  	(erf) = vrcp.f32 v4;
	_ =	sdelay $0x8  }
0x104: {  	v56 =	vpop (erf)  }
0x105: {  	v5 =	vmul.f32 v56, v3;
	_ =	sdelay $0x1  }
0x106: {  	v4 =	vadd.f32 v5, v4;
	_ =	sdelay $0x1  }
0x107: {  	v4 =	vmul.f32 $5.000000000e-01, v4;
	_ =	sdelay $0x1  }
0x108: {  	(erf) = vrcp.f32 v4;
	_ =	sdelay $0x8  }
0x109: {  	v57 =	vpop (erf)  }
0x10a: {  	v5 =	vmul.f32 v57, v3;
	_ =	sdelay $0x1  }
0x10b: {  	v4 =	vadd.f32 v5, v4;
	_ =	sdelay $0x1  }
0x10c: {  	v4 =	vmul.f32 $5.000000000e-01, v4;
	_ =	sdelay $0x1  }
0x10d: {  	(erf) = vrcp.f32 v4;
	_ =	sdelay $0x8  }
0x10e: {  	v58 =	vpop (erf)  }
0x10f: {  	v5 =	vmul.f32 v58, v3;
	_ =	sdelay $0x1  }
0x110: {  	v4 =	vadd.f32 v5, v4;
	_ =	sdelay $0x1  }
0x111: {  	v4 =	vmul.f32 $5.000000000e-01, v4;
	_ =	sdelay $0x1  }
0x112: {  	(erf) = vrcp.f32 v4;
	_ =	sdelay $0x8  }
0x113: {  	v59 =	vpop (erf)  }
0x114: {  	v5 =	vmul.f32 v59, v3;
	_ =	sdelay $0x1  }
0x115: {  	v4 =	vadd.f32 v5, v4;
	_ =	sdelay $0x1  }
0x116: {  	v4 =	vmul.f32 $5.000000000e-01, v4;
	_ =	sdelay $0x1  }
0x117: {  	(erf) = vrcp.f32 v4;
	_ =	sdelay $0x8  }
0x118: {  	v60 =	vpop (erf)  }
0x119: {  	v5 =	vmul.f32 v60, v3;
	_ =	sdelay $0x1  }
0x11a: {  	v4 =	vadd.f32 v5, v4;
	_ =	sdelay $0x1  }
0x11b: {  	v4 =	vmul.f32 $5.000000000e-01, v4;
	_ =	sdelay $0x1  }
0x11c: {  	(erf) = vrcp.f32 v4;
	_ =	sdelay $0x8  }
0x11d: {  	v61 =	vpop (erf)  }
0x11e: {  	v5 =	vmul.f32 v61, v3;
	_ =	sdelay $0x1  }
0x11f: {  	v4 =	vadd.f32 v5, v4;
	_ =	sdelay $0x1  }
0x120: {  	v4 =	vmul.f32 $5.000000000e-01, v4;
	_ =	sdelay $0x1  }
0x121: {  	(erf) = vrcp.f32 v4;
	_ =	sdelay $0x8  }
0x122: {  	v62 =	vpop (erf)  }
0x123: {  	v5 =	vmul.f32 v62, v3;
	_ =	sdelay $0x1  }
0x124: {  	v4 =	vadd.f32 v5, v4;
	_ =	sdelay $0x1  }
0x125: {  	v4 =	vmul.f32 $5.000000000e-01, v4;
	_ =	sdelay $0x1  }
0x126: {  	(erf) = vrcp.f32 v4;
	_ =	sdelay $0x8  }
0x127: {  	v63 =	vpop (erf)  }
0x128: {  	v3 =	vmul.f32 v63, v3;
	_ =	sdelay $0x1  }
0x129: {  	v3 =	vadd.f32 v3, v4;
	_ =	sdelay $0x1  }
0x12a: {  	v3 =	vmul.f32 $5.000000000e-01, v3;
	_ =	sdelay $0x1  }
0x12b: {  	(erf) = vrcp.f32 v3;
	_ =	sdelay $0x8  }
0x12c: {  	vm0 =	vgt.f32 v2, $0.0e+00;
	v2 =	vpop (erf)  }
0x12d: {  	v2 =	vnsel vm0, $0x0, v2  }
0x12e: {  	[tilespmem:s22+$0x19050] =	vst v2;
	s22 =	simm.s32 $0x19050  }
.LBB2_12:
0x12f: {  	s6 =	smul.u32 $0x7D, s0;
	_ =	sdelay $0x1  }
0x130: {  	s6 =	sadd.s32 s5, s6  }
0x131: {  	s7 =	sshll.u32 s6, $0x5  }
0x132: {  	s7 =	sadd.s32 s7, s8  }
0x133: {  	[tilespmem:s20], [sflag:$0x3] =	stream.strided.gather [hbm4b:s7+s18], $0x1F40, s19, s18, $0x38;
	[tilespmem:$0x1E640] =	vst v63  }
0x134: {  	_ =	swait.ge [sflag:s29], $0x1F40  }
0x135: {  	s6 =	sshll.u32 s6, $0x3;
	[sflag:s29] =	ssyncset.done $0x0  }
0x136: {  	s21 =	simm.s32 $0x0;
	s30 =	sadd.s32 s6, s9;
	[sflag:s29] =	ssyncadd.s32 $0xFFFFE0C0  }
0x137: {  	[hbm4b:s30+s21] =	stream.linear.scatter [tilespmem:s20], [sflag:$0x3], $0x1F40, $0x38;
	[tilespmem:$0x1E640] =	vst v63  }
0x138: {  	v2 =	vmov s22;
	_ =	swait.ge [sflag:s29], $0x1F40  }
0x139: {  	[sflag:s29] =	ssyncset.done $0x0  }
0x13a: {  	s21 =	simm.s32 $0xE2C0;
	[sflag:s29] =	ssyncadd.s32 $0xFFFFE0C0  }
0x13b: {  	v3 =	vld [tilespmem:s21+$0xFFFFFFF0]  }
0x13c: {  	s28 =	simm.s32 $0x0;
	s26 =	simm.s32 $0x40;
	s23 =	simm.s32 $0xE2C0;
	v4 =	vld [tilespmem:s21+$0xFFFFFFE0]  }
.LBB2_13:
0x13d: {  	p0 =	sne.s32 s26, $0x1F00;
	v5 =	vld.idx.msk [tilespmem:v2+s28+$0x0 ss:$0x1], $0xffff  }
0x13e: {  	v6 =	vld [tilespmem:s21+$0xFFFFFFD0]  }
0x13f: {  	v7 =	vld [tilespmem:s21+$0x0];
	_ =	sdelay $0x3  }
0x140: {  	v4 =	vmul.f32 v4, v5;
	v6 =	vmul.f32 v6, v5  }
.Ltmp5:
0x141: {  	v8 =	vmul.f32 v3, v5;
	v5 =	vmul.f32 v7, v5;
	(pc) =	sbr.rel @p0 .LBB2_13-.Ltmp5, $4  }
0x142: {  	[tilespmem:s21+$0xFFFFFFD0] =	vst v6  }
0x143: {  	s21 =	sadd.s32 $0x40, s21;
	[tilespmem:s23+$0xFFFFFFE0] =	vst v4  }
0x144: {  	v3 =	vld [tilespmem:s21+$0xFFFFFFF0];
	[tilespmem:s23+$0xFFFFFFF0] =	vst v8  }
0x145: {  	s28 =	sshra.s32 s26, $0x2;
	s26 =	sadd.s32 $0x40, s26;
	v4 =	vld [tilespmem:s21+$0xFFFFFFE0];
	[tilespmem:s23+$0x0] =	vst v5;
	s23 =	smov.u32 s21  }
0x146: {  	_ =	sdelay $0x3  }
0x147: {  	v2 =	vld.idx.msk [tilespmem:v2+s28+$0x0 ss:$0x1], $0xffff  }
0x148: {  	v5 =	vld [tilespmem:s21+$0xFFFFFFD0];
	_ =	sdelay $0x2  }
0x149: {  	v6 =	vld [tilespmem:s21+$0x0];
	_ =	sdelay $0x1  }
0x14a: {  	v5 =	vmul.f32 v5, v2  }
0x14b: {  	v4 =	vmul.f32 v4, v2  }
0x14c: {  	v3 =	vmul.f32 v3, v2;
	[tilespmem:s21+$0xFFFFFFD0] =	vst v5  }
0x14d: {  	s0 =	sadd.s32 $0x1, s0;
	v2 =	vmul.f32 v6, v2;
	[tilespmem:s23+$0xFFFFFFE0] =	vst v4  }
0x14e: {  	p0 =	sne.s32 s0, $0x5;
	[tilespmem:s23+$0xFFFFFFF0] =	vst v3  }
.Ltmp6:
0x14f: {  	s7 =	sadd.s32 s6, s10;
	s6 =	simm.s32 $0x0;
	[tilespmem:s23+$0x0] =	vst v2;
	(pc) =	sbr.rel @p0 .LBB2_12-.Ltmp6, $4  }
0x150: {  	[hbm4b:s7+s6] =	stream.linear.scatter [tilespmem:s20], [sflag:$0x3], $0x1F40, $0x38;
	[tilespmem:$0x1E640] =	vst v63  }
0x151: {  	_ =	swait.ge [sflag:s29], $0x1F40  }
0x152: {  	[sflag:s29] =	ssyncset.done $0x0  }
0x153: {  	s22 =	sadd.s32 $0x7D0, s22;
	[sflag:s29] =	ssyncadd.s32 $0xFFFFE0C0  }
0x154: {  	s0 =	simm.s32 $0x19050;
	s22 =	simm.s32 $0x0  }
.LBB2_16:
0x155: {  	s7 =	smul.u32 $0x7D, s22;
	_ =	sdelay $0x1  }
0x156: {  	s7 =	sadd.s32 s5, s7  }
0x157: {  	s21 =	sshll.u32 s7, $0x5  }
0x158: {  	s21 =	sadd.s32 s21, s11  }
0x159: {  	[tilespmem:s20], [sflag:$0x3] =	stream.strided.gather [hbm4b:s21+s18], $0x1F40, s19, s18, $0x38;
	[tilespmem:$0x1E640] =	vst v63  }
0x15a: {  	_ =	swait.ge [sflag:s29], $0x1F40  }
0x15b: {  	s23 =	sshll.u32 s7, $0x3;
	[sflag:s29] =	ssyncset.done $0x0  }
0x15c: {  	s7 =	sadd.s32 s23, s12;
	[sflag:s29] =	ssyncadd.s32 $0xFFFFE0C0  }
0x15d: {  	[hbm4b:s7+s6] =	stream.linear.scatter [tilespmem:s20], [sflag:$0x3], $0x1F40, $0x38;
	[tilespmem:$0x1E640] =	vst v63  }
0x15e: {  	v2 =	vmov s0;
	_ =	swait.ge [sflag:s29], $0x1F40  }
0x15f: {  	[sflag:s29] =	ssyncset.done $0x0  }
0x160: {  	s21 =	simm.s32 $0xE2C0;
	[sflag:s29] =	ssyncadd.s32 $0xFFFFE0C0  }
0x161: {  	v3 =	vld [tilespmem:s21+$0xFFFFFFF0]  }
0x162: {  	s30 =	simm.s32 $0x0;
	s28 =	simm.s32 $0x40;
	s26 =	simm.s32 $0xE2C0;
	v4 =	vld [tilespmem:s21+$0xFFFFFFE0]  }
.LBB2_17:
0x163: {  	p0 =	sne.s32 s28, $0x1F00;
	v5 =	vld.idx.msk [tilespmem:v2+s30+$0x0 ss:$0x1], $0xffff  }
0x164: {  	v6 =	vld [tilespmem:s21+$0xFFFFFFD0]  }
0x165: {  	v7 =	vld [tilespmem:s21+$0x0];
	_ =	sdelay $0x3  }
0x166: {  	v4 =	vmul.f32 v4, v5;
	v6 =	vmul.f32 v6, v5  }
.Ltmp7:
0x167: {  	v8 =	vmul.f32 v3, v5;
	v5 =	vmul.f32 v7, v5;
	(pc) =	sbr.rel @p0 .LBB2_17-.Ltmp7, $4  }
0x168: {  	[tilespmem:s21+$0xFFFFFFD0] =	vst v6  }
0x169: {  	s21 =	sadd.s32 $0x40, s21;
	[tilespmem:s26+$0xFFFFFFE0] =	vst v4  }
0x16a: {  	v3 =	vld [tilespmem:s21+$0xFFFFFFF0];
	[tilespmem:s26+$0xFFFFFFF0] =	vst v8  }
0x16b: {  	s30 =	sshra.s32 s28, $0x2;
	s28 =	sadd.s32 $0x40, s28;
	v4 =	vld [tilespmem:s21+$0xFFFFFFE0];
	[tilespmem:s26+$0x0] =	vst v5;
	s26 =	smov.u32 s21  }
0x16c: {  	_ =	sdelay $0x3  }
0x16d: {  	v2 =	vld.idx.msk [tilespmem:v2+s30+$0x0 ss:$0x1], $0xffff  }
0x16e: {  	v5 =	vld [tilespmem:s21+$0xFFFFFFD0];
	_ =	sdelay $0x2  }
0x16f: {  	v6 =	vld [tilespmem:s21+$0x0];
	_ =	sdelay $0x1  }
0x170: {  	v5 =	vmul.f32 v5, v2  }
0x171: {  	v4 =	vmul.f32 v4, v2  }
0x172: {  	v3 =	vmul.f32 v3, v2;
	[tilespmem:s21+$0xFFFFFFD0] =	vst v5  }
0x173: {  	s22 =	sadd.s32 $0x1, s22;
	v2 =	vmul.f32 v6, v2;
	[tilespmem:s26+$0xFFFFFFE0] =	vst v4  }
0x174: {  	p0 =	sne.s32 s22, $0x5;
	[tilespmem:s26+$0xFFFFFFF0] =	vst v3  }
.Ltmp8:
0x175: {  	s7 =	sadd.s32 s23, s13;
	[tilespmem:s26+$0x0] =	vst v2;
	(pc) =	sbr.rel @p0 .LBB2_16-.Ltmp8, $4  }
0x176: {  	[hbm4b:s7+s4] =	stream.linear.scatter [tilespmem:s20], [sflag:$0x3], $0x1F40, $0x38;
	[tilespmem:$0x1E640] =	vst v63  }
0x177: {  	_ =	swait.ge [sflag:s29], $0x1F40  }
0x178: {  	[sflag:s29] =	ssyncset.done $0x0  }
0x179: {  	s0 =	sadd.s32 $0x7D0, s0;
	[sflag:s29] =	ssyncadd.s32 $0xFFFFE0C0  }
0x17a: {  	[bflag:$0x0] =	sbarrier.arrive $0xFFFF;
	s0 =	simm.s32 $0x16850;
	s6 =	simm.s32 $0xC350  }
0x17b: {  	[tilespmem:s6], [sflag:$0x1] =	stream.indirect.gather [hbm4b:s10+s3], $0x40, s0, s3, $0xb8;
	[tilespmem:$0x1E640] =	vst v63  }
0x17c: {  	s21 =	simm.s32 $0x168D0  }
0x17d: {  	[tilespmem:s20], [sflag:$0x1] =	stream.indirect.gather [hbm4b:s10+s3], $0x40, s21, s3, $0xb8;
	[tilespmem:$0x1E640] =	vst v63  }
0x17e: {  	s22 =	simm.s32 $0x16950  }
0x17f: {  	[tilespmem:s24], [sflag:$0x1] =	stream.indirect.gather [hbm4b:s10+s3], $0x40, s22, s3, $0xb8;
	[tilespmem:$0x1E640] =	vst v63  }
0x180: {  	_ =	swait.ge [sflag:s25], $0x1F40  }
0x181: {  	s23 =	simm.s32 $0x14050;
	s30 =	simm.s32 $0x1;
	[sflag:s25] =	ssyncset.done $0x0  }
0x182: {  	s26 =	simm.s32 $0x169D0;
	s0 =	sand.u32 $0x3, s30;
	[sflag:s25] =	ssyncadd.s32 $0xFFFFE0C0  }
0x183: {  	[spmem:s1] =	stream.indirect.scatter.add.f32 [tilespmem:s6], [sflag:$0x2], $0x40, s23, s3, $0xb8;
	[tilespmem:$0x1E640] =	vst v63  }
0x184: {  	s28 =	simm.s32 $0x12110;
	p0 =	por $0x0, $0x0;
	s7 =	smul.u32 $0x7D00, s0  }
0x185: {  	[tilespmem:s28], [sflag:$0x1] =	stream.indirect.gather [hbm4b:s10+s3], $0x40, s26, s3, $0xb8;
	[tilespmem:$0x1E640] =	vst v63  }
0x186: {  	s0 =	simm.s32 $0x16A50;
	s21 =	simm.s32 $0x140D0;
	_ =	swait.ge [sflag:s25], $0x1F40  }
0x187: {  	s7 =	sshrl.u32 s7, $0x2;
	s6 =	simm.s32 $0x4;
	[sflag:s25] =	ssyncset.done $0x0  }
0x188: {  	s7 =	sadd.s32 $0xC350, s7;
	s22 =	sand.u32 @!p0 $0x3, s6;
	[sflag:s25] =	ssyncadd.s32 $0xFFFFE0C0  }
0x189: {  	[spmem:s1] =	stream.indirect.scatter.add.f32 [tilespmem:s7], [sflag:$0x2], $0x40, s21, s3, $0xb8;
	[tilespmem:$0x1E640] =	vst v63  }
0x18a: {  	s6 =	simm.s32 $0x5;
	s7 =	smul.u32 @!p0 $0x7D00, s22;
	_ =	swait.ge [sflag:s17], $0x1F40  }
0x18b: {  	s21 =	simm.s32 $0x14150;
	s22 =	simm.s32 $0x16AD0;
	[sflag:s17] =	ssyncset.done $0x0  }
0x18c: {  	s23 =	sshrl.u32 @!p0 s7, $0x2;
	s7 =	simm.s32 @!p0 $0x7D;
	[sflag:s17] =	ssyncadd.s32 $0xFFFFE0C0  }
.LBB2_20:
0x18d: {  	s26 =	sadd.s32 $0xFFFFFFFD, s6  }
0x18e: {  	s23 =	sadd.s32 @!p0 $0xC350, s23;
	s28 =	smov.u32 s6;
	s6 =	sadd.s32 $0x1, s6  }
0x18f: {  	[tilespmem:s23], [sflag:$0x1] =	stream.indirect.gather @!p0 [hbm4b:s10+s7], $0x40, s0, s7, $0xb8;
	[tilespmem:$0x1E640] =	vst v63  }
0x190: {  	s7 =	sand.u32 $0x3, s26;
	p1 =	sne.s32 s6, $0x53;
	s0 =	smov.u32 s22  }
0x191: {  	s7 =	smul.u32 $0x7D00, s7  }
0x192: {  	p0 =	sgt.u32 s26, $0x4C;
	_ =	swait.ge [sflag:s25], $0x1F40  }
0x193: {  	s23 =	sand.u32 @!p0 $0x3, s28;
	s7 =	sshrl.u32 s7, $0x2;
	[sflag:s25] =	ssyncset.done $0x0  }
.Ltmp9:
0x194: {  	s7 =	sadd.s32 $0xC350, s7;
	[sflag:s25] =	ssyncadd.s32 $0xFFFFE0C0;
	(pc) =	sbr.rel @p1 .LBB2_20-.Ltmp9, $4  }
0x195: {  	[spmem:s1] =	stream.indirect.scatter.add.f32 [tilespmem:s7], [sflag:$0x2], $0x40, s21, s3, $0xb8;
	[tilespmem:$0x1E640] =	vst v63  }
0x196: {  	s7 =	smul.u32 @!p0 $0x7D00, s23;
	_ =	swait.ge [sflag:s17], $0x1F40  }
0x197: {  	s22 =	sadd.s32 $0x80, s22;
	s21 =	sadd.s32 $0x80, s21;
	[sflag:s17] =	ssyncset.done $0x0  }
0x198: {  	s23 =	sshrl.u32 @!p0 s7, $0x2;
	s7 =	simm.s32 @!p0 $0x7D;
	[sflag:s17] =	ssyncadd.s32 $0xFFFFE0C0  }
0x199: {  	s6 =	sadd.s32 @!p0 $0xC350, s23  }
0x19a: {  	[tilespmem:s6], [sflag:$0x1] =	stream.indirect.gather @!p0 [hbm4b:s10+s7], $0x40, s0, s7, $0xb8;
	[tilespmem:$0x1E640] =	vst v63  }
0x19b: {  	_ =	swait.ge [sflag:s17], $0x1F40  }
0x19c: {  	[sflag:s17] =	ssyncset.done $0x0  }
0x19d: {  	s22 =	simm.s32 $0x19050;
	[sflag:s17] =	ssyncadd.s32 $0xFFFFE0C0  }
0x19e: {  	s23 =	simm.s32 $0x0;
	s0 =	simm.s32 $0x0;
	[bflag:$0x0] =	sbarrier.arrive $0xFFFF  }
.LBB2_22:
0x19f: {  	s6 =	smul.u32 $0x7D, s23;
	_ =	sdelay $0x1  }
0x1a0: {  	s6 =	sadd.s32 s5, s6  }
0x1a1: {  	s7 =	sshll.u32 s6, $0x6  }
0x1a2: {  	s7 =	sand.u32 $0x3FFFFFC0, s7  }
0x1a3: {  	s7 =	sadd.s32 s7, s1  }
0x1a4: {  	[tilespmem:s20], [sflag:$0x3] =	stream.linear.gather [spmem:s7], $0x1F40, $0x38;
	[tilespmem:$0x1E640] =	vst v63  }
0x1a5: {  	_ =	swait.ge [sflag:s29], $0x1F40  }
0x1a6: {  	[sflag:s29] =	ssyncset.done $0x0  }
0x1a7: {  	[sflag:s29] =	ssyncadd.s32 $0xFFFFE0C0  }
0x1a8: {  	[spmem:s7] =	stream.linear.scatter [tilespmem:s31], [sflag:$0x3], $0x1F40, $0x38;
	[tilespmem:$0x1E640] =	vst v63  }
0x1a9: {  	_ =	swait.ge [sflag:s29], $0x1F40  }
0x1aa: {  	s26 =	sshll.u32 s6, $0x3;
	[sflag:s29] =	ssyncset.done $0x0  }
0x1ab: {  	s6 =	sadd.s32 s26, s9;
	[sflag:s29] =	ssyncadd.s32 $0xFFFFE0C0  }
0x1ac: {  	[tilespmem:s24], [sflag:$0x3] =	stream.linear.gather [hbm4b:s6+s0], $0x1F40, $0x38;
	[tilespmem:$0x1E640] =	vst v63  }
0x1ad: {  	_ =	swait.ge [sflag:s29], $0x1F40  }
0x1ae: {  	v3 =	vmov s22;
	[sflag:s29] =	ssyncset.done $0x0  }
0x1af: {  	s30 =	simm.s32 $0xE2B0;
	[sflag:s29] =	ssyncadd.s32 $0xFFFFE0C0  }
0x1b0: {  	v2 =	vld [tilespmem:s30+$0xFFFFFFF0]  }
0x1b1: {  	v4 =	vld [tilespmem:s30+$0x1F50]  }
0x1b2: {  	s21 =	simm.s32 $0x40;
	s28 =	simm.s32 $0xE2B0;
	s7 =	simm.s32 $0x0;
	v5 =	vld [tilespmem:s30+$0x1F40]  }
.LBB2_23:
0x1b3: {  	p0 =	sne.s32 s21, $0x1F00;
	v6 =	vld.idx.msk [tilespmem:v3+s7+$0x0 ss:$0x1], $0xffff  }
0x1b4: {  	v7 =	vld [tilespmem:s30+$0x0]  }
0x1b5: {  	v8 =	vld [tilespmem:s30+$0x10]  }
0x1b6: {  	v9 =	vld [tilespmem:s30+$0xFFFFFFE0]  }
0x1b7: {  	v10 =	vld [tilespmem:s30+$0x1F30]  }
0x1b8: {  	v11 =	vld [tilespmem:s30+$0x1F20]  }
0x1b9: {  	v12 =	vmul.f32 v6, v6;
	v13 =	vmul.f32 v7, v6  }
0x1ba: {  	v14 =	vmul.f32 v2, v6;
	v15 =	vmul.f32 v8, v6  }
0x1bb: {  	v6 =	vmul.f32 v9, v6;
	v9 =	vmul.f32 v12, v9;
	v5 =	vadd.f32 v13, v5  }
0x1bc: {  	v7 =	vmul.f32 v7, v12;
	v8 =	vmul.f32 v8, v12;
	v4 =	vadd.f32 v15, v4  }
0x1bd: {  	v6 =	vadd.f32 v6, v11;
	[tilespmem:s30+$0xFFFFFFE0] =	vst v9;
	v9 =	vadd.f32 v14, v10;
	v10 =	vmul.f32 v2, v12  }
0x1be: {  	[tilespmem:s30+$0x1F40] =	vst v5  }
0x1bf: {  	[tilespmem:s30+$0x1F20] =	vst v6  }
.Ltmp10:
0x1c0: {  	[tilespmem:s30+$0x0] =	vst v7;
	(pc) =	sbr.rel @p0 .LBB2_23-.Ltmp10, $4  }
0x1c1: {  	s30 =	sadd.s32 $0x40, s30;
	[tilespmem:s28+$0x1F50] =	vst v4  }
0x1c2: {  	v2 =	vld [tilespmem:s30+$0xFFFFFFF0];
	[tilespmem:s28+$0x10] =	vst v8  }
0x1c3: {  	v4 =	vld [tilespmem:s30+$0x1F50];
	[tilespmem:s28+$0x1F30] =	vst v9  }
0x1c4: {  	s7 =	sshra.s32 s21, $0x2;
	s21 =	sadd.s32 $0x40, s21;
	v5 =	vld [tilespmem:s30+$0x1F40];
	[tilespmem:s28+$0xFFFFFFF0] =	vst v10;
	s28 =	smov.u32 s30  }
0x1c5: {  	_ =	sdelay $0x3  }
0x1c6: {  	v3 =	vld.idx.msk [tilespmem:v3+s7+$0x0 ss:$0x1], $0xffff  }
0x1c7: {  	v6 =	vld [tilespmem:s30+$0x0]  }
0x1c8: {  	v7 =	vld [tilespmem:s30+$0xFFFFFFE0]  }
0x1c9: {  	v8 =	vld [tilespmem:s30+$0x10]  }
0x1ca: {  	v9 =	vld [tilespmem:s30+$0x1F20]  }
0x1cb: {  	v10 =	vmul.f32 v3, v3  }
0x1cc: {  	v11 =	vmul.f32 v6, v3  }
0x1cd: {  	v12 =	vmul.f32 v7, v3;
	v7 =	vmul.f32 v10, v7  }
0x1ce: {  	v13 =	vld [tilespmem:s30+$0x1F30];
	v5 =	vadd.f32 v11, v5  }
0x1cf: {  	v62 =	vmul.f32 v8, v3;
	v9 =	vadd.f32 v12, v9;
	[tilespmem:s30+$0xFFFFFFE0] =	vst v7  }
0x1d0: {  	v6 =	vmul.f32 v6, v10;
	[tilespmem:s30+$0x1F40] =	vst v5  }
0x1d1: {  	v3 =	vmul.f32 v2, v3;
	v4 =	vadd.f32 v62, v4;
	[tilespmem:s30+$0x1F20] =	vst v9  }
0x1d2: {  	v63 =	vmul.f32 v8, v10;
	[tilespmem:s30+$0x0] =	vst v6  }
0x1d3: {  	v3 =	vadd.f32 v3, v13;
	[tilespmem:s28+$0x1F50] =	vst v4  }
0x1d4: {  	v2 =	vmul.f32 v2, v10;
	[tilespmem:s28+$0x10] =	vst v63  }
0x1d5: {  	[tilespmem:s28+$0x1F30] =	vst v3  }
0x1d6: {  	[tilespmem:s28+$0xFFFFFFF0] =	vst v2  }
0x1d7: {  	[hbm4b:s6+s4] =	stream.linear.scatter [tilespmem:s24], [sflag:$0x3], $0x1F40, $0x38;
	[tilespmem:$0x1E640] =	vst v63  }
0x1d8: {  	s23 =	sadd.s32 $0x1, s23;
	_ =	swait.ge [sflag:s29], $0x1F40  }
0x1d9: {  	p0 =	sne.s32 s23, $0x5;
	[sflag:s29] =	ssyncset.done $0x0  }
.Ltmp11:
0x1da: {  	s30 =	sadd.s32 s10, s26;
	[sflag:s29] =	ssyncadd.s32 $0xFFFFE0C0;
	(pc) =	sbr.rel @p0 .LBB2_22-.Ltmp11, $4  }
0x1db: {  	[hbm4b:s30+s4] =	stream.linear.scatter [tilespmem:s20], [sflag:$0x3], $0x1F40, $0x38;
	[tilespmem:$0x1E640] =	vst v63  }
0x1dc: {  	_ =	swait.ge [sflag:s29], $0x1F40  }
0x1dd: {  	[sflag:s29] =	ssyncset.done $0x0  }
0x1de: {  	s22 =	sadd.s32 $0x7D0, s22;
	[sflag:s29] =	ssyncadd.s32 $0xFFFFE0C0  }
0x1df: {  	[bflag:$0x0] =	sbarrier.arrive $0xFFFF;
	s0 =	simm.s32 $0x16850;
	s6 =	simm.s32 $0xC350  }
0x1e0: {  	[tilespmem:s6], [sflag:$0x1] =	stream.indirect.gather [hbm4b:s13+s3], $0x40, s0, s3, $0xb8;
	[tilespmem:$0x1E640] =	vst v63  }
0x1e1: {  	s21 =	simm.s32 $0x168D0  }
0x1e2: {  	[tilespmem:s20], [sflag:$0x1] =	stream.indirect.gather [hbm4b:s13+s3], $0x40, s21, s3, $0xb8;
	[tilespmem:$0x1E640] =	vst v63  }
0x1e3: {  	s22 =	simm.s32 $0x16950  }
0x1e4: {  	[tilespmem:s24], [sflag:$0x1] =	stream.indirect.gather [hbm4b:s13+s3], $0x40, s22, s3, $0xb8;
	[tilespmem:$0x1E640] =	vst v63  }
0x1e5: {  	_ =	swait.ge [sflag:s25], $0x1F40  }
0x1e6: {  	s23 =	simm.s32 $0x14050;
	s30 =	simm.s32 $0x1;
	[sflag:s25] =	ssyncset.done $0x0  }
0x1e7: {  	s26 =	simm.s32 $0x169D0;
	s0 =	sand.u32 $0x3, s30;
	[sflag:s25] =	ssyncadd.s32 $0xFFFFE0C0  }
0x1e8: {  	[spmem:s1] =	stream.indirect.scatter.add.f32 [tilespmem:s6], [sflag:$0x2], $0x40, s23, s3, $0xb8;
	[tilespmem:$0x1E640] =	vst v63  }
0x1e9: {  	s28 =	simm.s32 $0x12110;
	p0 =	por $0x0, $0x0;
	s7 =	smul.u32 $0x7D00, s0  }
0x1ea: {  	[tilespmem:s28], [sflag:$0x1] =	stream.indirect.gather [hbm4b:s13+s3], $0x40, s26, s3, $0xb8;
	[tilespmem:$0x1E640] =	vst v63  }
0x1eb: {  	s0 =	simm.s32 $0x16A50;
	s21 =	simm.s32 $0x140D0;
	_ =	swait.ge [sflag:s25], $0x1F40  }
0x1ec: {  	s7 =	sshrl.u32 s7, $0x2;
	s6 =	simm.s32 $0x4;
	[sflag:s25] =	ssyncset.done $0x0  }
0x1ed: {  	s7 =	sadd.s32 $0xC350, s7;
	s22 =	sand.u32 @!p0 $0x3, s6;
	[sflag:s25] =	ssyncadd.s32 $0xFFFFE0C0  }
0x1ee: {  	[spmem:s1] =	stream.indirect.scatter.add.f32 [tilespmem:s7], [sflag:$0x2], $0x40, s21, s3, $0xb8;
	[tilespmem:$0x1E640] =	vst v63  }
0x1ef: {  	s6 =	simm.s32 $0x5;
	s7 =	smul.u32 @!p0 $0x7D00, s22;
	_ =	swait.ge [sflag:s17], $0x1F40  }
0x1f0: {  	s21 =	simm.s32 $0x14150;
	s22 =	simm.s32 $0x16AD0;
	[sflag:s17] =	ssyncset.done $0x0  }
0x1f1: {  	s23 =	sshrl.u32 @!p0 s7, $0x2;
	s7 =	simm.s32 @!p0 $0x7D;
	[sflag:s17] =	ssyncadd.s32 $0xFFFFE0C0  }
.LBB2_26:
0x1f2: {  	s26 =	sadd.s32 $0xFFFFFFFD, s6  }
0x1f3: {  	s23 =	sadd.s32 @!p0 $0xC350, s23;
	s28 =	smov.u32 s6;
	s6 =	sadd.s32 $0x1, s6  }
0x1f4: {  	[tilespmem:s23], [sflag:$0x1] =	stream.indirect.gather @!p0 [hbm4b:s13+s7], $0x40, s0, s7, $0xb8;
	[tilespmem:$0x1E640] =	vst v63  }
0x1f5: {  	s7 =	sand.u32 $0x3, s26;
	p1 =	sne.s32 s6, $0x53;
	s0 =	smov.u32 s22  }
0x1f6: {  	s7 =	smul.u32 $0x7D00, s7  }
0x1f7: {  	p0 =	sgt.u32 s26, $0x4C;
	_ =	swait.ge [sflag:s25], $0x1F40  }
0x1f8: {  	s23 =	sand.u32 @!p0 $0x3, s28;
	s7 =	sshrl.u32 s7, $0x2;
	[sflag:s25] =	ssyncset.done $0x0  }
.Ltmp12:
0x1f9: {  	s7 =	sadd.s32 $0xC350, s7;
	[sflag:s25] =	ssyncadd.s32 $0xFFFFE0C0;
	(pc) =	sbr.rel @p1 .LBB2_26-.Ltmp12, $4  }
0x1fa: {  	[spmem:s1] =	stream.indirect.scatter.add.f32 [tilespmem:s7], [sflag:$0x2], $0x40, s21, s3, $0xb8;
	[tilespmem:$0x1E640] =	vst v63  }
0x1fb: {  	s7 =	smul.u32 @!p0 $0x7D00, s23;
	_ =	swait.ge [sflag:s17], $0x1F40  }
0x1fc: {  	s22 =	sadd.s32 $0x80, s22;
	s21 =	sadd.s32 $0x80, s21;
	[sflag:s17] =	ssyncset.done $0x0  }
0x1fd: {  	s23 =	sshrl.u32 @!p0 s7, $0x2;
	s7 =	simm.s32 @!p0 $0x7D;
	[sflag:s17] =	ssyncadd.s32 $0xFFFFE0C0  }
0x1fe: {  	s6 =	sadd.s32 @!p0 $0xC350, s23  }
0x1ff: {  	[tilespmem:s6], [sflag:$0x1] =	stream.indirect.gather @!p0 [hbm4b:s13+s7], $0x40, s0, s7, $0xb8;
	[tilespmem:$0x1E640] =	vst v63  }
0x200: {  	_ =	swait.ge [sflag:s17], $0x1F40  }
0x201: {  	[sflag:s17] =	ssyncset.done $0x0  }
0x202: {  	s22 =	simm.s32 $0x19050;
	[sflag:s17] =	ssyncadd.s32 $0xFFFFE0C0  }
0x203: {  	s23 =	simm.s32 $0x0;
	s0 =	simm.s32 $0x0;
	[bflag:$0x0] =	sbarrier.arrive $0xFFFF  }
.LBB2_28:
0x204: {  	s6 =	smul.u32 $0x7D, s23;
	_ =	sdelay $0x1  }
0x205: {  	s6 =	sadd.s32 s5, s6  }
0x206: {  	s7 =	sshll.u32 s6, $0x6  }
0x207: {  	s7 =	sand.u32 $0x3FFFFFC0, s7  }
0x208: {  	s7 =	sadd.s32 s7, s1  }
0x209: {  	[tilespmem:s20], [sflag:$0x3] =	stream.linear.gather [spmem:s7], $0x1F40, $0x38;
	[tilespmem:$0x1E640] =	vst v63  }
0x20a: {  	_ =	swait.ge [sflag:s29], $0x1F40  }
0x20b: {  	[sflag:s29] =	ssyncset.done $0x0  }
0x20c: {  	[sflag:s29] =	ssyncadd.s32 $0xFFFFE0C0  }
0x20d: {  	[spmem:s7] =	stream.linear.scatter [tilespmem:s31], [sflag:$0x3], $0x1F40, $0x38;
	[tilespmem:$0x1E640] =	vst v63  }
0x20e: {  	_ =	swait.ge [sflag:s29], $0x1F40  }
0x20f: {  	s26 =	sshll.u32 s6, $0x3;
	[sflag:s29] =	ssyncset.done $0x0  }
0x210: {  	s6 =	sadd.s32 s26, s12;
	[sflag:s29] =	ssyncadd.s32 $0xFFFFE0C0  }
0x211: {  	[tilespmem:s24], [sflag:$0x3] =	stream.linear.gather [hbm4b:s6+s0], $0x1F40, $0x38;
	[tilespmem:$0x1E640] =	vst v63  }
0x212: {  	_ =	swait.ge [sflag:s29], $0x1F40  }
0x213: {  	v3 =	vmov s22;
	[sflag:s29] =	ssyncset.done $0x0  }
0x214: {  	s30 =	simm.s32 $0xE2B0;
	[sflag:s29] =	ssyncadd.s32 $0xFFFFE0C0  }
0x215: {  	v2 =	vld [tilespmem:s30+$0xFFFFFFF0]  }
0x216: {  	v4 =	vld [tilespmem:s30+$0x1F50]  }
0x217: {  	s21 =	simm.s32 $0x40;
	s28 =	simm.s32 $0xE2B0;
	s7 =	simm.s32 $0x0;
	v5 =	vld [tilespmem:s30+$0x1F40]  }
.LBB2_29:
0x218: {  	p0 =	sne.s32 s21, $0x1F00;
	v6 =	vld.idx.msk [tilespmem:v3+s7+$0x0 ss:$0x1], $0xffff  }
0x219: {  	v7 =	vld [tilespmem:s30+$0x0]  }
0x21a: {  	v8 =	vld [tilespmem:s30+$0x10]  }
0x21b: {  	v9 =	vld [tilespmem:s30+$0xFFFFFFE0]  }
0x21c: {  	v10 =	vld [tilespmem:s30+$0x1F30]  }
0x21d: {  	v11 =	vld [tilespmem:s30+$0x1F20]  }
0x21e: {  	v12 =	vmul.f32 v6, v6;
	v13 =	vmul.f32 v7, v6  }
0x21f: {  	v14 =	vmul.f32 v2, v6;
	v15 =	vmul.f32 v8, v6  }
0x220: {  	v6 =	vmul.f32 v9, v6;
	v9 =	vmul.f32 v12, v9;
	v5 =	vadd.f32 v13, v5  }
0x221: {  	v7 =	vmul.f32 v7, v12;
	v8 =	vmul.f32 v8, v12;
	v4 =	vadd.f32 v15, v4  }
0x222: {  	v6 =	vadd.f32 v6, v11;
	[tilespmem:s30+$0xFFFFFFE0] =	vst v9;
	v9 =	vadd.f32 v14, v10;
	v10 =	vmul.f32 v2, v12  }
0x223: {  	[tilespmem:s30+$0x1F40] =	vst v5  }
0x224: {  	[tilespmem:s30+$0x1F20] =	vst v6  }
.Ltmp13:
0x225: {  	[tilespmem:s30+$0x0] =	vst v7;
	(pc) =	sbr.rel @p0 .LBB2_29-.Ltmp13, $4  }
0x226: {  	s30 =	sadd.s32 $0x40, s30;
	[tilespmem:s28+$0x1F50] =	vst v4  }
0x227: {  	v2 =	vld [tilespmem:s30+$0xFFFFFFF0];
	[tilespmem:s28+$0x10] =	vst v8  }
0x228: {  	v4 =	vld [tilespmem:s30+$0x1F50];
	[tilespmem:s28+$0x1F30] =	vst v9  }
0x229: {  	s7 =	sshra.s32 s21, $0x2;
	s21 =	sadd.s32 $0x40, s21;
	v5 =	vld [tilespmem:s30+$0x1F40];
	[tilespmem:s28+$0xFFFFFFF0] =	vst v10;
	s28 =	smov.u32 s30  }
0x22a: {  	_ =	sdelay $0x3  }
0x22b: {  	v3 =	vld.idx.msk [tilespmem:v3+s7+$0x0 ss:$0x1], $0xffff  }
0x22c: {  	v6 =	vld [tilespmem:s30+$0x0]  }
0x22d: {  	v7 =	vld [tilespmem:s30+$0xFFFFFFE0]  }
0x22e: {  	v8 =	vld [tilespmem:s30+$0x10]  }
0x22f: {  	v9 =	vld [tilespmem:s30+$0x1F20]  }
0x230: {  	v10 =	vmul.f32 v3, v3  }
0x231: {  	v11 =	vmul.f32 v6, v3  }
0x232: {  	v12 =	vmul.f32 v7, v3;
	v7 =	vmul.f32 v10, v7  }
0x233: {  	v13 =	vld [tilespmem:s30+$0x1F30];
	v5 =	vadd.f32 v11, v5  }
0x234: {  	v62 =	vmul.f32 v8, v3;
	v9 =	vadd.f32 v12, v9;
	[tilespmem:s30+$0xFFFFFFE0] =	vst v7  }
0x235: {  	v6 =	vmul.f32 v6, v10;
	[tilespmem:s30+$0x1F40] =	vst v5  }
0x236: {  	v3 =	vmul.f32 v2, v3;
	v4 =	vadd.f32 v62, v4;
	[tilespmem:s30+$0x1F20] =	vst v9  }
0x237: {  	v63 =	vmul.f32 v8, v10;
	[tilespmem:s30+$0x0] =	vst v6  }
0x238: {  	v3 =	vadd.f32 v3, v13;
	[tilespmem:s28+$0x1F50] =	vst v4  }
0x239: {  	v2 =	vmul.f32 v2, v10;
	[tilespmem:s28+$0x10] =	vst v63  }
0x23a: {  	[tilespmem:s28+$0x1F30] =	vst v3  }
0x23b: {  	[tilespmem:s28+$0xFFFFFFF0] =	vst v2  }
0x23c: {  	[hbm4b:s6+s4] =	stream.linear.scatter [tilespmem:s24], [sflag:$0x3], $0x1F40, $0x38;
	[tilespmem:$0x1E640] =	vst v63  }
0x23d: {  	s23 =	sadd.s32 $0x1, s23;
	_ =	swait.ge [sflag:s29], $0x1F40  }
0x23e: {  	p0 =	sne.s32 s23, $0x5;
	[sflag:s29] =	ssyncset.done $0x0  }
.Ltmp14:
0x23f: {  	s30 =	sadd.s32 s13, s26;
	[sflag:s29] =	ssyncadd.s32 $0xFFFFE0C0;
	(pc) =	sbr.rel @p0 .LBB2_28-.Ltmp14, $4  }
0x240: {  	[hbm4b:s30+s4] =	stream.linear.scatter [tilespmem:s20], [sflag:$0x3], $0x1F40, $0x38;
	[tilespmem:$0x1E640] =	vst v63  }
0x241: {  	_ =	swait.ge [sflag:s29], $0x1F40  }
0x242: {  	[sflag:s29] =	ssyncset.done $0x0  }
0x243: {  	s22 =	sadd.s32 $0x7D0, s22;
	[sflag:s29] =	ssyncadd.s32 $0xFFFFE0C0  }
0x244: {  	[bflag:$0x0] =	sbarrier.arrive $0xFFFF;
	s0 =	simm.s32 $0x16850;
	s6 =	simm.s32 $0xC350  }
0x245: {  	[tilespmem:s6], [sflag:$0x1] =	stream.indirect.gather [hbm4b:s10+s3], $0x40, s0, s3, $0xb8;
	[tilespmem:$0x1E640] =	vst v63  }
0x246: {  	s21 =	simm.s32 $0x168D0  }
0x247: {  	[tilespmem:s20], [sflag:$0x1] =	stream.indirect.gather [hbm4b:s10+s3], $0x40, s21, s3, $0xb8;
	[tilespmem:$0x1E640] =	vst v63  }
0x248: {  	s22 =	simm.s32 $0x16950  }
0x249: {  	[tilespmem:s24], [sflag:$0x1] =	stream.indirect.gather [hbm4b:s10+s3], $0x40, s22, s3, $0xb8;
	[tilespmem:$0x1E640] =	vst v63  }
0x24a: {  	_ =	swait.ge [sflag:s25], $0x1F40  }
0x24b: {  	s23 =	simm.s32 $0x14050;
	s30 =	simm.s32 $0x1;
	[sflag:s25] =	ssyncset.done $0x0  }
0x24c: {  	s26 =	simm.s32 $0x169D0;
	s0 =	sand.u32 $0x3, s30;
	[sflag:s25] =	ssyncadd.s32 $0xFFFFE0C0  }
0x24d: {  	[spmem:s1] =	stream.indirect.scatter.add.f32 [tilespmem:s6], [sflag:$0x2], $0x40, s23, s3, $0xb8;
	[tilespmem:$0x1E640] =	vst v63  }
0x24e: {  	s28 =	simm.s32 $0x12110;
	p0 =	por $0x0, $0x0;
	s7 =	smul.u32 $0x7D00, s0  }
0x24f: {  	[tilespmem:s28], [sflag:$0x1] =	stream.indirect.gather [hbm4b:s10+s3], $0x40, s26, s3, $0xb8;
	[tilespmem:$0x1E640] =	vst v63  }
0x250: {  	s0 =	simm.s32 $0x16A50;
	s21 =	simm.s32 $0x140D0;
	_ =	swait.ge [sflag:s25], $0x1F40  }
0x251: {  	s7 =	sshrl.u32 s7, $0x2;
	s6 =	simm.s32 $0x4;
	[sflag:s25] =	ssyncset.done $0x0  }
0x252: {  	s7 =	sadd.s32 $0xC350, s7;
	s22 =	sand.u32 @!p0 $0x3, s6;
	[sflag:s25] =	ssyncadd.s32 $0xFFFFE0C0  }
0x253: {  	[spmem:s1] =	stream.indirect.scatter.add.f32 [tilespmem:s7], [sflag:$0x2], $0x40, s21, s3, $0xb8;
	[tilespmem:$0x1E640] =	vst v63  }
0x254: {  	s6 =	simm.s32 $0x5;
	s7 =	smul.u32 @!p0 $0x7D00, s22;
	_ =	swait.ge [sflag:s17], $0x1F40  }
0x255: {  	s21 =	simm.s32 $0x14150;
	s22 =	simm.s32 $0x16AD0;
	[sflag:s17] =	ssyncset.done $0x0  }
0x256: {  	s23 =	sshrl.u32 @!p0 s7, $0x2;
	s7 =	simm.s32 @!p0 $0x7D;
	[sflag:s17] =	ssyncadd.s32 $0xFFFFE0C0  }
.LBB2_32:
0x257: {  	s26 =	sadd.s32 $0xFFFFFFFD, s6  }
0x258: {  	s23 =	sadd.s32 @!p0 $0xC350, s23;
	s28 =	smov.u32 s6;
	s6 =	sadd.s32 $0x1, s6  }
0x259: {  	[tilespmem:s23], [sflag:$0x1] =	stream.indirect.gather @!p0 [hbm4b:s10+s7], $0x40, s0, s7, $0xb8;
	[tilespmem:$0x1E640] =	vst v63  }
0x25a: {  	s7 =	sand.u32 $0x3, s26;
	p1 =	sne.s32 s6, $0x53;
	s0 =	smov.u32 s22  }
0x25b: {  	s7 =	smul.u32 $0x7D00, s7  }
0x25c: {  	p0 =	sgt.u32 s26, $0x4C;
	_ =	swait.ge [sflag:s25], $0x1F40  }
0x25d: {  	s23 =	sand.u32 @!p0 $0x3, s28;
	s7 =	sshrl.u32 s7, $0x2;
	[sflag:s25] =	ssyncset.done $0x0  }
.Ltmp15:
0x25e: {  	s7 =	sadd.s32 $0xC350, s7;
	[sflag:s25] =	ssyncadd.s32 $0xFFFFE0C0;
	(pc) =	sbr.rel @p1 .LBB2_32-.Ltmp15, $4  }
0x25f: {  	[spmem:s1] =	stream.indirect.scatter.add.f32 [tilespmem:s7], [sflag:$0x2], $0x40, s21, s3, $0xb8;
	[tilespmem:$0x1E640] =	vst v63  }
0x260: {  	s7 =	smul.u32 @!p0 $0x7D00, s23;
	_ =	swait.ge [sflag:s17], $0x1F40  }
0x261: {  	s22 =	sadd.s32 $0x80, s22;
	s21 =	sadd.s32 $0x80, s21;
	[sflag:s17] =	ssyncset.done $0x0  }
0x262: {  	s23 =	sshrl.u32 @!p0 s7, $0x2;
	s7 =	simm.s32 @!p0 $0x7D;
	[sflag:s17] =	ssyncadd.s32 $0xFFFFE0C0  }
0x263: {  	s6 =	sadd.s32 @!p0 $0xC350, s23  }
0x264: {  	[tilespmem:s6], [sflag:$0x1] =	stream.indirect.gather @!p0 [hbm4b:s10+s7], $0x40, s0, s7, $0xb8;
	[tilespmem:$0x1E640] =	vst v63  }
0x265: {  	_ =	swait.ge [sflag:s17], $0x1F40  }
0x266: {  	[sflag:s17] =	ssyncset.done $0x0  }
0x267: {  	s22 =	simm.s32 $0x19050;
	[sflag:s17] =	ssyncadd.s32 $0xFFFFE0C0  }
0x268: {  	s23 =	simm.s32 $0x0;
	s0 =	simm.s32 $0x0;
	[bflag:$0x0] =	sbarrier.arrive $0xFFFF  }
.LBB2_34:
0x269: {  	s6 =	smul.u32 $0x7D, s23;
	_ =	sdelay $0x1  }
0x26a: {  	s6 =	sadd.s32 s5, s6  }
0x26b: {  	s7 =	sshll.u32 s6, $0x6  }
0x26c: {  	s7 =	sand.u32 $0x3FFFFFC0, s7  }
0x26d: {  	s7 =	sadd.s32 s7, s1  }
0x26e: {  	[tilespmem:s20], [sflag:$0x3] =	stream.linear.gather [spmem:s7], $0x1F40, $0x38;
	[tilespmem:$0x1E640] =	vst v63  }
0x26f: {  	_ =	swait.ge [sflag:s29], $0x1F40  }
0x270: {  	[sflag:s29] =	ssyncset.done $0x0  }
0x271: {  	[sflag:s29] =	ssyncadd.s32 $0xFFFFE0C0  }
0x272: {  	[spmem:s7] =	stream.linear.scatter [tilespmem:s31], [sflag:$0x3], $0x1F40, $0x38;
	[tilespmem:$0x1E640] =	vst v63  }
0x273: {  	_ =	swait.ge [sflag:s29], $0x1F40  }
0x274: {  	s26 =	sshll.u32 s6, $0x3;
	[sflag:s29] =	ssyncset.done $0x0  }
0x275: {  	s6 =	sadd.s32 s26, s9;
	[sflag:s29] =	ssyncadd.s32 $0xFFFFE0C0  }
0x276: {  	[tilespmem:s24], [sflag:$0x3] =	stream.linear.gather [hbm4b:s6+s0], $0x1F40, $0x38;
	[tilespmem:$0x1E640] =	vst v63  }
0x277: {  	_ =	swait.ge [sflag:s29], $0x1F40  }
0x278: {  	v3 =	vmov s22;
	[sflag:s29] =	ssyncset.done $0x0  }
0x279: {  	s30 =	simm.s32 $0xE2B0;
	[sflag:s29] =	ssyncadd.s32 $0xFFFFE0C0  }
0x27a: {  	v2 =	vld [tilespmem:s30+$0xFFFFFFF0]  }
0x27b: {  	v4 =	vld [tilespmem:s30+$0x1F50]  }
0x27c: {  	s21 =	simm.s32 $0x40;
	s28 =	simm.s32 $0xE2B0;
	s7 =	simm.s32 $0x0;
	v5 =	vld [tilespmem:s30+$0x1F40]  }
.LBB2_35:
0x27d: {  	p0 =	sne.s32 s21, $0x1F00;
	v6 =	vld.idx.msk [tilespmem:v3+s7+$0x0 ss:$0x1], $0xffff  }
0x27e: {  	v7 =	vld [tilespmem:s30+$0x0]  }
0x27f: {  	v8 =	vld [tilespmem:s30+$0x10]  }
0x280: {  	v9 =	vld [tilespmem:s30+$0xFFFFFFE0]  }
0x281: {  	v10 =	vld [tilespmem:s30+$0x1F30]  }
0x282: {  	v11 =	vld [tilespmem:s30+$0x1F20]  }
0x283: {  	v12 =	vmul.f32 v6, v6;
	v13 =	vmul.f32 v7, v6  }
0x284: {  	v14 =	vmul.f32 v2, v6;
	v15 =	vmul.f32 v8, v6  }
0x285: {  	v6 =	vmul.f32 v9, v6;
	v9 =	vmul.f32 v12, v9;
	v5 =	vadd.f32 v13, v5  }
0x286: {  	v7 =	vmul.f32 v7, v12;
	v8 =	vmul.f32 v8, v12;
	v4 =	vadd.f32 v15, v4  }
0x287: {  	v6 =	vadd.f32 v6, v11;
	[tilespmem:s30+$0xFFFFFFE0] =	vst v9;
	v9 =	vadd.f32 v14, v10;
	v10 =	vmul.f32 v2, v12  }
0x288: {  	[tilespmem:s30+$0x1F40] =	vst v5  }
0x289: {  	[tilespmem:s30+$0x1F20] =	vst v6  }
.Ltmp16:
0x28a: {  	[tilespmem:s30+$0x0] =	vst v7;
	(pc) =	sbr.rel @p0 .LBB2_35-.Ltmp16, $4  }
0x28b: {  	s30 =	sadd.s32 $0x40, s30;
	[tilespmem:s28+$0x1F50] =	vst v4  }
0x28c: {  	v2 =	vld [tilespmem:s30+$0xFFFFFFF0];
	[tilespmem:s28+$0x10] =	vst v8  }
0x28d: {  	v4 =	vld [tilespmem:s30+$0x1F50];
	[tilespmem:s28+$0x1F30] =	vst v9  }
0x28e: {  	s7 =	sshra.s32 s21, $0x2;
	s21 =	sadd.s32 $0x40, s21;
	v5 =	vld [tilespmem:s30+$0x1F40];
	[tilespmem:s28+$0xFFFFFFF0] =	vst v10;
	s28 =	smov.u32 s30  }
0x28f: {  	_ =	sdelay $0x3  }
0x290: {  	v3 =	vld.idx.msk [tilespmem:v3+s7+$0x0 ss:$0x1], $0xffff  }
0x291: {  	v6 =	vld [tilespmem:s30+$0x0]  }
0x292: {  	v7 =	vld [tilespmem:s30+$0xFFFFFFE0]  }
0x293: {  	v8 =	vld [tilespmem:s30+$0x10]  }
0x294: {  	v9 =	vld [tilespmem:s30+$0x1F20]  }
0x295: {  	v10 =	vmul.f32 v3, v3  }
0x296: {  	v11 =	vmul.f32 v6, v3  }
0x297: {  	v12 =	vmul.f32 v7, v3;
	v7 =	vmul.f32 v10, v7  }
0x298: {  	v13 =	vld [tilespmem:s30+$0x1F30];
	v5 =	vadd.f32 v11, v5  }
0x299: {  	v62 =	vmul.f32 v8, v3;
	v9 =	vadd.f32 v12, v9;
	[tilespmem:s30+$0xFFFFFFE0] =	vst v7  }
0x29a: {  	v6 =	vmul.f32 v6, v10;
	[tilespmem:s30+$0x1F40] =	vst v5  }
0x29b: {  	v3 =	vmul.f32 v2, v3;
	v4 =	vadd.f32 v62, v4;
	[tilespmem:s30+$0x1F20] =	vst v9  }
0x29c: {  	v63 =	vmul.f32 v8, v10;
	[tilespmem:s30+$0x0] =	vst v6  }
0x29d: {  	v3 =	vadd.f32 v3, v13;
	[tilespmem:s28+$0x1F50] =	vst v4  }
0x29e: {  	v2 =	vmul.f32 v2, v10;
	[tilespmem:s28+$0x10] =	vst v63  }
0x29f: {  	[tilespmem:s28+$0x1F30] =	vst v3  }
0x2a0: {  	[tilespmem:s28+$0xFFFFFFF0] =	vst v2  }
0x2a1: {  	[hbm4b:s6+s4] =	stream.linear.scatter [tilespmem:s24], [sflag:$0x3], $0x1F40, $0x38;
	[tilespmem:$0x1E640] =	vst v63  }
0x2a2: {  	s23 =	sadd.s32 $0x1, s23;
	_ =	swait.ge [sflag:s29], $0x1F40  }
0x2a3: {  	p0 =	sne.s32 s23, $0x5;
	[sflag:s29] =	ssyncset.done $0x0  }
.Ltmp17:
0x2a4: {  	s30 =	sadd.s32 s10, s26;
	[sflag:s29] =	ssyncadd.s32 $0xFFFFE0C0;
	(pc) =	sbr.rel @p0 .LBB2_34-.Ltmp17, $4  }
0x2a5: {  	[hbm4b:s30+s4] =	stream.linear.scatter [tilespmem:s20], [sflag:$0x3], $0x1F40, $0x38;
	[tilespmem:$0x1E640] =	vst v63  }
0x2a6: {  	_ =	swait.ge [sflag:s29], $0x1F40  }
0x2a7: {  	[sflag:s29] =	ssyncset.done $0x0  }
0x2a8: {  	s22 =	sadd.s32 $0x7D0, s22;
	[sflag:s29] =	ssyncadd.s32 $0xFFFFE0C0  }
0x2a9: {  	[bflag:$0x0] =	sbarrier.arrive $0xFFFF;
	s0 =	simm.s32 $0x16850;
	s6 =	simm.s32 $0xC350  }
0x2aa: {  	[tilespmem:s6], [sflag:$0x1] =	stream.indirect.gather [hbm4b:s13+s3], $0x40, s0, s3, $0xb8;
	[tilespmem:$0x1E640] =	vst v63  }
0x2ab: {  	s21 =	simm.s32 $0x168D0  }
0x2ac: {  	[tilespmem:s20], [sflag:$0x1] =	stream.indirect.gather [hbm4b:s13+s3], $0x40, s21, s3, $0xb8;
	[tilespmem:$0x1E640] =	vst v63  }
0x2ad: {  	s22 =	simm.s32 $0x16950  }
0x2ae: {  	[tilespmem:s24], [sflag:$0x1] =	stream.indirect.gather [hbm4b:s13+s3], $0x40, s22, s3, $0xb8;
	[tilespmem:$0x1E640] =	vst v63  }
0x2af: {  	_ =	swait.ge [sflag:s25], $0x1F40  }
0x2b0: {  	s23 =	simm.s32 $0x14050;
	s30 =	simm.s32 $0x1;
	[sflag:s25] =	ssyncset.done $0x0  }
0x2b1: {  	s26 =	simm.s32 $0x169D0;
	s0 =	sand.u32 $0x3, s30;
	[sflag:s25] =	ssyncadd.s32 $0xFFFFE0C0  }
0x2b2: {  	[spmem:s1] =	stream.indirect.scatter.add.f32 [tilespmem:s6], [sflag:$0x2], $0x40, s23, s3, $0xb8;
	[tilespmem:$0x1E640] =	vst v63  }
0x2b3: {  	s28 =	simm.s32 $0x12110;
	p0 =	por $0x0, $0x0;
	s7 =	smul.u32 $0x7D00, s0  }
0x2b4: {  	[tilespmem:s28], [sflag:$0x1] =	stream.indirect.gather [hbm4b:s13+s3], $0x40, s26, s3, $0xb8;
	[tilespmem:$0x1E640] =	vst v63  }
0x2b5: {  	s0 =	simm.s32 $0x16A50;
	s21 =	simm.s32 $0x140D0;
	_ =	swait.ge [sflag:s25], $0x1F40  }
0x2b6: {  	s7 =	sshrl.u32 s7, $0x2;
	s6 =	simm.s32 $0x4;
	[sflag:s25] =	ssyncset.done $0x0  }
0x2b7: {  	s7 =	sadd.s32 $0xC350, s7;
	s22 =	sand.u32 @!p0 $0x3, s6;
	[sflag:s25] =	ssyncadd.s32 $0xFFFFE0C0  }
0x2b8: {  	[spmem:s1] =	stream.indirect.scatter.add.f32 [tilespmem:s7], [sflag:$0x2], $0x40, s21, s3, $0xb8;
	[tilespmem:$0x1E640] =	vst v63  }
0x2b9: {  	s6 =	simm.s32 $0x5;
	s7 =	smul.u32 @!p0 $0x7D00, s22;
	_ =	swait.ge [sflag:s17], $0x1F40  }
0x2ba: {  	s21 =	simm.s32 $0x14150;
	s22 =	simm.s32 $0x16AD0;
	[sflag:s17] =	ssyncset.done $0x0  }
0x2bb: {  	s23 =	sshrl.u32 @!p0 s7, $0x2;
	s7 =	simm.s32 @!p0 $0x7D;
	[sflag:s17] =	ssyncadd.s32 $0xFFFFE0C0  }
.LBB2_38:
0x2bc: {  	s26 =	sadd.s32 $0xFFFFFFFD, s6  }
0x2bd: {  	s23 =	sadd.s32 @!p0 $0xC350, s23;
	s28 =	smov.u32 s6;
	s6 =	sadd.s32 $0x1, s6  }
0x2be: {  	[tilespmem:s23], [sflag:$0x1] =	stream.indirect.gather @!p0 [hbm4b:s13+s7], $0x40, s0, s7, $0xb8;
	[tilespmem:$0x1E640] =	vst v63  }
0x2bf: {  	s7 =	sand.u32 $0x3, s26;
	p1 =	sne.s32 s6, $0x53;
	s0 =	smov.u32 s22  }
0x2c0: {  	s7 =	smul.u32 $0x7D00, s7  }
0x2c1: {  	p0 =	sgt.u32 s26, $0x4C;
	_ =	swait.ge [sflag:s25], $0x1F40  }
0x2c2: {  	s23 =	sand.u32 @!p0 $0x3, s28;
	s7 =	sshrl.u32 s7, $0x2;
	[sflag:s25] =	ssyncset.done $0x0  }
.Ltmp18:
0x2c3: {  	s7 =	sadd.s32 $0xC350, s7;
	[sflag:s25] =	ssyncadd.s32 $0xFFFFE0C0;
	(pc) =	sbr.rel @p1 .LBB2_38-.Ltmp18, $4  }
0x2c4: {  	[spmem:s1] =	stream.indirect.scatter.add.f32 [tilespmem:s7], [sflag:$0x2], $0x40, s21, s3, $0xb8;
	[tilespmem:$0x1E640] =	vst v63  }
0x2c5: {  	s7 =	smul.u32 @!p0 $0x7D00, s23;
	_ =	swait.ge [sflag:s17], $0x1F40  }
0x2c6: {  	s22 =	sadd.s32 $0x80, s22;
	s21 =	sadd.s32 $0x80, s21;
	[sflag:s17] =	ssyncset.done $0x0  }
0x2c7: {  	s23 =	sshrl.u32 @!p0 s7, $0x2;
	s7 =	simm.s32 @!p0 $0x7D;
	[sflag:s17] =	ssyncadd.s32 $0xFFFFE0C0  }
0x2c8: {  	s6 =	sadd.s32 @!p0 $0xC350, s23  }
0x2c9: {  	[tilespmem:s6], [sflag:$0x1] =	stream.indirect.gather @!p0 [hbm4b:s13+s7], $0x40, s0, s7, $0xb8;
	[tilespmem:$0x1E640] =	vst v63  }
0x2ca: {  	_ =	swait.ge [sflag:s17], $0x1F40  }
0x2cb: {  	[sflag:s17] =	ssyncset.done $0x0  }
0x2cc: {  	s22 =	simm.s32 $0x19050;
	[sflag:s17] =	ssyncadd.s32 $0xFFFFE0C0  }
0x2cd: {  	s23 =	simm.s32 $0x0;
	s0 =	simm.s32 $0x0;
	[bflag:$0x0] =	sbarrier.arrive $0xFFFF  }
.LBB2_40:
0x2ce: {  	s6 =	smul.u32 $0x7D, s23;
	_ =	sdelay $0x1  }
0x2cf: {  	s6 =	sadd.s32 s5, s6  }
0x2d0: {  	s7 =	sshll.u32 s6, $0x6  }
0x2d1: {  	s7 =	sand.u32 $0x3FFFFFC0, s7  }
0x2d2: {  	s7 =	sadd.s32 s7, s1  }
0x2d3: {  	[tilespmem:s20], [sflag:$0x3] =	stream.linear.gather [spmem:s7], $0x1F40, $0x38;
	[tilespmem:$0x1E640] =	vst v63  }
0x2d4: {  	_ =	swait.ge [sflag:s29], $0x1F40  }
0x2d5: {  	[sflag:s29] =	ssyncset.done $0x0  }
0x2d6: {  	[sflag:s29] =	ssyncadd.s32 $0xFFFFE0C0  }
0x2d7: {  	[spmem:s7] =	stream.linear.scatter [tilespmem:s31], [sflag:$0x3], $0x1F40, $0x38;
	[tilespmem:$0x1E640] =	vst v63  }
0x2d8: {  	_ =	swait.ge [sflag:s29], $0x1F40  }
0x2d9: {  	s26 =	sshll.u32 s6, $0x3;
	[sflag:s29] =	ssyncset.done $0x0  }
0x2da: {  	s6 =	sadd.s32 s26, s12;
	[sflag:s29] =	ssyncadd.s32 $0xFFFFE0C0  }
0x2db: {  	[tilespmem:s24], [sflag:$0x3] =	stream.linear.gather [hbm4b:s6+s0], $0x1F40, $0x38;
	[tilespmem:$0x1E640] =	vst v63  }
0x2dc: {  	_ =	swait.ge [sflag:s29], $0x1F40  }
0x2dd: {  	v3 =	vmov s22;
	[sflag:s29] =	ssyncset.done $0x0  }
0x2de: {  	s30 =	simm.s32 $0xE2B0;
	[sflag:s29] =	ssyncadd.s32 $0xFFFFE0C0  }
0x2df: {  	v2 =	vld [tilespmem:s30+$0xFFFFFFF0]  }
0x2e0: {  	v4 =	vld [tilespmem:s30+$0x1F50]  }
0x2e1: {  	s21 =	simm.s32 $0x40;
	s28 =	simm.s32 $0xE2B0;
	s7 =	simm.s32 $0x0;
	v5 =	vld [tilespmem:s30+$0x1F40]  }
.LBB2_41:
0x2e2: {  	p0 =	sne.s32 s21, $0x1F00;
	v6 =	vld.idx.msk [tilespmem:v3+s7+$0x0 ss:$0x1], $0xffff  }
0x2e3: {  	v7 =	vld [tilespmem:s30+$0x0]  }
0x2e4: {  	v8 =	vld [tilespmem:s30+$0x10]  }
0x2e5: {  	v9 =	vld [tilespmem:s30+$0xFFFFFFE0]  }
0x2e6: {  	v10 =	vld [tilespmem:s30+$0x1F30]  }
0x2e7: {  	v11 =	vld [tilespmem:s30+$0x1F20]  }
0x2e8: {  	v12 =	vmul.f32 v6, v6;
	v13 =	vmul.f32 v7, v6  }
0x2e9: {  	v14 =	vmul.f32 v2, v6;
	v15 =	vmul.f32 v8, v6  }
0x2ea: {  	v6 =	vmul.f32 v9, v6;
	v9 =	vmul.f32 v12, v9;
	v5 =	vadd.f32 v13, v5  }
0x2eb: {  	v7 =	vmul.f32 v7, v12;
	v8 =	vmul.f32 v8, v12;
	v4 =	vadd.f32 v15, v4  }
0x2ec: {  	v6 =	vadd.f32 v6, v11;
	[tilespmem:s30+$0xFFFFFFE0] =	vst v9;
	v9 =	vadd.f32 v14, v10;
	v10 =	vmul.f32 v2, v12  }
0x2ed: {  	[tilespmem:s30+$0x1F40] =	vst v5  }
0x2ee: {  	[tilespmem:s30+$0x1F20] =	vst v6  }
.Ltmp19:
0x2ef: {  	[tilespmem:s30+$0x0] =	vst v7;
	(pc) =	sbr.rel @p0 .LBB2_41-.Ltmp19, $4  }
0x2f0: {  	s30 =	sadd.s32 $0x40, s30;
	[tilespmem:s28+$0x1F50] =	vst v4  }
0x2f1: {  	v2 =	vld [tilespmem:s30+$0xFFFFFFF0];
	[tilespmem:s28+$0x10] =	vst v8  }
0x2f2: {  	v4 =	vld [tilespmem:s30+$0x1F50];
	[tilespmem:s28+$0x1F30] =	vst v9  }
0x2f3: {  	s7 =	sshra.s32 s21, $0x2;
	s21 =	sadd.s32 $0x40, s21;
	v5 =	vld [tilespmem:s30+$0x1F40];
	[tilespmem:s28+$0xFFFFFFF0] =	vst v10;
	s28 =	smov.u32 s30  }
0x2f4: {  	_ =	sdelay $0x3  }
0x2f5: {  	v3 =	vld.idx.msk [tilespmem:v3+s7+$0x0 ss:$0x1], $0xffff  }
0x2f6: {  	v6 =	vld [tilespmem:s30+$0x0]  }
0x2f7: {  	v7 =	vld [tilespmem:s30+$0xFFFFFFE0]  }
0x2f8: {  	v8 =	vld [tilespmem:s30+$0x10]  }
0x2f9: {  	v9 =	vld [tilespmem:s30+$0x1F20]  }
0x2fa: {  	v10 =	vmul.f32 v3, v3  }
0x2fb: {  	v11 =	vmul.f32 v6, v3  }
0x2fc: {  	v12 =	vmul.f32 v7, v3;
	v7 =	vmul.f32 v10, v7  }
0x2fd: {  	v13 =	vld [tilespmem:s30+$0x1F30];
	v5 =	vadd.f32 v11, v5  }
0x2fe: {  	v62 =	vmul.f32 v8, v3;
	v9 =	vadd.f32 v12, v9;
	[tilespmem:s30+$0xFFFFFFE0] =	vst v7  }
0x2ff: {  	v6 =	vmul.f32 v6, v10;
	[tilespmem:s30+$0x1F40] =	vst v5  }
0x300: {  	v3 =	vmul.f32 v2, v3;
	v4 =	vadd.f32 v62, v4;
	[tilespmem:s30+$0x1F20] =	vst v9  }
0x301: {  	v63 =	vmul.f32 v8, v10;
	[tilespmem:s30+$0x0] =	vst v6  }
0x302: {  	v3 =	vadd.f32 v3, v13;
	[tilespmem:s28+$0x1F50] =	vst v4  }
0x303: {  	v2 =	vmul.f32 v2, v10;
	[tilespmem:s28+$0x10] =	vst v63  }
0x304: {  	[tilespmem:s28+$0x1F30] =	vst v3  }
0x305: {  	[tilespmem:s28+$0xFFFFFFF0] =	vst v2  }
0x306: {  	[hbm4b:s6+s4] =	stream.linear.scatter [tilespmem:s24], [sflag:$0x3], $0x1F40, $0x38;
	[tilespmem:$0x1E640] =	vst v63  }
0x307: {  	s23 =	sadd.s32 $0x1, s23;
	_ =	swait.ge [sflag:s29], $0x1F40  }
0x308: {  	p0 =	sne.s32 s23, $0x5;
	[sflag:s29] =	ssyncset.done $0x0  }
.Ltmp20:
0x309: {  	s30 =	sadd.s32 s13, s26;
	[sflag:s29] =	ssyncadd.s32 $0xFFFFE0C0;
	(pc) =	sbr.rel @p0 .LBB2_40-.Ltmp20, $4  }
0x30a: {  	[hbm4b:s30+s4] =	stream.linear.scatter [tilespmem:s20], [sflag:$0x3], $0x1F40, $0x38;
	[tilespmem:$0x1E640] =	vst v63  }
0x30b: {  	_ =	swait.ge [sflag:s29], $0x1F40  }
0x30c: {  	[sflag:s29] =	ssyncset.done $0x0  }
0x30d: {  	s22 =	sadd.s32 $0x7D0, s22;
	[sflag:s29] =	ssyncadd.s32 $0xFFFFE0C0  }
0x30e: {  	[bflag:$0x0] =	sbarrier.arrive $0xFFFF;
	s0 =	simm.s32 $0x16850;
	s6 =	simm.s32 $0xC350  }
0x30f: {  	[tilespmem:s6], [sflag:$0x1] =	stream.indirect.gather [hbm4b:s10+s3], $0x40, s0, s3, $0xb8;
	[tilespmem:$0x1E640] =	vst v63  }
0x310: {  	s21 =	simm.s32 $0x168D0  }
0x311: {  	[tilespmem:s20], [sflag:$0x1] =	stream.indirect.gather [hbm4b:s10+s3], $0x40, s21, s3, $0xb8;
	[tilespmem:$0x1E640] =	vst v63  }
0x312: {  	s22 =	simm.s32 $0x16950  }
0x313: {  	[tilespmem:s24], [sflag:$0x1] =	stream.indirect.gather [hbm4b:s10+s3], $0x40, s22, s3, $0xb8;
	[tilespmem:$0x1E640] =	vst v63  }
0x314: {  	_ =	swait.ge [sflag:s25], $0x1F40  }
0x315: {  	s23 =	simm.s32 $0x14050;
	s30 =	simm.s32 $0x1;
	[sflag:s25] =	ssyncset.done $0x0  }
0x316: {  	s26 =	simm.s32 $0x169D0;
	s0 =	sand.u32 $0x3, s30;
	[sflag:s25] =	ssyncadd.s32 $0xFFFFE0C0  }
0x317: {  	[spmem:s1] =	stream.indirect.scatter.add.f32 [tilespmem:s6], [sflag:$0x2], $0x40, s23, s3, $0xb8;
	[tilespmem:$0x1E640] =	vst v63  }
0x318: {  	s28 =	simm.s32 $0x12110;
	p0 =	por $0x0, $0x0;
	s7 =	smul.u32 $0x7D00, s0  }
0x319: {  	[tilespmem:s28], [sflag:$0x1] =	stream.indirect.gather [hbm4b:s10+s3], $0x40, s26, s3, $0xb8;
	[tilespmem:$0x1E640] =	vst v63  }
0x31a: {  	s0 =	simm.s32 $0x16A50;
	s21 =	simm.s32 $0x140D0;
	_ =	swait.ge [sflag:s25], $0x1F40  }
0x31b: {  	s7 =	sshrl.u32 s7, $0x2;
	s6 =	simm.s32 $0x4;
	[sflag:s25] =	ssyncset.done $0x0  }
0x31c: {  	s7 =	sadd.s32 $0xC350, s7;
	s22 =	sand.u32 @!p0 $0x3, s6;
	[sflag:s25] =	ssyncadd.s32 $0xFFFFE0C0  }
0x31d: {  	[spmem:s1] =	stream.indirect.scatter.add.f32 [tilespmem:s7], [sflag:$0x2], $0x40, s21, s3, $0xb8;
	[tilespmem:$0x1E640] =	vst v63  }
0x31e: {  	s6 =	simm.s32 $0x5;
	s7 =	smul.u32 @!p0 $0x7D00, s22;
	_ =	swait.ge [sflag:s17], $0x1F40  }
0x31f: {  	s21 =	simm.s32 $0x14150;
	s22 =	simm.s32 $0x16AD0;
	[sflag:s17] =	ssyncset.done $0x0  }
0x320: {  	s23 =	sshrl.u32 @!p0 s7, $0x2;
	s7 =	simm.s32 @!p0 $0x7D;
	[sflag:s17] =	ssyncadd.s32 $0xFFFFE0C0  }
.LBB2_44:
0x321: {  	s26 =	sadd.s32 $0xFFFFFFFD, s6  }
0x322: {  	s23 =	sadd.s32 @!p0 $0xC350, s23;
	s28 =	smov.u32 s6;
	s6 =	sadd.s32 $0x1, s6  }
0x323: {  	[tilespmem:s23], [sflag:$0x1] =	stream.indirect.gather @!p0 [hbm4b:s10+s7], $0x40, s0, s7, $0xb8;
	[tilespmem:$0x1E640] =	vst v63  }
0x324: {  	s7 =	sand.u32 $0x3, s26;
	p1 =	sne.s32 s6, $0x53;
	s0 =	smov.u32 s22  }
0x325: {  	s7 =	smul.u32 $0x7D00, s7  }
0x326: {  	p0 =	sgt.u32 s26, $0x4C;
	_ =	swait.ge [sflag:s25], $0x1F40  }
0x327: {  	s23 =	sand.u32 @!p0 $0x3, s28;
	s7 =	sshrl.u32 s7, $0x2;
	[sflag:s25] =	ssyncset.done $0x0  }
.Ltmp21:
0x328: {  	s7 =	sadd.s32 $0xC350, s7;
	[sflag:s25] =	ssyncadd.s32 $0xFFFFE0C0;
	(pc) =	sbr.rel @p1 .LBB2_44-.Ltmp21, $4  }
0x329: {  	[spmem:s1] =	stream.indirect.scatter.add.f32 [tilespmem:s7], [sflag:$0x2], $0x40, s21, s3, $0xb8;
	[tilespmem:$0x1E640] =	vst v63  }
0x32a: {  	s7 =	smul.u32 @!p0 $0x7D00, s23;
	_ =	swait.ge [sflag:s17], $0x1F40  }
0x32b: {  	s22 =	sadd.s32 $0x80, s22;
	s21 =	sadd.s32 $0x80, s21;
	[sflag:s17] =	ssyncset.done $0x0  }
0x32c: {  	s23 =	sshrl.u32 @!p0 s7, $0x2;
	s7 =	simm.s32 @!p0 $0x7D;
	[sflag:s17] =	ssyncadd.s32 $0xFFFFE0C0  }
0x32d: {  	s6 =	sadd.s32 @!p0 $0xC350, s23  }
0x32e: {  	[tilespmem:s6], [sflag:$0x1] =	stream.indirect.gather @!p0 [hbm4b:s10+s7], $0x40, s0, s7, $0xb8;
	[tilespmem:$0x1E640] =	vst v63  }
0x32f: {  	_ =	swait.ge [sflag:s17], $0x1F40  }
0x330: {  	[sflag:s17] =	ssyncset.done $0x0  }
0x331: {  	s22 =	simm.s32 $0x19050;
	[sflag:s17] =	ssyncadd.s32 $0xFFFFE0C0  }
0x332: {  	s23 =	simm.s32 $0x0;
	s0 =	simm.s32 $0x0;
	[bflag:$0x0] =	sbarrier.arrive $0xFFFF  }
.LBB2_46:
0x333: {  	s6 =	smul.u32 $0x7D, s23;
	_ =	sdelay $0x1  }
0x334: {  	s26 =	sadd.s32 s5, s6  }
0x335: {  	s6 =	sshll.u32 s26, $0x6  }
0x336: {  	s6 =	sand.u32 $0x3FFFFFC0, s6  }
0x337: {  	s6 =	sadd.s32 s6, s1  }
0x338: {  	[tilespmem:s20], [sflag:$0x3] =	stream.linear.gather [spmem:s6], $0x1F40, $0x38;
	[tilespmem:$0x1E640] =	vst v63  }
0x339: {  	_ =	swait.ge [sflag:s29], $0x1F40  }
0x33a: {  	[sflag:s29] =	ssyncset.done $0x0  }
0x33b: {  	[sflag:s29] =	ssyncadd.s32 $0xFFFFE0C0  }
0x33c: {  	[spmem:s6] =	stream.linear.scatter [tilespmem:s31], [sflag:$0x3], $0x1F40, $0x38;
	[tilespmem:$0x1E640] =	vst v63  }
0x33d: {  	_ =	swait.ge [sflag:s29], $0x1F40  }
0x33e: {  	s30 =	sshll.u32 s26, $0x3;
	[sflag:s29] =	ssyncset.done $0x0  }
0x33f: {  	s6 =	sadd.s32 s30, s9;
	[sflag:s29] =	ssyncadd.s32 $0xFFFFE0C0  }
0x340: {  	[tilespmem:s24], [sflag:$0x3] =	stream.linear.gather [hbm4b:s6+s0], $0x1F40, $0x38;
	[tilespmem:$0x1E640] =	vst v63  }
0x341: {  	_ =	swait.ge [sflag:s29], $0x1F40  }
0x342: {  	[sflag:s29] =	ssyncset.done $0x0  }
0x343: {  	v2 =	vmov s22;
	s6 =	simm.s32 $0xE2B0;
	[sflag:s29] =	ssyncadd.s32 $0xFFFFE0C0  }
0x344: {  	v3 =	vld [tilespmem:s6+$0x1F50]  }
0x345: {  	v4 =	vld [tilespmem:s6+$0x1F40]  }
0x346: {  	v5 =	vld [tilespmem:s6+$0xFFFFFFF0]  }
0x347: {  	s7 =	simm.s32 $0x0;
	v6 =	vld [tilespmem:s6+$0x10]  }
0x348: {  	v7 =	vld.idx.msk [tilespmem:v2+s7+$0x0 ss:$0x1], $0xffff  }
0x349: {  	v8 =	vld [tilespmem:s6+$0xFFFFFFE0]  }
0x34a: {  	v9 =	vld [tilespmem:s6+$0x0]  }
0x34b: {  	v10 =	vld [tilespmem:s6+$0x1F20]  }
0x34c: {  	v11 =	vld [tilespmem:s6+$0x1F30];
	_ =	sdelay $0x1  }
0x34d: {  	v8 =	vmul.f32 v8, v7;
	v6 =	vmul.f32 v6, v7  }
0x34e: {  	v5 =	vmul.f32 v5, v7;
	v7 =	vmul.f32 v9, v7  }
0x34f: {  	v8 =	vadd.f32 v8, v10;
	v3 =	vadd.f32 v6, v3  }
0x350: {  	v5 =	vadd.f32 v5, v11;
	v7 =	vadd.f32 v7, v4  }
0x351: {  	v4 =	vmul.f32 $2.500000000e-01, v8;
	v6 =	vmul.f32 $2.500000000e-01, v3  }
0x352: {  	s21 =	simm.s32 $0x40;
	s28 =	simm.s32 $0xE2F0;
	v5 =	vmul.f32 $2.500000000e-01, v5;
	v3 =	vmul.f32 $2.500000000e-01, v7  }
.LBB2_47:
0x353: {  	v7 =	vld [tilespmem:s28+$0x1F50];
	p0 =	sne.s32 s21, $0x1F00;
	[tilespmem:s6+$0x10] =	vst v6;
	s7 =	smov.u32 s21;
	s21 =	sadd.s32 $0x40, s21  }
0x354: {  	v6 =	vld [tilespmem:s28+$0x1F40];
	[tilespmem:s6+$0xFFFFFFE0] =	vst v4  }
0x355: {  	v4 =	vld [tilespmem:s28+$0xFFFFFFF0];
	[tilespmem:s6+$0xFFFFFFF0] =	vst v5  }
0x356: {  	s7 =	sshra.s32 s7, $0x2;
	v5 =	vld [tilespmem:s28+$0x10];
	[tilespmem:s6+$0x0] =	vst v3;
	s6 =	smov.u32 s28  }
0x357: {  	v3 =	vld.idx.msk [tilespmem:v2+s7+$0x0 ss:$0x1], $0xffff  }
0x358: {  	v8 =	vld [tilespmem:s28+$0xFFFFFFE0]  }
0x359: {  	v9 =	vld [tilespmem:s28+$0x0]  }
0x35a: {  	v10 =	vld [tilespmem:s28+$0x1F20]  }
0x35b: {  	v11 =	vld [tilespmem:s28+$0x1F30];
	_ =	sdelay $0x1  }
0x35c: {  	v5 =	vmul.f32 v5, v3;
	v8 =	vmul.f32 v8, v3  }
.Ltmp22:
0x35d: {  	v4 =	vmul.f32 v4, v3;
	v3 =	vmul.f32 v9, v3;
	(pc) =	sbr.rel @p0 .LBB2_47-.Ltmp22, $4  }
0x35e: {  	v5 =	vadd.f32 v5, v7;
	v8 =	vadd.f32 v8, v10  }
0x35f: {  	v7 =	vadd.f32 v4, v11;
	v3 =	vadd.f32 v3, v6  }
0x360: {  	v6 =	vmul.f32 $2.500000000e-01, v5;
	v4 =	vmul.f32 $2.500000000e-01, v8  }
0x361: {  	s28 =	sadd.s32 $0x40, s28;
	v5 =	vmul.f32 $2.500000000e-01, v7;
	v3 =	vmul.f32 $2.500000000e-01, v3  }
0x362: {  	[tilespmem:s6+$0x10] =	vst v6  }
0x363: {  	[tilespmem:s6+$0xFFFFFFE0] =	vst v4;
	s23 =	sadd.s32 $0x1, s23  }
0x364: {  	s7 =	sshll.u32 s26, $0x5;
	[tilespmem:s6+$0xFFFFFFF0] =	vst v5;
	p0 =	sne.s32 s23, $0x5  }
.Ltmp23:
0x365: {  	[tilespmem:s6+$0x0] =	vst v3;
	s30 =	sadd.s32 s7, s14;
	(pc) =	sbr.rel @p0 .LBB2_46-.Ltmp23, $4  }
0x366: {  	[hbm4b:s30+s18] =	stream.strided.scatter [tilespmem:s20], [sflag:$0x3], $0x1F40, s19, s18, $0x38;
	[tilespmem:$0x1E640] =	vst v63  }
0x367: {  	_ =	swait.ge [sflag:s29], $0x1F40  }
0x368: {  	[sflag:s29] =	ssyncset.done $0x0  }
0x369: {  	s22 =	sadd.s32 $0x7D0, s22;
	[sflag:s29] =	ssyncadd.s32 $0xFFFFE0C0  }
0x36a: {  	[bflag:$0x0] =	sbarrier.arrive $0xFFFF;
	s0 =	simm.s32 $0x16850;
	s6 =	simm.s32 $0xC350  }
0x36b: {  	[tilespmem:s6], [sflag:$0x1] =	stream.indirect.gather [hbm4b:s13+s3], $0x40, s0, s3, $0xb8;
	[tilespmem:$0x1E640] =	vst v63  }
0x36c: {  	s21 =	simm.s32 $0x168D0  }
0x36d: {  	[tilespmem:s20], [sflag:$0x1] =	stream.indirect.gather [hbm4b:s13+s3], $0x40, s21, s3, $0xb8;
	[tilespmem:$0x1E640] =	vst v63  }
0x36e: {  	s22 =	simm.s32 $0x16950  }
0x36f: {  	[tilespmem:s24], [sflag:$0x1] =	stream.indirect.gather [hbm4b:s13+s3], $0x40, s22, s3, $0xb8;
	[tilespmem:$0x1E640] =	vst v63  }
0x370: {  	_ =	swait.ge [sflag:s25], $0x1F40  }
0x371: {  	s23 =	simm.s32 $0x14050;
	s30 =	simm.s32 $0x1;
	[sflag:s25] =	ssyncset.done $0x0  }
0x372: {  	s26 =	simm.s32 $0x169D0;
	s0 =	sand.u32 $0x3, s30;
	[sflag:s25] =	ssyncadd.s32 $0xFFFFE0C0  }
0x373: {  	[spmem:s1] =	stream.indirect.scatter.add.f32 [tilespmem:s6], [sflag:$0x2], $0x40, s23, s3, $0xb8;
	[tilespmem:$0x1E640] =	vst v63  }
0x374: {  	s28 =	simm.s32 $0x12110;
	p0 =	por $0x0, $0x0;
	s7 =	smul.u32 $0x7D00, s0  }
0x375: {  	[tilespmem:s28], [sflag:$0x1] =	stream.indirect.gather [hbm4b:s13+s3], $0x40, s26, s3, $0xb8;
	[tilespmem:$0x1E640] =	vst v63  }
0x376: {  	s0 =	simm.s32 $0x16A50;
	s21 =	simm.s32 $0x140D0;
	_ =	swait.ge [sflag:s25], $0x1F40  }
0x377: {  	s7 =	sshrl.u32 s7, $0x2;
	s6 =	simm.s32 $0x4;
	[sflag:s25] =	ssyncset.done $0x0  }
0x378: {  	s7 =	sadd.s32 $0xC350, s7;
	s22 =	sand.u32 @!p0 $0x3, s6;
	[sflag:s25] =	ssyncadd.s32 $0xFFFFE0C0  }
0x379: {  	[spmem:s1] =	stream.indirect.scatter.add.f32 [tilespmem:s7], [sflag:$0x2], $0x40, s21, s3, $0xb8;
	[tilespmem:$0x1E640] =	vst v63  }
0x37a: {  	s6 =	simm.s32 $0x5;
	s7 =	smul.u32 @!p0 $0x7D00, s22;
	_ =	swait.ge [sflag:s17], $0x1F40  }
0x37b: {  	s21 =	simm.s32 $0x14150;
	s22 =	simm.s32 $0x16AD0;
	[sflag:s17] =	ssyncset.done $0x0  }
0x37c: {  	s23 =	sshrl.u32 @!p0 s7, $0x2;
	s7 =	simm.s32 @!p0 $0x7D;
	[sflag:s17] =	ssyncadd.s32 $0xFFFFE0C0  }
.LBB2_50:
0x37d: {  	s26 =	sadd.s32 $0xFFFFFFFD, s6  }
0x37e: {  	s23 =	sadd.s32 @!p0 $0xC350, s23;
	s28 =	smov.u32 s6;
	s6 =	sadd.s32 $0x1, s6  }
0x37f: {  	[tilespmem:s23], [sflag:$0x1] =	stream.indirect.gather @!p0 [hbm4b:s13+s7], $0x40, s0, s7, $0xb8;
	[tilespmem:$0x1E640] =	vst v63  }
0x380: {  	s7 =	sand.u32 $0x3, s26;
	p1 =	sne.s32 s6, $0x53;
	s0 =	smov.u32 s22  }
0x381: {  	s7 =	smul.u32 $0x7D00, s7  }
0x382: {  	p0 =	sgt.u32 s26, $0x4C;
	_ =	swait.ge [sflag:s25], $0x1F40  }
0x383: {  	s23 =	sand.u32 @!p0 $0x3, s28;
	s7 =	sshrl.u32 s7, $0x2;
	[sflag:s25] =	ssyncset.done $0x0  }
.Ltmp24:
0x384: {  	s7 =	sadd.s32 $0xC350, s7;
	[sflag:s25] =	ssyncadd.s32 $0xFFFFE0C0;
	(pc) =	sbr.rel @p1 .LBB2_50-.Ltmp24, $4  }
0x385: {  	[spmem:s1] =	stream.indirect.scatter.add.f32 [tilespmem:s7], [sflag:$0x2], $0x40, s21, s3, $0xb8;
	[tilespmem:$0x1E640] =	vst v63  }
0x386: {  	s7 =	smul.u32 @!p0 $0x7D00, s23;
	_ =	swait.ge [sflag:s17], $0x1F40  }
0x387: {  	s22 =	sadd.s32 $0x80, s22;
	s21 =	sadd.s32 $0x80, s21;
	[sflag:s17] =	ssyncset.done $0x0  }
0x388: {  	s23 =	sshrl.u32 @!p0 s7, $0x2;
	s7 =	simm.s32 @!p0 $0x7D;
	[sflag:s17] =	ssyncadd.s32 $0xFFFFE0C0  }
0x389: {  	s6 =	sadd.s32 @!p0 $0xC350, s23  }
0x38a: {  	[tilespmem:s6], [sflag:$0x1] =	stream.indirect.gather @!p0 [hbm4b:s13+s7], $0x40, s0, s7, $0xb8;
	[tilespmem:$0x1E640] =	vst v63  }
0x38b: {  	_ =	swait.ge [sflag:s17], $0x1F40  }
0x38c: {  	[sflag:s17] =	ssyncset.done $0x0  }
0x38d: {  	s22 =	simm.s32 $0x19050;
	[sflag:s17] =	ssyncadd.s32 $0xFFFFE0C0  }
0x38e: {  	s23 =	simm.s32 $0x0;
	s0 =	simm.s32 $0x0;
	[bflag:$0x0] =	sbarrier.arrive $0xFFFF  }
.LBB2_52:
0x38f: {  	s6 =	smul.u32 $0x7D, s23;
	_ =	sdelay $0x1  }
0x390: {  	s6 =	sadd.s32 s5, s6  }
0x391: {  	s7 =	sshll.u32 s6, $0x6  }
0x392: {  	s7 =	sand.u32 $0x3FFFFFC0, s7  }
0x393: {  	s7 =	sadd.s32 s7, s1  }
0x394: {  	[tilespmem:s20], [sflag:$0x3] =	stream.linear.gather [spmem:s7], $0x1F40, $0x38;
	[tilespmem:$0x1E640] =	vst v63  }
0x395: {  	_ =	swait.ge [sflag:s29], $0x1F40  }
0x396: {  	s26 =	sshll.u32 s6, $0x3;
	[sflag:s29] =	ssyncset.done $0x0  }
0x397: {  	s7 =	sadd.s32 s26, s12;
	[sflag:s29] =	ssyncadd.s32 $0xFFFFE0C0  }
0x398: {  	[tilespmem:s24], [sflag:$0x3] =	stream.linear.gather [hbm4b:s7+s0], $0x1F40, $0x38;
	[tilespmem:$0x1E640] =	vst v63  }
0x399: {  	_ =	swait.ge [sflag:s29], $0x1F40  }
0x39a: {  	[sflag:s29] =	ssyncset.done $0x0  }
0x39b: {  	v2 =	vmov s22;
	s26 =	simm.s32 $0xE2B0;
	[sflag:s29] =	ssyncadd.s32 $0xFFFFE0C0  }
0x39c: {  	v3 =	vld [tilespmem:s26+$0x1F50]  }
0x39d: {  	v4 =	vld [tilespmem:s26+$0x1F40]  }
0x39e: {  	v5 =	vld [tilespmem:s26+$0xFFFFFFF0]  }
0x39f: {  	s30 =	simm.s32 $0x0;
	v6 =	vld [tilespmem:s26+$0x10]  }
0x3a0: {  	v7 =	vld.idx.msk [tilespmem:v2+s30+$0x0 ss:$0x1], $0xffff  }
0x3a1: {  	v8 =	vld [tilespmem:s26+$0xFFFFFFE0]  }
0x3a2: {  	v9 =	vld [tilespmem:s26+$0x0]  }
0x3a3: {  	v10 =	vld [tilespmem:s26+$0x1F20]  }
0x3a4: {  	v11 =	vld [tilespmem:s26+$0x1F30];
	_ =	sdelay $0x1  }
0x3a5: {  	v8 =	vmul.f32 v8, v7;
	v6 =	vmul.f32 v6, v7  }
0x3a6: {  	v5 =	vmul.f32 v5, v7;
	v7 =	vmul.f32 v9, v7  }
0x3a7: {  	v8 =	vadd.f32 v8, v10;
	v3 =	vadd.f32 v6, v3  }
0x3a8: {  	v5 =	vadd.f32 v5, v11;
	v7 =	vadd.f32 v7, v4  }
0x3a9: {  	v4 =	vmul.f32 $2.500000000e-01, v8;
	v6 =	vmul.f32 $2.500000000e-01, v3  }
0x3aa: {  	s21 =	simm.s32 $0x40;
	s28 =	simm.s32 $0xE2F0;
	v5 =	vmul.f32 $2.500000000e-01, v5;
	v3 =	vmul.f32 $2.500000000e-01, v7  }
.LBB2_53:
0x3ab: {  	v7 =	vld [tilespmem:s28+$0x1F50];
	p0 =	sne.s32 s21, $0x1F00;
	[tilespmem:s26+$0x10] =	vst v6;
	s7 =	smov.u32 s21;
	s21 =	sadd.s32 $0x40, s21  }
0x3ac: {  	v6 =	vld [tilespmem:s28+$0x1F40];
	[tilespmem:s26+$0xFFFFFFE0] =	vst v4  }
0x3ad: {  	v4 =	vld [tilespmem:s28+$0xFFFFFFF0];
	[tilespmem:s26+$0xFFFFFFF0] =	vst v5  }
0x3ae: {  	s7 =	sshra.s32 s7, $0x2;
	v5 =	vld [tilespmem:s28+$0x10];
	[tilespmem:s26+$0x0] =	vst v3;
	s26 =	smov.u32 s28  }
0x3af: {  	v3 =	vld.idx.msk [tilespmem:v2+s7+$0x0 ss:$0x1], $0xffff  }
0x3b0: {  	v8 =	vld [tilespmem:s28+$0xFFFFFFE0]  }
0x3b1: {  	v9 =	vld [tilespmem:s28+$0x0]  }
0x3b2: {  	v10 =	vld [tilespmem:s28+$0x1F20]  }
0x3b3: {  	v11 =	vld [tilespmem:s28+$0x1F30];
	_ =	sdelay $0x1  }
0x3b4: {  	v5 =	vmul.f32 v5, v3;
	v8 =	vmul.f32 v8, v3  }
.Ltmp25:
0x3b5: {  	v4 =	vmul.f32 v4, v3;
	v3 =	vmul.f32 v9, v3;
	(pc) =	sbr.rel @p0 .LBB2_53-.Ltmp25, $4  }
0x3b6: {  	v5 =	vadd.f32 v5, v7;
	v8 =	vadd.f32 v8, v10  }
0x3b7: {  	v7 =	vadd.f32 v4, v11;
	v3 =	vadd.f32 v3, v6  }
0x3b8: {  	v6 =	vmul.f32 $2.500000000e-01, v5;
	v4 =	vmul.f32 $2.500000000e-01, v8  }
0x3b9: {  	s28 =	sadd.s32 $0x40, s28;
	v5 =	vmul.f32 $2.500000000e-01, v7;
	v3 =	vmul.f32 $2.500000000e-01, v3  }
0x3ba: {  	[tilespmem:s26+$0x10] =	vst v6  }
0x3bb: {  	[tilespmem:s26+$0xFFFFFFE0] =	vst v4;
	s23 =	sadd.s32 $0x1, s23  }
0x3bc: {  	s6 =	sshll.u32 s6, $0x5;
	[tilespmem:s26+$0xFFFFFFF0] =	vst v5;
	p0 =	sne.s32 s23, $0x5  }
.Ltmp26:
0x3bd: {  	[tilespmem:s26+$0x0] =	vst v3;
	s6 =	sadd.s32 s6, s15;
	(pc) =	sbr.rel @p0 .LBB2_52-.Ltmp26, $4  }
0x3be: {  	[hbm4b:s6+s18] =	stream.strided.scatter [tilespmem:s20], [sflag:$0x3], $0x1F40, s19, s18, $0x38;
	[tilespmem:$0x1E640] =	vst v63  }
0x3bf: {  	_ =	swait.ge [sflag:s29], $0x1F40  }
0x3c0: {  	[sflag:s29] =	ssyncset.done $0x0  }
0x3c1: {  	s22 =	sadd.s32 $0x7D0, s22;
	[sflag:s29] =	ssyncadd.s32 $0xFFFFE0C0  }
0x3c2: {  	s6 =	rddreg [dreg:$0x12]  }
0x3c3: {  	s0 =	rddreg [dreg:$0x7];
	s6 =	sadd.s32 $0x1, s6  }
0x3c4: {  	p0 =	sne.s32 s6, s0  }
.Ltmp27:
0x3c5: {  	_ = 	snop;
	(pc) =	sbr.rel @p0 .LBB2_1-.Ltmp27, $2  }
0x3c6: {  	_ =	sdelay $0x2  }
0x3c7: {  	s21 =	rddreg [dreg:$0x6]  }
0x3c8: {  	_ =	sfence.sel $0x180000  }
0x3c9: {  	[bflag:$0x0] =	sbarrier.arrive $0xFFFF  }
0x3ca: {  	_ =	strace $0x90000047  }
0x3cb: {  	s0 =	stileid.u32;
	[bflag:$0x2] =	sbarrier.arrive $0xFFFF  }
0x3cc: {  	p0 =	sne.s32 s0, $0x0;
	s0 =	rddreg [dreg:$0x4]  }
0x3cd: {  	s0 =	sadd.s32 @!p0 $0x100000, s0  }
0x3ce: {  	[sflag:s0] =	ssyncadd.tile.s32 @!p0 $0x1;
	_ =	shalt  }
.Lfunc_end2:
_tile_overlayer_lowered:
.L_overlay_start_2:
0x3cf: {  	(tag) =	ssettag $0x2  }
0x3d0: {  	s0 =	rddreg [dreg:$0x0];
	s2 =	stileid.u32  }
0x3d1: {  	s1 =	rddreg [dreg:$0x1];
	p0 =	sne.s32 s2, $0x0  }
0x3d2: {  	s3 =	rddreg [dreg:$0x2];
	[bflag:$0x3] =	sbarrier.arrive $0xFFFF;
	s2 =	simm.s32 @!p0 $0x1C03  }
0x3d3: {  	[timem:s3], [sflag:s2] =	dma.local @!p0 [hbm:s0], s1  }
0x3d4: {  	s0 =	simm.s32 @!p0 $0x3  }
0x3d5: {  	_ =	swait.ge @!p0 [sflag:s0], s1  }
0x3d6: {  	s1 =	ssub.s32 @!p0 $0x0, s1;
	[sflag:s0] =	ssyncset.done @!p0 $0x0  }
0x3d7: {  	[sflag:s0] =	ssyncadd.s32 @!p0 s1  }
0x3d8: {  	[bflag:$0x3] =	sbarrier.arrive $0xFFFF  }
0x3d9: {  	_ =	shalt  }

</sc_bundles>
